<compile_context>
chip_gen: v7x
topology: tpu7x:2x2x1
jax: 0.10.2.dev20260603
libtpu: 0.0.44.dev20260713+nightly
codegen_flags: <defaults>
</compile_context>

<pallas_src>
import functools

import jax
import jax.numpy as jnp
from jax import lax
from jax.experimental import pallas as pl
from jax.experimental.pallas import tpu as pltpu
from jax.experimental.pallas import tpu_sc as plsc

F = 64
NW = 32
CHUNK = 128
LANES = 16


def _body(user_hbm, item_hbm, uf_hbm, if_hbm, iif_hbm,
          ratings_hbm, logits_hbm,
          uidx_v, iidx_v, out_r, out_l,
          u0, t0, i0, u1, t1, i1, s0, s1,
          *, per_w):
    c = lax.axis_index("c")
    s = lax.axis_index("s")
    wid = s * 2 + c
    base = wid * per_w
    nchunk = per_w // CHUNK
    npair = nchunk // 2
    lanes = lax.iota(jnp.int32, LANES)

    pltpu.sync_copy(user_hbm.at[pl.ds(base, per_w)], uidx_v)
    pltpu.sync_copy(item_hbm.at[pl.ds(base, per_w)], iidx_v)

    bufs = ((u0, t0, i0, s0), (u1, t1, i1, s1))

    def fire(ci, slot):
        u_r, t_r, i_r, sem = bufs[slot]
        usl = uidx_v.at[pl.ds(ci * CHUNK, CHUNK)]
        isl = iidx_v.at[pl.ds(ci * CHUNK, CHUNK)]
        pltpu.async_copy(uf_hbm.at[usl], u_r, sem)
        pltpu.async_copy(if_hbm.at[isl], t_r, sem)
        pltpu.async_copy(iif_hbm.at[isl], i_r, sem)

    def wait_slot(slot):
        u_r, t_r, i_r, sem = bufs[slot]
        pltpu.make_async_copy(uf_hbm.at[pl.ds(0, CHUNK)], u_r, sem).wait()
        pltpu.make_async_copy(if_hbm.at[pl.ds(0, CHUNK)], t_r, sem).wait()
        pltpu.make_async_copy(iif_hbm.at[pl.ds(0, CHUNK)], i_r, sem).wait()

    def compute(ci, slot):
        u_r, t_r, i_r, _ = bufs[slot]

        def group_body(g, gcarry):
            rows = lanes + g * LANES
            acc_r = jnp.zeros((LANES,), jnp.float32)
            acc_l = jnp.zeros((LANES,), jnp.float32)
            for f in range(F):
                fvec = jnp.full((LANES,), f, jnp.int32)
                uf = plsc.load_gather(u_r, [rows, fvec])
                tf = plsc.load_gather(t_r, [rows, fvec])
                lf = plsc.load_gather(i_r, [rows, fvec])
                acc_r = acc_r + uf * tf
                acc_l = acc_l + uf * lf
            o = ci * CHUNK + g * LANES
            out_r[pl.ds(o, LANES)] = acc_r
            out_l[pl.ds(o, LANES)] = acc_l
            return gcarry

        lax.fori_loop(0, CHUNK // LANES, group_body, 0, unroll=False)

    fire(0, 0)

    def pair_body(p, carry):
        ci0 = 2 * p
        fire(ci0 + 1, 1)
        wait_slot(0)
        compute(ci0, 0)

        @pl.when(p + 1 < npair)
        def _():
            fire(ci0 + 2, 0)

        wait_slot(1)
        compute(ci0 + 1, 1)
        return carry

    lax.fori_loop(0, npair, pair_body, 0, unroll=False)

    pltpu.sync_copy(out_r, ratings_hbm.at[pl.ds(base, per_w)])
    pltpu.sync_copy(out_l, logits_hbm.at[pl.ds(base, per_w)])


def kernel(user, item, user_factors, item_factors, item_implicit_factors):
    b, l = user.shape
    nb = b * l
    per_w = nb // NW
    assert per_w * NW == nb and per_w % (2 * CHUNK) == 0

    user_flat = user.reshape(nb)
    item_flat = item.reshape(nb)

    out_sds = jax.ShapeDtypeStruct((nb,), jnp.float32)
    mesh = plsc.VectorSubcoreMesh(core_axis_name="c", subcore_axis_name="s")
    row_buf = pltpu.VMEM((CHUNK, F), jnp.float32)
    run = pl.kernel(
        functools.partial(_body, per_w=per_w),
        mesh=mesh,
        out_type=(out_sds, out_sds),
        scratch_types=[
            pltpu.VMEM((per_w,), jnp.int32),
            pltpu.VMEM((per_w,), jnp.int32),
            pltpu.VMEM((per_w,), jnp.float32),
            pltpu.VMEM((per_w,), jnp.float32),
            row_buf, row_buf, row_buf,
            row_buf, row_buf, row_buf,
            pltpu.SemaphoreType.DMA,
            pltpu.SemaphoreType.DMA,
        ],
        compiler_params=pltpu.CompilerParams(
            needs_layout_passes=False, use_tc_tiling_on_sc=False),
    )
    ratings, logits = run(user_flat, item_flat, user_factors, item_factors,
                          item_implicit_factors)
    return ratings.reshape(b, l), logits.reshape(b, l)

# --- scband reference (transcript-rebuilt; emitter-appended) ---
"""Pipeline reference for scband-matrix-factorization-1812476199649 (READ-ONLY COPY).

The authoritative reference and input builder live on the scoring server;
editing this copy changes nothing except your own understanding.
"""

import jax, jax.numpy as jnp
import numpy as np

B, L = 16384, 20
N_USERS, N_ITEMS, N_FACTORS = 1000000, 100000, 64


def setup_inputs(seed: int = 0) -> dict:
    key = jax.random.key(seed)
    k1, k2, k3, k4, k5 = jax.random.split(key, 5)
    user = jax.random.randint(k1, (B, L), 0, N_USERS, dtype=jnp.int64 if jax.config.jax_enable_x64 else jnp.int32).astype(jnp.int32)
    item = jax.random.randint(k2, (B, L), 0, N_ITEMS, dtype=jnp.int64 if jax.config.jax_enable_x64 else jnp.int32).astype(jnp.int32)
    user_factors = jax.random.normal(k3, (N_USERS, N_FACTORS), dtype=jnp.float32)
    item_factors = jax.random.normal(k4, (N_ITEMS, N_FACTORS), dtype=jnp.float32)
    item_implicit_factors = jax.random.normal(k5, (N_ITEMS, N_FACTORS), dtype=jnp.float32)
    return {
        "user": user,
        "item": item,
        "user_factors": user_factors,
        "item_factors": item_factors,
        "item_implicit_factors": item_implicit_factors,
    }


def reference(user, item, user_factors, item_factors, item_implicit_factors):
    u = jnp.take(user_factors, user, axis=0)            # [B, L, F]
    it = jnp.take(item_factors, item, axis=0)           # [B, L, F]
    iti = jnp.take(item_implicit_factors, item, axis=0) # [B, L, F]
    predicted_ratings = (u * it).sum(axis=2)            # [B, L]
    predicted_logits = (u * iti).sum(axis=2)            # [B, L]
    return (predicted_ratings, predicted_logits)

if __name__ == "__main__":
    import jax
    _d = setup_inputs()
    print(jax.jit(kernel)(*tuple(_d.values())))

</pallas_src>

<mosaic_0001>
#map = affine_map<(d0, d1) -> (0)>
#map1 = affine_map<(d0, d1) -> (0, 0)>
module attributes {stable_mosaic.version = 14 : i64} {
  func.func @_body(%arg0: i32, %arg1: i32, %arg2: memref<327680xi32, #tpu.memory_space<hbm>>, %arg3: memref<327680xi32, #tpu.memory_space<hbm>>, %arg4: memref<1000000x64xf32, #tpu.memory_space<hbm>>, %arg5: memref<100000x64xf32, #tpu.memory_space<hbm>>, %arg6: memref<100000x64xf32, #tpu.memory_space<hbm>>, %arg7: memref<327680xf32, #tpu.memory_space<hbm>>, %arg8: memref<327680xf32, #tpu.memory_space<hbm>>, %arg9: memref<10240xi32, #tpu.memory_space<vmem>>, %arg10: memref<10240xi32, #tpu.memory_space<vmem>>, %arg11: memref<10240xf32, #tpu.memory_space<vmem>>, %arg12: memref<10240xf32, #tpu.memory_space<vmem>>, %arg13: memref<128x64xf32, #tpu.memory_space<vmem>>, %arg14: memref<128x64xf32, #tpu.memory_space<vmem>>, %arg15: memref<128x64xf32, #tpu.memory_space<vmem>>, %arg16: memref<128x64xf32, #tpu.memory_space<vmem>>, %arg17: memref<128x64xf32, #tpu.memory_space<vmem>>, %arg18: memref<128x64xf32, #tpu.memory_space<vmem>>, %arg19: memref<!tpu.dma_semaphore, #tpu.memory_space<semaphore_mem>>, %arg20: memref<!tpu.dma_semaphore, #tpu.memory_space<semaphore_mem>>) attributes {dimension_semantics = [#tpu.dimension_semantics<core_parallel>, #tpu.dimension_semantics<subcore_parallel>], iteration_bounds = array<i64: 2, 16>, scalar_prefetch = 0 : i64, scratch_operands = 12 : i64, tpu.core_type = #tpu.core_type<sc_vector_subcore>, window_params = [{transform_indices = #map}, {transform_indices = #map}, {transform_indices = #map1}, {transform_indices = #map1}, {transform_indices = #map1}, {transform_indices = #map}, {transform_indices = #map}]} {
    %mul3A = arith.constant 2 : i32
    %mul3A_0 = arith.muli %arg1, %mul3A : i32
    %add3A = arith.addi %mul3A_0, %arg0 : i32
    %mul3A_1 = arith.constant 10240 : i32
    %mul3A_2 = arith.muli %add3A, %mul3A_1 : i32
    %iota3A = tpu.iota {dimensions = array<i32: 0>} : vector<16xi32>
    "tpu.region"() ({
      %run_scoped3A = tpu.sem_alloc : memref<!tpu.dma_semaphore, #tpu.memory_space<semaphore_mem>>
      %dma_start3A_22 = tpu.memref_slice %arg2[%mul3A_2] : memref<327680xi32, #tpu.memory_space<hbm>> -> memref<10240xi32, #tpu.memory_space<hbm>>
      %dma_start3A_23 = tpu.memref_slice %arg2[%mul3A_2] : memref<327680xi32, #tpu.memory_space<hbm>> -> memref<10240xi32, #tpu.memory_space<hbm>>
      tpu.enqueue_dma source(%dma_start3A_23 : memref<10240xi32, #tpu.memory_space<hbm>>) target(%arg9 : memref<10240xi32, #tpu.memory_space<vmem>>) target_semaphore(%run_scoped3A : memref<!tpu.dma_semaphore, #tpu.memory_space<semaphore_mem>>)
      %dma_wait3A = tpu.memref_slice %arg2[%mul3A_2] : memref<327680xi32, #tpu.memory_space<hbm>> -> memref<10240xi32, #tpu.memory_space<hbm>>
      %dma_wait3A_24 = tpu.memref_slice %arg2[%mul3A_2] : memref<327680xi32, #tpu.memory_space<hbm>> -> memref<10240xi32, #tpu.memory_space<hbm>>
      tpu.wait_dma2 semaphore(%run_scoped3A : memref<!tpu.dma_semaphore, #tpu.memory_space<semaphore_mem>>) src(%dma_wait3A_24 : memref<10240xi32, #tpu.memory_space<hbm>>) dst(%arg9 : memref<10240xi32, #tpu.memory_space<vmem>>)
      tpu.yield
    }) : () -> ()
    "tpu.region"() ({
      %run_scoped3A = tpu.sem_alloc : memref<!tpu.dma_semaphore, #tpu.memory_space<semaphore_mem>>
      %dma_start3A_22 = tpu.memref_slice %arg3[%mul3A_2] : memref<327680xi32, #tpu.memory_space<hbm>> -> memref<10240xi32, #tpu.memory_space<hbm>>
      %dma_start3A_23 = tpu.memref_slice %arg3[%mul3A_2] : memref<327680xi32, #tpu.memory_space<hbm>> -> memref<10240xi32, #tpu.memory_space<hbm>>
      tpu.enqueue_dma source(%dma_start3A_23 : memref<10240xi32, #tpu.memory_space<hbm>>) target(%arg10 : memref<10240xi32, #tpu.memory_space<vmem>>) target_semaphore(%run_scoped3A : memref<!tpu.dma_semaphore, #tpu.memory_space<semaphore_mem>>)
      %dma_wait3A = tpu.memref_slice %arg3[%mul3A_2] : memref<327680xi32, #tpu.memory_space<hbm>> -> memref<10240xi32, #tpu.memory_space<hbm>>
      %dma_wait3A_24 = tpu.memref_slice %arg3[%mul3A_2] : memref<327680xi32, #tpu.memory_space<hbm>> -> memref<10240xi32, #tpu.memory_space<hbm>>
      tpu.wait_dma2 semaphore(%run_scoped3A : memref<!tpu.dma_semaphore, #tpu.memory_space<semaphore_mem>>) src(%dma_wait3A_24 : memref<10240xi32, #tpu.memory_space<hbm>>) dst(%arg10 : memref<10240xi32, #tpu.memory_space<vmem>>)
      tpu.yield
    }) : () -> ()
    %dma_start3A = arith.constant 0 : i32
    %dma_start3A_3 = tpu.memref_slice %arg9[%dma_start3A] : memref<10240xi32, #tpu.memory_space<vmem>> -> memref<128xi32, #tpu.memory_space<vmem>>
    %dma_start3A_4 = arith.constant 0 : i32
    %dma_start3A_5 = arith.constant 0 : i32
    %dma_start3A_6 = tpu.memref_slice %arg4[%dma_start3A_4, %dma_start3A_5] : memref<1000000x64xf32, #tpu.memory_space<hbm>> -> memref<1000000x64xf32, #tpu.memory_space<hbm>>
    tpu.enqueue_indirect_dma source(%dma_start3A_6 : memref<1000000x64xf32, #tpu.memory_space<hbm>>) target(%arg13 : memref<128x64xf32, #tpu.memory_space<vmem>>) offsets(%dma_start3A_3 : memref<128xi32, #tpu.memory_space<vmem>>) semaphore(%arg19 : memref<!tpu.dma_semaphore, #tpu.memory_space<semaphore_mem>>)
    %dma_start3A_7 = arith.constant 0 : i32
    %dma_start3A_8 = tpu.memref_slice %arg10[%dma_start3A_7] : memref<10240xi32, #tpu.memory_space<vmem>> -> memref<128xi32, #tpu.memory_space<vmem>>
    %dma_start3A_9 = arith.constant 0 : i32
    %dma_start3A_10 = arith.constant 0 : i32
    %dma_start3A_11 = tpu.memref_slice %arg5[%dma_start3A_9, %dma_start3A_10] : memref<100000x64xf32, #tpu.memory_space<hbm>> -> memref<100000x64xf32, #tpu.memory_space<hbm>>
    tpu.enqueue_indirect_dma source(%dma_start3A_11 : memref<100000x64xf32, #tpu.memory_space<hbm>>) target(%arg14 : memref<128x64xf32, #tpu.memory_space<vmem>>) offsets(%dma_start3A_8 : memref<128xi32, #tpu.memory_space<vmem>>) semaphore(%arg19 : memref<!tpu.dma_semaphore, #tpu.memory_space<semaphore_mem>>)
    %dma_start3A_12 = arith.constant 0 : i32
    %dma_start3A_13 = tpu.memref_slice %arg10[%dma_start3A_12] : memref<10240xi32, #tpu.memory_space<vmem>> -> memref<128xi32, #tpu.memory_space<vmem>>
    %dma_start3A_14 = arith.constant 0 : i32
    %dma_start3A_15 = arith.constant 0 : i32
    %dma_start3A_16 = tpu.memref_slice %arg6[%dma_start3A_14, %dma_start3A_15] : memref<100000x64xf32, #tpu.memory_space<hbm>> -> memref<100000x64xf32, #tpu.memory_space<hbm>>
    tpu.enqueue_indirect_dma source(%dma_start3A_16 : memref<100000x64xf32, #tpu.memory_space<hbm>>) target(%arg15 : memref<128x64xf32, #tpu.memory_space<vmem>>) offsets(%dma_start3A_13 : memref<128xi32, #tpu.memory_space<vmem>>) semaphore(%arg19 : memref<!tpu.dma_semaphore, #tpu.memory_space<semaphore_mem>>)
    %scan3A = arith.constant 0 : i32
    %scan3A_17 = arith.constant 0 : i32
    %scan3A_18 = arith.constant 40 : i32
    %scan3A_19 = arith.addi %scan3A_17, %scan3A_18 : i32
    %scan3A_20 = arith.constant 1 : i32
    scf.for %scan3A_22 = %scan3A_17 to %scan3A_19 step %scan3A_20  : i32 {
      %mul3A_23 = arith.constant 2 : i32
      %mul3A_24 = arith.muli %mul3A_23, %scan3A_22 : i32
      %add3A_25 = arith.constant 1 : i32
      %add3A_26 = arith.addi %mul3A_24, %add3A_25 : i32
      %mul3A_27 = arith.constant 128 : i32
      %mul3A_28 = arith.muli %add3A_26, %mul3A_27 : i32
      %mul3A_29 = arith.constant 128 : i32
      %mul3A_30 = arith.muli %add3A_26, %mul3A_29 : i32
      %dma_start3A_31 = tpu.memref_slice %arg9[%mul3A_28] : memref<10240xi32, #tpu.memory_space<vmem>> -> memref<128xi32, #tpu.memory_space<vmem>>
      %dma_start3A_32 = arith.constant 0 : i32
      %dma_start3A_33 = arith.constant 0 : i32
      %dma_start3A_34 = tpu.memref_slice %arg4[%dma_start3A_32, %dma_start3A_33] : memref<1000000x64xf32, #tpu.memory_space<hbm>> -> memref<1000000x64xf32, #tpu.memory_space<hbm>>
      tpu.enqueue_indirect_dma source(%dma_start3A_34 : memref<1000000x64xf32, #tpu.memory_space<hbm>>) target(%arg16 : memref<128x64xf32, #tpu.memory_space<vmem>>) offsets(%dma_start3A_31 : memref<128xi32, #tpu.memory_space<vmem>>) semaphore(%arg20 : memref<!tpu.dma_semaphore, #tpu.memory_space<semaphore_mem>>)
      %dma_start3A_35 = tpu.memref_slice %arg10[%mul3A_30] : memref<10240xi32, #tpu.memory_space<vmem>> -> memref<128xi32, #tpu.memory_space<vmem>>
      %dma_start3A_36 = arith.constant 0 : i32
      %dma_start3A_37 = arith.constant 0 : i32
      %dma_start3A_38 = tpu.memref_slice %arg5[%dma_start3A_36, %dma_start3A_37] : memref<100000x64xf32, #tpu.memory_space<hbm>> -> memref<100000x64xf32, #tpu.memory_space<hbm>>
      tpu.enqueue_indirect_dma source(%dma_start3A_38 : memref<100000x64xf32, #tpu.memory_space<hbm>>) target(%arg17 : memref<128x64xf32, #tpu.memory_space<vmem>>) offsets(%dma_start3A_35 : memref<128xi32, #tpu.memory_space<vmem>>) semaphore(%arg20 : memref<!tpu.dma_semaphore, #tpu.memory_space<semaphore_mem>>)
      %dma_start3A_39 = tpu.memref_slice %arg10[%mul3A_30] : memref<10240xi32, #tpu.memory_space<vmem>> -> memref<128xi32, #tpu.memory_space<vmem>>
      %dma_start3A_40 = arith.constant 0 : i32
      %dma_start3A_41 = arith.constant 0 : i32
      %dma_start3A_42 = tpu.memref_slice %arg6[%dma_start3A_40, %dma_start3A_41] : memref<100000x64xf32, #tpu.memory_space<hbm>> -> memref<100000x64xf32, #tpu.memory_space<hbm>>
      tpu.enqueue_indirect_dma source(%dma_start3A_42 : memref<100000x64xf32, #tpu.memory_space<hbm>>) target(%arg18 : memref<128x64xf32, #tpu.memory_space<vmem>>) offsets(%dma_start3A_39 : memref<128xi32, #tpu.memory_space<vmem>>) semaphore(%arg20 : memref<!tpu.dma_semaphore, #tpu.memory_space<semaphore_mem>>)
      %dma_wait3A = arith.constant 0 : i32
      %dma_wait3A_43 = arith.constant 0 : i32
      %dma_wait3A_44 = tpu.memref_slice %arg4[%dma_wait3A, %dma_wait3A_43] : memref<1000000x64xf32, #tpu.memory_space<hbm>> -> memref<128x64xf32, #tpu.memory_space<hbm>>
      %dma_wait3A_45 = arith.constant 0 : i32
      %dma_wait3A_46 = arith.constant 0 : i32
      %dma_wait3A_47 = tpu.memref_slice %arg4[%dma_wait3A_45, %dma_wait3A_46] : memref<1000000x64xf32, #tpu.memory_space<hbm>> -> memref<128x64xf32, #tpu.memory_space<hbm>>
      tpu.wait_dma2 semaphore(%arg19 : memref<!tpu.dma_semaphore, #tpu.memory_space<semaphore_mem>>) src(%dma_wait3A_47 : memref<128x64xf32, #tpu.memory_space<hbm>>) dst(%arg13 : memref<128x64xf32, #tpu.memory_space<vmem>>)
      %dma_wait3A_48 = arith.constant 0 : i32
      %dma_wait3A_49 = arith.constant 0 : i32
      %dma_wait3A_50 = tpu.memref_slice %arg5[%dma_wait3A_48, %dma_wait3A_49] : memref<100000x64xf32, #tpu.memory_space<hbm>> -> memref<128x64xf32, #tpu.memory_space<hbm>>
      %dma_wait3A_51 = arith.constant 0 : i32
      %dma_wait3A_52 = arith.constant 0 : i32
      %dma_wait3A_53 = tpu.memref_slice %arg5[%dma_wait3A_51, %dma_wait3A_52] : memref<100000x64xf32, #tpu.memory_space<hbm>> -> memref<128x64xf32, #tpu.memory_space<hbm>>
      tpu.wait_dma2 semaphore(%arg19 : memref<!tpu.dma_semaphore, #tpu.memory_space<semaphore_mem>>) src(%dma_wait3A_53 : memref<128x64xf32, #tpu.memory_space<hbm>>) dst(%arg14 : memref<128x64xf32, #tpu.memory_space<vmem>>)
      %dma_wait3A_54 = arith.constant 0 : i32
      %dma_wait3A_55 = arith.constant 0 : i32
      %dma_wait3A_56 = tpu.memref_slice %arg6[%dma_wait3A_54, %dma_wait3A_55] : memref<100000x64xf32, #tpu.memory_space<hbm>> -> memref<128x64xf32, #tpu.memory_space<hbm>>
      %dma_wait3A_57 = arith.constant 0 : i32
      %dma_wait3A_58 = arith.constant 0 : i32
      %dma_wait3A_59 = tpu.memref_slice %arg6[%dma_wait3A_57, %dma_wait3A_58] : memref<100000x64xf32, #tpu.memory_space<hbm>> -> memref<128x64xf32, #tpu.memory_space<hbm>>
      tpu.wait_dma2 semaphore(%arg19 : memref<!tpu.dma_semaphore, #tpu.memory_space<semaphore_mem>>) src(%dma_wait3A_59 : memref<128x64xf32, #tpu.memory_space<hbm>>) dst(%arg15 : memref<128x64xf32, #tpu.memory_space<vmem>>)
      %scan3A_60 = arith.constant 0 : i32
      %scan3A_61 = arith.constant 0 : i32
      %scan3A_62 = arith.constant 8 : i32
      %scan3A_63 = arith.addi %scan3A_61, %scan3A_62 : i32
      %scan3A_64 = arith.constant 1 : i32
      scf.for %scan3A_96 = %scan3A_61 to %scan3A_63 step %scan3A_64  : i32 {
        %mul3A_97 = arith.constant 16 : i32
        %mul3A_98 = arith.muli %scan3A_96, %mul3A_97 : i32
        %add3A_99 = vector.broadcast %mul3A_98 : i32 to vector<16xi32>
        %add3A_100 = arith.addi %iota3A, %add3A_99 : vector<16xi32>
        %broadcast_in_dim3A = arith.constant 0.000000e+00 : f32
        %broadcast_in_dim3A_101 = vector.broadcast %broadcast_in_dim3A : f32 to vector<16xf32>
        %broadcast_in_dim3A_102 = arith.constant 0.000000e+00 : f32
        %broadcast_in_dim3A_103 = vector.broadcast %broadcast_in_dim3A_102 : f32 to vector<16xf32>
        %broadcast_in_dim3A_104 = arith.constant 0 : i32
        %broadcast_in_dim3A_105 = vector.broadcast %broadcast_in_dim3A_104 : i32 to vector<16xi32>
        %gather3A = tpu.vector_load_idx %arg13[%add3A_100, %broadcast_in_dim3A_105] : memref<128x64xf32, #tpu.memory_space<vmem>>[vector<16xi32>, vector<16xi32>], vector<16xf32>,
        %gather3A_106 = tpu.vector_load_idx %arg14[%add3A_100, %broadcast_in_dim3A_105] : memref<128x64xf32, #tpu.memory_space<vmem>>[vector<16xi32>, vector<16xi32>], vector<16xf32>,
        %gather3A_107 = tpu.vector_load_idx %arg15[%add3A_100, %broadcast_in_dim3A_105] : memref<128x64xf32, #tpu.memory_space<vmem>>[vector<16xi32>, vector<16xi32>], vector<16xf32>,
        %mul3A_108 = arith.mulf %gather3A, %gather3A_106 : vector<16xf32>
        %add3A_109 = arith.addf %broadcast_in_dim3A_101, %mul3A_108 : vector<16xf32>
        %mul3A_110 = arith.mulf %gather3A, %gather3A_107 : vector<16xf32>
        %add3A_111 = arith.addf %broadcast_in_dim3A_103, %mul3A_110 : vector<16xf32>
        %broadcast_in_dim3A_112 = arith.constant 1 : i32
        %broadcast_in_dim3A_113 = vector.broadcast %broadcast_in_dim3A_112 : i32 to vector<16xi32>
        %gather3A_114 = tpu.vector_load_idx %arg13[%add3A_100, %broadcast_in_dim3A_113] : memref<128x64xf32, #tpu.memory_space<vmem>>[vector<16xi32>, vector<16xi32>], vector<16xf32>,
        %gather3A_115 = tpu.vector_load_idx %arg14[%add3A_100, %broadcast_in_dim3A_113] : memref<128x64xf32, #tpu.memory_space<vmem>>[vector<16xi32>, vector<16xi32>], vector<16xf32>,
        %gather3A_116 = tpu.vector_load_idx %arg15[%add3A_100, %broadcast_in_dim3A_113] : memref<128x64xf32, #tpu.memory_space<vmem>>[vector<16xi32>, vector<16xi32>], vector<16xf32>,
        %mul3A_117 = arith.mulf %gather3A_114, %gather3A_115 : vector<16xf32>
        %add3A_118 = arith.addf %add3A_109, %mul3A_117 : vector<16xf32>
        %mul3A_119 = arith.mulf %gather3A_114, %gather3A_116 : vector<16xf32>
        %add3A_120 = arith.addf %add3A_111, %mul3A_119 : vector<16xf32>
        %broadcast_in_dim3A_121 = arith.constant 2 : i32
        %broadcast_in_dim3A_122 = vector.broadcast %broadcast_in_dim3A_121 : i32 to vector<16xi32>
        %gather3A_123 = tpu.vector_load_idx %arg13[%add3A_100, %broadcast_in_dim3A_122] : memref<128x64xf32, #tpu.memory_space<vmem>>[vector<16xi32>, vector<16xi32>], vector<16xf32>,
        %gather3A_124 = tpu.vector_load_idx %arg14[%add3A_100, %broadcast_in_dim3A_122] : memref<128x64xf32, #tpu.memory_space<vmem>>[vector<16xi32>, vector<16xi32>], vector<16xf32>,
        %gather3A_125 = tpu.vector_load_idx %arg15[%add3A_100, %broadcast_in_dim3A_122] : memref<128x64xf32, #tpu.memory_space<vmem>>[vector<16xi32>, vector<16xi32>], vector<16xf32>,
        %mul3A_126 = arith.mulf %gather3A_123, %gather3A_124 : vector<16xf32>
        %add3A_127 = arith.addf %add3A_118, %mul3A_126 : vector<16xf32>
        %mul3A_128 = arith.mulf %gather3A_123, %gather3A_125 : vector<16xf32>
        %add3A_129 = arith.addf %add3A_120, %mul3A_128 : vector<16xf32>
        %broadcast_in_dim3A_130 = arith.constant 3 : i32
        %broadcast_in_dim3A_131 = vector.broadcast %broadcast_in_dim3A_130 : i32 to vector<16xi32>
        %gather3A_132 = tpu.vector_load_idx %arg13[%add3A_100, %broadcast_in_dim3A_131] : memref<128x64xf32, #tpu.memory_space<vmem>>[vector<16xi32>, vector<16xi32>], vector<16xf32>,
        %gather3A_133 = tpu.vector_load_idx %arg14[%add3A_100, %broadcast_in_dim3A_131] : memref<128x64xf32, #tpu.memory_space<vmem>>[vector<16xi32>, vector<16xi32>], vector<16xf32>,
        %gather3A_134 = tpu.vector_load_idx %arg15[%add3A_100, %broadcast_in_dim3A_131] : memref<128x64xf32, #tpu.memory_space<vmem>>[vector<16xi32>, vector<16xi32>], vector<16xf32>,
        %mul3A_135 = arith.mulf %gather3A_132, %gather3A_133 : vector<16xf32>
        %add3A_136 = arith.addf %add3A_127, %mul3A_135 : vector<16xf32>
        %mul3A_137 = arith.mulf %gather3A_132, %gather3A_134 : vector<16xf32>
        %add3A_138 = arith.addf %add3A_129, %mul3A_137 : vector<16xf32>
        %broadcast_in_dim3A_139 = arith.constant 4 : i32
        %broadcast_in_dim3A_140 = vector.broadcast %broadcast_in_dim3A_139 : i32 to vector<16xi32>
        %gather3A_141 = tpu.vector_load_idx %arg13[%add3A_100, %broadcast_in_dim3A_140] : memref<128x64xf32, #tpu.memory_space<vmem>>[vector<16xi32>, vector<16xi32>], vector<16xf32>,
        %gather3A_142 = tpu.vector_load_idx %arg14[%add3A_100, %broadcast_in_dim3A_140] : memref<128x64xf32, #tpu.memory_space<vmem>>[vector<16xi32>, vector<16xi32>], vector<16xf32>,
        %gather3A_143 = tpu.vector_load_idx %arg15[%add3A_100, %broadcast_in_dim3A_140] : memref<128x64xf32, #tpu.memory_space<vmem>>[vector<16xi32>, vector<16xi32>], vector<16xf32>,
        %mul3A_144 = arith.mulf %gather3A_141, %gather3A_142 : vector<16xf32>
        %add3A_145 = arith.addf %add3A_136, %mul3A_144 : vector<16xf32>
        %mul3A_146 = arith.mulf %gather3A_141, %gather3A_143 : vector<16xf32>
        %add3A_147 = arith.addf %add3A_138, %mul3A_146 : vector<16xf32>
        %broadcast_in_dim3A_148 = arith.constant 5 : i32
        %broadcast_in_dim3A_149 = vector.broadcast %broadcast_in_dim3A_148 : i32 to vector<16xi32>
        %gather3A_150 = tpu.vector_load_idx %arg13[%add3A_100, %broadcast_in_dim3A_149] : memref<128x64xf32, #tpu.memory_space<vmem>>[vector<16xi32>, vector<16xi32>], vector<16xf32>,
        %gather3A_151 = tpu.vector_load_idx %arg14[%add3A_100, %broadcast_in_dim3A_149] : memref<128x64xf32, #tpu.memory_space<vmem>>[vector<16xi32>, vector<16xi32>], vector<16xf32>,
        %gather3A_152 = tpu.vector_load_idx %arg15[%add3A_100, %broadcast_in_dim3A_149] : memref<128x64xf32, #tpu.memory_space<vmem>>[vector<16xi32>, vector<16xi32>], vector<16xf32>,
        %mul3A_153 = arith.mulf %gather3A_150, %gather3A_151 : vector<16xf32>
        %add3A_154 = arith.addf %add3A_145, %mul3A_153 : vector<16xf32>
        %mul3A_155 = arith.mulf %gather3A_150, %gather3A_152 : vector<16xf32>
        %add3A_156 = arith.addf %add3A_147, %mul3A_155 : vector<16xf32>
        %broadcast_in_dim3A_157 = arith.constant 6 : i32
        %broadcast_in_dim3A_158 = vector.broadcast %broadcast_in_dim3A_157 : i32 to vector<16xi32>
        %gather3A_159 = tpu.vector_load_idx %arg13[%add3A_100, %broadcast_in_dim3A_158] : memref<128x64xf32, #tpu.memory_space<vmem>>[vector<16xi32>, vector<16xi32>], vector<16xf32>,
        %gather3A_160 = tpu.vector_load_idx %arg14[%add3A_100, %broadcast_in_dim3A_158] : memref<128x64xf32, #tpu.memory_space<vmem>>[vector<16xi32>, vector<16xi32>], vector<16xf32>,
        %gather3A_161 = tpu.vector_load_idx %arg15[%add3A_100, %broadcast_in_dim3A_158] : memref<128x64xf32, #tpu.memory_space<vmem>>[vector<16xi32>, vector<16xi32>], vector<16xf32>,
        %mul3A_162 = arith.mulf %gather3A_159, %gather3A_160 : vector<16xf32>
        %add3A_163 = arith.addf %add3A_154, %mul3A_162 : vector<16xf32>
        %mul3A_164 = arith.mulf %gather3A_159, %gather3A_161 : vector<16xf32>
        %add3A_165 = arith.addf %add3A_156, %mul3A_164 : vector<16xf32>
        %broadcast_in_dim3A_166 = arith.constant 7 : i32
        %broadcast_in_dim3A_167 = vector.broadcast %broadcast_in_dim3A_166 : i32 to vector<16xi32>
        %gather3A_168 = tpu.vector_load_idx %arg13[%add3A_100, %broadcast_in_dim3A_167] : memref<128x64xf32, #tpu.memory_space<vmem>>[vector<16xi32>, vector<16xi32>], vector<16xf32>,
        %gather3A_169 = tpu.vector_load_idx %arg14[%add3A_100, %broadcast_in_dim3A_167] : memref<128x64xf32, #tpu.memory_space<vmem>>[vector<16xi32>, vector<16xi32>], vector<16xf32>,
        %gather3A_170 = tpu.vector_load_idx %arg15[%add3A_100, %broadcast_in_dim3A_167] : memref<128x64xf32, #tpu.memory_space<vmem>>[vector<16xi32>, vector<16xi32>], vector<16xf32>,
        %mul3A_171 = arith.mulf %gather3A_168, %gather3A_169 : vector<16xf32>
        %add3A_172 = arith.addf %add3A_163, %mul3A_171 : vector<16xf32>
        %mul3A_173 = arith.mulf %gather3A_168, %gather3A_170 : vector<16xf32>
        %add3A_174 = arith.addf %add3A_165, %mul3A_173 : vector<16xf32>
        %broadcast_in_dim3A_175 = arith.constant 8 : i32
        %broadcast_in_dim3A_176 = vector.broadcast %broadcast_in_dim3A_175 : i32 to vector<16xi32>
        %gather3A_177 = tpu.vector_load_idx %arg13[%add3A_100, %broadcast_in_dim3A_176] : memref<128x64xf32, #tpu.memory_space<vmem>>[vector<16xi32>, vector<16xi32>], vector<16xf32>,
        %gather3A_178 = tpu.vector_load_idx %arg14[%add3A_100, %broadcast_in_dim3A_176] : memref<128x64xf32, #tpu.memory_space<vmem>>[vector<16xi32>, vector<16xi32>], vector<16xf32>,
        %gather3A_179 = tpu.vector_load_idx %arg15[%add3A_100, %broadcast_in_dim3A_176] : memref<128x64xf32, #tpu.memory_space<vmem>>[vector<16xi32>, vector<16xi32>], vector<16xf32>,
        %mul3A_180 = arith.mulf %gather3A_177, %gather3A_178 : vector<16xf32>
        %add3A_181 = arith.addf %add3A_172, %mul3A_180 : vector<16xf32>
        %mul3A_182 = arith.mulf %gather3A_177, %gather3A_179 : vector<16xf32>
        %add3A_183 = arith.addf %add3A_174, %mul3A_182 : vector<16xf32>
        %broadcast_in_dim3A_184 = arith.constant 9 : i32
        %broadcast_in_dim3A_185 = vector.broadcast %broadcast_in_dim3A_184 : i32 to vector<16xi32>
        %gather3A_186 = tpu.vector_load_idx %arg13[%add3A_100, %broadcast_in_dim3A_185] : memref<128x64xf32, #tpu.memory_space<vmem>>[vector<16xi32>, vector<16xi32>], vector<16xf32>,
        %gather3A_187 = tpu.vector_load_idx %arg14[%add3A_100, %broadcast_in_dim3A_185] : memref<128x64xf32, #tpu.memory_space<vmem>>[vector<16xi32>, vector<16xi32>], vector<16xf32>,
        %gather3A_188 = tpu.vector_load_idx %arg15[%add3A_100, %broadcast_in_dim3A_185] : memref<128x64xf32, #tpu.memory_space<vmem>>[vector<16xi32>, vector<16xi32>], vector<16xf32>,
        %mul3A_189 = arith.mulf %gather3A_186, %gather3A_187 : vector<16xf32>
        %add3A_190 = arith.addf %add3A_181, %mul3A_189 : vector<16xf32>
        %mul3A_191 = arith.mulf %gather3A_186, %gather3A_188 : vector<16xf32>
        %add3A_192 = arith.addf %add3A_183, %mul3A_191 : vector<16xf32>
        %broadcast_in_dim3A_193 = arith.constant 10 : i32
        %broadcast_in_dim3A_194 = vector.broadcast %broadcast_in_dim3A_193 : i32 to vector<16xi32>
        %gather3A_195 = tpu.vector_load_idx %arg13[%add3A_100, %broadcast_in_dim3A_194] : memref<128x64xf32, #tpu.memory_space<vmem>>[vector<16xi32>, vector<16xi32>], vector<16xf32>,
        %gather3A_196 = tpu.vector_load_idx %arg14[%add3A_100, %broadcast_in_dim3A_194] : memref<128x64xf32, #tpu.memory_space<vmem>>[vector<16xi32>, vector<16xi32>], vector<16xf32>,
        %gather3A_197 = tpu.vector_load_idx %arg15[%add3A_100, %broadcast_in_dim3A_194] : memref<128x64xf32, #tpu.memory_space<vmem>>[vector<16xi32>, vector<16xi32>], vector<16xf32>,
        %mul3A_198 = arith.mulf %gather3A_195, %gather3A_196 : vector<16xf32>
        %add3A_199 = arith.addf %add3A_190, %mul3A_198 : vector<16xf32>
        %mul3A_200 = arith.mulf %gather3A_195, %gather3A_197 : vector<16xf32>
        %add3A_201 = arith.addf %add3A_192, %mul3A_200 : vector<16xf32>
        %broadcast_in_dim3A_202 = arith.constant 11 : i32
        %broadcast_in_dim3A_203 = vector.broadcast %broadcast_in_dim3A_202 : i32 to vector<16xi32>
        %gather3A_204 = tpu.vector_load_idx %arg13[%add3A_100, %broadcast_in_dim3A_203] : memref<128x64xf32, #tpu.memory_space<vmem>>[vector<16xi32>, vector<16xi32>], vector<16xf32>,
        %gather3A_205 = tpu.vector_load_idx %arg14[%add3A_100, %broadcast_in_dim3A_203] : memref<128x64xf32, #tpu.memory_space<vmem>>[vector<16xi32>, vector<16xi32>], vector<16xf32>,
        %gather3A_206 = tpu.vector_load_idx %arg15[%add3A_100, %broadcast_in_dim3A_203] : memref<128x64xf32, #tpu.memory_space<vmem>>[vector<16xi32>, vector<16xi32>], vector<16xf32>,
        %mul3A_207 = arith.mulf %gather3A_204, %gather3A_205 : vector<16xf32>
        %add3A_208 = arith.addf %add3A_199, %mul3A_207 : vector<16xf32>
        %mul3A_209 = arith.mulf %gather3A_204, %gather3A_206 : vector<16xf32>
        %add3A_210 = arith.addf %add3A_201, %mul3A_209 : vector<16xf32>
        %broadcast_in_dim3A_211 = arith.constant 12 : i32
        %broadcast_in_dim3A_212 = vector.broadcast %broadcast_in_dim3A_211 : i32 to vector<16xi32>
        %gather3A_213 = tpu.vector_load_idx %arg13[%add3A_100, %broadcast_in_dim3A_212] : memref<128x64xf32, #tpu.memory_space<vmem>>[vector<16xi32>, vector<16xi32>], vector<16xf32>,
        %gather3A_214 = tpu.vector_load_idx %arg14[%add3A_100, %broadcast_in_dim3A_212] : memref<128x64xf32, #tpu.memory_space<vmem>>[vector<16xi32>, vector<16xi32>], vector<16xf32>,
        %gather3A_215 = tpu.vector_load_idx %arg15[%add3A_100, %broadcast_in_dim3A_212] : memref<128x64xf32, #tpu.memory_space<vmem>>[vector<16xi32>, vector<16xi32>], vector<16xf32>,
        %mul3A_216 = arith.mulf %gather3A_213, %gather3A_214 : vector<16xf32>
        %add3A_217 = arith.addf %add3A_208, %mul3A_216 : vector<16xf32>
        %mul3A_218 = arith.mulf %gather3A_213, %gather3A_215 : vector<16xf32>
        %add3A_219 = arith.addf %add3A_210, %mul3A_218 : vector<16xf32>
        %broadcast_in_dim3A_220 = arith.constant 13 : i32
        %broadcast_in_dim3A_221 = vector.broadcast %broadcast_in_dim3A_220 : i32 to vector<16xi32>
        %gather3A_222 = tpu.vector_load_idx %arg13[%add3A_100, %broadcast_in_dim3A_221] : memref<128x64xf32, #tpu.memory_space<vmem>>[vector<16xi32>, vector<16xi32>], vector<16xf32>,
        %gather3A_223 = tpu.vector_load_idx %arg14[%add3A_100, %broadcast_in_dim3A_221] : memref<128x64xf32, #tpu.memory_space<vmem>>[vector<16xi32>, vector<16xi32>], vector<16xf32>,
        %gather3A_224 = tpu.vector_load_idx %arg15[%add3A_100, %broadcast_in_dim3A_221] : memref<128x64xf32, #tpu.memory_space<vmem>>[vector<16xi32>, vector<16xi32>], vector<16xf32>,
        %mul3A_225 = arith.mulf %gather3A_222, %gather3A_223 : vector<16xf32>
        %add3A_226 = arith.addf %add3A_217, %mul3A_225 : vector<16xf32>
        %mul3A_227 = arith.mulf %gather3A_222, %gather3A_224 : vector<16xf32>
        %add3A_228 = arith.addf %add3A_219, %mul3A_227 : vector<16xf32>
        %broadcast_in_dim3A_229 = arith.constant 14 : i32
        %broadcast_in_dim3A_230 = vector.broadcast %broadcast_in_dim3A_229 : i32 to vector<16xi32>
        %gather3A_231 = tpu.vector_load_idx %arg13[%add3A_100, %broadcast_in_dim3A_230] : memref<128x64xf32, #tpu.memory_space<vmem>>[vector<16xi32>, vector<16xi32>], vector<16xf32>,
        %gather3A_232 = tpu.vector_load_idx %arg14[%add3A_100, %broadcast_in_dim3A_230] : memref<128x64xf32, #tpu.memory_space<vmem>>[vector<16xi32>, vector<16xi32>], vector<16xf32>,
        %gather3A_233 = tpu.vector_load_idx %arg15[%add3A_100, %broadcast_in_dim3A_230] : memref<128x64xf32, #tpu.memory_space<vmem>>[vector<16xi32>, vector<16xi32>], vector<16xf32>,
        %mul3A_234 = arith.mulf %gather3A_231, %gather3A_232 : vector<16xf32>
        %add3A_235 = arith.addf %add3A_226, %mul3A_234 : vector<16xf32>
        %mul3A_236 = arith.mulf %gather3A_231, %gather3A_233 : vector<16xf32>
        %add3A_237 = arith.addf %add3A_228, %mul3A_236 : vector<16xf32>
        %broadcast_in_dim3A_238 = arith.constant 15 : i32
        %broadcast_in_dim3A_239 = vector.broadcast %broadcast_in_dim3A_238 : i32 to vector<16xi32>
        %gather3A_240 = tpu.vector_load_idx %arg13[%add3A_100, %broadcast_in_dim3A_239] : memref<128x64xf32, #tpu.memory_space<vmem>>[vector<16xi32>, vector<16xi32>], vector<16xf32>,
        %gather3A_241 = tpu.vector_load_idx %arg14[%add3A_100, %broadcast_in_dim3A_239] : memref<128x64xf32, #tpu.memory_space<vmem>>[vector<16xi32>, vector<16xi32>], vector<16xf32>,
        %gather3A_242 = tpu.vector_load_idx %arg15[%add3A_100, %broadcast_in_dim3A_239] : memref<128x64xf32, #tpu.memory_space<vmem>>[vector<16xi32>, vector<16xi32>], vector<16xf32>,
        %mul3A_243 = arith.mulf %gather3A_240, %gather3A_241 : vector<16xf32>
        %add3A_244 = arith.addf %add3A_235, %mul3A_243 : vector<16xf32>
        %mul3A_245 = arith.mulf %gather3A_240, %gather3A_242 : vector<16xf32>
        %add3A_246 = arith.addf %add3A_237, %mul3A_245 : vector<16xf32>
        %broadcast_in_dim3A_247 = arith.constant 16 : i32
        %broadcast_in_dim3A_248 = vector.broadcast %broadcast_in_dim3A_247 : i32 to vector<16xi32>
        %gather3A_249 = tpu.vector_load_idx %arg13[%add3A_100, %broadcast_in_dim3A_248] : memref<128x64xf32, #tpu.memory_space<vmem>>[vector<16xi32>, vector<16xi32>], vector<16xf32>,
        %gather3A_250 = tpu.vector_load_idx %arg14[%add3A_100, %broadcast_in_dim3A_248] : memref<128x64xf32, #tpu.memory_space<vmem>>[vector<16xi32>, vector<16xi32>], vector<16xf32>,
        %gather3A_251 = tpu.vector_load_idx %arg15[%add3A_100, %broadcast_in_dim3A_248] : memref<128x64xf32, #tpu.memory_space<vmem>>[vector<16xi32>, vector<16xi32>], vector<16xf32>,
        %mul3A_252 = arith.mulf %gather3A_249, %gather3A_250 : vector<16xf32>
        %add3A_253 = arith.addf %add3A_244, %mul3A_252 : vector<16xf32>
        %mul3A_254 = arith.mulf %gather3A_249, %gather3A_251 : vector<16xf32>
        %add3A_255 = arith.addf %add3A_246, %mul3A_254 : vector<16xf32>
        %broadcast_in_dim3A_256 = arith.constant 17 : i32
        %broadcast_in_dim3A_257 = vector.broadcast %broadcast_in_dim3A_256 : i32 to vector<16xi32>
        %gather3A_258 = tpu.vector_load_idx %arg13[%add3A_100, %broadcast_in_dim3A_257] : memref<128x64xf32, #tpu.memory_space<vmem>>[vector<16xi32>, vector<16xi32>], vector<16xf32>,
        %gather3A_259 = tpu.vector_load_idx %arg14[%add3A_100, %broadcast_in_dim3A_257] : memref<128x64xf32, #tpu.memory_space<vmem>>[vector<16xi32>, vector<16xi32>], vector<16xf32>,
        %gather3A_260 = tpu.vector_load_idx %arg15[%add3A_100, %broadcast_in_dim3A_257] : memref<128x64xf32, #tpu.memory_space<vmem>>[vector<16xi32>, vector<16xi32>], vector<16xf32>,
        %mul3A_261 = arith.mulf %gather3A_258, %gather3A_259 : vector<16xf32>
        %add3A_262 = arith.addf %add3A_253, %mul3A_261 : vector<16xf32>
        %mul3A_263 = arith.mulf %gather3A_258, %gather3A_260 : vector<16xf32>
        %add3A_264 = arith.addf %add3A_255, %mul3A_263 : vector<16xf32>
        %broadcast_in_dim3A_265 = arith.constant 18 : i32
        %broadcast_in_dim3A_266 = vector.broadcast %broadcast_in_dim3A_265 : i32 to vector<16xi32>
        %gather3A_267 = tpu.vector_load_idx %arg13[%add3A_100, %broadcast_in_dim3A_266] : memref<128x64xf32, #tpu.memory_space<vmem>>[vector<16xi32>, vector<16xi32>], vector<16xf32>,
        %gather3A_268 = tpu.vector_load_idx %arg14[%add3A_100, %broadcast_in_dim3A_266] : memref<128x64xf32, #tpu.memory_space<vmem>>[vector<16xi32>, vector<16xi32>], vector<16xf32>,
        %gather3A_269 = tpu.vector_load_idx %arg15[%add3A_100, %broadcast_in_dim3A_266] : memref<128x64xf32, #tpu.memory_space<vmem>>[vector<16xi32>, vector<16xi32>], vector<16xf32>,
        %mul3A_270 = arith.mulf %gather3A_267, %gather3A_268 : vector<16xf32>
        %add3A_271 = arith.addf %add3A_262, %mul3A_270 : vector<16xf32>
        %mul3A_272 = arith.mulf %gather3A_267, %gather3A_269 : vector<16xf32>
        %add3A_273 = arith.addf %add3A_264, %mul3A_272 : vector<16xf32>
        %broadcast_in_dim3A_274 = arith.constant 19 : i32
        %broadcast_in_dim3A_275 = vector.broadcast %broadcast_in_dim3A_274 : i32 to vector<16xi32>
        %gather3A_276 = tpu.vector_load_idx %arg13[%add3A_100, %broadcast_in_dim3A_275] : memref<128x64xf32, #tpu.memory_space<vmem>>[vector<16xi32>, vector<16xi32>], vector<16xf32>,
        %gather3A_277 = tpu.vector_load_idx %arg14[%add3A_100, %broadcast_in_dim3A_275] : memref<128x64xf32, #tpu.memory_space<vmem>>[vector<16xi32>, vector<16xi32>], vector<16xf32>,
        %gather3A_278 = tpu.vector_load_idx %arg15[%add3A_100, %broadcast_in_dim3A_275] : memref<128x64xf32, #tpu.memory_space<vmem>>[vector<16xi32>, vector<16xi32>], vector<16xf32>,
        %mul3A_279 = arith.mulf %gather3A_276, %gather3A_277 : vector<16xf32>
        %add3A_280 = arith.addf %add3A_271, %mul3A_279 : vector<16xf32>
        %mul3A_281 = arith.mulf %gather3A_276, %gather3A_278 : vector<16xf32>
        %add3A_282 = arith.addf %add3A_273, %mul3A_281 : vector<16xf32>
        %broadcast_in_dim3A_283 = arith.constant 20 : i32
        %broadcast_in_dim3A_284 = vector.broadcast %broadcast_in_dim3A_283 : i32 to vector<16xi32>
        %gather3A_285 = tpu.vector_load_idx %arg13[%add3A_100, %broadcast_in_dim3A_284] : memref<128x64xf32, #tpu.memory_space<vmem>>[vector<16xi32>, vector<16xi32>], vector<16xf32>,
        %gather3A_286 = tpu.vector_load_idx %arg14[%add3A_100, %broadcast_in_dim3A_284] : memref<128x64xf32, #tpu.memory_space<vmem>>[vector<16xi32>, vector<16xi32>], vector<16xf32>,
        %gather3A_287 = tpu.vector_load_idx %arg15[%add3A_100, %broadcast_in_dim3A_284] : memref<128x64xf32, #tpu.memory_space<vmem>>[vector<16xi32>, vector<16xi32>], vector<16xf32>,
        %mul3A_288 = arith.mulf %gather3A_285, %gather3A_286 : vector<16xf32>
        %add3A_289 = arith.addf %add3A_280, %mul3A_288 : vector<16xf32>
        %mul3A_290 = arith.mulf %gather3A_285, %gather3A_287 : vector<16xf32>
        %add3A_291 = arith.addf %add3A_282, %mul3A_290 : vector<16xf32>
        %broadcast_in_dim3A_292 = arith.constant 21 : i32
        %broadcast_in_dim3A_293 = vector.broadcast %broadcast_in_dim3A_292 : i32 to vector<16xi32>
        %gather3A_294 = tpu.vector_load_idx %arg13[%add3A_100, %broadcast_in_dim3A_293] : memref<128x64xf32, #tpu.memory_space<vmem>>[vector<16xi32>, vector<16xi32>], vector<16xf32>,
        %gather3A_295 = tpu.vector_load_idx %arg14[%add3A_100, %broadcast_in_dim3A_293] : memref<128x64xf32, #tpu.memory_space<vmem>>[vector<16xi32>, vector<16xi32>], vector<16xf32>,
        %gather3A_296 = tpu.vector_load_idx %arg15[%add3A_100, %broadcast_in_dim3A_293] : memref<128x64xf32, #tpu.memory_space<vmem>>[vector<16xi32>, vector<16xi32>], vector<16xf32>,
        %mul3A_297 = arith.mulf %gather3A_294, %gather3A_295 : vector<16xf32>
        %add3A_298 = arith.addf %add3A_289, %mul3A_297 : vector<16xf32>
        %mul3A_299 = arith.mulf %gather3A_294, %gather3A_296 : vector<16xf32>
        %add3A_300 = arith.addf %add3A_291, %mul3A_299 : vector<16xf32>
        %broadcast_in_dim3A_301 = arith.constant 22 : i32
        %broadcast_in_dim3A_302 = vector.broadcast %broadcast_in_dim3A_301 : i32 to vector<16xi32>
        %gather3A_303 = tpu.vector_load_idx %arg13[%add3A_100, %broadcast_in_dim3A_302] : memref<128x64xf32, #tpu.memory_space<vmem>>[vector<16xi32>, vector<16xi32>], vector<16xf32>,
        %gather3A_304 = tpu.vector_load_idx %arg14[%add3A_100, %broadcast_in_dim3A_302] : memref<128x64xf32, #tpu.memory_space<vmem>>[vector<16xi32>, vector<16xi32>], vector<16xf32>,
        %gather3A_305 = tpu.vector_load_idx %arg15[%add3A_100, %broadcast_in_dim3A_302] : memref<128x64xf32, #tpu.memory_space<vmem>>[vector<16xi32>, vector<16xi32>], vector<16xf32>,
        %mul3A_306 = arith.mulf %gather3A_303, %gather3A_304 : vector<16xf32>
        %add3A_307 = arith.addf %add3A_298, %mul3A_306 : vector<16xf32>
        %mul3A_308 = arith.mulf %gather3A_303, %gather3A_305 : vector<16xf32>
        %add3A_309 = arith.addf %add3A_300, %mul3A_308 : vector<16xf32>
        %broadcast_in_dim3A_310 = arith.constant 23 : i32
        %broadcast_in_dim3A_311 = vector.broadcast %broadcast_in_dim3A_310 : i32 to vector<16xi32>
        %gather3A_312 = tpu.vector_load_idx %arg13[%add3A_100, %broadcast_in_dim3A_311] : memref<128x64xf32, #tpu.memory_space<vmem>>[vector<16xi32>, vector<16xi32>], vector<16xf32>,
        %gather3A_313 = tpu.vector_load_idx %arg14[%add3A_100, %broadcast_in_dim3A_311] : memref<128x64xf32, #tpu.memory_space<vmem>>[vector<16xi32>, vector<16xi32>], vector<16xf32>,
        %gather3A_314 = tpu.vector_load_idx %arg15[%add3A_100, %broadcast_in_dim3A_311] : memref<128x64xf32, #tpu.memory_space<vmem>>[vector<16xi32>, vector<16xi32>], vector<16xf32>,
        %mul3A_315 = arith.mulf %gather3A_312, %gather3A_313 : vector<16xf32>
        %add3A_316 = arith.addf %add3A_307, %mul3A_315 : vector<16xf32>
        %mul3A_317 = arith.mulf %gather3A_312, %gather3A_314 : vector<16xf32>
        %add3A_318 = arith.addf %add3A_309, %mul3A_317 : vector<16xf32>
        %broadcast_in_dim3A_319 = arith.constant 24 : i32
        %broadcast_in_dim3A_320 = vector.broadcast %broadcast_in_dim3A_319 : i32 to vector<16xi32>
        %gather3A_321 = tpu.vector_load_idx %arg13[%add3A_100, %broadcast_in_dim3A_320] : memref<128x64xf32, #tpu.memory_space<vmem>>[vector<16xi32>, vector<16xi32>], vector<16xf32>,
        %gather3A_322 = tpu.vector_load_idx %arg14[%add3A_100, %broadcast_in_dim3A_320] : memref<128x64xf32, #tpu.memory_space<vmem>>[vector<16xi32>, vector<16xi32>], vector<16xf32>,
        %gather3A_323 = tpu.vector_load_idx %arg15[%add3A_100, %broadcast_in_dim3A_320] : memref<128x64xf32, #tpu.memory_space<vmem>>[vector<16xi32>, vector<16xi32>], vector<16xf32>,
        %mul3A_324 = arith.mulf %gather3A_321, %gather3A_322 : vector<16xf32>
        %add3A_325 = arith.addf %add3A_316, %mul3A_324 : vector<16xf32>
        %mul3A_326 = arith.mulf %gather3A_321, %gather3A_323 : vector<16xf32>
        %add3A_327 = arith.addf %add3A_318, %mul3A_326 : vector<16xf32>
        %broadcast_in_dim3A_328 = arith.constant 25 : i32
        %broadcast_in_dim3A_329 = vector.broadcast %broadcast_in_dim3A_328 : i32 to vector<16xi32>
        %gather3A_330 = tpu.vector_load_idx %arg13[%add3A_100, %broadcast_in_dim3A_329] : memref<128x64xf32, #tpu.memory_space<vmem>>[vector<16xi32>, vector<16xi32>], vector<16xf32>,
        %gather3A_331 = tpu.vector_load_idx %arg14[%add3A_100, %broadcast_in_dim3A_329] : memref<128x64xf32, #tpu.memory_space<vmem>>[vector<16xi32>, vector<16xi32>], vector<16xf32>,
        %gather3A_332 = tpu.vector_load_idx %arg15[%add3A_100, %broadcast_in_dim3A_329] : memref<128x64xf32, #tpu.memory_space<vmem>>[vector<16xi32>, vector<16xi32>], vector<16xf32>,
        %mul3A_333 = arith.mulf %gather3A_330, %gather3A_331 : vector<16xf32>
        %add3A_334 = arith.addf %add3A_325, %mul3A_333 : vector<16xf32>
        %mul3A_335 = arith.mulf %gather3A_330, %gather3A_332 : vector<16xf32>
        %add3A_336 = arith.addf %add3A_327, %mul3A_335 : vector<16xf32>
        %broadcast_in_dim3A_337 = arith.constant 26 : i32
        %broadcast_in_dim3A_338 = vector.broadcast %broadcast_in_dim3A_337 : i32 to vector<16xi32>
        %gather3A_339 = tpu.vector_load_idx %arg13[%add3A_100, %broadcast_in_dim3A_338] : memref<128x64xf32, #tpu.memory_space<vmem>>[vector<16xi32>, vector<16xi32>], vector<16xf32>,
        %gather3A_340 = tpu.vector_load_idx %arg14[%add3A_100, %broadcast_in_dim3A_338] : memref<128x64xf32, #tpu.memory_space<vmem>>[vector<16xi32>, vector<16xi32>], vector<16xf32>,
        %gather3A_341 = tpu.vector_load_idx %arg15[%add3A_100, %broadcast_in_dim3A_338] : memref<128x64xf32, #tpu.memory_space<vmem>>[vector<16xi32>, vector<16xi32>], vector<16xf32>,
        %mul3A_342 = arith.mulf %gather3A_339, %gather3A_340 : vector<16xf32>
        %add3A_343 = arith.addf %add3A_334, %mul3A_342 : vector<16xf32>
        %mul3A_344 = arith.mulf %gather3A_339, %gather3A_341 : vector<16xf32>
        %add3A_345 = arith.addf %add3A_336, %mul3A_344 : vector<16xf32>
        %broadcast_in_dim3A_346 = arith.constant 27 : i32
        %broadcast_in_dim3A_347 = vector.broadcast %broadcast_in_dim3A_346 : i32 to vector<16xi32>
        %gather3A_348 = tpu.vector_load_idx %arg13[%add3A_100, %broadcast_in_dim3A_347] : memref<128x64xf32, #tpu.memory_space<vmem>>[vector<16xi32>, vector<16xi32>], vector<16xf32>,
        %gather3A_349 = tpu.vector_load_idx %arg14[%add3A_100, %broadcast_in_dim3A_347] : memref<128x64xf32, #tpu.memory_space<vmem>>[vector<16xi32>, vector<16xi32>], vector<16xf32>,
        %gather3A_350 = tpu.vector_load_idx %arg15[%add3A_100, %broadcast_in_dim3A_347] : memref<128x64xf32, #tpu.memory_space<vmem>>[vector<16xi32>, vector<16xi32>], vector<16xf32>,
        %mul3A_351 = arith.mulf %gather3A_348, %gather3A_349 : vector<16xf32>
        %add3A_352 = arith.addf %add3A_343, %mul3A_351 : vector<16xf32>
        %mul3A_353 = arith.mulf %gather3A_348, %gather3A_350 : vector<16xf32>
        %add3A_354 = arith.addf %add3A_345, %mul3A_353 : vector<16xf32>
        %broadcast_in_dim3A_355 = arith.constant 28 : i32
        %broadcast_in_dim3A_356 = vector.broadcast %broadcast_in_dim3A_355 : i32 to vector<16xi32>
        %gather3A_357 = tpu.vector_load_idx %arg13[%add3A_100, %broadcast_in_dim3A_356] : memref<128x64xf32, #tpu.memory_space<vmem>>[vector<16xi32>, vector<16xi32>], vector<16xf32>,
        %gather3A_358 = tpu.vector_load_idx %arg14[%add3A_100, %broadcast_in_dim3A_356] : memref<128x64xf32, #tpu.memory_space<vmem>>[vector<16xi32>, vector<16xi32>], vector<16xf32>,
        %gather3A_359 = tpu.vector_load_idx %arg15[%add3A_100, %broadcast_in_dim3A_356] : memref<128x64xf32, #tpu.memory_space<vmem>>[vector<16xi32>, vector<16xi32>], vector<16xf32>,
        %mul3A_360 = arith.mulf %gather3A_357, %gather3A_358 : vector<16xf32>
        %add3A_361 = arith.addf %add3A_352, %mul3A_360 : vector<16xf32>
        %mul3A_362 = arith.mulf %gather3A_357, %gather3A_359 : vector<16xf32>
        %add3A_363 = arith.addf %add3A_354, %mul3A_362 : vector<16xf32>
        %broadcast_in_dim3A_364 = arith.constant 29 : i32
        %broadcast_in_dim3A_365 = vector.broadcast %broadcast_in_dim3A_364 : i32 to vector<16xi32>
        %gather3A_366 = tpu.vector_load_idx %arg13[%add3A_100, %broadcast_in_dim3A_365] : memref<128x64xf32, #tpu.memory_space<vmem>>[vector<16xi32>, vector<16xi32>], vector<16xf32>,
        %gather3A_367 = tpu.vector_load_idx %arg14[%add3A_100, %broadcast_in_dim3A_365] : memref<128x64xf32, #tpu.memory_space<vmem>>[vector<16xi32>, vector<16xi32>], vector<16xf32>,
        %gather3A_368 = tpu.vector_load_idx %arg15[%add3A_100, %broadcast_in_dim3A_365] : memref<128x64xf32, #tpu.memory_space<vmem>>[vector<16xi32>, vector<16xi32>], vector<16xf32>,
        %mul3A_369 = arith.mulf %gather3A_366, %gather3A_367 : vector<16xf32>
        %add3A_370 = arith.addf %add3A_361, %mul3A_369 : vector<16xf32>
        %mul3A_371 = arith.mulf %gather3A_366, %gather3A_368 : vector<16xf32>
        %add3A_372 = arith.addf %add3A_363, %mul3A_371 : vector<16xf32>
        %broadcast_in_dim3A_373 = arith.constant 30 : i32
        %broadcast_in_dim3A_374 = vector.broadcast %broadcast_in_dim3A_373 : i32 to vector<16xi32>
        %gather3A_375 = tpu.vector_load_idx %arg13[%add3A_100, %broadcast_in_dim3A_374] : memref<128x64xf32, #tpu.memory_space<vmem>>[vector<16xi32>, vector<16xi32>], vector<16xf32>,
        %gather3A_376 = tpu.vector_load_idx %arg14[%add3A_100, %broadcast_in_dim3A_374] : memref<128x64xf32, #tpu.memory_space<vmem>>[vector<16xi32>, vector<16xi32>], vector<16xf32>,
        %gather3A_377 = tpu.vector_load_idx %arg15[%add3A_100, %broadcast_in_dim3A_374] : memref<128x64xf32, #tpu.memory_space<vmem>>[vector<16xi32>, vector<16xi32>], vector<16xf32>,
        %mul3A_378 = arith.mulf %gather3A_375, %gather3A_376 : vector<16xf32>
        %add3A_379 = arith.addf %add3A_370, %mul3A_378 : vector<16xf32>
        %mul3A_380 = arith.mulf %gather3A_375, %gather3A_377 : vector<16xf32>
        %add3A_381 = arith.addf %add3A_372, %mul3A_380 : vector<16xf32>
        %broadcast_in_dim3A_382 = arith.constant 31 : i32
        %broadcast_in_dim3A_383 = vector.broadcast %broadcast_in_dim3A_382 : i32 to vector<16xi32>
        %gather3A_384 = tpu.vector_load_idx %arg13[%add3A_100, %broadcast_in_dim3A_383] : memref<128x64xf32, #tpu.memory_space<vmem>>[vector<16xi32>, vector<16xi32>], vector<16xf32>,
        %gather3A_385 = tpu.vector_load_idx %arg14[%add3A_100, %broadcast_in_dim3A_383] : memref<128x64xf32, #tpu.memory_space<vmem>>[vector<16xi32>, vector<16xi32>], vector<16xf32>,
        %gather3A_386 = tpu.vector_load_idx %arg15[%add3A_100, %broadcast_in_dim3A_383] : memref<128x64xf32, #tpu.memory_space<vmem>>[vector<16xi32>, vector<16xi32>], vector<16xf32>,
        %mul3A_387 = arith.mulf %gather3A_384, %gather3A_385 : vector<16xf32>
        %add3A_388 = arith.addf %add3A_379, %mul3A_387 : vector<16xf32>
        %mul3A_389 = arith.mulf %gather3A_384, %gather3A_386 : vector<16xf32>
        %add3A_390 = arith.addf %add3A_381, %mul3A_389 : vector<16xf32>
        %broadcast_in_dim3A_391 = arith.constant 32 : i32
        %broadcast_in_dim3A_392 = vector.broadcast %broadcast_in_dim3A_391 : i32 to vector<16xi32>
        %gather3A_393 = tpu.vector_load_idx %arg13[%add3A_100, %broadcast_in_dim3A_392] : memref<128x64xf32, #tpu.memory_space<vmem>>[vector<16xi32>, vector<16xi32>], vector<16xf32>,
        %gather3A_394 = tpu.vector_load_idx %arg14[%add3A_100, %broadcast_in_dim3A_392] : memref<128x64xf32, #tpu.memory_space<vmem>>[vector<16xi32>, vector<16xi32>], vector<16xf32>,
        %gather3A_395 = tpu.vector_load_idx %arg15[%add3A_100, %broadcast_in_dim3A_392] : memref<128x64xf32, #tpu.memory_space<vmem>>[vector<16xi32>, vector<16xi32>], vector<16xf32>,
        %mul3A_396 = arith.mulf %gather3A_393, %gather3A_394 : vector<16xf32>
        %add3A_397 = arith.addf %add3A_388, %mul3A_396 : vector<16xf32>
        %mul3A_398 = arith.mulf %gather3A_393, %gather3A_395 : vector<16xf32>
        %add3A_399 = arith.addf %add3A_390, %mul3A_398 : vector<16xf32>
        %broadcast_in_dim3A_400 = arith.constant 33 : i32
        %broadcast_in_dim3A_401 = vector.broadcast %broadcast_in_dim3A_400 : i32 to vector<16xi32>
        %gather3A_402 = tpu.vector_load_idx %arg13[%add3A_100, %broadcast_in_dim3A_401] : memref<128x64xf32, #tpu.memory_space<vmem>>[vector<16xi32>, vector<16xi32>], vector<16xf32>,
        %gather3A_403 = tpu.vector_load_idx %arg14[%add3A_100, %broadcast_in_dim3A_401] : memref<128x64xf32, #tpu.memory_space<vmem>>[vector<16xi32>, vector<16xi32>], vector<16xf32>,
        %gather3A_404 = tpu.vector_load_idx %arg15[%add3A_100, %broadcast_in_dim3A_401] : memref<128x64xf32, #tpu.memory_space<vmem>>[vector<16xi32>, vector<16xi32>], vector<16xf32>,
        %mul3A_405 = arith.mulf %gather3A_402, %gather3A_403 : vector<16xf32>
        %add3A_406 = arith.addf %add3A_397, %mul3A_405 : vector<16xf32>
        %mul3A_407 = arith.mulf %gather3A_402, %gather3A_404 : vector<16xf32>
        %add3A_408 = arith.addf %add3A_399, %mul3A_407 : vector<16xf32>
        %broadcast_in_dim3A_409 = arith.constant 34 : i32
        %broadcast_in_dim3A_410 = vector.broadcast %broadcast_in_dim3A_409 : i32 to vector<16xi32>
        %gather3A_411 = tpu.vector_load_idx %arg13[%add3A_100, %broadcast_in_dim3A_410] : memref<128x64xf32, #tpu.memory_space<vmem>>[vector<16xi32>, vector<16xi32>], vector<16xf32>,
        %gather3A_412 = tpu.vector_load_idx %arg14[%add3A_100, %broadcast_in_dim3A_410] : memref<128x64xf32, #tpu.memory_space<vmem>>[vector<16xi32>, vector<16xi32>], vector<16xf32>,
        %gather3A_413 = tpu.vector_load_idx %arg15[%add3A_100, %broadcast_in_dim3A_410] : memref<128x64xf32, #tpu.memory_space<vmem>>[vector<16xi32>, vector<16xi32>], vector<16xf32>,
        %mul3A_414 = arith.mulf %gather3A_411, %gather3A_412 : vector<16xf32>
        %add3A_415 = arith.addf %add3A_406, %mul3A_414 : vector<16xf32>
        %mul3A_416 = arith.mulf %gather3A_411, %gather3A_413 : vector<16xf32>
        %add3A_417 = arith.addf %add3A_408, %mul3A_416 : vector<16xf32>
        %broadcast_in_dim3A_418 = arith.constant 35 : i32
        %broadcast_in_dim3A_419 = vector.broadcast %broadcast_in_dim3A_418 : i32 to vector<16xi32>
        %gather3A_420 = tpu.vector_load_idx %arg13[%add3A_100, %broadcast_in_dim3A_419] : memref<128x64xf32, #tpu.memory_space<vmem>>[vector<16xi32>, vector<16xi32>], vector<16xf32>,
        %gather3A_421 = tpu.vector_load_idx %arg14[%add3A_100, %broadcast_in_dim3A_419] : memref<128x64xf32, #tpu.memory_space<vmem>>[vector<16xi32>, vector<16xi32>], vector<16xf32>,
        %gather3A_422 = tpu.vector_load_idx %arg15[%add3A_100, %broadcast_in_dim3A_419] : memref<128x64xf32, #tpu.memory_space<vmem>>[vector<16xi32>, vector<16xi32>], vector<16xf32>,
        %mul3A_423 = arith.mulf %gather3A_420, %gather3A_421 : vector<16xf32>
        %add3A_424 = arith.addf %add3A_415, %mul3A_423 : vector<16xf32>
        %mul3A_425 = arith.mulf %gather3A_420, %gather3A_422 : vector<16xf32>
        %add3A_426 = arith.addf %add3A_417, %mul3A_425 : vector<16xf32>
        %broadcast_in_dim3A_427 = arith.constant 36 : i32
        %broadcast_in_dim3A_428 = vector.broadcast %broadcast_in_dim3A_427 : i32 to vector<16xi32>
        %gather3A_429 = tpu.vector_load_idx %arg13[%add3A_100, %broadcast_in_dim3A_428] : memref<128x64xf32, #tpu.memory_space<vmem>>[vector<16xi32>, vector<16xi32>], vector<16xf32>,
        %gather3A_430 = tpu.vector_load_idx %arg14[%add3A_100, %broadcast_in_dim3A_428] : memref<128x64xf32, #tpu.memory_space<vmem>>[vector<16xi32>, vector<16xi32>], vector<16xf32>,
        %gather3A_431 = tpu.vector_load_idx %arg15[%add3A_100, %broadcast_in_dim3A_428] : memref<128x64xf32, #tpu.memory_space<vmem>>[vector<16xi32>, vector<16xi32>], vector<16xf32>,
        %mul3A_432 = arith.mulf %gather3A_429, %gather3A_430 : vector<16xf32>
        %add3A_433 = arith.addf %add3A_424, %mul3A_432 : vector<16xf32>
        %mul3A_434 = arith.mulf %gather3A_429, %gather3A_431 : vector<16xf32>
        %add3A_435 = arith.addf %add3A_426, %mul3A_434 : vector<16xf32>
        %broadcast_in_dim3A_436 = arith.constant 37 : i32
        %broadcast_in_dim3A_437 = vector.broadcast %broadcast_in_dim3A_436 : i32 to vector<16xi32>
        %gather3A_438 = tpu.vector_load_idx %arg13[%add3A_100, %broadcast_in_dim3A_437] : memref<128x64xf32, #tpu.memory_space<vmem>>[vector<16xi32>, vector<16xi32>], vector<16xf32>,
        %gather3A_439 = tpu.vector_load_idx %arg14[%add3A_100, %broadcast_in_dim3A_437] : memref<128x64xf32, #tpu.memory_space<vmem>>[vector<16xi32>, vector<16xi32>], vector<16xf32>,
        %gather3A_440 = tpu.vector_load_idx %arg15[%add3A_100, %broadcast_in_dim3A_437] : memref<128x64xf32, #tpu.memory_space<vmem>>[vector<16xi32>, vector<16xi32>], vector<16xf32>,
        %mul3A_441 = arith.mulf %gather3A_438, %gather3A_439 : vector<16xf32>
        %add3A_442 = arith.addf %add3A_433, %mul3A_441 : vector<16xf32>
        %mul3A_443 = arith.mulf %gather3A_438, %gather3A_440 : vector<16xf32>
        %add3A_444 = arith.addf %add3A_435, %mul3A_443 : vector<16xf32>
        %broadcast_in_dim3A_445 = arith.constant 38 : i32
        %broadcast_in_dim3A_446 = vector.broadcast %broadcast_in_dim3A_445 : i32 to vector<16xi32>
        %gather3A_447 = tpu.vector_load_idx %arg13[%add3A_100, %broadcast_in_dim3A_446] : memref<128x64xf32, #tpu.memory_space<vmem>>[vector<16xi32>, vector<16xi32>], vector<16xf32>,
        %gather3A_448 = tpu.vector_load_idx %arg14[%add3A_100, %broadcast_in_dim3A_446] : memref<128x64xf32, #tpu.memory_space<vmem>>[vector<16xi32>, vector<16xi32>], vector<16xf32>,
        %gather3A_449 = tpu.vector_load_idx %arg15[%add3A_100, %broadcast_in_dim3A_446] : memref<128x64xf32, #tpu.memory_space<vmem>>[vector<16xi32>, vector<16xi32>], vector<16xf32>,
        %mul3A_450 = arith.mulf %gather3A_447, %gather3A_448 : vector<16xf32>
        %add3A_451 = arith.addf %add3A_442, %mul3A_450 : vector<16xf32>
        %mul3A_452 = arith.mulf %gather3A_447, %gather3A_449 : vector<16xf32>
        %add3A_453 = arith.addf %add3A_444, %mul3A_452 : vector<16xf32>
        %broadcast_in_dim3A_454 = arith.constant 39 : i32
        %broadcast_in_dim3A_455 = vector.broadcast %broadcast_in_dim3A_454 : i32 to vector<16xi32>
        %gather3A_456 = tpu.vector_load_idx %arg13[%add3A_100, %broadcast_in_dim3A_455] : memref<128x64xf32, #tpu.memory_space<vmem>>[vector<16xi32>, vector<16xi32>], vector<16xf32>,
        %gather3A_457 = tpu.vector_load_idx %arg14[%add3A_100, %broadcast_in_dim3A_455] : memref<128x64xf32, #tpu.memory_space<vmem>>[vector<16xi32>, vector<16xi32>], vector<16xf32>,
        %gather3A_458 = tpu.vector_load_idx %arg15[%add3A_100, %broadcast_in_dim3A_455] : memref<128x64xf32, #tpu.memory_space<vmem>>[vector<16xi32>, vector<16xi32>], vector<16xf32>,
        %mul3A_459 = arith.mulf %gather3A_456, %gather3A_457 : vector<16xf32>
        %add3A_460 = arith.addf %add3A_451, %mul3A_459 : vector<16xf32>
        %mul3A_461 = arith.mulf %gather3A_456, %gather3A_458 : vector<16xf32>
        %add3A_462 = arith.addf %add3A_453, %mul3A_461 : vector<16xf32>
        %broadcast_in_dim3A_463 = arith.constant 40 : i32
        %broadcast_in_dim3A_464 = vector.broadcast %broadcast_in_dim3A_463 : i32 to vector<16xi32>
        %gather3A_465 = tpu.vector_load_idx %arg13[%add3A_100, %broadcast_in_dim3A_464] : memref<128x64xf32, #tpu.memory_space<vmem>>[vector<16xi32>, vector<16xi32>], vector<16xf32>,
        %gather3A_466 = tpu.vector_load_idx %arg14[%add3A_100, %broadcast_in_dim3A_464] : memref<128x64xf32, #tpu.memory_space<vmem>>[vector<16xi32>, vector<16xi32>], vector<16xf32>,
        %gather3A_467 = tpu.vector_load_idx %arg15[%add3A_100, %broadcast_in_dim3A_464] : memref<128x64xf32, #tpu.memory_space<vmem>>[vector<16xi32>, vector<16xi32>], vector<16xf32>,
        %mul3A_468 = arith.mulf %gather3A_465, %gather3A_466 : vector<16xf32>
        %add3A_469 = arith.addf %add3A_460, %mul3A_468 : vector<16xf32>
        %mul3A_470 = arith.mulf %gather3A_465, %gather3A_467 : vector<16xf32>
        %add3A_471 = arith.addf %add3A_462, %mul3A_470 : vector<16xf32>
        %broadcast_in_dim3A_472 = arith.constant 41 : i32
        %broadcast_in_dim3A_473 = vector.broadcast %broadcast_in_dim3A_472 : i32 to vector<16xi32>
        %gather3A_474 = tpu.vector_load_idx %arg13[%add3A_100, %broadcast_in_dim3A_473] : memref<128x64xf32, #tpu.memory_space<vmem>>[vector<16xi32>, vector<16xi32>], vector<16xf32>,
        %gather3A_475 = tpu.vector_load_idx %arg14[%add3A_100, %broadcast_in_dim3A_473] : memref<128x64xf32, #tpu.memory_space<vmem>>[vector<16xi32>, vector<16xi32>], vector<16xf32>,
        %gather3A_476 = tpu.vector_load_idx %arg15[%add3A_100, %broadcast_in_dim3A_473] : memref<128x64xf32, #tpu.memory_space<vmem>>[vector<16xi32>, vector<16xi32>], vector<16xf32>,
        %mul3A_477 = arith.mulf %gather3A_474, %gather3A_475 : vector<16xf32>
        %add3A_478 = arith.addf %add3A_469, %mul3A_477 : vector<16xf32>
        %mul3A_479 = arith.mulf %gather3A_474, %gather3A_476 : vector<16xf32>
        %add3A_480 = arith.addf %add3A_471, %mul3A_479 : vector<16xf32>
        %broadcast_in_dim3A_481 = arith.constant 42 : i32
        %broadcast_in_dim3A_482 = vector.broadcast %broadcast_in_dim3A_481 : i32 to vector<16xi32>
        %gather3A_483 = tpu.vector_load_idx %arg13[%add3A_100, %broadcast_in_dim3A_482] : memref<128x64xf32, #tpu.memory_space<vmem>>[vector<16xi32>, vector<16xi32>], vector<16xf32>,
        %gather3A_484 = tpu.vector_load_idx %arg14[%add3A_100, %broadcast_in_dim3A_482] : memref<128x64xf32, #tpu.memory_space<vmem>>[vector<16xi32>, vector<16xi32>], vector<16xf32>,
        %gather3A_485 = tpu.vector_load_idx %arg15[%add3A_100, %broadcast_in_dim3A_482] : memref<128x64xf32, #tpu.memory_space<vmem>>[vector<16xi32>, vector<16xi32>], vector<16xf32>,
        %mul3A_486 = arith.mulf %gather3A_483, %gather3A_484 : vector<16xf32>
        %add3A_487 = arith.addf %add3A_478, %mul3A_486 : vector<16xf32>
        %mul3A_488 = arith.mulf %gather3A_483, %gather3A_485 : vector<16xf32>
        %add3A_489 = arith.addf %add3A_480, %mul3A_488 : vector<16xf32>
        %broadcast_in_dim3A_490 = arith.constant 43 : i32
        %broadcast_in_dim3A_491 = vector.broadcast %broadcast_in_dim3A_490 : i32 to vector<16xi32>
        %gather3A_492 = tpu.vector_load_idx %arg13[%add3A_100, %broadcast_in_dim3A_491] : memref<128x64xf32, #tpu.memory_space<vmem>>[vector<16xi32>, vector<16xi32>], vector<16xf32>,
        %gather3A_493 = tpu.vector_load_idx %arg14[%add3A_100, %broadcast_in_dim3A_491] : memref<128x64xf32, #tpu.memory_space<vmem>>[vector<16xi32>, vector<16xi32>], vector<16xf32>,
        %gather3A_494 = tpu.vector_load_idx %arg15[%add3A_100, %broadcast_in_dim3A_491] : memref<128x64xf32, #tpu.memory_space<vmem>>[vector<16xi32>, vector<16xi32>], vector<16xf32>,
        %mul3A_495 = arith.mulf %gather3A_492, %gather3A_493 : vector<16xf32>
        %add3A_496 = arith.addf %add3A_487, %mul3A_495 : vector<16xf32>
        %mul3A_497 = arith.mulf %gather3A_492, %gather3A_494 : vector<16xf32>
        %add3A_498 = arith.addf %add3A_489, %mul3A_497 : vector<16xf32>
        %broadcast_in_dim3A_499 = arith.constant 44 : i32
        %broadcast_in_dim3A_500 = vector.broadcast %broadcast_in_dim3A_499 : i32 to vector<16xi32>
        %gather3A_501 = tpu.vector_load_idx %arg13[%add3A_100, %broadcast_in_dim3A_500] : memref<128x64xf32, #tpu.memory_space<vmem>>[vector<16xi32>, vector<16xi32>], vector<16xf32>,
        %gather3A_502 = tpu.vector_load_idx %arg14[%add3A_100, %broadcast_in_dim3A_500] : memref<128x64xf32, #tpu.memory_space<vmem>>[vector<16xi32>, vector<16xi32>], vector<16xf32>,
        %gather3A_503 = tpu.vector_load_idx %arg15[%add3A_100, %broadcast_in_dim3A_500] : memref<128x64xf32, #tpu.memory_space<vmem>>[vector<16xi32>, vector<16xi32>], vector<16xf32>,
        %mul3A_504 = arith.mulf %gather3A_501, %gather3A_502 : vector<16xf32>
        %add3A_505 = arith.addf %add3A_496, %mul3A_504 : vector<16xf32>
        %mul3A_506 = arith.mulf %gather3A_501, %gather3A_503 : vector<16xf32>
        %add3A_507 = arith.addf %add3A_498, %mul3A_506 : vector<16xf32>
        %broadcast_in_dim3A_508 = arith.constant 45 : i32
        %broadcast_in_dim3A_509 = vector.broadcast %broadcast_in_dim3A_508 : i32 to vector<16xi32>
        %gather3A_510 = tpu.vector_load_idx %arg13[%add3A_100, %broadcast_in_dim3A_509] : memref<128x64xf32, #tpu.memory_space<vmem>>[vector<16xi32>, vector<16xi32>], vector<16xf32>,
        %gather3A_511 = tpu.vector_load_idx %arg14[%add3A_100, %broadcast_in_dim3A_509] : memref<128x64xf32, #tpu.memory_space<vmem>>[vector<16xi32>, vector<16xi32>], vector<16xf32>,
        %gather3A_512 = tpu.vector_load_idx %arg15[%add3A_100, %broadcast_in_dim3A_509] : memref<128x64xf32, #tpu.memory_space<vmem>>[vector<16xi32>, vector<16xi32>], vector<16xf32>,
        %mul3A_513 = arith.mulf %gather3A_510, %gather3A_511 : vector<16xf32>
        %add3A_514 = arith.addf %add3A_505, %mul3A_513 : vector<16xf32>
        %mul3A_515 = arith.mulf %gather3A_510, %gather3A_512 : vector<16xf32>
        %add3A_516 = arith.addf %add3A_507, %mul3A_515 : vector<16xf32>
        %broadcast_in_dim3A_517 = arith.constant 46 : i32
        %broadcast_in_dim3A_518 = vector.broadcast %broadcast_in_dim3A_517 : i32 to vector<16xi32>
        %gather3A_519 = tpu.vector_load_idx %arg13[%add3A_100, %broadcast_in_dim3A_518] : memref<128x64xf32, #tpu.memory_space<vmem>>[vector<16xi32>, vector<16xi32>], vector<16xf32>,
        %gather3A_520 = tpu.vector_load_idx %arg14[%add3A_100, %broadcast_in_dim3A_518] : memref<128x64xf32, #tpu.memory_space<vmem>>[vector<16xi32>, vector<16xi32>], vector<16xf32>,
        %gather3A_521 = tpu.vector_load_idx %arg15[%add3A_100, %broadcast_in_dim3A_518] : memref<128x64xf32, #tpu.memory_space<vmem>>[vector<16xi32>, vector<16xi32>], vector<16xf32>,
        %mul3A_522 = arith.mulf %gather3A_519, %gather3A_520 : vector<16xf32>
        %add3A_523 = arith.addf %add3A_514, %mul3A_522 : vector<16xf32>
        %mul3A_524 = arith.mulf %gather3A_519, %gather3A_521 : vector<16xf32>
        %add3A_525 = arith.addf %add3A_516, %mul3A_524 : vector<16xf32>
        %broadcast_in_dim3A_526 = arith.constant 47 : i32
        %broadcast_in_dim3A_527 = vector.broadcast %broadcast_in_dim3A_526 : i32 to vector<16xi32>
        %gather3A_528 = tpu.vector_load_idx %arg13[%add3A_100, %broadcast_in_dim3A_527] : memref<128x64xf32, #tpu.memory_space<vmem>>[vector<16xi32>, vector<16xi32>], vector<16xf32>,
        %gather3A_529 = tpu.vector_load_idx %arg14[%add3A_100, %broadcast_in_dim3A_527] : memref<128x64xf32, #tpu.memory_space<vmem>>[vector<16xi32>, vector<16xi32>], vector<16xf32>,
        %gather3A_530 = tpu.vector_load_idx %arg15[%add3A_100, %broadcast_in_dim3A_527] : memref<128x64xf32, #tpu.memory_space<vmem>>[vector<16xi32>, vector<16xi32>], vector<16xf32>,
        %mul3A_531 = arith.mulf %gather3A_528, %gather3A_529 : vector<16xf32>
        %add3A_532 = arith.addf %add3A_523, %mul3A_531 : vector<16xf32>
        %mul3A_533 = arith.mulf %gather3A_528, %gather3A_530 : vector<16xf32>
        %add3A_534 = arith.addf %add3A_525, %mul3A_533 : vector<16xf32>
        %broadcast_in_dim3A_535 = arith.constant 48 : i32
        %broadcast_in_dim3A_536 = vector.broadcast %broadcast_in_dim3A_535 : i32 to vector<16xi32>
        %gather3A_537 = tpu.vector_load_idx %arg13[%add3A_100, %broadcast_in_dim3A_536] : memref<128x64xf32, #tpu.memory_space<vmem>>[vector<16xi32>, vector<16xi32>], vector<16xf32>,
        %gather3A_538 = tpu.vector_load_idx %arg14[%add3A_100, %broadcast_in_dim3A_536] : memref<128x64xf32, #tpu.memory_space<vmem>>[vector<16xi32>, vector<16xi32>], vector<16xf32>,
        %gather3A_539 = tpu.vector_load_idx %arg15[%add3A_100, %broadcast_in_dim3A_536] : memref<128x64xf32, #tpu.memory_space<vmem>>[vector<16xi32>, vector<16xi32>], vector<16xf32>,
        %mul3A_540 = arith.mulf %gather3A_537, %gather3A_538 : vector<16xf32>
        %add3A_541 = arith.addf %add3A_532, %mul3A_540 : vector<16xf32>
        %mul3A_542 = arith.mulf %gather3A_537, %gather3A_539 : vector<16xf32>
        %add3A_543 = arith.addf %add3A_534, %mul3A_542 : vector<16xf32>
        %broadcast_in_dim3A_544 = arith.constant 49 : i32
        %broadcast_in_dim3A_545 = vector.broadcast %broadcast_in_dim3A_544 : i32 to vector<16xi32>
        %gather3A_546 = tpu.vector_load_idx %arg13[%add3A_100, %broadcast_in_dim3A_545] : memref<128x64xf32, #tpu.memory_space<vmem>>[vector<16xi32>, vector<16xi32>], vector<16xf32>,
        %gather3A_547 = tpu.vector_load_idx %arg14[%add3A_100, %broadcast_in_dim3A_545] : memref<128x64xf32, #tpu.memory_space<vmem>>[vector<16xi32>, vector<16xi32>], vector<16xf32>,
        %gather3A_548 = tpu.vector_load_idx %arg15[%add3A_100, %broadcast_in_dim3A_545] : memref<128x64xf32, #tpu.memory_space<vmem>>[vector<16xi32>, vector<16xi32>], vector<16xf32>,
        %mul3A_549 = arith.mulf %gather3A_546, %gather3A_547 : vector<16xf32>
        %add3A_550 = arith.addf %add3A_541, %mul3A_549 : vector<16xf32>
        %mul3A_551 = arith.mulf %gather3A_546, %gather3A_548 : vector<16xf32>
        %add3A_552 = arith.addf %add3A_543, %mul3A_551 : vector<16xf32>
        %broadcast_in_dim3A_553 = arith.constant 50 : i32
        %broadcast_in_dim3A_554 = vector.broadcast %broadcast_in_dim3A_553 : i32 to vector<16xi32>
        %gather3A_555 = tpu.vector_load_idx %arg13[%add3A_100, %broadcast_in_dim3A_554] : memref<128x64xf32, #tpu.memory_space<vmem>>[vector<16xi32>, vector<16xi32>], vector<16xf32>,
        %gather3A_556 = tpu.vector_load_idx %arg14[%add3A_100, %broadcast_in_dim3A_554] : memref<128x64xf32, #tpu.memory_space<vmem>>[vector<16xi32>, vector<16xi32>], vector<16xf32>,
        %gather3A_557 = tpu.vector_load_idx %arg15[%add3A_100, %broadcast_in_dim3A_554] : memref<128x64xf32, #tpu.memory_space<vmem>>[vector<16xi32>, vector<16xi32>], vector<16xf32>,
        %mul3A_558 = arith.mulf %gather3A_555, %gather3A_556 : vector<16xf32>
        %add3A_559 = arith.addf %add3A_550, %mul3A_558 : vector<16xf32>
        %mul3A_560 = arith.mulf %gather3A_555, %gather3A_557 : vector<16xf32>
        %add3A_561 = arith.addf %add3A_552, %mul3A_560 : vector<16xf32>
        %broadcast_in_dim3A_562 = arith.constant 51 : i32
        %broadcast_in_dim3A_563 = vector.broadcast %broadcast_in_dim3A_562 : i32 to vector<16xi32>
        %gather3A_564 = tpu.vector_load_idx %arg13[%add3A_100, %broadcast_in_dim3A_563] : memref<128x64xf32, #tpu.memory_space<vmem>>[vector<16xi32>, vector<16xi32>], vector<16xf32>,
        %gather3A_565 = tpu.vector_load_idx %arg14[%add3A_100, %broadcast_in_dim3A_563] : memref<128x64xf32, #tpu.memory_space<vmem>>[vector<16xi32>, vector<16xi32>], vector<16xf32>,
        %gather3A_566 = tpu.vector_load_idx %arg15[%add3A_100, %broadcast_in_dim3A_563] : memref<128x64xf32, #tpu.memory_space<vmem>>[vector<16xi32>, vector<16xi32>], vector<16xf32>,
        %mul3A_567 = arith.mulf %gather3A_564, %gather3A_565 : vector<16xf32>
        %add3A_568 = arith.addf %add3A_559, %mul3A_567 : vector<16xf32>
        %mul3A_569 = arith.mulf %gather3A_564, %gather3A_566 : vector<16xf32>
        %add3A_570 = arith.addf %add3A_561, %mul3A_569 : vector<16xf32>
        %broadcast_in_dim3A_571 = arith.constant 52 : i32
        %broadcast_in_dim3A_572 = vector.broadcast %broadcast_in_dim3A_571 : i32 to vector<16xi32>
        %gather3A_573 = tpu.vector_load_idx %arg13[%add3A_100, %broadcast_in_dim3A_572] : memref<128x64xf32, #tpu.memory_space<vmem>>[vector<16xi32>, vector<16xi32>], vector<16xf32>,
        %gather3A_574 = tpu.vector_load_idx %arg14[%add3A_100, %broadcast_in_dim3A_572] : memref<128x64xf32, #tpu.memory_space<vmem>>[vector<16xi32>, vector<16xi32>], vector<16xf32>,
        %gather3A_575 = tpu.vector_load_idx %arg15[%add3A_100, %broadcast_in_dim3A_572] : memref<128x64xf32, #tpu.memory_space<vmem>>[vector<16xi32>, vector<16xi32>], vector<16xf32>,
        %mul3A_576 = arith.mulf %gather3A_573, %gather3A_574 : vector<16xf32>
        %add3A_577 = arith.addf %add3A_568, %mul3A_576 : vector<16xf32>
        %mul3A_578 = arith.mulf %gather3A_573, %gather3A_575 : vector<16xf32>
        %add3A_579 = arith.addf %add3A_570, %mul3A_578 : vector<16xf32>
        %broadcast_in_dim3A_580 = arith.constant 53 : i32
        %broadcast_in_dim3A_581 = vector.broadcast %broadcast_in_dim3A_580 : i32 to vector<16xi32>
        %gather3A_582 = tpu.vector_load_idx %arg13[%add3A_100, %broadcast_in_dim3A_581] : memref<128x64xf32, #tpu.memory_space<vmem>>[vector<16xi32>, vector<16xi32>], vector<16xf32>,
        %gather3A_583 = tpu.vector_load_idx %arg14[%add3A_100, %broadcast_in_dim3A_581] : memref<128x64xf32, #tpu.memory_space<vmem>>[vector<16xi32>, vector<16xi32>], vector<16xf32>,
        %gather3A_584 = tpu.vector_load_idx %arg15[%add3A_100, %broadcast_in_dim3A_581] : memref<128x64xf32, #tpu.memory_space<vmem>>[vector<16xi32>, vector<16xi32>], vector<16xf32>,
        %mul3A_585 = arith.mulf %gather3A_582, %gather3A_583 : vector<16xf32>
        %add3A_586 = arith.addf %add3A_577, %mul3A_585 : vector<16xf32>
        %mul3A_587 = arith.mulf %gather3A_582, %gather3A_584 : vector<16xf32>
        %add3A_588 = arith.addf %add3A_579, %mul3A_587 : vector<16xf32>
        %broadcast_in_dim3A_589 = arith.constant 54 : i32
        %broadcast_in_dim3A_590 = vector.broadcast %broadcast_in_dim3A_589 : i32 to vector<16xi32>
        %gather3A_591 = tpu.vector_load_idx %arg13[%add3A_100, %broadcast_in_dim3A_590] : memref<128x64xf32, #tpu.memory_space<vmem>>[vector<16xi32>, vector<16xi32>], vector<16xf32>,
        %gather3A_592 = tpu.vector_load_idx %arg14[%add3A_100, %broadcast_in_dim3A_590] : memref<128x64xf32, #tpu.memory_space<vmem>>[vector<16xi32>, vector<16xi32>], vector<16xf32>,
        %gather3A_593 = tpu.vector_load_idx %arg15[%add3A_100, %broadcast_in_dim3A_590] : memref<128x64xf32, #tpu.memory_space<vmem>>[vector<16xi32>, vector<16xi32>], vector<16xf32>,
        %mul3A_594 = arith.mulf %gather3A_591, %gather3A_592 : vector<16xf32>
        %add3A_595 = arith.addf %add3A_586, %mul3A_594 : vector<16xf32>
        %mul3A_596 = arith.mulf %gather3A_591, %gather3A_593 : vector<16xf32>
        %add3A_597 = arith.addf %add3A_588, %mul3A_596 : vector<16xf32>
        %broadcast_in_dim3A_598 = arith.constant 55 : i32
        %broadcast_in_dim3A_599 = vector.broadcast %broadcast_in_dim3A_598 : i32 to vector<16xi32>
        %gather3A_600 = tpu.vector_load_idx %arg13[%add3A_100, %broadcast_in_dim3A_599] : memref<128x64xf32, #tpu.memory_space<vmem>>[vector<16xi32>, vector<16xi32>], vector<16xf32>,
        %gather3A_601 = tpu.vector_load_idx %arg14[%add3A_100, %broadcast_in_dim3A_599] : memref<128x64xf32, #tpu.memory_space<vmem>>[vector<16xi32>, vector<16xi32>], vector<16xf32>,
        %gather3A_602 = tpu.vector_load_idx %arg15[%add3A_100, %broadcast_in_dim3A_599] : memref<128x64xf32, #tpu.memory_space<vmem>>[vector<16xi32>, vector<16xi32>], vector<16xf32>,
        %mul3A_603 = arith.mulf %gather3A_600, %gather3A_601 : vector<16xf32>
        %add3A_604 = arith.addf %add3A_595, %mul3A_603 : vector<16xf32>
        %mul3A_605 = arith.mulf %gather3A_600, %gather3A_602 : vector<16xf32>
        %add3A_606 = arith.addf %add3A_597, %mul3A_605 : vector<16xf32>
        %broadcast_in_dim3A_607 = arith.constant 56 : i32
        %broadcast_in_dim3A_608 = vector.broadcast %broadcast_in_dim3A_607 : i32 to vector<16xi32>
        %gather3A_609 = tpu.vector_load_idx %arg13[%add3A_100, %broadcast_in_dim3A_608] : memref<128x64xf32, #tpu.memory_space<vmem>>[vector<16xi32>, vector<16xi32>], vector<16xf32>,
        %gather3A_610 = tpu.vector_load_idx %arg14[%add3A_100, %broadcast_in_dim3A_608] : memref<128x64xf32, #tpu.memory_space<vmem>>[vector<16xi32>, vector<16xi32>], vector<16xf32>,
        %gather3A_611 = tpu.vector_load_idx %arg15[%add3A_100, %broadcast_in_dim3A_608] : memref<128x64xf32, #tpu.memory_space<vmem>>[vector<16xi32>, vector<16xi32>], vector<16xf32>,
        %mul3A_612 = arith.mulf %gather3A_609, %gather3A_610 : vector<16xf32>
        %add3A_613 = arith.addf %add3A_604, %mul3A_612 : vector<16xf32>
        %mul3A_614 = arith.mulf %gather3A_609, %gather3A_611 : vector<16xf32>
        %add3A_615 = arith.addf %add3A_606, %mul3A_614 : vector<16xf32>
        %broadcast_in_dim3A_616 = arith.constant 57 : i32
        %broadcast_in_dim3A_617 = vector.broadcast %broadcast_in_dim3A_616 : i32 to vector<16xi32>
        %gather3A_618 = tpu.vector_load_idx %arg13[%add3A_100, %broadcast_in_dim3A_617] : memref<128x64xf32, #tpu.memory_space<vmem>>[vector<16xi32>, vector<16xi32>], vector<16xf32>,
        %gather3A_619 = tpu.vector_load_idx %arg14[%add3A_100, %broadcast_in_dim3A_617] : memref<128x64xf32, #tpu.memory_space<vmem>>[vector<16xi32>, vector<16xi32>], vector<16xf32>,
        %gather3A_620 = tpu.vector_load_idx %arg15[%add3A_100, %broadcast_in_dim3A_617] : memref<128x64xf32, #tpu.memory_space<vmem>>[vector<16xi32>, vector<16xi32>], vector<16xf32>,
        %mul3A_621 = arith.mulf %gather3A_618, %gather3A_619 : vector<16xf32>
        %add3A_622 = arith.addf %add3A_613, %mul3A_621 : vector<16xf32>
        %mul3A_623 = arith.mulf %gather3A_618, %gather3A_620 : vector<16xf32>
        %add3A_624 = arith.addf %add3A_615, %mul3A_623 : vector<16xf32>
        %broadcast_in_dim3A_625 = arith.constant 58 : i32
        %broadcast_in_dim3A_626 = vector.broadcast %broadcast_in_dim3A_625 : i32 to vector<16xi32>
        %gather3A_627 = tpu.vector_load_idx %arg13[%add3A_100, %broadcast_in_dim3A_626] : memref<128x64xf32, #tpu.memory_space<vmem>>[vector<16xi32>, vector<16xi32>], vector<16xf32>,
        %gather3A_628 = tpu.vector_load_idx %arg14[%add3A_100, %broadcast_in_dim3A_626] : memref<128x64xf32, #tpu.memory_space<vmem>>[vector<16xi32>, vector<16xi32>], vector<16xf32>,
        %gather3A_629 = tpu.vector_load_idx %arg15[%add3A_100, %broadcast_in_dim3A_626] : memref<128x64xf32, #tpu.memory_space<vmem>>[vector<16xi32>, vector<16xi32>], vector<16xf32>,
        %mul3A_630 = arith.mulf %gather3A_627, %gather3A_628 : vector<16xf32>
        %add3A_631 = arith.addf %add3A_622, %mul3A_630 : vector<16xf32>
        %mul3A_632 = arith.mulf %gather3A_627, %gather3A_629 : vector<16xf32>
        %add3A_633 = arith.addf %add3A_624, %mul3A_632 : vector<16xf32>
        %broadcast_in_dim3A_634 = arith.constant 59 : i32
        %broadcast_in_dim3A_635 = vector.broadcast %broadcast_in_dim3A_634 : i32 to vector<16xi32>
        %gather3A_636 = tpu.vector_load_idx %arg13[%add3A_100, %broadcast_in_dim3A_635] : memref<128x64xf32, #tpu.memory_space<vmem>>[vector<16xi32>, vector<16xi32>], vector<16xf32>,
        %gather3A_637 = tpu.vector_load_idx %arg14[%add3A_100, %broadcast_in_dim3A_635] : memref<128x64xf32, #tpu.memory_space<vmem>>[vector<16xi32>, vector<16xi32>], vector<16xf32>,
        %gather3A_638 = tpu.vector_load_idx %arg15[%add3A_100, %broadcast_in_dim3A_635] : memref<128x64xf32, #tpu.memory_space<vmem>>[vector<16xi32>, vector<16xi32>], vector<16xf32>,
        %mul3A_639 = arith.mulf %gather3A_636, %gather3A_637 : vector<16xf32>
        %add3A_640 = arith.addf %add3A_631, %mul3A_639 : vector<16xf32>
        %mul3A_641 = arith.mulf %gather3A_636, %gather3A_638 : vector<16xf32>
        %add3A_642 = arith.addf %add3A_633, %mul3A_641 : vector<16xf32>
        %broadcast_in_dim3A_643 = arith.constant 60 : i32
        %broadcast_in_dim3A_644 = vector.broadcast %broadcast_in_dim3A_643 : i32 to vector<16xi32>
        %gather3A_645 = tpu.vector_load_idx %arg13[%add3A_100, %broadcast_in_dim3A_644] : memref<128x64xf32, #tpu.memory_space<vmem>>[vector<16xi32>, vector<16xi32>], vector<16xf32>,
        %gather3A_646 = tpu.vector_load_idx %arg14[%add3A_100, %broadcast_in_dim3A_644] : memref<128x64xf32, #tpu.memory_space<vmem>>[vector<16xi32>, vector<16xi32>], vector<16xf32>,
        %gather3A_647 = tpu.vector_load_idx %arg15[%add3A_100, %broadcast_in_dim3A_644] : memref<128x64xf32, #tpu.memory_space<vmem>>[vector<16xi32>, vector<16xi32>], vector<16xf32>,
        %mul3A_648 = arith.mulf %gather3A_645, %gather3A_646 : vector<16xf32>
        %add3A_649 = arith.addf %add3A_640, %mul3A_648 : vector<16xf32>
        %mul3A_650 = arith.mulf %gather3A_645, %gather3A_647 : vector<16xf32>
        %add3A_651 = arith.addf %add3A_642, %mul3A_650 : vector<16xf32>
        %broadcast_in_dim3A_652 = arith.constant 61 : i32
        %broadcast_in_dim3A_653 = vector.broadcast %broadcast_in_dim3A_652 : i32 to vector<16xi32>
        %gather3A_654 = tpu.vector_load_idx %arg13[%add3A_100, %broadcast_in_dim3A_653] : memref<128x64xf32, #tpu.memory_space<vmem>>[vector<16xi32>, vector<16xi32>], vector<16xf32>,
        %gather3A_655 = tpu.vector_load_idx %arg14[%add3A_100, %broadcast_in_dim3A_653] : memref<128x64xf32, #tpu.memory_space<vmem>>[vector<16xi32>, vector<16xi32>], vector<16xf32>,
        %gather3A_656 = tpu.vector_load_idx %arg15[%add3A_100, %broadcast_in_dim3A_653] : memref<128x64xf32, #tpu.memory_space<vmem>>[vector<16xi32>, vector<16xi32>], vector<16xf32>,
        %mul3A_657 = arith.mulf %gather3A_654, %gather3A_655 : vector<16xf32>
        %add3A_658 = arith.addf %add3A_649, %mul3A_657 : vector<16xf32>
        %mul3A_659 = arith.mulf %gather3A_654, %gather3A_656 : vector<16xf32>
        %add3A_660 = arith.addf %add3A_651, %mul3A_659 : vector<16xf32>
        %broadcast_in_dim3A_661 = arith.constant 62 : i32
        %broadcast_in_dim3A_662 = vector.broadcast %broadcast_in_dim3A_661 : i32 to vector<16xi32>
        %gather3A_663 = tpu.vector_load_idx %arg13[%add3A_100, %broadcast_in_dim3A_662] : memref<128x64xf32, #tpu.memory_space<vmem>>[vector<16xi32>, vector<16xi32>], vector<16xf32>,
        %gather3A_664 = tpu.vector_load_idx %arg14[%add3A_100, %broadcast_in_dim3A_662] : memref<128x64xf32, #tpu.memory_space<vmem>>[vector<16xi32>, vector<16xi32>], vector<16xf32>,
        %gather3A_665 = tpu.vector_load_idx %arg15[%add3A_100, %broadcast_in_dim3A_662] : memref<128x64xf32, #tpu.memory_space<vmem>>[vector<16xi32>, vector<16xi32>], vector<16xf32>,
        %mul3A_666 = arith.mulf %gather3A_663, %gather3A_664 : vector<16xf32>
        %add3A_667 = arith.addf %add3A_658, %mul3A_666 : vector<16xf32>
        %mul3A_668 = arith.mulf %gather3A_663, %gather3A_665 : vector<16xf32>
        %add3A_669 = arith.addf %add3A_660, %mul3A_668 : vector<16xf32>
        %broadcast_in_dim3A_670 = arith.constant 63 : i32
        %broadcast_in_dim3A_671 = vector.broadcast %broadcast_in_dim3A_670 : i32 to vector<16xi32>
        %gather3A_672 = tpu.vector_load_idx %arg13[%add3A_100, %broadcast_in_dim3A_671] : memref<128x64xf32, #tpu.memory_space<vmem>>[vector<16xi32>, vector<16xi32>], vector<16xf32>,
        %gather3A_673 = tpu.vector_load_idx %arg14[%add3A_100, %broadcast_in_dim3A_671] : memref<128x64xf32, #tpu.memory_space<vmem>>[vector<16xi32>, vector<16xi32>], vector<16xf32>,
        %gather3A_674 = tpu.vector_load_idx %arg15[%add3A_100, %broadcast_in_dim3A_671] : memref<128x64xf32, #tpu.memory_space<vmem>>[vector<16xi32>, vector<16xi32>], vector<16xf32>,
        %mul3A_675 = arith.mulf %gather3A_672, %gather3A_673 : vector<16xf32>
        %add3A_676 = arith.addf %add3A_667, %mul3A_675 : vector<16xf32>
        %mul3A_677 = arith.mulf %gather3A_672, %gather3A_674 : vector<16xf32>
        %add3A_678 = arith.addf %add3A_669, %mul3A_677 : vector<16xf32>
        %mul3A_679 = arith.constant 128 : i32
        %mul3A_680 = arith.muli %mul3A_24, %mul3A_679 : i32
        %mul3A_681 = arith.constant 16 : i32
        %mul3A_682 = arith.muli %scan3A_96, %mul3A_681 : i32
        %add3A_683 = arith.addi %mul3A_680, %mul3A_682 : i32
        %swap3A = arith.index_cast %add3A_683 : i32 to index
        %swap3A_684 = tpu.vector_load %arg11[%swap3A] {strides = array<i32>} : memref<10240xf32, #tpu.memory_space<vmem>>, vector<16xf32>,
        tpu.vector_store %arg11[%swap3A], %add3A_676 {strides = array<i32>} : memref<10240xf32, #tpu.memory_space<vmem>>, vector<16xf32>,
        %swap3A_685 = arith.index_cast %add3A_683 : i32 to index
        %swap3A_686 = tpu.vector_load %arg12[%swap3A_685] {strides = array<i32>} : memref<10240xf32, #tpu.memory_space<vmem>>, vector<16xf32>,
        tpu.vector_store %arg12[%swap3A_685], %add3A_678 {strides = array<i32>} : memref<10240xf32, #tpu.memory_space<vmem>>, vector<16xf32>,
      }
      %scan3A_65 = arith.constant 8 : i32
      %add3A_66 = arith.constant 1 : i32
      %add3A_67 = arith.addi %scan3A_22, %add3A_66 : i32
      %lt3A = arith.constant 40 : i32
      %lt3A_68 = arith.cmpi slt, %add3A_67, %lt3A : i32
      %convert_element_type3A = arith.extui %lt3A_68 : i1 to i32
      %cond3A = arith.constant 0 : i32
      %cond3A_69 = arith.cmpi ne, %convert_element_type3A, %cond3A : i32
      scf.if %cond3A_69 {
        %add3A_96 = arith.constant 2 : i32
        %add3A_97 = arith.addi %mul3A_24, %add3A_96 : i32
        %mul3A_98 = arith.constant 128 : i32
        %mul3A_99 = arith.muli %add3A_97, %mul3A_98 : i32
        %mul3A_100 = arith.constant 128 : i32
        %mul3A_101 = arith.muli %add3A_97, %mul3A_100 : i32
        %dma_start3A_102 = tpu.memref_slice %arg9[%mul3A_99] : memref<10240xi32, #tpu.memory_space<vmem>> -> memref<128xi32, #tpu.memory_space<vmem>>
        %dma_start3A_103 = arith.constant 0 : i32
        %dma_start3A_104 = arith.constant 0 : i32
        %dma_start3A_105 = tpu.memref_slice %arg4[%dma_start3A_103, %dma_start3A_104] : memref<1000000x64xf32, #tpu.memory_space<hbm>> -> memref<1000000x64xf32, #tpu.memory_space<hbm>>
        tpu.enqueue_indirect_dma source(%dma_start3A_105 : memref<1000000x64xf32, #tpu.memory_space<hbm>>) target(%arg13 : memref<128x64xf32, #tpu.memory_space<vmem>>) offsets(%dma_start3A_102 : memref<128xi32, #tpu.memory_space<vmem>>) semaphore(%arg19 : memref<!tpu.dma_semaphore, #tpu.memory_space<semaphore_mem>>)
        %dma_start3A_106 = tpu.memref_slice %arg10[%mul3A_101] : memref<10240xi32, #tpu.memory_space<vmem>> -> memref<128xi32, #tpu.memory_space<vmem>>
        %dma_start3A_107 = arith.constant 0 : i32
        %dma_start3A_108 = arith.constant 0 : i32
        %dma_start3A_109 = tpu.memref_slice %arg5[%dma_start3A_107, %dma_start3A_108] : memref<100000x64xf32, #tpu.memory_space<hbm>> -> memref<100000x64xf32, #tpu.memory_space<hbm>>
        tpu.enqueue_indirect_dma source(%dma_start3A_109 : memref<100000x64xf32, #tpu.memory_space<hbm>>) target(%arg14 : memref<128x64xf32, #tpu.memory_space<vmem>>) offsets(%dma_start3A_106 : memref<128xi32, #tpu.memory_space<vmem>>) semaphore(%arg19 : memref<!tpu.dma_semaphore, #tpu.memory_space<semaphore_mem>>)
        %dma_start3A_110 = tpu.memref_slice %arg10[%mul3A_101] : memref<10240xi32, #tpu.memory_space<vmem>> -> memref<128xi32, #tpu.memory_space<vmem>>
        %dma_start3A_111 = arith.constant 0 : i32
        %dma_start3A_112 = arith.constant 0 : i32
        %dma_start3A_113 = tpu.memref_slice %arg6[%dma_start3A_111, %dma_start3A_112] : memref<100000x64xf32, #tpu.memory_space<hbm>> -> memref<100000x64xf32, #tpu.memory_space<hbm>>
        tpu.enqueue_indirect_dma source(%dma_start3A_113 : memref<100000x64xf32, #tpu.memory_space<hbm>>) target(%arg15 : memref<128x64xf32, #tpu.memory_space<vmem>>) offsets(%dma_start3A_110 : memref<128xi32, #tpu.memory_space<vmem>>) semaphore(%arg19 : memref<!tpu.dma_semaphore, #tpu.memory_space<semaphore_mem>>)
      } else {
      }
      %dma_wait3A_70 = arith.constant 0 : i32
      %dma_wait3A_71 = arith.constant 0 : i32
      %dma_wait3A_72 = tpu.memref_slice %arg4[%dma_wait3A_70, %dma_wait3A_71] : memref<1000000x64xf32, #tpu.memory_space<hbm>> -> memref<128x64xf32, #tpu.memory_space<hbm>>
      %dma_wait3A_73 = arith.constant 0 : i32
      %dma_wait3A_74 = arith.constant 0 : i32
      %dma_wait3A_75 = tpu.memref_slice %arg4[%dma_wait3A_73, %dma_wait3A_74] : memref<1000000x64xf32, #tpu.memory_space<hbm>> -> memref<128x64xf32, #tpu.memory_space<hbm>>
      tpu.wait_dma2 semaphore(%arg20 : memref<!tpu.dma_semaphore, #tpu.memory_space<semaphore_mem>>) src(%dma_wait3A_75 : memref<128x64xf32, #tpu.memory_space<hbm>>) dst(%arg16 : memref<128x64xf32, #tpu.memory_space<vmem>>)
      %dma_wait3A_76 = arith.constant 0 : i32
      %dma_wait3A_77 = arith.constant 0 : i32
      %dma_wait3A_78 = tpu.memref_slice %arg5[%dma_wait3A_76, %dma_wait3A_77] : memref<100000x64xf32, #tpu.memory_space<hbm>> -> memref<128x64xf32, #tpu.memory_space<hbm>>
      %dma_wait3A_79 = arith.constant 0 : i32
      %dma_wait3A_80 = arith.constant 0 : i32
      %dma_wait3A_81 = tpu.memref_slice %arg5[%dma_wait3A_79, %dma_wait3A_80] : memref<100000x64xf32, #tpu.memory_space<hbm>> -> memref<128x64xf32, #tpu.memory_space<hbm>>
      tpu.wait_dma2 semaphore(%arg20 : memref<!tpu.dma_semaphore, #tpu.memory_space<semaphore_mem>>) src(%dma_wait3A_81 : memref<128x64xf32, #tpu.memory_space<hbm>>) dst(%arg17 : memref<128x64xf32, #tpu.memory_space<vmem>>)
      %dma_wait3A_82 = arith.constant 0 : i32
      %dma_wait3A_83 = arith.constant 0 : i32
      %dma_wait3A_84 = tpu.memref_slice %arg6[%dma_wait3A_82, %dma_wait3A_83] : memref<100000x64xf32, #tpu.memory_space<hbm>> -> memref<128x64xf32, #tpu.memory_space<hbm>>
      %dma_wait3A_85 = arith.constant 0 : i32
      %dma_wait3A_86 = arith.constant 0 : i32
      %dma_wait3A_87 = tpu.memref_slice %arg6[%dma_wait3A_85, %dma_wait3A_86] : memref<100000x64xf32, #tpu.memory_space<hbm>> -> memref<128x64xf32, #tpu.memory_space<hbm>>
      tpu.wait_dma2 semaphore(%arg20 : memref<!tpu.dma_semaphore, #tpu.memory_space<semaphore_mem>>) src(%dma_wait3A_87 : memref<128x64xf32, #tpu.memory_space<hbm>>) dst(%arg18 : memref<128x64xf32, #tpu.memory_space<vmem>>)
      %add3A_88 = arith.constant 1 : i32
      %add3A_89 = arith.addi %mul3A_24, %add3A_88 : i32
      %scan3A_90 = arith.constant 0 : i32
      %scan3A_91 = arith.constant 0 : i32
      %scan3A_92 = arith.constant 8 : i32
      %scan3A_93 = arith.addi %scan3A_91, %scan3A_92 : i32
      %scan3A_94 = arith.constant 1 : i32
      scf.for %scan3A_96 = %scan3A_91 to %scan3A_93 step %scan3A_94  : i32 {
        %mul3A_97 = arith.constant 16 : i32
        %mul3A_98 = arith.muli %scan3A_96, %mul3A_97 : i32
        %add3A_99 = vector.broadcast %mul3A_98 : i32 to vector<16xi32>
        %add3A_100 = arith.addi %iota3A, %add3A_99 : vector<16xi32>
        %broadcast_in_dim3A = arith.constant 0.000000e+00 : f32
        %broadcast_in_dim3A_101 = vector.broadcast %broadcast_in_dim3A : f32 to vector<16xf32>
        %broadcast_in_dim3A_102 = arith.constant 0.000000e+00 : f32
        %broadcast_in_dim3A_103 = vector.broadcast %broadcast_in_dim3A_102 : f32 to vector<16xf32>
        %broadcast_in_dim3A_104 = arith.constant 0 : i32
        %broadcast_in_dim3A_105 = vector.broadcast %broadcast_in_dim3A_104 : i32 to vector<16xi32>
        %gather3A = tpu.vector_load_idx %arg16[%add3A_100, %broadcast_in_dim3A_105] : memref<128x64xf32, #tpu.memory_space<vmem>>[vector<16xi32>, vector<16xi32>], vector<16xf32>,
        %gather3A_106 = tpu.vector_load_idx %arg17[%add3A_100, %broadcast_in_dim3A_105] : memref<128x64xf32, #tpu.memory_space<vmem>>[vector<16xi32>, vector<16xi32>], vector<16xf32>,
        %gather3A_107 = tpu.vector_load_idx %arg18[%add3A_100, %broadcast_in_dim3A_105] : memref<128x64xf32, #tpu.memory_space<vmem>>[vector<16xi32>, vector<16xi32>], vector<16xf32>,
        %mul3A_108 = arith.mulf %gather3A, %gather3A_106 : vector<16xf32>
        %add3A_109 = arith.addf %broadcast_in_dim3A_101, %mul3A_108 : vector<16xf32>
        %mul3A_110 = arith.mulf %gather3A, %gather3A_107 : vector<16xf32>
        %add3A_111 = arith.addf %broadcast_in_dim3A_103, %mul3A_110 : vector<16xf32>
        %broadcast_in_dim3A_112 = arith.constant 1 : i32
        %broadcast_in_dim3A_113 = vector.broadcast %broadcast_in_dim3A_112 : i32 to vector<16xi32>
        %gather3A_114 = tpu.vector_load_idx %arg16[%add3A_100, %broadcast_in_dim3A_113] : memref<128x64xf32, #tpu.memory_space<vmem>>[vector<16xi32>, vector<16xi32>], vector<16xf32>,
        %gather3A_115 = tpu.vector_load_idx %arg17[%add3A_100, %broadcast_in_dim3A_113] : memref<128x64xf32, #tpu.memory_space<vmem>>[vector<16xi32>, vector<16xi32>], vector<16xf32>,
        %gather3A_116 = tpu.vector_load_idx %arg18[%add3A_100, %broadcast_in_dim3A_113] : memref<128x64xf32, #tpu.memory_space<vmem>>[vector<16xi32>, vector<16xi32>], vector<16xf32>,
        %mul3A_117 = arith.mulf %gather3A_114, %gather3A_115 : vector<16xf32>
        %add3A_118 = arith.addf %add3A_109, %mul3A_117 : vector<16xf32>
        %mul3A_119 = arith.mulf %gather3A_114, %gather3A_116 : vector<16xf32>
        %add3A_120 = arith.addf %add3A_111, %mul3A_119 : vector<16xf32>
        %broadcast_in_dim3A_121 = arith.constant 2 : i32
        %broadcast_in_dim3A_122 = vector.broadcast %broadcast_in_dim3A_121 : i32 to vector<16xi32>
        %gather3A_123 = tpu.vector_load_idx %arg16[%add3A_100, %broadcast_in_dim3A_122] : memref<128x64xf32, #tpu.memory_space<vmem>>[vector<16xi32>, vector<16xi32>], vector<16xf32>,
        %gather3A_124 = tpu.vector_load_idx %arg17[%add3A_100, %broadcast_in_dim3A_122] : memref<128x64xf32, #tpu.memory_space<vmem>>[vector<16xi32>, vector<16xi32>], vector<16xf32>,
        %gather3A_125 = tpu.vector_load_idx %arg18[%add3A_100, %broadcast_in_dim3A_122] : memref<128x64xf32, #tpu.memory_space<vmem>>[vector<16xi32>, vector<16xi32>], vector<16xf32>,
        %mul3A_126 = arith.mulf %gather3A_123, %gather3A_124 : vector<16xf32>
        %add3A_127 = arith.addf %add3A_118, %mul3A_126 : vector<16xf32>
        %mul3A_128 = arith.mulf %gather3A_123, %gather3A_125 : vector<16xf32>
        %add3A_129 = arith.addf %add3A_120, %mul3A_128 : vector<16xf32>
        %broadcast_in_dim3A_130 = arith.constant 3 : i32
        %broadcast_in_dim3A_131 = vector.broadcast %broadcast_in_dim3A_130 : i32 to vector<16xi32>
        %gather3A_132 = tpu.vector_load_idx %arg16[%add3A_100, %broadcast_in_dim3A_131] : memref<128x64xf32, #tpu.memory_space<vmem>>[vector<16xi32>, vector<16xi32>], vector<16xf32>,
        %gather3A_133 = tpu.vector_load_idx %arg17[%add3A_100, %broadcast_in_dim3A_131] : memref<128x64xf32, #tpu.memory_space<vmem>>[vector<16xi32>, vector<16xi32>], vector<16xf32>,
        %gather3A_134 = tpu.vector_load_idx %arg18[%add3A_100, %broadcast_in_dim3A_131] : memref<128x64xf32, #tpu.memory_space<vmem>>[vector<16xi32>, vector<16xi32>], vector<16xf32>,
        %mul3A_135 = arith.mulf %gather3A_132, %gather3A_133 : vector<16xf32>
        %add3A_136 = arith.addf %add3A_127, %mul3A_135 : vector<16xf32>
        %mul3A_137 = arith.mulf %gather3A_132, %gather3A_134 : vector<16xf32>
        %add3A_138 = arith.addf %add3A_129, %mul3A_137 : vector<16xf32>
        %broadcast_in_dim3A_139 = arith.constant 4 : i32
        %broadcast_in_dim3A_140 = vector.broadcast %broadcast_in_dim3A_139 : i32 to vector<16xi32>
        %gather3A_141 = tpu.vector_load_idx %arg16[%add3A_100, %broadcast_in_dim3A_140] : memref<128x64xf32, #tpu.memory_space<vmem>>[vector<16xi32>, vector<16xi32>], vector<16xf32>,
        %gather3A_142 = tpu.vector_load_idx %arg17[%add3A_100, %broadcast_in_dim3A_140] : memref<128x64xf32, #tpu.memory_space<vmem>>[vector<16xi32>, vector<16xi32>], vector<16xf32>,
        %gather3A_143 = tpu.vector_load_idx %arg18[%add3A_100, %broadcast_in_dim3A_140] : memref<128x64xf32, #tpu.memory_space<vmem>>[vector<16xi32>, vector<16xi32>], vector<16xf32>,
        %mul3A_144 = arith.mulf %gather3A_141, %gather3A_142 : vector<16xf32>
        %add3A_145 = arith.addf %add3A_136, %mul3A_144 : vector<16xf32>
        %mul3A_146 = arith.mulf %gather3A_141, %gather3A_143 : vector<16xf32>
        %add3A_147 = arith.addf %add3A_138, %mul3A_146 : vector<16xf32>
        %broadcast_in_dim3A_148 = arith.constant 5 : i32
        %broadcast_in_dim3A_149 = vector.broadcast %broadcast_in_dim3A_148 : i32 to vector<16xi32>
        %gather3A_150 = tpu.vector_load_idx %arg16[%add3A_100, %broadcast_in_dim3A_149] : memref<128x64xf32, #tpu.memory_space<vmem>>[vector<16xi32>, vector<16xi32>], vector<16xf32>,
        %gather3A_151 = tpu.vector_load_idx %arg17[%add3A_100, %broadcast_in_dim3A_149] : memref<128x64xf32, #tpu.memory_space<vmem>>[vector<16xi32>, vector<16xi32>], vector<16xf32>,
        %gather3A_152 = tpu.vector_load_idx %arg18[%add3A_100, %broadcast_in_dim3A_149] : memref<128x64xf32, #tpu.memory_space<vmem>>[vector<16xi32>, vector<16xi32>], vector<16xf32>,
        %mul3A_153 = arith.mulf %gather3A_150, %gather3A_151 : vector<16xf32>
        %add3A_154 = arith.addf %add3A_145, %mul3A_153 : vector<16xf32>
        %mul3A_155 = arith.mulf %gather3A_150, %gather3A_152 : vector<16xf32>
        %add3A_156 = arith.addf %add3A_147, %mul3A_155 : vector<16xf32>
        %broadcast_in_dim3A_157 = arith.constant 6 : i32
        %broadcast_in_dim3A_158 = vector.broadcast %broadcast_in_dim3A_157 : i32 to vector<16xi32>
        %gather3A_159 = tpu.vector_load_idx %arg16[%add3A_100, %broadcast_in_dim3A_158] : memref<128x64xf32, #tpu.memory_space<vmem>>[vector<16xi32>, vector<16xi32>], vector<16xf32>,
        %gather3A_160 = tpu.vector_load_idx %arg17[%add3A_100, %broadcast_in_dim3A_158] : memref<128x64xf32, #tpu.memory_space<vmem>>[vector<16xi32>, vector<16xi32>], vector<16xf32>,
        %gather3A_161 = tpu.vector_load_idx %arg18[%add3A_100, %broadcast_in_dim3A_158] : memref<128x64xf32, #tpu.memory_space<vmem>>[vector<16xi32>, vector<16xi32>], vector<16xf32>,
        %mul3A_162 = arith.mulf %gather3A_159, %gather3A_160 : vector<16xf32>
        %add3A_163 = arith.addf %add3A_154, %mul3A_162 : vector<16xf32>
        %mul3A_164 = arith.mulf %gather3A_159, %gather3A_161 : vector<16xf32>
        %add3A_165 = arith.addf %add3A_156, %mul3A_164 : vector<16xf32>
        %broadcast_in_dim3A_166 = arith.constant 7 : i32
        %broadcast_in_dim3A_167 = vector.broadcast %broadcast_in_dim3A_166 : i32 to vector<16xi32>
        %gather3A_168 = tpu.vector_load_idx %arg16[%add3A_100, %broadcast_in_dim3A_167] : memref<128x64xf32, #tpu.memory_space<vmem>>[vector<16xi32>, vector<16xi32>], vector<16xf32>,
        %gather3A_169 = tpu.vector_load_idx %arg17[%add3A_100, %broadcast_in_dim3A_167] : memref<128x64xf32, #tpu.memory_space<vmem>>[vector<16xi32>, vector<16xi32>], vector<16xf32>,
        %gather3A_170 = tpu.vector_load_idx %arg18[%add3A_100, %broadcast_in_dim3A_167] : memref<128x64xf32, #tpu.memory_space<vmem>>[vector<16xi32>, vector<16xi32>], vector<16xf32>,
        %mul3A_171 = arith.mulf %gather3A_168, %gather3A_169 : vector<16xf32>
        %add3A_172 = arith.addf %add3A_163, %mul3A_171 : vector<16xf32>
        %mul3A_173 = arith.mulf %gather3A_168, %gather3A_170 : vector<16xf32>
        %add3A_174 = arith.addf %add3A_165, %mul3A_173 : vector<16xf32>
        %broadcast_in_dim3A_175 = arith.constant 8 : i32
        %broadcast_in_dim3A_176 = vector.broadcast %broadcast_in_dim3A_175 : i32 to vector<16xi32>
        %gather3A_177 = tpu.vector_load_idx %arg16[%add3A_100, %broadcast_in_dim3A_176] : memref<128x64xf32, #tpu.memory_space<vmem>>[vector<16xi32>, vector<16xi32>], vector<16xf32>,
        %gather3A_178 = tpu.vector_load_idx %arg17[%add3A_100, %broadcast_in_dim3A_176] : memref<128x64xf32, #tpu.memory_space<vmem>>[vector<16xi32>, vector<16xi32>], vector<16xf32>,
        %gather3A_179 = tpu.vector_load_idx %arg18[%add3A_100, %broadcast_in_dim3A_176] : memref<128x64xf32, #tpu.memory_space<vmem>>[vector<16xi32>, vector<16xi32>], vector<16xf32>,
        %mul3A_180 = arith.mulf %gather3A_177, %gather3A_178 : vector<16xf32>
        %add3A_181 = arith.addf %add3A_172, %mul3A_180 : vector<16xf32>
        %mul3A_182 = arith.mulf %gather3A_177, %gather3A_179 : vector<16xf32>
        %add3A_183 = arith.addf %add3A_174, %mul3A_182 : vector<16xf32>
        %broadcast_in_dim3A_184 = arith.constant 9 : i32
        %broadcast_in_dim3A_185 = vector.broadcast %broadcast_in_dim3A_184 : i32 to vector<16xi32>
        %gather3A_186 = tpu.vector_load_idx %arg16[%add3A_100, %broadcast_in_dim3A_185] : memref<128x64xf32, #tpu.memory_space<vmem>>[vector<16xi32>, vector<16xi32>], vector<16xf32>,
        %gather3A_187 = tpu.vector_load_idx %arg17[%add3A_100, %broadcast_in_dim3A_185] : memref<128x64xf32, #tpu.memory_space<vmem>>[vector<16xi32>, vector<16xi32>], vector<16xf32>,
        %gather3A_188 = tpu.vector_load_idx %arg18[%add3A_100, %broadcast_in_dim3A_185] : memref<128x64xf32, #tpu.memory_space<vmem>>[vector<16xi32>, vector<16xi32>], vector<16xf32>,
        %mul3A_189 = arith.mulf %gather3A_186, %gather3A_187 : vector<16xf32>
        %add3A_190 = arith.addf %add3A_181, %mul3A_189 : vector<16xf32>
        %mul3A_191 = arith.mulf %gather3A_186, %gather3A_188 : vector<16xf32>
        %add3A_192 = arith.addf %add3A_183, %mul3A_191 : vector<16xf32>
        %broadcast_in_dim3A_193 = arith.constant 10 : i32
        %broadcast_in_dim3A_194 = vector.broadcast %broadcast_in_dim3A_193 : i32 to vector<16xi32>
        %gather3A_195 = tpu.vector_load_idx %arg16[%add3A_100, %broadcast_in_dim3A_194] : memref<128x64xf32, #tpu.memory_space<vmem>>[vector<16xi32>, vector<16xi32>], vector<16xf32>,
        %gather3A_196 = tpu.vector_load_idx %arg17[%add3A_100, %broadcast_in_dim3A_194] : memref<128x64xf32, #tpu.memory_space<vmem>>[vector<16xi32>, vector<16xi32>], vector<16xf32>,
        %gather3A_197 = tpu.vector_load_idx %arg18[%add3A_100, %broadcast_in_dim3A_194] : memref<128x64xf32, #tpu.memory_space<vmem>>[vector<16xi32>, vector<16xi32>], vector<16xf32>,
        %mul3A_198 = arith.mulf %gather3A_195, %gather3A_196 : vector<16xf32>
        %add3A_199 = arith.addf %add3A_190, %mul3A_198 : vector<16xf32>
        %mul3A_200 = arith.mulf %gather3A_195, %gather3A_197 : vector<16xf32>
        %add3A_201 = arith.addf %add3A_192, %mul3A_200 : vector<16xf32>
        %broadcast_in_dim3A_202 = arith.constant 11 : i32
        %broadcast_in_dim3A_203 = vector.broadcast %broadcast_in_dim3A_202 : i32 to vector<16xi32>
        %gather3A_204 = tpu.vector_load_idx %arg16[%add3A_100, %broadcast_in_dim3A_203] : memref<128x64xf32, #tpu.memory_space<vmem>>[vector<16xi32>, vector<16xi32>], vector<16xf32>,
        %gather3A_205 = tpu.vector_load_idx %arg17[%add3A_100, %broadcast_in_dim3A_203] : memref<128x64xf32, #tpu.memory_space<vmem>>[vector<16xi32>, vector<16xi32>], vector<16xf32>,
        %gather3A_206 = tpu.vector_load_idx %arg18[%add3A_100, %broadcast_in_dim3A_203] : memref<128x64xf32, #tpu.memory_space<vmem>>[vector<16xi32>, vector<16xi32>], vector<16xf32>,
        %mul3A_207 = arith.mulf %gather3A_204, %gather3A_205 : vector<16xf32>
        %add3A_208 = arith.addf %add3A_199, %mul3A_207 : vector<16xf32>
        %mul3A_209 = arith.mulf %gather3A_204, %gather3A_206 : vector<16xf32>
        %add3A_210 = arith.addf %add3A_201, %mul3A_209 : vector<16xf32>
        %broadcast_in_dim3A_211 = arith.constant 12 : i32
        %broadcast_in_dim3A_212 = vector.broadcast %broadcast_in_dim3A_211 : i32 to vector<16xi32>
        %gather3A_213 = tpu.vector_load_idx %arg16[%add3A_100, %broadcast_in_dim3A_212] : memref<128x64xf32, #tpu.memory_space<vmem>>[vector<16xi32>, vector<16xi32>], vector<16xf32>,
        %gather3A_214 = tpu.vector_load_idx %arg17[%add3A_100, %broadcast_in_dim3A_212] : memref<128x64xf32, #tpu.memory_space<vmem>>[vector<16xi32>, vector<16xi32>], vector<16xf32>,
        %gather3A_215 = tpu.vector_load_idx %arg18[%add3A_100, %broadcast_in_dim3A_212] : memref<128x64xf32, #tpu.memory_space<vmem>>[vector<16xi32>, vector<16xi32>], vector<16xf32>,
        %mul3A_216 = arith.mulf %gather3A_213, %gather3A_214 : vector<16xf32>
        %add3A_217 = arith.addf %add3A_208, %mul3A_216 : vector<16xf32>
        %mul3A_218 = arith.mulf %gather3A_213, %gather3A_215 : vector<16xf32>
        %add3A_219 = arith.addf %add3A_210, %mul3A_218 : vector<16xf32>
        %broadcast_in_dim3A_220 = arith.constant 13 : i32
        %broadcast_in_dim3A_221 = vector.broadcast %broadcast_in_dim3A_220 : i32 to vector<16xi32>
        %gather3A_222 = tpu.vector_load_idx %arg16[%add3A_100, %broadcast_in_dim3A_221] : memref<128x64xf32, #tpu.memory_space<vmem>>[vector<16xi32>, vector<16xi32>], vector<16xf32>,
        %gather3A_223 = tpu.vector_load_idx %arg17[%add3A_100, %broadcast_in_dim3A_221] : memref<128x64xf32, #tpu.memory_space<vmem>>[vector<16xi32>, vector<16xi32>], vector<16xf32>,
        %gather3A_224 = tpu.vector_load_idx %arg18[%add3A_100, %broadcast_in_dim3A_221] : memref<128x64xf32, #tpu.memory_space<vmem>>[vector<16xi32>, vector<16xi32>], vector<16xf32>,
        %mul3A_225 = arith.mulf %gather3A_222, %gather3A_223 : vector<16xf32>
        %add3A_226 = arith.addf %add3A_217, %mul3A_225 : vector<16xf32>
        %mul3A_227 = arith.mulf %gather3A_222, %gather3A_224 : vector<16xf32>
        %add3A_228 = arith.addf %add3A_219, %mul3A_227 : vector<16xf32>
        %broadcast_in_dim3A_229 = arith.constant 14 : i32
        %broadcast_in_dim3A_230 = vector.broadcast %broadcast_in_dim3A_229 : i32 to vector<16xi32>
        %gather3A_231 = tpu.vector_load_idx %arg16[%add3A_100, %broadcast_in_dim3A_230] : memref<128x64xf32, #tpu.memory_space<vmem>>[vector<16xi32>, vector<16xi32>], vector<16xf32>,
        %gather3A_232 = tpu.vector_load_idx %arg17[%add3A_100, %broadcast_in_dim3A_230] : memref<128x64xf32, #tpu.memory_space<vmem>>[vector<16xi32>, vector<16xi32>], vector<16xf32>,
        %gather3A_233 = tpu.vector_load_idx %arg18[%add3A_100, %broadcast_in_dim3A_230] : memref<128x64xf32, #tpu.memory_space<vmem>>[vector<16xi32>, vector<16xi32>], vector<16xf32>,
        %mul3A_234 = arith.mulf %gather3A_231, %gather3A_232 : vector<16xf32>
        %add3A_235 = arith.addf %add3A_226, %mul3A_234 : vector<16xf32>
        %mul3A_236 = arith.mulf %gather3A_231, %gather3A_233 : vector<16xf32>
        %add3A_237 = arith.addf %add3A_228, %mul3A_236 : vector<16xf32>
        %broadcast_in_dim3A_238 = arith.constant 15 : i32
        %broadcast_in_dim3A_239 = vector.broadcast %broadcast_in_dim3A_238 : i32 to vector<16xi32>
        %gather3A_240 = tpu.vector_load_idx %arg16[%add3A_100, %broadcast_in_dim3A_239] : memref<128x64xf32, #tpu.memory_space<vmem>>[vector<16xi32>, vector<16xi32>], vector<16xf32>,
        %gather3A_241 = tpu.vector_load_idx %arg17[%add3A_100, %broadcast_in_dim3A_239] : memref<128x64xf32, #tpu.memory_space<vmem>>[vector<16xi32>, vector<16xi32>], vector<16xf32>,
        %gather3A_242 = tpu.vector_load_idx %arg18[%add3A_100, %broadcast_in_dim3A_239] : memref<128x64xf32, #tpu.memory_space<vmem>>[vector<16xi32>, vector<16xi32>], vector<16xf32>,
        %mul3A_243 = arith.mulf %gather3A_240, %gather3A_241 : vector<16xf32>
        %add3A_244 = arith.addf %add3A_235, %mul3A_243 : vector<16xf32>
        %mul3A_245 = arith.mulf %gather3A_240, %gather3A_242 : vector<16xf32>
        %add3A_246 = arith.addf %add3A_237, %mul3A_245 : vector<16xf32>
        %broadcast_in_dim3A_247 = arith.constant 16 : i32
        %broadcast_in_dim3A_248 = vector.broadcast %broadcast_in_dim3A_247 : i32 to vector<16xi32>
        %gather3A_249 = tpu.vector_load_idx %arg16[%add3A_100, %broadcast_in_dim3A_248] : memref<128x64xf32, #tpu.memory_space<vmem>>[vector<16xi32>, vector<16xi32>], vector<16xf32>,
        %gather3A_250 = tpu.vector_load_idx %arg17[%add3A_100, %broadcast_in_dim3A_248] : memref<128x64xf32, #tpu.memory_space<vmem>>[vector<16xi32>, vector<16xi32>], vector<16xf32>,
        %gather3A_251 = tpu.vector_load_idx %arg18[%add3A_100, %broadcast_in_dim3A_248] : memref<128x64xf32, #tpu.memory_space<vmem>>[vector<16xi32>, vector<16xi32>], vector<16xf32>,
        %mul3A_252 = arith.mulf %gather3A_249, %gather3A_250 : vector<16xf32>
        %add3A_253 = arith.addf %add3A_244, %mul3A_252 : vector<16xf32>
        %mul3A_254 = arith.mulf %gather3A_249, %gather3A_251 : vector<16xf32>
        %add3A_255 = arith.addf %add3A_246, %mul3A_254 : vector<16xf32>
        %broadcast_in_dim3A_256 = arith.constant 17 : i32
        %broadcast_in_dim3A_257 = vector.broadcast %broadcast_in_dim3A_256 : i32 to vector<16xi32>
        %gather3A_258 = tpu.vector_load_idx %arg16[%add3A_100, %broadcast_in_dim3A_257] : memref<128x64xf32, #tpu.memory_space<vmem>>[vector<16xi32>, vector<16xi32>], vector<16xf32>,
        %gather3A_259 = tpu.vector_load_idx %arg17[%add3A_100, %broadcast_in_dim3A_257] : memref<128x64xf32, #tpu.memory_space<vmem>>[vector<16xi32>, vector<16xi32>], vector<16xf32>,
        %gather3A_260 = tpu.vector_load_idx %arg18[%add3A_100, %broadcast_in_dim3A_257] : memref<128x64xf32, #tpu.memory_space<vmem>>[vector<16xi32>, vector<16xi32>], vector<16xf32>,
        %mul3A_261 = arith.mulf %gather3A_258, %gather3A_259 : vector<16xf32>
        %add3A_262 = arith.addf %add3A_253, %mul3A_261 : vector<16xf32>
        %mul3A_263 = arith.mulf %gather3A_258, %gather3A_260 : vector<16xf32>
        %add3A_264 = arith.addf %add3A_255, %mul3A_263 : vector<16xf32>
        %broadcast_in_dim3A_265 = arith.constant 18 : i32
        %broadcast_in_dim3A_266 = vector.broadcast %broadcast_in_dim3A_265 : i32 to vector<16xi32>
        %gather3A_267 = tpu.vector_load_idx %arg16[%add3A_100, %broadcast_in_dim3A_266] : memref<128x64xf32, #tpu.memory_space<vmem>>[vector<16xi32>, vector<16xi32>], vector<16xf32>,
        %gather3A_268 = tpu.vector_load_idx %arg17[%add3A_100, %broadcast_in_dim3A_266] : memref<128x64xf32, #tpu.memory_space<vmem>>[vector<16xi32>, vector<16xi32>], vector<16xf32>,
        %gather3A_269 = tpu.vector_load_idx %arg18[%add3A_100, %broadcast_in_dim3A_266] : memref<128x64xf32, #tpu.memory_space<vmem>>[vector<16xi32>, vector<16xi32>], vector<16xf32>,
        %mul3A_270 = arith.mulf %gather3A_267, %gather3A_268 : vector<16xf32>
        %add3A_271 = arith.addf %add3A_262, %mul3A_270 : vector<16xf32>
        %mul3A_272 = arith.mulf %gather3A_267, %gather3A_269 : vector<16xf32>
        %add3A_273 = arith.addf %add3A_264, %mul3A_272 : vector<16xf32>
        %broadcast_in_dim3A_274 = arith.constant 19 : i32
        %broadcast_in_dim3A_275 = vector.broadcast %broadcast_in_dim3A_274 : i32 to vector<16xi32>
        %gather3A_276 = tpu.vector_load_idx %arg16[%add3A_100, %broadcast_in_dim3A_275] : memref<128x64xf32, #tpu.memory_space<vmem>>[vector<16xi32>, vector<16xi32>], vector<16xf32>,
        %gather3A_277 = tpu.vector_load_idx %arg17[%add3A_100, %broadcast_in_dim3A_275] : memref<128x64xf32, #tpu.memory_space<vmem>>[vector<16xi32>, vector<16xi32>], vector<16xf32>,
        %gather3A_278 = tpu.vector_load_idx %arg18[%add3A_100, %broadcast_in_dim3A_275] : memref<128x64xf32, #tpu.memory_space<vmem>>[vector<16xi32>, vector<16xi32>], vector<16xf32>,
        %mul3A_279 = arith.mulf %gather3A_276, %gather3A_277 : vector<16xf32>
        %add3A_280 = arith.addf %add3A_271, %mul3A_279 : vector<16xf32>
        %mul3A_281 = arith.mulf %gather3A_276, %gather3A_278 : vector<16xf32>
        %add3A_282 = arith.addf %add3A_273, %mul3A_281 : vector<16xf32>
        %broadcast_in_dim3A_283 = arith.constant 20 : i32
        %broadcast_in_dim3A_284 = vector.broadcast %broadcast_in_dim3A_283 : i32 to vector<16xi32>
        %gather3A_285 = tpu.vector_load_idx %arg16[%add3A_100, %broadcast_in_dim3A_284] : memref<128x64xf32, #tpu.memory_space<vmem>>[vector<16xi32>, vector<16xi32>], vector<16xf32>,
        %gather3A_286 = tpu.vector_load_idx %arg17[%add3A_100, %broadcast_in_dim3A_284] : memref<128x64xf32, #tpu.memory_space<vmem>>[vector<16xi32>, vector<16xi32>], vector<16xf32>,
        %gather3A_287 = tpu.vector_load_idx %arg18[%add3A_100, %broadcast_in_dim3A_284] : memref<128x64xf32, #tpu.memory_space<vmem>>[vector<16xi32>, vector<16xi32>], vector<16xf32>,
        %mul3A_288 = arith.mulf %gather3A_285, %gather3A_286 : vector<16xf32>
        %add3A_289 = arith.addf %add3A_280, %mul3A_288 : vector<16xf32>
        %mul3A_290 = arith.mulf %gather3A_285, %gather3A_287 : vector<16xf32>
        %add3A_291 = arith.addf %add3A_282, %mul3A_290 : vector<16xf32>
        %broadcast_in_dim3A_292 = arith.constant 21 : i32
        %broadcast_in_dim3A_293 = vector.broadcast %broadcast_in_dim3A_292 : i32 to vector<16xi32>
        %gather3A_294 = tpu.vector_load_idx %arg16[%add3A_100, %broadcast_in_dim3A_293] : memref<128x64xf32, #tpu.memory_space<vmem>>[vector<16xi32>, vector<16xi32>], vector<16xf32>,
        %gather3A_295 = tpu.vector_load_idx %arg17[%add3A_100, %broadcast_in_dim3A_293] : memref<128x64xf32, #tpu.memory_space<vmem>>[vector<16xi32>, vector<16xi32>], vector<16xf32>,
        %gather3A_296 = tpu.vector_load_idx %arg18[%add3A_100, %broadcast_in_dim3A_293] : memref<128x64xf32, #tpu.memory_space<vmem>>[vector<16xi32>, vector<16xi32>], vector<16xf32>,
        %mul3A_297 = arith.mulf %gather3A_294, %gather3A_295 : vector<16xf32>
        %add3A_298 = arith.addf %add3A_289, %mul3A_297 : vector<16xf32>
        %mul3A_299 = arith.mulf %gather3A_294, %gather3A_296 : vector<16xf32>
        %add3A_300 = arith.addf %add3A_291, %mul3A_299 : vector<16xf32>
        %broadcast_in_dim3A_301 = arith.constant 22 : i32
        %broadcast_in_dim3A_302 = vector.broadcast %broadcast_in_dim3A_301 : i32 to vector<16xi32>
        %gather3A_303 = tpu.vector_load_idx %arg16[%add3A_100, %broadcast_in_dim3A_302] : memref<128x64xf32, #tpu.memory_space<vmem>>[vector<16xi32>, vector<16xi32>], vector<16xf32>,
        %gather3A_304 = tpu.vector_load_idx %arg17[%add3A_100, %broadcast_in_dim3A_302] : memref<128x64xf32, #tpu.memory_space<vmem>>[vector<16xi32>, vector<16xi32>], vector<16xf32>,
        %gather3A_305 = tpu.vector_load_idx %arg18[%add3A_100, %broadcast_in_dim3A_302] : memref<128x64xf32, #tpu.memory_space<vmem>>[vector<16xi32>, vector<16xi32>], vector<16xf32>,
        %mul3A_306 = arith.mulf %gather3A_303, %gather3A_304 : vector<16xf32>
        %add3A_307 = arith.addf %add3A_298, %mul3A_306 : vector<16xf32>
        %mul3A_308 = arith.mulf %gather3A_303, %gather3A_305 : vector<16xf32>
        %add3A_309 = arith.addf %add3A_300, %mul3A_308 : vector<16xf32>
        %broadcast_in_dim3A_310 = arith.constant 23 : i32
        %broadcast_in_dim3A_311 = vector.broadcast %broadcast_in_dim3A_310 : i32 to vector<16xi32>
        %gather3A_312 = tpu.vector_load_idx %arg16[%add3A_100, %broadcast_in_dim3A_311] : memref<128x64xf32, #tpu.memory_space<vmem>>[vector<16xi32>, vector<16xi32>], vector<16xf32>,
        %gather3A_313 = tpu.vector_load_idx %arg17[%add3A_100, %broadcast_in_dim3A_311] : memref<128x64xf32, #tpu.memory_space<vmem>>[vector<16xi32>, vector<16xi32>], vector<16xf32>,
        %gather3A_314 = tpu.vector_load_idx %arg18[%add3A_100, %broadcast_in_dim3A_311] : memref<128x64xf32, #tpu.memory_space<vmem>>[vector<16xi32>, vector<16xi32>], vector<16xf32>,
        %mul3A_315 = arith.mulf %gather3A_312, %gather3A_313 : vector<16xf32>
        %add3A_316 = arith.addf %add3A_307, %mul3A_315 : vector<16xf32>
        %mul3A_317 = arith.mulf %gather3A_312, %gather3A_314 : vector<16xf32>
        %add3A_318 = arith.addf %add3A_309, %mul3A_317 : vector<16xf32>
        %broadcast_in_dim3A_319 = arith.constant 24 : i32
        %broadcast_in_dim3A_320 = vector.broadcast %broadcast_in_dim3A_319 : i32 to vector<16xi32>
        %gather3A_321 = tpu.vector_load_idx %arg16[%add3A_100, %broadcast_in_dim3A_320] : memref<128x64xf32, #tpu.memory_space<vmem>>[vector<16xi32>, vector<16xi32>], vector<16xf32>,
        %gather3A_322 = tpu.vector_load_idx %arg17[%add3A_100, %broadcast_in_dim3A_320] : memref<128x64xf32, #tpu.memory_space<vmem>>[vector<16xi32>, vector<16xi32>], vector<16xf32>,
        %gather3A_323 = tpu.vector_load_idx %arg18[%add3A_100, %broadcast_in_dim3A_320] : memref<128x64xf32, #tpu.memory_space<vmem>>[vector<16xi32>, vector<16xi32>], vector<16xf32>,
        %mul3A_324 = arith.mulf %gather3A_321, %gather3A_322 : vector<16xf32>
        %add3A_325 = arith.addf %add3A_316, %mul3A_324 : vector<16xf32>
        %mul3A_326 = arith.mulf %gather3A_321, %gather3A_323 : vector<16xf32>
        %add3A_327 = arith.addf %add3A_318, %mul3A_326 : vector<16xf32>
        %broadcast_in_dim3A_328 = arith.constant 25 : i32
        %broadcast_in_dim3A_329 = vector.broadcast %broadcast_in_dim3A_328 : i32 to vector<16xi32>
        %gather3A_330 = tpu.vector_load_idx %arg16[%add3A_100, %broadcast_in_dim3A_329] : memref<128x64xf32, #tpu.memory_space<vmem>>[vector<16xi32>, vector<16xi32>], vector<16xf32>,
        %gather3A_331 = tpu.vector_load_idx %arg17[%add3A_100, %broadcast_in_dim3A_329] : memref<128x64xf32, #tpu.memory_space<vmem>>[vector<16xi32>, vector<16xi32>], vector<16xf32>,
        %gather3A_332 = tpu.vector_load_idx %arg18[%add3A_100, %broadcast_in_dim3A_329] : memref<128x64xf32, #tpu.memory_space<vmem>>[vector<16xi32>, vector<16xi32>], vector<16xf32>,
        %mul3A_333 = arith.mulf %gather3A_330, %gather3A_331 : vector<16xf32>
        %add3A_334 = arith.addf %add3A_325, %mul3A_333 : vector<16xf32>
        %mul3A_335 = arith.mulf %gather3A_330, %gather3A_332 : vector<16xf32>
        %add3A_336 = arith.addf %add3A_327, %mul3A_335 : vector<16xf32>
        %broadcast_in_dim3A_337 = arith.constant 26 : i32
        %broadcast_in_dim3A_338 = vector.broadcast %broadcast_in_dim3A_337 : i32 to vector<16xi32>
        %gather3A_339 = tpu.vector_load_idx %arg16[%add3A_100, %broadcast_in_dim3A_338] : memref<128x64xf32, #tpu.memory_space<vmem>>[vector<16xi32>, vector<16xi32>], vector<16xf32>,
        %gather3A_340 = tpu.vector_load_idx %arg17[%add3A_100, %broadcast_in_dim3A_338] : memref<128x64xf32, #tpu.memory_space<vmem>>[vector<16xi32>, vector<16xi32>], vector<16xf32>,
        %gather3A_341 = tpu.vector_load_idx %arg18[%add3A_100, %broadcast_in_dim3A_338] : memref<128x64xf32, #tpu.memory_space<vmem>>[vector<16xi32>, vector<16xi32>], vector<16xf32>,
        %mul3A_342 = arith.mulf %gather3A_339, %gather3A_340 : vector<16xf32>
        %add3A_343 = arith.addf %add3A_334, %mul3A_342 : vector<16xf32>
        %mul3A_344 = arith.mulf %gather3A_339, %gather3A_341 : vector<16xf32>
        %add3A_345 = arith.addf %add3A_336, %mul3A_344 : vector<16xf32>
        %broadcast_in_dim3A_346 = arith.constant 27 : i32
        %broadcast_in_dim3A_347 = vector.broadcast %broadcast_in_dim3A_346 : i32 to vector<16xi32>
        %gather3A_348 = tpu.vector_load_idx %arg16[%add3A_100, %broadcast_in_dim3A_347] : memref<128x64xf32, #tpu.memory_space<vmem>>[vector<16xi32>, vector<16xi32>], vector<16xf32>,
        %gather3A_349 = tpu.vector_load_idx %arg17[%add3A_100, %broadcast_in_dim3A_347] : memref<128x64xf32, #tpu.memory_space<vmem>>[vector<16xi32>, vector<16xi32>], vector<16xf32>,
        %gather3A_350 = tpu.vector_load_idx %arg18[%add3A_100, %broadcast_in_dim3A_347] : memref<128x64xf32, #tpu.memory_space<vmem>>[vector<16xi32>, vector<16xi32>], vector<16xf32>,
        %mul3A_351 = arith.mulf %gather3A_348, %gather3A_349 : vector<16xf32>
        %add3A_352 = arith.addf %add3A_343, %mul3A_351 : vector<16xf32>
        %mul3A_353 = arith.mulf %gather3A_348, %gather3A_350 : vector<16xf32>
        %add3A_354 = arith.addf %add3A_345, %mul3A_353 : vector<16xf32>
        %broadcast_in_dim3A_355 = arith.constant 28 : i32
        %broadcast_in_dim3A_356 = vector.broadcast %broadcast_in_dim3A_355 : i32 to vector<16xi32>
        %gather3A_357 = tpu.vector_load_idx %arg16[%add3A_100, %broadcast_in_dim3A_356] : memref<128x64xf32, #tpu.memory_space<vmem>>[vector<16xi32>, vector<16xi32>], vector<16xf32>,
        %gather3A_358 = tpu.vector_load_idx %arg17[%add3A_100, %broadcast_in_dim3A_356] : memref<128x64xf32, #tpu.memory_space<vmem>>[vector<16xi32>, vector<16xi32>], vector<16xf32>,
        %gather3A_359 = tpu.vector_load_idx %arg18[%add3A_100, %broadcast_in_dim3A_356] : memref<128x64xf32, #tpu.memory_space<vmem>>[vector<16xi32>, vector<16xi32>], vector<16xf32>,
        %mul3A_360 = arith.mulf %gather3A_357, %gather3A_358 : vector<16xf32>
        %add3A_361 = arith.addf %add3A_352, %mul3A_360 : vector<16xf32>
        %mul3A_362 = arith.mulf %gather3A_357, %gather3A_359 : vector<16xf32>
        %add3A_363 = arith.addf %add3A_354, %mul3A_362 : vector<16xf32>
        %broadcast_in_dim3A_364 = arith.constant 29 : i32
        %broadcast_in_dim3A_365 = vector.broadcast %broadcast_in_dim3A_364 : i32 to vector<16xi32>
        %gather3A_366 = tpu.vector_load_idx %arg16[%add3A_100, %broadcast_in_dim3A_365] : memref<128x64xf32, #tpu.memory_space<vmem>>[vector<16xi32>, vector<16xi32>], vector<16xf32>,
        %gather3A_367 = tpu.vector_load_idx %arg17[%add3A_100, %broadcast_in_dim3A_365] : memref<128x64xf32, #tpu.memory_space<vmem>>[vector<16xi32>, vector<16xi32>], vector<16xf32>,
        %gather3A_368 = tpu.vector_load_idx %arg18[%add3A_100, %broadcast_in_dim3A_365] : memref<128x64xf32, #tpu.memory_space<vmem>>[vector<16xi32>, vector<16xi32>], vector<16xf32>,
        %mul3A_369 = arith.mulf %gather3A_366, %gather3A_367 : vector<16xf32>
        %add3A_370 = arith.addf %add3A_361, %mul3A_369 : vector<16xf32>
        %mul3A_371 = arith.mulf %gather3A_366, %gather3A_368 : vector<16xf32>
        %add3A_372 = arith.addf %add3A_363, %mul3A_371 : vector<16xf32>
        %broadcast_in_dim3A_373 = arith.constant 30 : i32
        %broadcast_in_dim3A_374 = vector.broadcast %broadcast_in_dim3A_373 : i32 to vector<16xi32>
        %gather3A_375 = tpu.vector_load_idx %arg16[%add3A_100, %broadcast_in_dim3A_374] : memref<128x64xf32, #tpu.memory_space<vmem>>[vector<16xi32>, vector<16xi32>], vector<16xf32>,
        %gather3A_376 = tpu.vector_load_idx %arg17[%add3A_100, %broadcast_in_dim3A_374] : memref<128x64xf32, #tpu.memory_space<vmem>>[vector<16xi32>, vector<16xi32>], vector<16xf32>,
        %gather3A_377 = tpu.vector_load_idx %arg18[%add3A_100, %broadcast_in_dim3A_374] : memref<128x64xf32, #tpu.memory_space<vmem>>[vector<16xi32>, vector<16xi32>], vector<16xf32>,
        %mul3A_378 = arith.mulf %gather3A_375, %gather3A_376 : vector<16xf32>
        %add3A_379 = arith.addf %add3A_370, %mul3A_378 : vector<16xf32>
        %mul3A_380 = arith.mulf %gather3A_375, %gather3A_377 : vector<16xf32>
        %add3A_381 = arith.addf %add3A_372, %mul3A_380 : vector<16xf32>
        %broadcast_in_dim3A_382 = arith.constant 31 : i32
        %broadcast_in_dim3A_383 = vector.broadcast %broadcast_in_dim3A_382 : i32 to vector<16xi32>
        %gather3A_384 = tpu.vector_load_idx %arg16[%add3A_100, %broadcast_in_dim3A_383] : memref<128x64xf32, #tpu.memory_space<vmem>>[vector<16xi32>, vector<16xi32>], vector<16xf32>,
        %gather3A_385 = tpu.vector_load_idx %arg17[%add3A_100, %broadcast_in_dim3A_383] : memref<128x64xf32, #tpu.memory_space<vmem>>[vector<16xi32>, vector<16xi32>], vector<16xf32>,
        %gather3A_386 = tpu.vector_load_idx %arg18[%add3A_100, %broadcast_in_dim3A_383] : memref<128x64xf32, #tpu.memory_space<vmem>>[vector<16xi32>, vector<16xi32>], vector<16xf32>,
        %mul3A_387 = arith.mulf %gather3A_384, %gather3A_385 : vector<16xf32>
        %add3A_388 = arith.addf %add3A_379, %mul3A_387 : vector<16xf32>
        %mul3A_389 = arith.mulf %gather3A_384, %gather3A_386 : vector<16xf32>
        %add3A_390 = arith.addf %add3A_381, %mul3A_389 : vector<16xf32>
        %broadcast_in_dim3A_391 = arith.constant 32 : i32
        %broadcast_in_dim3A_392 = vector.broadcast %broadcast_in_dim3A_391 : i32 to vector<16xi32>
        %gather3A_393 = tpu.vector_load_idx %arg16[%add3A_100, %broadcast_in_dim3A_392] : memref<128x64xf32, #tpu.memory_space<vmem>>[vector<16xi32>, vector<16xi32>], vector<16xf32>,
        %gather3A_394 = tpu.vector_load_idx %arg17[%add3A_100, %broadcast_in_dim3A_392] : memref<128x64xf32, #tpu.memory_space<vmem>>[vector<16xi32>, vector<16xi32>], vector<16xf32>,
        %gather3A_395 = tpu.vector_load_idx %arg18[%add3A_100, %broadcast_in_dim3A_392] : memref<128x64xf32, #tpu.memory_space<vmem>>[vector<16xi32>, vector<16xi32>], vector<16xf32>,
        %mul3A_396 = arith.mulf %gather3A_393, %gather3A_394 : vector<16xf32>
        %add3A_397 = arith.addf %add3A_388, %mul3A_396 : vector<16xf32>
        %mul3A_398 = arith.mulf %gather3A_393, %gather3A_395 : vector<16xf32>
        %add3A_399 = arith.addf %add3A_390, %mul3A_398 : vector<16xf32>
        %broadcast_in_dim3A_400 = arith.constant 33 : i32
        %broadcast_in_dim3A_401 = vector.broadcast %broadcast_in_dim3A_400 : i32 to vector<16xi32>
        %gather3A_402 = tpu.vector_load_idx %arg16[%add3A_100, %broadcast_in_dim3A_401] : memref<128x64xf32, #tpu.memory_space<vmem>>[vector<16xi32>, vector<16xi32>], vector<16xf32>,
        %gather3A_403 = tpu.vector_load_idx %arg17[%add3A_100, %broadcast_in_dim3A_401] : memref<128x64xf32, #tpu.memory_space<vmem>>[vector<16xi32>, vector<16xi32>], vector<16xf32>,
        %gather3A_404 = tpu.vector_load_idx %arg18[%add3A_100, %broadcast_in_dim3A_401] : memref<128x64xf32, #tpu.memory_space<vmem>>[vector<16xi32>, vector<16xi32>], vector<16xf32>,
        %mul3A_405 = arith.mulf %gather3A_402, %gather3A_403 : vector<16xf32>
        %add3A_406 = arith.addf %add3A_397, %mul3A_405 : vector<16xf32>
        %mul3A_407 = arith.mulf %gather3A_402, %gather3A_404 : vector<16xf32>
        %add3A_408 = arith.addf %add3A_399, %mul3A_407 : vector<16xf32>
        %broadcast_in_dim3A_409 = arith.constant 34 : i32
        %broadcast_in_dim3A_410 = vector.broadcast %broadcast_in_dim3A_409 : i32 to vector<16xi32>
        %gather3A_411 = tpu.vector_load_idx %arg16[%add3A_100, %broadcast_in_dim3A_410] : memref<128x64xf32, #tpu.memory_space<vmem>>[vector<16xi32>, vector<16xi32>], vector<16xf32>,
        %gather3A_412 = tpu.vector_load_idx %arg17[%add3A_100, %broadcast_in_dim3A_410] : memref<128x64xf32, #tpu.memory_space<vmem>>[vector<16xi32>, vector<16xi32>], vector<16xf32>,
        %gather3A_413 = tpu.vector_load_idx %arg18[%add3A_100, %broadcast_in_dim3A_410] : memref<128x64xf32, #tpu.memory_space<vmem>>[vector<16xi32>, vector<16xi32>], vector<16xf32>,
        %mul3A_414 = arith.mulf %gather3A_411, %gather3A_412 : vector<16xf32>
        %add3A_415 = arith.addf %add3A_406, %mul3A_414 : vector<16xf32>
        %mul3A_416 = arith.mulf %gather3A_411, %gather3A_413 : vector<16xf32>
        %add3A_417 = arith.addf %add3A_408, %mul3A_416 : vector<16xf32>
        %broadcast_in_dim3A_418 = arith.constant 35 : i32
        %broadcast_in_dim3A_419 = vector.broadcast %broadcast_in_dim3A_418 : i32 to vector<16xi32>
        %gather3A_420 = tpu.vector_load_idx %arg16[%add3A_100, %broadcast_in_dim3A_419] : memref<128x64xf32, #tpu.memory_space<vmem>>[vector<16xi32>, vector<16xi32>], vector<16xf32>,
        %gather3A_421 = tpu.vector_load_idx %arg17[%add3A_100, %broadcast_in_dim3A_419] : memref<128x64xf32, #tpu.memory_space<vmem>>[vector<16xi32>, vector<16xi32>], vector<16xf32>,
        %gather3A_422 = tpu.vector_load_idx %arg18[%add3A_100, %broadcast_in_dim3A_419] : memref<128x64xf32, #tpu.memory_space<vmem>>[vector<16xi32>, vector<16xi32>], vector<16xf32>,
        %mul3A_423 = arith.mulf %gather3A_420, %gather3A_421 : vector<16xf32>
        %add3A_424 = arith.addf %add3A_415, %mul3A_423 : vector<16xf32>
        %mul3A_425 = arith.mulf %gather3A_420, %gather3A_422 : vector<16xf32>
        %add3A_426 = arith.addf %add3A_417, %mul3A_425 : vector<16xf32>
        %broadcast_in_dim3A_427 = arith.constant 36 : i32
        %broadcast_in_dim3A_428 = vector.broadcast %broadcast_in_dim3A_427 : i32 to vector<16xi32>
        %gather3A_429 = tpu.vector_load_idx %arg16[%add3A_100, %broadcast_in_dim3A_428] : memref<128x64xf32, #tpu.memory_space<vmem>>[vector<16xi32>, vector<16xi32>], vector<16xf32>,
        %gather3A_430 = tpu.vector_load_idx %arg17[%add3A_100, %broadcast_in_dim3A_428] : memref<128x64xf32, #tpu.memory_space<vmem>>[vector<16xi32>, vector<16xi32>], vector<16xf32>,
        %gather3A_431 = tpu.vector_load_idx %arg18[%add3A_100, %broadcast_in_dim3A_428] : memref<128x64xf32, #tpu.memory_space<vmem>>[vector<16xi32>, vector<16xi32>], vector<16xf32>,
        %mul3A_432 = arith.mulf %gather3A_429, %gather3A_430 : vector<16xf32>
        %add3A_433 = arith.addf %add3A_424, %mul3A_432 : vector<16xf32>
        %mul3A_434 = arith.mulf %gather3A_429, %gather3A_431 : vector<16xf32>
        %add3A_435 = arith.addf %add3A_426, %mul3A_434 : vector<16xf32>
        %broadcast_in_dim3A_436 = arith.constant 37 : i32
        %broadcast_in_dim3A_437 = vector.broadcast %broadcast_in_dim3A_436 : i32 to vector<16xi32>
        %gather3A_438 = tpu.vector_load_idx %arg16[%add3A_100, %broadcast_in_dim3A_437] : memref<128x64xf32, #tpu.memory_space<vmem>>[vector<16xi32>, vector<16xi32>], vector<16xf32>,
        %gather3A_439 = tpu.vector_load_idx %arg17[%add3A_100, %broadcast_in_dim3A_437] : memref<128x64xf32, #tpu.memory_space<vmem>>[vector<16xi32>, vector<16xi32>], vector<16xf32>,
        %gather3A_440 = tpu.vector_load_idx %arg18[%add3A_100, %broadcast_in_dim3A_437] : memref<128x64xf32, #tpu.memory_space<vmem>>[vector<16xi32>, vector<16xi32>], vector<16xf32>,
        %mul3A_441 = arith.mulf %gather3A_438, %gather3A_439 : vector<16xf32>
        %add3A_442 = arith.addf %add3A_433, %mul3A_441 : vector<16xf32>
        %mul3A_443 = arith.mulf %gather3A_438, %gather3A_440 : vector<16xf32>
        %add3A_444 = arith.addf %add3A_435, %mul3A_443 : vector<16xf32>
        %broadcast_in_dim3A_445 = arith.constant 38 : i32
        %broadcast_in_dim3A_446 = vector.broadcast %broadcast_in_dim3A_445 : i32 to vector<16xi32>
        %gather3A_447 = tpu.vector_load_idx %arg16[%add3A_100, %broadcast_in_dim3A_446] : memref<128x64xf32, #tpu.memory_space<vmem>>[vector<16xi32>, vector<16xi32>], vector<16xf32>,
        %gather3A_448 = tpu.vector_load_idx %arg17[%add3A_100, %broadcast_in_dim3A_446] : memref<128x64xf32, #tpu.memory_space<vmem>>[vector<16xi32>, vector<16xi32>], vector<16xf32>,
        %gather3A_449 = tpu.vector_load_idx %arg18[%add3A_100, %broadcast_in_dim3A_446] : memref<128x64xf32, #tpu.memory_space<vmem>>[vector<16xi32>, vector<16xi32>], vector<16xf32>,
        %mul3A_450 = arith.mulf %gather3A_447, %gather3A_448 : vector<16xf32>
        %add3A_451 = arith.addf %add3A_442, %mul3A_450 : vector<16xf32>
        %mul3A_452 = arith.mulf %gather3A_447, %gather3A_449 : vector<16xf32>
        %add3A_453 = arith.addf %add3A_444, %mul3A_452 : vector<16xf32>
        %broadcast_in_dim3A_454 = arith.constant 39 : i32
        %broadcast_in_dim3A_455 = vector.broadcast %broadcast_in_dim3A_454 : i32 to vector<16xi32>
        %gather3A_456 = tpu.vector_load_idx %arg16[%add3A_100, %broadcast_in_dim3A_455] : memref<128x64xf32, #tpu.memory_space<vmem>>[vector<16xi32>, vector<16xi32>], vector<16xf32>,
        %gather3A_457 = tpu.vector_load_idx %arg17[%add3A_100, %broadcast_in_dim3A_455] : memref<128x64xf32, #tpu.memory_space<vmem>>[vector<16xi32>, vector<16xi32>], vector<16xf32>,
        %gather3A_458 = tpu.vector_load_idx %arg18[%add3A_100, %broadcast_in_dim3A_455] : memref<128x64xf32, #tpu.memory_space<vmem>>[vector<16xi32>, vector<16xi32>], vector<16xf32>,
        %mul3A_459 = arith.mulf %gather3A_456, %gather3A_457 : vector<16xf32>
        %add3A_460 = arith.addf %add3A_451, %mul3A_459 : vector<16xf32>
        %mul3A_461 = arith.mulf %gather3A_456, %gather3A_458 : vector<16xf32>
        %add3A_462 = arith.addf %add3A_453, %mul3A_461 : vector<16xf32>
        %broadcast_in_dim3A_463 = arith.constant 40 : i32
        %broadcast_in_dim3A_464 = vector.broadcast %broadcast_in_dim3A_463 : i32 to vector<16xi32>
        %gather3A_465 = tpu.vector_load_idx %arg16[%add3A_100, %broadcast_in_dim3A_464] : memref<128x64xf32, #tpu.memory_space<vmem>>[vector<16xi32>, vector<16xi32>], vector<16xf32>,
        %gather3A_466 = tpu.vector_load_idx %arg17[%add3A_100, %broadcast_in_dim3A_464] : memref<128x64xf32, #tpu.memory_space<vmem>>[vector<16xi32>, vector<16xi32>], vector<16xf32>,
        %gather3A_467 = tpu.vector_load_idx %arg18[%add3A_100, %broadcast_in_dim3A_464] : memref<128x64xf32, #tpu.memory_space<vmem>>[vector<16xi32>, vector<16xi32>], vector<16xf32>,
        %mul3A_468 = arith.mulf %gather3A_465, %gather3A_466 : vector<16xf32>
        %add3A_469 = arith.addf %add3A_460, %mul3A_468 : vector<16xf32>
        %mul3A_470 = arith.mulf %gather3A_465, %gather3A_467 : vector<16xf32>
        %add3A_471 = arith.addf %add3A_462, %mul3A_470 : vector<16xf32>
        %broadcast_in_dim3A_472 = arith.constant 41 : i32
        %broadcast_in_dim3A_473 = vector.broadcast %broadcast_in_dim3A_472 : i32 to vector<16xi32>
        %gather3A_474 = tpu.vector_load_idx %arg16[%add3A_100, %broadcast_in_dim3A_473] : memref<128x64xf32, #tpu.memory_space<vmem>>[vector<16xi32>, vector<16xi32>], vector<16xf32>,
        %gather3A_475 = tpu.vector_load_idx %arg17[%add3A_100, %broadcast_in_dim3A_473] : memref<128x64xf32, #tpu.memory_space<vmem>>[vector<16xi32>, vector<16xi32>], vector<16xf32>,
        %gather3A_476 = tpu.vector_load_idx %arg18[%add3A_100, %broadcast_in_dim3A_473] : memref<128x64xf32, #tpu.memory_space<vmem>>[vector<16xi32>, vector<16xi32>], vector<16xf32>,
        %mul3A_477 = arith.mulf %gather3A_474, %gather3A_475 : vector<16xf32>
        %add3A_478 = arith.addf %add3A_469, %mul3A_477 : vector<16xf32>
        %mul3A_479 = arith.mulf %gather3A_474, %gather3A_476 : vector<16xf32>
        %add3A_480 = arith.addf %add3A_471, %mul3A_479 : vector<16xf32>
        %broadcast_in_dim3A_481 = arith.constant 42 : i32
        %broadcast_in_dim3A_482 = vector.broadcast %broadcast_in_dim3A_481 : i32 to vector<16xi32>
        %gather3A_483 = tpu.vector_load_idx %arg16[%add3A_100, %broadcast_in_dim3A_482] : memref<128x64xf32, #tpu.memory_space<vmem>>[vector<16xi32>, vector<16xi32>], vector<16xf32>,
        %gather3A_484 = tpu.vector_load_idx %arg17[%add3A_100, %broadcast_in_dim3A_482] : memref<128x64xf32, #tpu.memory_space<vmem>>[vector<16xi32>, vector<16xi32>], vector<16xf32>,
        %gather3A_485 = tpu.vector_load_idx %arg18[%add3A_100, %broadcast_in_dim3A_482] : memref<128x64xf32, #tpu.memory_space<vmem>>[vector<16xi32>, vector<16xi32>], vector<16xf32>,
        %mul3A_486 = arith.mulf %gather3A_483, %gather3A_484 : vector<16xf32>
        %add3A_487 = arith.addf %add3A_478, %mul3A_486 : vector<16xf32>
        %mul3A_488 = arith.mulf %gather3A_483, %gather3A_485 : vector<16xf32>
        %add3A_489 = arith.addf %add3A_480, %mul3A_488 : vector<16xf32>
        %broadcast_in_dim3A_490 = arith.constant 43 : i32
        %broadcast_in_dim3A_491 = vector.broadcast %broadcast_in_dim3A_490 : i32 to vector<16xi32>
        %gather3A_492 = tpu.vector_load_idx %arg16[%add3A_100, %broadcast_in_dim3A_491] : memref<128x64xf32, #tpu.memory_space<vmem>>[vector<16xi32>, vector<16xi32>], vector<16xf32>,
        %gather3A_493 = tpu.vector_load_idx %arg17[%add3A_100, %broadcast_in_dim3A_491] : memref<128x64xf32, #tpu.memory_space<vmem>>[vector<16xi32>, vector<16xi32>], vector<16xf32>,
        %gather3A_494 = tpu.vector_load_idx %arg18[%add3A_100, %broadcast_in_dim3A_491] : memref<128x64xf32, #tpu.memory_space<vmem>>[vector<16xi32>, vector<16xi32>], vector<16xf32>,
        %mul3A_495 = arith.mulf %gather3A_492, %gather3A_493 : vector<16xf32>
        %add3A_496 = arith.addf %add3A_487, %mul3A_495 : vector<16xf32>
        %mul3A_497 = arith.mulf %gather3A_492, %gather3A_494 : vector<16xf32>
        %add3A_498 = arith.addf %add3A_489, %mul3A_497 : vector<16xf32>
        %broadcast_in_dim3A_499 = arith.constant 44 : i32
        %broadcast_in_dim3A_500 = vector.broadcast %broadcast_in_dim3A_499 : i32 to vector<16xi32>
        %gather3A_501 = tpu.vector_load_idx %arg16[%add3A_100, %broadcast_in_dim3A_500] : memref<128x64xf32, #tpu.memory_space<vmem>>[vector<16xi32>, vector<16xi32>], vector<16xf32>,
        %gather3A_502 = tpu.vector_load_idx %arg17[%add3A_100, %broadcast_in_dim3A_500] : memref<128x64xf32, #tpu.memory_space<vmem>>[vector<16xi32>, vector<16xi32>], vector<16xf32>,
        %gather3A_503 = tpu.vector_load_idx %arg18[%add3A_100, %broadcast_in_dim3A_500] : memref<128x64xf32, #tpu.memory_space<vmem>>[vector<16xi32>, vector<16xi32>], vector<16xf32>,
        %mul3A_504 = arith.mulf %gather3A_501, %gather3A_502 : vector<16xf32>
        %add3A_505 = arith.addf %add3A_496, %mul3A_504 : vector<16xf32>
        %mul3A_506 = arith.mulf %gather3A_501, %gather3A_503 : vector<16xf32>
        %add3A_507 = arith.addf %add3A_498, %mul3A_506 : vector<16xf32>
        %broadcast_in_dim3A_508 = arith.constant 45 : i32
        %broadcast_in_dim3A_509 = vector.broadcast %broadcast_in_dim3A_508 : i32 to vector<16xi32>
        %gather3A_510 = tpu.vector_load_idx %arg16[%add3A_100, %broadcast_in_dim3A_509] : memref<128x64xf32, #tpu.memory_space<vmem>>[vector<16xi32>, vector<16xi32>], vector<16xf32>,
        %gather3A_511 = tpu.vector_load_idx %arg17[%add3A_100, %broadcast_in_dim3A_509] : memref<128x64xf32, #tpu.memory_space<vmem>>[vector<16xi32>, vector<16xi32>], vector<16xf32>,
        %gather3A_512 = tpu.vector_load_idx %arg18[%add3A_100, %broadcast_in_dim3A_509] : memref<128x64xf32, #tpu.memory_space<vmem>>[vector<16xi32>, vector<16xi32>], vector<16xf32>,
        %mul3A_513 = arith.mulf %gather3A_510, %gather3A_511 : vector<16xf32>
        %add3A_514 = arith.addf %add3A_505, %mul3A_513 : vector<16xf32>
        %mul3A_515 = arith.mulf %gather3A_510, %gather3A_512 : vector<16xf32>
        %add3A_516 = arith.addf %add3A_507, %mul3A_515 : vector<16xf32>
        %broadcast_in_dim3A_517 = arith.constant 46 : i32
        %broadcast_in_dim3A_518 = vector.broadcast %broadcast_in_dim3A_517 : i32 to vector<16xi32>
        %gather3A_519 = tpu.vector_load_idx %arg16[%add3A_100, %broadcast_in_dim3A_518] : memref<128x64xf32, #tpu.memory_space<vmem>>[vector<16xi32>, vector<16xi32>], vector<16xf32>,
        %gather3A_520 = tpu.vector_load_idx %arg17[%add3A_100, %broadcast_in_dim3A_518] : memref<128x64xf32, #tpu.memory_space<vmem>>[vector<16xi32>, vector<16xi32>], vector<16xf32>,
        %gather3A_521 = tpu.vector_load_idx %arg18[%add3A_100, %broadcast_in_dim3A_518] : memref<128x64xf32, #tpu.memory_space<vmem>>[vector<16xi32>, vector<16xi32>], vector<16xf32>,
        %mul3A_522 = arith.mulf %gather3A_519, %gather3A_520 : vector<16xf32>
        %add3A_523 = arith.addf %add3A_514, %mul3A_522 : vector<16xf32>
        %mul3A_524 = arith.mulf %gather3A_519, %gather3A_521 : vector<16xf32>
        %add3A_525 = arith.addf %add3A_516, %mul3A_524 : vector<16xf32>
        %broadcast_in_dim3A_526 = arith.constant 47 : i32
        %broadcast_in_dim3A_527 = vector.broadcast %broadcast_in_dim3A_526 : i32 to vector<16xi32>
        %gather3A_528 = tpu.vector_load_idx %arg16[%add3A_100, %broadcast_in_dim3A_527] : memref<128x64xf32, #tpu.memory_space<vmem>>[vector<16xi32>, vector<16xi32>], vector<16xf32>,
        %gather3A_529 = tpu.vector_load_idx %arg17[%add3A_100, %broadcast_in_dim3A_527] : memref<128x64xf32, #tpu.memory_space<vmem>>[vector<16xi32>, vector<16xi32>], vector<16xf32>,
        %gather3A_530 = tpu.vector_load_idx %arg18[%add3A_100, %broadcast_in_dim3A_527] : memref<128x64xf32, #tpu.memory_space<vmem>>[vector<16xi32>, vector<16xi32>], vector<16xf32>,
        %mul3A_531 = arith.mulf %gather3A_528, %gather3A_529 : vector<16xf32>
        %add3A_532 = arith.addf %add3A_523, %mul3A_531 : vector<16xf32>
        %mul3A_533 = arith.mulf %gather3A_528, %gather3A_530 : vector<16xf32>
        %add3A_534 = arith.addf %add3A_525, %mul3A_533 : vector<16xf32>
        %broadcast_in_dim3A_535 = arith.constant 48 : i32
        %broadcast_in_dim3A_536 = vector.broadcast %broadcast_in_dim3A_535 : i32 to vector<16xi32>
        %gather3A_537 = tpu.vector_load_idx %arg16[%add3A_100, %broadcast_in_dim3A_536] : memref<128x64xf32, #tpu.memory_space<vmem>>[vector<16xi32>, vector<16xi32>], vector<16xf32>,
        %gather3A_538 = tpu.vector_load_idx %arg17[%add3A_100, %broadcast_in_dim3A_536] : memref<128x64xf32, #tpu.memory_space<vmem>>[vector<16xi32>, vector<16xi32>], vector<16xf32>,
        %gather3A_539 = tpu.vector_load_idx %arg18[%add3A_100, %broadcast_in_dim3A_536] : memref<128x64xf32, #tpu.memory_space<vmem>>[vector<16xi32>, vector<16xi32>], vector<16xf32>,
        %mul3A_540 = arith.mulf %gather3A_537, %gather3A_538 : vector<16xf32>
        %add3A_541 = arith.addf %add3A_532, %mul3A_540 : vector<16xf32>
        %mul3A_542 = arith.mulf %gather3A_537, %gather3A_539 : vector<16xf32>
        %add3A_543 = arith.addf %add3A_534, %mul3A_542 : vector<16xf32>
        %broadcast_in_dim3A_544 = arith.constant 49 : i32
        %broadcast_in_dim3A_545 = vector.broadcast %broadcast_in_dim3A_544 : i32 to vector<16xi32>
        %gather3A_546 = tpu.vector_load_idx %arg16[%add3A_100, %broadcast_in_dim3A_545] : memref<128x64xf32, #tpu.memory_space<vmem>>[vector<16xi32>, vector<16xi32>], vector<16xf32>,
        %gather3A_547 = tpu.vector_load_idx %arg17[%add3A_100, %broadcast_in_dim3A_545] : memref<128x64xf32, #tpu.memory_space<vmem>>[vector<16xi32>, vector<16xi32>], vector<16xf32>,
        %gather3A_548 = tpu.vector_load_idx %arg18[%add3A_100, %broadcast_in_dim3A_545] : memref<128x64xf32, #tpu.memory_space<vmem>>[vector<16xi32>, vector<16xi32>], vector<16xf32>,
        %mul3A_549 = arith.mulf %gather3A_546, %gather3A_547 : vector<16xf32>
        %add3A_550 = arith.addf %add3A_541, %mul3A_549 : vector<16xf32>
        %mul3A_551 = arith.mulf %gather3A_546, %gather3A_548 : vector<16xf32>
        %add3A_552 = arith.addf %add3A_543, %mul3A_551 : vector<16xf32>
        %broadcast_in_dim3A_553 = arith.constant 50 : i32
        %broadcast_in_dim3A_554 = vector.broadcast %broadcast_in_dim3A_553 : i32 to vector<16xi32>
        %gather3A_555 = tpu.vector_load_idx %arg16[%add3A_100, %broadcast_in_dim3A_554] : memref<128x64xf32, #tpu.memory_space<vmem>>[vector<16xi32>, vector<16xi32>], vector<16xf32>,
        %gather3A_556 = tpu.vector_load_idx %arg17[%add3A_100, %broadcast_in_dim3A_554] : memref<128x64xf32, #tpu.memory_space<vmem>>[vector<16xi32>, vector<16xi32>], vector<16xf32>,
        %gather3A_557 = tpu.vector_load_idx %arg18[%add3A_100, %broadcast_in_dim3A_554] : memref<128x64xf32, #tpu.memory_space<vmem>>[vector<16xi32>, vector<16xi32>], vector<16xf32>,
        %mul3A_558 = arith.mulf %gather3A_555, %gather3A_556 : vector<16xf32>
        %add3A_559 = arith.addf %add3A_550, %mul3A_558 : vector<16xf32>
        %mul3A_560 = arith.mulf %gather3A_555, %gather3A_557 : vector<16xf32>
        %add3A_561 = arith.addf %add3A_552, %mul3A_560 : vector<16xf32>
        %broadcast_in_dim3A_562 = arith.constant 51 : i32
        %broadcast_in_dim3A_563 = vector.broadcast %broadcast_in_dim3A_562 : i32 to vector<16xi32>
        %gather3A_564 = tpu.vector_load_idx %arg16[%add3A_100, %broadcast_in_dim3A_563] : memref<128x64xf32, #tpu.memory_space<vmem>>[vector<16xi32>, vector<16xi32>], vector<16xf32>,
        %gather3A_565 = tpu.vector_load_idx %arg17[%add3A_100, %broadcast_in_dim3A_563] : memref<128x64xf32, #tpu.memory_space<vmem>>[vector<16xi32>, vector<16xi32>], vector<16xf32>,
        %gather3A_566 = tpu.vector_load_idx %arg18[%add3A_100, %broadcast_in_dim3A_563] : memref<128x64xf32, #tpu.memory_space<vmem>>[vector<16xi32>, vector<16xi32>], vector<16xf32>,
        %mul3A_567 = arith.mulf %gather3A_564, %gather3A_565 : vector<16xf32>
        %add3A_568 = arith.addf %add3A_559, %mul3A_567 : vector<16xf32>
        %mul3A_569 = arith.mulf %gather3A_564, %gather3A_566 : vector<16xf32>
        %add3A_570 = arith.addf %add3A_561, %mul3A_569 : vector<16xf32>
        %broadcast_in_dim3A_571 = arith.constant 52 : i32
        %broadcast_in_dim3A_572 = vector.broadcast %broadcast_in_dim3A_571 : i32 to vector<16xi32>
        %gather3A_573 = tpu.vector_load_idx %arg16[%add3A_100, %broadcast_in_dim3A_572] : memref<128x64xf32, #tpu.memory_space<vmem>>[vector<16xi32>, vector<16xi32>], vector<16xf32>,
        %gather3A_574 = tpu.vector_load_idx %arg17[%add3A_100, %broadcast_in_dim3A_572] : memref<128x64xf32, #tpu.memory_space<vmem>>[vector<16xi32>, vector<16xi32>], vector<16xf32>,
        %gather3A_575 = tpu.vector_load_idx %arg18[%add3A_100, %broadcast_in_dim3A_572] : memref<128x64xf32, #tpu.memory_space<vmem>>[vector<16xi32>, vector<16xi32>], vector<16xf32>,
        %mul3A_576 = arith.mulf %gather3A_573, %gather3A_574 : vector<16xf32>
        %add3A_577 = arith.addf %add3A_568, %mul3A_576 : vector<16xf32>
        %mul3A_578 = arith.mulf %gather3A_573, %gather3A_575 : vector<16xf32>
        %add3A_579 = arith.addf %add3A_570, %mul3A_578 : vector<16xf32>
        %broadcast_in_dim3A_580 = arith.constant 53 : i32
        %broadcast_in_dim3A_581 = vector.broadcast %broadcast_in_dim3A_580 : i32 to vector<16xi32>
        %gather3A_582 = tpu.vector_load_idx %arg16[%add3A_100, %broadcast_in_dim3A_581] : memref<128x64xf32, #tpu.memory_space<vmem>>[vector<16xi32>, vector<16xi32>], vector<16xf32>,
        %gather3A_583 = tpu.vector_load_idx %arg17[%add3A_100, %broadcast_in_dim3A_581] : memref<128x64xf32, #tpu.memory_space<vmem>>[vector<16xi32>, vector<16xi32>], vector<16xf32>,
        %gather3A_584 = tpu.vector_load_idx %arg18[%add3A_100, %broadcast_in_dim3A_581] : memref<128x64xf32, #tpu.memory_space<vmem>>[vector<16xi32>, vector<16xi32>], vector<16xf32>,
        %mul3A_585 = arith.mulf %gather3A_582, %gather3A_583 : vector<16xf32>
        %add3A_586 = arith.addf %add3A_577, %mul3A_585 : vector<16xf32>
        %mul3A_587 = arith.mulf %gather3A_582, %gather3A_584 : vector<16xf32>
        %add3A_588 = arith.addf %add3A_579, %mul3A_587 : vector<16xf32>
        %broadcast_in_dim3A_589 = arith.constant 54 : i32
        %broadcast_in_dim3A_590 = vector.broadcast %broadcast_in_dim3A_589 : i32 to vector<16xi32>
        %gather3A_591 = tpu.vector_load_idx %arg16[%add3A_100, %broadcast_in_dim3A_590] : memref<128x64xf32, #tpu.memory_space<vmem>>[vector<16xi32>, vector<16xi32>], vector<16xf32>,
        %gather3A_592 = tpu.vector_load_idx %arg17[%add3A_100, %broadcast_in_dim3A_590] : memref<128x64xf32, #tpu.memory_space<vmem>>[vector<16xi32>, vector<16xi32>], vector<16xf32>,
        %gather3A_593 = tpu.vector_load_idx %arg18[%add3A_100, %broadcast_in_dim3A_590] : memref<128x64xf32, #tpu.memory_space<vmem>>[vector<16xi32>, vector<16xi32>], vector<16xf32>,
        %mul3A_594 = arith.mulf %gather3A_591, %gather3A_592 : vector<16xf32>
        %add3A_595 = arith.addf %add3A_586, %mul3A_594 : vector<16xf32>
        %mul3A_596 = arith.mulf %gather3A_591, %gather3A_593 : vector<16xf32>
        %add3A_597 = arith.addf %add3A_588, %mul3A_596 : vector<16xf32>
        %broadcast_in_dim3A_598 = arith.constant 55 : i32
        %broadcast_in_dim3A_599 = vector.broadcast %broadcast_in_dim3A_598 : i32 to vector<16xi32>
        %gather3A_600 = tpu.vector_load_idx %arg16[%add3A_100, %broadcast_in_dim3A_599] : memref<128x64xf32, #tpu.memory_space<vmem>>[vector<16xi32>, vector<16xi32>], vector<16xf32>,
        %gather3A_601 = tpu.vector_load_idx %arg17[%add3A_100, %broadcast_in_dim3A_599] : memref<128x64xf32, #tpu.memory_space<vmem>>[vector<16xi32>, vector<16xi32>], vector<16xf32>,
        %gather3A_602 = tpu.vector_load_idx %arg18[%add3A_100, %broadcast_in_dim3A_599] : memref<128x64xf32, #tpu.memory_space<vmem>>[vector<16xi32>, vector<16xi32>], vector<16xf32>,
        %mul3A_603 = arith.mulf %gather3A_600, %gather3A_601 : vector<16xf32>
        %add3A_604 = arith.addf %add3A_595, %mul3A_603 : vector<16xf32>
        %mul3A_605 = arith.mulf %gather3A_600, %gather3A_602 : vector<16xf32>
        %add3A_606 = arith.addf %add3A_597, %mul3A_605 : vector<16xf32>
        %broadcast_in_dim3A_607 = arith.constant 56 : i32
        %broadcast_in_dim3A_608 = vector.broadcast %broadcast_in_dim3A_607 : i32 to vector<16xi32>
        %gather3A_609 = tpu.vector_load_idx %arg16[%add3A_100, %broadcast_in_dim3A_608] : memref<128x64xf32, #tpu.memory_space<vmem>>[vector<16xi32>, vector<16xi32>], vector<16xf32>,
        %gather3A_610 = tpu.vector_load_idx %arg17[%add3A_100, %broadcast_in_dim3A_608] : memref<128x64xf32, #tpu.memory_space<vmem>>[vector<16xi32>, vector<16xi32>], vector<16xf32>,
        %gather3A_611 = tpu.vector_load_idx %arg18[%add3A_100, %broadcast_in_dim3A_608] : memref<128x64xf32, #tpu.memory_space<vmem>>[vector<16xi32>, vector<16xi32>], vector<16xf32>,
        %mul3A_612 = arith.mulf %gather3A_609, %gather3A_610 : vector<16xf32>
        %add3A_613 = arith.addf %add3A_604, %mul3A_612 : vector<16xf32>
        %mul3A_614 = arith.mulf %gather3A_609, %gather3A_611 : vector<16xf32>
        %add3A_615 = arith.addf %add3A_606, %mul3A_614 : vector<16xf32>
        %broadcast_in_dim3A_616 = arith.constant 57 : i32
        %broadcast_in_dim3A_617 = vector.broadcast %broadcast_in_dim3A_616 : i32 to vector<16xi32>
        %gather3A_618 = tpu.vector_load_idx %arg16[%add3A_100, %broadcast_in_dim3A_617] : memref<128x64xf32, #tpu.memory_space<vmem>>[vector<16xi32>, vector<16xi32>], vector<16xf32>,
        %gather3A_619 = tpu.vector_load_idx %arg17[%add3A_100, %broadcast_in_dim3A_617] : memref<128x64xf32, #tpu.memory_space<vmem>>[vector<16xi32>, vector<16xi32>], vector<16xf32>,
        %gather3A_620 = tpu.vector_load_idx %arg18[%add3A_100, %broadcast_in_dim3A_617] : memref<128x64xf32, #tpu.memory_space<vmem>>[vector<16xi32>, vector<16xi32>], vector<16xf32>,
        %mul3A_621 = arith.mulf %gather3A_618, %gather3A_619 : vector<16xf32>
        %add3A_622 = arith.addf %add3A_613, %mul3A_621 : vector<16xf32>
        %mul3A_623 = arith.mulf %gather3A_618, %gather3A_620 : vector<16xf32>
        %add3A_624 = arith.addf %add3A_615, %mul3A_623 : vector<16xf32>
        %broadcast_in_dim3A_625 = arith.constant 58 : i32
        %broadcast_in_dim3A_626 = vector.broadcast %broadcast_in_dim3A_625 : i32 to vector<16xi32>
        %gather3A_627 = tpu.vector_load_idx %arg16[%add3A_100, %broadcast_in_dim3A_626] : memref<128x64xf32, #tpu.memory_space<vmem>>[vector<16xi32>, vector<16xi32>], vector<16xf32>,
        %gather3A_628 = tpu.vector_load_idx %arg17[%add3A_100, %broadcast_in_dim3A_626] : memref<128x64xf32, #tpu.memory_space<vmem>>[vector<16xi32>, vector<16xi32>], vector<16xf32>,
        %gather3A_629 = tpu.vector_load_idx %arg18[%add3A_100, %broadcast_in_dim3A_626] : memref<128x64xf32, #tpu.memory_space<vmem>>[vector<16xi32>, vector<16xi32>], vector<16xf32>,
        %mul3A_630 = arith.mulf %gather3A_627, %gather3A_628 : vector<16xf32>
        %add3A_631 = arith.addf %add3A_622, %mul3A_630 : vector<16xf32>
        %mul3A_632 = arith.mulf %gather3A_627, %gather3A_629 : vector<16xf32>
        %add3A_633 = arith.addf %add3A_624, %mul3A_632 : vector<16xf32>
        %broadcast_in_dim3A_634 = arith.constant 59 : i32
        %broadcast_in_dim3A_635 = vector.broadcast %broadcast_in_dim3A_634 : i32 to vector<16xi32>
        %gather3A_636 = tpu.vector_load_idx %arg16[%add3A_100, %broadcast_in_dim3A_635] : memref<128x64xf32, #tpu.memory_space<vmem>>[vector<16xi32>, vector<16xi32>], vector<16xf32>,
        %gather3A_637 = tpu.vector_load_idx %arg17[%add3A_100, %broadcast_in_dim3A_635] : memref<128x64xf32, #tpu.memory_space<vmem>>[vector<16xi32>, vector<16xi32>], vector<16xf32>,
        %gather3A_638 = tpu.vector_load_idx %arg18[%add3A_100, %broadcast_in_dim3A_635] : memref<128x64xf32, #tpu.memory_space<vmem>>[vector<16xi32>, vector<16xi32>], vector<16xf32>,
        %mul3A_639 = arith.mulf %gather3A_636, %gather3A_637 : vector<16xf32>
        %add3A_640 = arith.addf %add3A_631, %mul3A_639 : vector<16xf32>
        %mul3A_641 = arith.mulf %gather3A_636, %gather3A_638 : vector<16xf32>
        %add3A_642 = arith.addf %add3A_633, %mul3A_641 : vector<16xf32>
        %broadcast_in_dim3A_643 = arith.constant 60 : i32
        %broadcast_in_dim3A_644 = vector.broadcast %broadcast_in_dim3A_643 : i32 to vector<16xi32>
        %gather3A_645 = tpu.vector_load_idx %arg16[%add3A_100, %broadcast_in_dim3A_644] : memref<128x64xf32, #tpu.memory_space<vmem>>[vector<16xi32>, vector<16xi32>], vector<16xf32>,
        %gather3A_646 = tpu.vector_load_idx %arg17[%add3A_100, %broadcast_in_dim3A_644] : memref<128x64xf32, #tpu.memory_space<vmem>>[vector<16xi32>, vector<16xi32>], vector<16xf32>,
        %gather3A_647 = tpu.vector_load_idx %arg18[%add3A_100, %broadcast_in_dim3A_644] : memref<128x64xf32, #tpu.memory_space<vmem>>[vector<16xi32>, vector<16xi32>], vector<16xf32>,
        %mul3A_648 = arith.mulf %gather3A_645, %gather3A_646 : vector<16xf32>
        %add3A_649 = arith.addf %add3A_640, %mul3A_648 : vector<16xf32>
        %mul3A_650 = arith.mulf %gather3A_645, %gather3A_647 : vector<16xf32>
        %add3A_651 = arith.addf %add3A_642, %mul3A_650 : vector<16xf32>
        %broadcast_in_dim3A_652 = arith.constant 61 : i32
        %broadcast_in_dim3A_653 = vector.broadcast %broadcast_in_dim3A_652 : i32 to vector<16xi32>
        %gather3A_654 = tpu.vector_load_idx %arg16[%add3A_100, %broadcast_in_dim3A_653] : memref<128x64xf32, #tpu.memory_space<vmem>>[vector<16xi32>, vector<16xi32>], vector<16xf32>,
        %gather3A_655 = tpu.vector_load_idx %arg17[%add3A_100, %broadcast_in_dim3A_653] : memref<128x64xf32, #tpu.memory_space<vmem>>[vector<16xi32>, vector<16xi32>], vector<16xf32>,
        %gather3A_656 = tpu.vector_load_idx %arg18[%add3A_100, %broadcast_in_dim3A_653] : memref<128x64xf32, #tpu.memory_space<vmem>>[vector<16xi32>, vector<16xi32>], vector<16xf32>,
        %mul3A_657 = arith.mulf %gather3A_654, %gather3A_655 : vector<16xf32>
        %add3A_658 = arith.addf %add3A_649, %mul3A_657 : vector<16xf32>
        %mul3A_659 = arith.mulf %gather3A_654, %gather3A_656 : vector<16xf32>
        %add3A_660 = arith.addf %add3A_651, %mul3A_659 : vector<16xf32>
        %broadcast_in_dim3A_661 = arith.constant 62 : i32
        %broadcast_in_dim3A_662 = vector.broadcast %broadcast_in_dim3A_661 : i32 to vector<16xi32>
        %gather3A_663 = tpu.vector_load_idx %arg16[%add3A_100, %broadcast_in_dim3A_662] : memref<128x64xf32, #tpu.memory_space<vmem>>[vector<16xi32>, vector<16xi32>], vector<16xf32>,
        %gather3A_664 = tpu.vector_load_idx %arg17[%add3A_100, %broadcast_in_dim3A_662] : memref<128x64xf32, #tpu.memory_space<vmem>>[vector<16xi32>, vector<16xi32>], vector<16xf32>,
        %gather3A_665 = tpu.vector_load_idx %arg18[%add3A_100, %broadcast_in_dim3A_662] : memref<128x64xf32, #tpu.memory_space<vmem>>[vector<16xi32>, vector<16xi32>], vector<16xf32>,
        %mul3A_666 = arith.mulf %gather3A_663, %gather3A_664 : vector<16xf32>
        %add3A_667 = arith.addf %add3A_658, %mul3A_666 : vector<16xf32>
        %mul3A_668 = arith.mulf %gather3A_663, %gather3A_665 : vector<16xf32>
        %add3A_669 = arith.addf %add3A_660, %mul3A_668 : vector<16xf32>
        %broadcast_in_dim3A_670 = arith.constant 63 : i32
        %broadcast_in_dim3A_671 = vector.broadcast %broadcast_in_dim3A_670 : i32 to vector<16xi32>
        %gather3A_672 = tpu.vector_load_idx %arg16[%add3A_100, %broadcast_in_dim3A_671] : memref<128x64xf32, #tpu.memory_space<vmem>>[vector<16xi32>, vector<16xi32>], vector<16xf32>,
        %gather3A_673 = tpu.vector_load_idx %arg17[%add3A_100, %broadcast_in_dim3A_671] : memref<128x64xf32, #tpu.memory_space<vmem>>[vector<16xi32>, vector<16xi32>], vector<16xf32>,
        %gather3A_674 = tpu.vector_load_idx %arg18[%add3A_100, %broadcast_in_dim3A_671] : memref<128x64xf32, #tpu.memory_space<vmem>>[vector<16xi32>, vector<16xi32>], vector<16xf32>,
        %mul3A_675 = arith.mulf %gather3A_672, %gather3A_673 : vector<16xf32>
        %add3A_676 = arith.addf %add3A_667, %mul3A_675 : vector<16xf32>
        %mul3A_677 = arith.mulf %gather3A_672, %gather3A_674 : vector<16xf32>
        %add3A_678 = arith.addf %add3A_669, %mul3A_677 : vector<16xf32>
        %mul3A_679 = arith.constant 128 : i32
        %mul3A_680 = arith.muli %add3A_89, %mul3A_679 : i32
        %mul3A_681 = arith.constant 16 : i32
        %mul3A_682 = arith.muli %scan3A_96, %mul3A_681 : i32
        %add3A_683 = arith.addi %mul3A_680, %mul3A_682 : i32
        %swap3A = arith.index_cast %add3A_683 : i32 to index
        %swap3A_684 = tpu.vector_load %arg11[%swap3A] {strides = array<i32>} : memref<10240xf32, #tpu.memory_space<vmem>>, vector<16xf32>,
        tpu.vector_store %arg11[%swap3A], %add3A_676 {strides = array<i32>} : memref<10240xf32, #tpu.memory_space<vmem>>, vector<16xf32>,
        %swap3A_685 = arith.index_cast %add3A_683 : i32 to index
        %swap3A_686 = tpu.vector_load %arg12[%swap3A_685] {strides = array<i32>} : memref<10240xf32, #tpu.memory_space<vmem>>, vector<16xf32>,
        tpu.vector_store %arg12[%swap3A_685], %add3A_678 {strides = array<i32>} : memref<10240xf32, #tpu.memory_space<vmem>>, vector<16xf32>,
      }
      %scan3A_95 = arith.constant 8 : i32
    }
    %scan3A_21 = arith.constant 40 : i32
    "tpu.region"() ({
      %run_scoped3A = tpu.sem_alloc : memref<!tpu.dma_semaphore, #tpu.memory_space<semaphore_mem>>
      %dma_start3A_22 = tpu.memref_slice %arg7[%mul3A_2] : memref<327680xf32, #tpu.memory_space<hbm>> -> memref<10240xf32, #tpu.memory_space<hbm>>
      %dma_start3A_23 = tpu.memref_slice %arg7[%mul3A_2] : memref<327680xf32, #tpu.memory_space<hbm>> -> memref<10240xf32, #tpu.memory_space<hbm>>
      tpu.enqueue_dma source(%arg11 : memref<10240xf32, #tpu.memory_space<vmem>>) target(%dma_start3A_23 : memref<10240xf32, #tpu.memory_space<hbm>>) target_semaphore(%run_scoped3A : memref<!tpu.dma_semaphore, #tpu.memory_space<semaphore_mem>>)
      %dma_wait3A = tpu.memref_slice %arg7[%mul3A_2] : memref<327680xf32, #tpu.memory_space<hbm>> -> memref<10240xf32, #tpu.memory_space<hbm>>
      %dma_wait3A_24 = tpu.memref_slice %arg7[%mul3A_2] : memref<327680xf32, #tpu.memory_space<hbm>> -> memref<10240xf32, #tpu.memory_space<hbm>>
      tpu.wait_dma2 semaphore(%run_scoped3A : memref<!tpu.dma_semaphore, #tpu.memory_space<semaphore_mem>>) src(%arg11 : memref<10240xf32, #tpu.memory_space<vmem>>) dst(%dma_wait3A_24 : memref<10240xf32, #tpu.memory_space<hbm>>)
      tpu.yield
    }) : () -> ()
    "tpu.region"() ({
      %run_scoped3A = tpu.sem_alloc : memref<!tpu.dma_semaphore, #tpu.memory_space<semaphore_mem>>
      %dma_start3A_22 = tpu.memref_slice %arg8[%mul3A_2] : memref<327680xf32, #tpu.memory_space<hbm>> -> memref<10240xf32, #tpu.memory_space<hbm>>
      %dma_start3A_23 = tpu.memref_slice %arg8[%mul3A_2] : memref<327680xf32, #tpu.memory_space<hbm>> -> memref<10240xf32, #tpu.memory_space<hbm>>
      tpu.enqueue_dma source(%arg12 : memref<10240xf32, #tpu.memory_space<vmem>>) target(%dma_start3A_23 : memref<10240xf32, #tpu.memory_space<hbm>>) target_semaphore(%run_scoped3A : memref<!tpu.dma_semaphore, #tpu.memory_space<semaphore_mem>>)
      %dma_wait3A = tpu.memref_slice %arg8[%mul3A_2] : memref<327680xf32, #tpu.memory_space<hbm>> -> memref<10240xf32, #tpu.memory_space<hbm>>
      %dma_wait3A_24 = tpu.memref_slice %arg8[%mul3A_2] : memref<327680xf32, #tpu.memory_space<hbm>> -> memref<10240xf32, #tpu.memory_space<hbm>>
      tpu.wait_dma2 semaphore(%run_scoped3A : memref<!tpu.dma_semaphore, #tpu.memory_space<semaphore_mem>>) src(%arg12 : memref<10240xf32, #tpu.memory_space<vmem>>) dst(%dma_wait3A_24 : memref<10240xf32, #tpu.memory_space<hbm>>)
      tpu.yield
    }) : () -> ()
    return
  }
}

</mosaic_0001>

<sc_bundles>
// kernel: kernel.3.cloned.1.call-start
scs
__scs_entry_jumppad:
0x0: {  	(pc) =	sbr.rel $0x88, $3  }
0x1: {  	(tag) =	ssettag $0x0;
	lr =	simm.s32 $0x1  }
0x2: {  	[smem:$0x3F9C] =	sst lr;
	_ =	strace $0xD0000000  }
0x3: {  	_ = 	snop  }
0x4: {  	_ = 	snop  }
0x5: {  	_ = 	snop  }
0x6: {  	_ = 	snop  }
0x7: {  	_ = 	snop  }
__scs_overlays_trampoline_lowered:
0x8: {  	[smem:$0x3FAB] =	sst s0  }
0x9: {  	[smem:$0x3FAC] =	sst s1  }
0xa: {  	[smem:$0x3FAD] =	sst s2  }
0xb: {  	[smem:$0x3FAE] =	sst s3  }
0xc: {  	[smem:$0x3FAF] =	sst s4  }
0xd: {  	[smem:$0x3FB0] =	sst s5  }
0xe: {  	[smem:$0x3FB1] =	sst s6  }
0xf: {  	[smem:$0x3FB2] =	sst s7  }
0x10: {  	[smem:$0x3FB3] =	sst s8  }
0x11: {  	[smem:$0x3FB4] =	sst s9;
	s0 =	simm.s32 @!p0 $0x0  }
0x12: {  	s1 =	sld [smem:$0x3F9A];
	s0 =	simm.s32 @p0 $0x1  }
0x13: {  	[smem:$0x3FB5] =	sst s0;
	s0 =	simm.s32 @!p1 $0x0  }
0x14: {  	s2 =	sld [smem:$0x3F99];
	s0 =	simm.s32 @p1 $0x1  }
0x15: {  	[smem:$0x3FB6] =	sst s0;
	s0 =	simm.s32 @!p2 $0x0  }
0x16: {  	s3 =	sld [smem:$0x3FDB];
	s0 =	simm.s32 @p2 $0x1  }
0x17: {  	s4 =	simm.s32 $0x1BF5;
	[smem:$0x3FB8] =	sst s0  }
0x18: {  	s0 =	sld [smem:$0x3F9B];
	_ =	swait.ge [sflag:s4], $0x0  }
0x19: {  	s7 =	sld [smem:$0x3F9C]  }
0x1a: {  	s8 =	sadd.s32 $0xFFFFE003, lr  }
0x1b: {  	s9 =	sadd.s32 $0xFFFFFEF7, lr;
	s5 =	simm.s32 $0xFFFFFFFF;
	p2 =	slt.u32 s8, $0xFFFFF086  }
0x1c: {  	p1 =	slt.u32 s9, $0xF7A;
	s5 =	simm.s32 @!p2 $0x0  }
0x1d: {  	s5 =	simm.s32 @p1 $0x1;
	p0 =	seq.s32 s7, s2  }
0x1e: {  	s7 =	smul.u32 @!p0 $0xF7A, s2;
	p2 =	seq.s32 @!p0 s5, $0x0  }
0x1f: {  	s9 =	smul.u32 $0xF7A, s1;
	s8 =	simm.s32 @!p0 $0x1BF5;
	p2 =	por !p2, p0  }
0x20: {  	[sflag:s8] =	ssyncset.s32 @!p0 $0xFFFFF086;
	s6 =	sadd.s32 @!p0 s3, s7;
	s7 =	simm.s32 @!p0 $0x108  }
0x21: {  	s3 =	sadd.s32 s3, s9;
	s6 =	sadd.s32 @!p0 $0x88, s6;
	s7 =	simm.s32 @p2 $0x1082  }
0x22: {  	[simem:s7], [sflag:s8] =	dma.local @!p0 [hbm:s6], $0xF7A  }
0x23: {  	s9 =	sor.u32 $0xD0000000, s2;
	s6 =	simm.s32 $0x108;
	_ =	swait.ge @!p0 [sflag:s8], $0x0  }
0x24: {  	s3 =	sadd.s32 $0x88, s3;
	s6 =	simm.s32 @!p1 $0x1082;
	[sflag:s4] =	ssyncset.s32 $0xFFFFF086  }
0x25: {  	[simem:s6], [sflag:s4] =	dma.local [hbm:s3], $0xF7A  }
0x26: {  	[smem:$0x3F9C] =	sst s1;
	(tag) =	ssettag s2;
	_ =	strace s9  }
0x27: {  	s1 =	sld [smem:$0x3FAC]  }
0x28: {  	s2 =	sld [smem:$0x3FAD]  }
0x29: {  	s4 =	sld [smem:$0x3FAF]  }
0x2a: {  	p0 =	seq.s32 s5, $0x0;
	s5 =	sld [smem:$0x3FB0]  }
0x2b: {  	s6 =	sld [smem:$0x3FB1]  }
0x2c: {  	s7 =	sld [smem:$0x3FB2]  }
0x2d: {  	s3 =	simm.s32 $0x108;
	s8 =	sld [smem:$0x3FB3]  }
0x2e: {  	s3 =	simm.s32 @!p0 $0x1082;
	s9 =	sld [smem:$0x3FB4]  }
0x2f: {  	lr =	sadd.s32 s0, s3;
	s0 =	sld [smem:$0x3FAB]  }
0x30: {  	s3 =	sld [smem:$0x3FAE]  }
0x31: {  	[smem:$0x3FB7] =	sst s10  }
0x32: {  	s10 =	sld [smem:$0x3FB5];
	_ =	sdelay $0x3  }
0x33: {  	p0 =	seq.s32 s10, $0x1;
	s10 =	sld [smem:$0x3FB7];
	_ =	sdelay $0x3  }
0x34: {  	[smem:$0x3FB7] =	sst s10  }
0x35: {  	s10 =	sld [smem:$0x3FB6];
	_ =	sdelay $0x3  }
0x36: {  	p1 =	seq.s32 s10, $0x1;
	s10 =	sld [smem:$0x3FB7];
	_ =	sdelay $0x3  }
0x37: {  	[smem:$0x3FB7] =	sst s10  }
0x38: {  	s10 =	sld [smem:$0x3FB8]  }
0x39: {  	_ = 	snop;
	(pc) =	sbr.ind lr, $3  }
0x3a: {  	_ = 	snop  }
0x3b: {  	_ = 	snop  }
0x3c: {  	p2 =	seq.s32 s10, $0x1;
	s10 =	sld [smem:$0x3FB7]  }
0x3d: {  	_ =	shalt  }
0x3e: {  	_ =	shalt  }
0x3f: {  	_ =	shalt  }
0x40: {  	_ =	shalt  }
0x41: {  	_ =	shalt  }
0x42: {  	_ =	shalt  }
0x43: {  	_ =	shalt  }
0x44: {  	_ =	shalt  }
0x45: {  	_ =	shalt  }
0x46: {  	_ =	shalt  }
0x47: {  	_ =	shalt  }
0x48: {  	_ =	shalt  }
0x49: {  	_ =	shalt  }
0x4a: {  	_ =	shalt  }
0x4b: {  	_ =	shalt  }
0x4c: {  	_ =	shalt  }
0x4d: {  	_ =	shalt  }
0x4e: {  	_ =	shalt  }
0x4f: {  	_ =	shalt  }
0x50: {  	_ =	shalt  }
0x51: {  	_ =	shalt  }
0x52: {  	_ =	shalt  }
0x53: {  	_ =	shalt  }
0x54: {  	_ =	shalt  }
0x55: {  	_ =	shalt  }
0x56: {  	_ =	shalt  }
0x57: {  	_ =	shalt  }
0x58: {  	_ =	shalt  }
0x59: {  	_ =	shalt  }
0x5a: {  	_ =	shalt  }
0x5b: {  	_ =	shalt  }
0x5c: {  	_ =	shalt  }
0x5d: {  	_ =	shalt  }
0x5e: {  	_ =	shalt  }
0x5f: {  	_ =	shalt  }
0x60: {  	_ =	shalt  }
0x61: {  	_ =	shalt  }
0x62: {  	_ =	shalt  }
0x63: {  	_ =	shalt  }
0x64: {  	_ =	shalt  }
0x65: {  	_ =	shalt  }
0x66: {  	_ =	shalt  }
0x67: {  	_ =	shalt  }
0x68: {  	_ =	shalt  }
0x69: {  	_ =	shalt  }
0x6a: {  	_ =	shalt  }
0x6b: {  	_ =	shalt  }
0x6c: {  	_ =	shalt  }
0x6d: {  	_ =	shalt  }
0x6e: {  	_ =	shalt  }
0x6f: {  	_ =	shalt  }
0x70: {  	_ =	shalt  }
0x71: {  	_ =	shalt  }
0x72: {  	_ =	shalt  }
0x73: {  	_ =	shalt  }
0x74: {  	_ =	shalt  }
0x75: {  	_ =	shalt  }
0x76: {  	_ =	shalt  }
0x77: {  	_ =	shalt  }
0x78: {  	_ =	shalt  }
0x79: {  	_ =	shalt  }
0x7a: {  	_ =	shalt  }
0x7b: {  	_ =	shalt  }
0x7c: {  	_ =	shalt  }
0x7d: {  	_ =	shalt  }
0x7e: {  	_ =	shalt  }
0x7f: {  	_ =	shalt  }
0x80: {  	_ =	shalt  }
0x81: {  	_ =	shalt  }
0x82: {  	_ =	shalt  }
0x83: {  	_ =	shalt  }
0x84: {  	_ =	shalt  }
0x85: {  	_ =	shalt  }
0x86: {  	_ =	shalt  }
0x87: {  	_ =	shalt  }
.Lfunc_end0:
.L_simem_size_0:
called_computation_lowered:
.L_overlay_start_0:
0x88: {  	s2 =	sld [smem:$0x3FD9]  }
0x89: {  	s3 =	sld [smem:$0x3FFE];
	_ =	sdelay $0x1  }
0x8a: {  	s1 =	srdreg.scid  }
0x8b: {  	s0 =	sand.u32 $0x1, s1  }
0x8c: {  	s14 =	sshll.u32 s0, $0xA;
	s2 =	sadd.s32 s3, s2  }
0x8d: {  	s2 =	sadd.s32 s2, s14  }
0x8e: {  	[smem:$0x3FC3] =	sst s2  }
0x8f: {  	_ = 	snop  }
0x90: {  	s2 =	sld [smem:$0x3FD0];
	_ =	sdelay $0x2  }
0x91: {  	s15 =	simm.s32 $0xA;
	s4 =	simm.s32 $0x10  }
0x92: {  	[smem:s4], [sflag:s15] =	dma.local [hbm:s2], $0x1  }
0x93: {  	_ =	swait.eq [sflag:s15], $0x1  }
0x94: {  	[sflag:s15] =	ssyncset.done $0x0  }
0x95: {  	s16 =	sld [smem:$0x10];
	[sflag:s15] =	ssyncadd.s32 $0xFFFFFFFF  }
0x96: {  	s17 =	sld [smem:$0x11];
	(tm) =	ssettm $0x1  }
0x97: {  	s18 =	sld [smem:$0x3FFB];
	_ =	sdelay $0x3  }
0x98: {  	_ =	strace s18  }
0x99: {  	s4 =	sld [smem:$0x3FFC];
	_ =	sdelay $0x3  }
0x9a: {  	_ =	strace s4  }
0x9b: {  	s4 =	sld [smem:$0x3FFD];
	_ =	sdelay $0x3  }
0x9c: {  	_ =	strace s4  }
0x9d: {  	_ =	strace $0x8FFFFFFF  }
0x9e: {  	s19 =	sld [smem:$0x3FDB];
	_ =	sdelay $0x1  }
0x9f: {  	s5 =	simm.s32 $_scs_section_size  }
0xa0: {  	s6 =	simm.s32 $_size__tile_overlayer_lowered;
	s7 =	simm.s32 $_tile_overlayer_lowered  }
0xa1: {  	s22 =	simm.s32 $0x1BFF;
	s21 =	sshll.u32 s7, $0x1;
	s4 =	sadd.s32 s5, s19  }
0xa2: {  	s8 =	simm.s32 $0x0;
	s20 =	sshll.u32 s6, $0x1;
	s6 =	sadd.s32 s21, s4  }
0xa3: {  	[timem:s8], [sflag:s22] =	dma.local [hbm:s6], s20  }
0xa4: {  	_ =	swait.ge [sflag:s22], s20  }
0xa5: {  	s5 =	ssub.s32 $0x0, s20;
	[sflag:s22] =	ssyncset.done $0x0  }
0xa6: {  	[sflag:s22] =	ssyncadd.s32 s5;
	_ =	sdelay $0x1  }
0xa7: {  	s23 =	simm.s32 $0x1B8B  }
0xa8: {  	_ =	swait.ge [sflag:s23], $0x1  }
0xa9: {  	[sflag:s23] =	ssyncset.done $0x0  }
0xaa: {  	s25 =	simm.s32 $0x1B8E;
	s24 =	sld [smem:$0x3FFE];
	[sflag:s23] =	ssyncadd.s32 $0xFFFFFFFF  }
0xab: {  	s26 =	simm.s32 $execute0_lowered;
	[smem:$0x3FD2] =	sst s25  }
0xac: {  	s6 =	sshll.u32 s26, $0x1;
	_ =	strace $0x80000046;
	[dreg:$0x1] =	wrdreg $0xFFFFFFFF  }
0xad: {  	s28 =	simm.s32 $_size_execute0_lowered;
	s4 =	sadd.s32 s4, s6;
	[dreg:$0x0] =	wrdreg $0x0  }
0xae: {  	s6 =	sshll.u32 s28, $0x1;
	[dreg:$0x2] =	wrdreg s4  }
0xaf: {  	[dreg:$0x3] =	wrdreg s6  }
0xb0: {  	[dreg:$0x4] =	wrdreg $0xC0  }
0xb1: {  	_ =	task [dreg:s8], $0x5FFFF  }
0xb2: {  	[dreg:$0x1] =	wrdreg $0xFFFFFFFF  }
0xb3: {  	[dreg:$0x0] =	wrdreg $0x60  }
0xb4: {  	[dreg:$0x2] =	wrdreg s17  }
0xb5: {  	[dreg:$0x3] =	wrdreg s16  }
0xb6: {  	[dreg:$0x4] =	wrdreg s24  }
0xb7: {  	[dreg:$0x5] =	wrdreg $0x9  }
0xb8: {  	_ =	task.clear_ibuf [dreg:s8], $0x6FFFF;
	_ =	strace $0x90000046  }
0xb9: {  	s29 =	simm.s32 $0x9;
	_ =	strace $0x80000048  }
0xba: {  	_ =	swait.ge [sflag:s29], $0x1  }
0xbb: {  	[sflag:s29] =	ssyncadd.s32 $0xFFFFFFFF  }
0xbc: {  	_ =	strace $0x90000048  }
0xbd: {  	_ =	sfence  }
0xbe: {  	s30 =	sld [smem:$0x0];
	_ =	sdelay $0x2  }
0xbf: {  	s31 =	sshll.u32 s1, $0xD;
	s1 =	sshrl.u32 s1, $0x2  }
0xc0: {  	s3 =	sand.u32 $0x4000, s31;
	s1 =	sadd.s32 s1, s30  }
0xc1: {  	s0 =	sor.u32 s3, s0;
	s1 =	sshll.u32 s1, $0x11  }
0xc2: {  	s0 =	sor.u32 s1, s0  }
0xc3: {  	s0 =	sadd.s32 $0x8F2B, s0  }
0xc4: {  	[sflag:s0] =	ssyncadd.remote.s32 $0x1  }
0xc5: {  	_ =	sfence.sel $0xFFFF  }
0xc6: {  	[dreg:$0x0] =	wrdreg $0xFFFFFFFF;
	(pc) =	sbr.abs _section_cstart, $3  }
0xc7: {  	[dreg:$0x1] =	wrdreg $0xFFFFFFFF  }
0xc8: {  	_ =	task.clear_ibuf [dreg:s8], $0x2FFFF;
	_ =	strace $0x9FFFFFFF  }
0xc9: {  	(tm) =	ssettm $0x7FFFFFFF  }
tec
execute0_lowered:
.L_overlay_start_1:
0x0: {  	(tag) =	ssettag $0x1  }
0x1: {  	s0 =	rddreg [dreg:$0x0]  }
0x2: {  	s1 =	rddreg [dreg:$0x1]  }
0x3: {  	s6 =	rddreg [dreg:$0x2];
	s2 =	simm.s32 $0x0  }
0x4: {  	s3 =	srdreg.scid;
	s5 =	stileid.u32;
	s12 =	simm.s32 $0x2800  }
0x5: {  	s13 =	simm.s32 $0x80;
	s14 =	simm.s32 $0xA000;
	s15 =	simm.s32 $0xC000  }
0x6: {  	s16 =	simm.s32 $0xE000;
	s17 =	simm.s32 $0x10000;
	s18 =	simm.s32 $0x12000  }
0x7: {  	s19 =	simm.s32 $0x14000;
	s20 =	simm.s32 $0x1;
	s21 =	simm.s32 $0x2  }
0x8: {  	s23 =	simm.s32 $0x7800;
	s4 =	sand.u32 $0x1, s3;
	s31 =	sshll.u32 s5, $0x1  }
0x9: {  	s24 =	simm.s32 $0x0;
	[smem:$0x7FF] =	sst s2;
	s5 =	sor.u32 s4, s31  }
0xa: {  	s3 =	sadd.s32 $0xF44E00, s6;
	s8 =	ssub.s32 $0x2, s4;
	s7 =	smul.u32 $0x500, s5  }
0xb: {  	v0 =	vlaneseq.u32;
	_ =	strace $0x80000047;
	s4 =	sadd.s32 $0x24CA00, s6;
	s9 =	sshrl.u32 s8, $0x1  }
0xc: {  	v56 =	vmul.u32 $0x40, v0;
	s5 =	sadd.s32 $0x189400, s6;
	s11 =	ssub.s32 s8, s9;
	s10 =	sadd.s32 s7, s6  }
0xd: {  	s6 =	sadd.s32 s0, s7;
	s7 =	sadd.s32 s1, s7;
	s8 =	sadd.s32 $0x2A00, s10  }
0xe: {  	[tilespmem:$0x1FFF0] =	vst v56;
	s9 =	sadd.s32 $0xCA00, s10;
	s10 =	smax.u32 s11, $0x1;
	s11 =	simm.s32 $0x3  }
.LBB2_1:
0xf: {  	[tilespmem:s2], [sflag:$0x3] =	stream.linear.gather [hbm4b:s6+s2], $0x2800, $0x38;
	[tilespmem:$0x16000] =	vst v63  }
0x10: {  	_ =	swait.ge [sflag:s11], $0x2800  }
0x11: {  	[sflag:s11] =	ssyncset.done $0x0  }
0x12: {  	[sflag:s11] =	ssyncadd.s32 $0xFFFFD800  }
0x13: {  	[tilespmem:s12], [sflag:$0x3] =	stream.linear.gather [hbm4b:s7+s2], $0x2800, $0x38;
	[tilespmem:$0x16000] =	vst v63  }
0x14: {  	_ =	swait.ge [sflag:s11], $0x2800  }
0x15: {  	[sflag:s11] =	ssyncset.done $0x0  }
0x16: {  	[sflag:s11] =	ssyncadd.s32 $0xFFFFD800  }
0x17: {  	[tilespmem:s14], [sflag:$0x1] =	stream.indirect.gather [hbm4b:s3+s13], $0x40, s2, s13, $0xb8;
	[tilespmem:$0x16000] =	vst v63  }
0x18: {  	s25 =	simm.s32 $0x7880;
	s26 =	simm.s32 $0x5080  }
0x19: {  	[tilespmem:s15], [sflag:$0x1] =	stream.indirect.gather [hbm4b:s4+s13], $0x40, s12, s13, $0xb8;
	[tilespmem:$0x16000] =	vst v63  }
0x1a: {  	s1 =	simm.s32 $0x5000;
	s0 =	simm.s32 $0x7800;
	s30 =	simm.s32 $0x0  }
0x1b: {  	[tilespmem:s16], [sflag:$0x1] =	stream.indirect.gather [hbm4b:s5+s13], $0x40, s12, s13, $0xb8;
	[tilespmem:$0x16000] =	vst v63  }
.LBB2_3:
0x1c: {  	s31 =	sshll.u32 s30, $0x8  }
0x1d: {  	s22 =	sor.u32 $0x80, s31  }
0x1e: {  	[tilespmem:s17], [sflag:$0x2] =	stream.indirect.gather [hbm4b:s3+s13], $0x40, s22, s13, $0xb8;
	[tilespmem:$0x16000] =	vst v63  }
0x1f: {  	s22 =	sadd.s32 $0x2880, s31  }
0x20: {  	[tilespmem:s18], [sflag:$0x2] =	stream.indirect.gather [hbm4b:s4+s13], $0x40, s22, s13, $0xb8;
	[tilespmem:$0x16000] =	vst v63  }
0x21: {  	_ = 	snop  }
0x22: {  	[tilespmem:s19], [sflag:$0x2] =	stream.indirect.gather [hbm4b:s5+s13], $0x40, s22, s13, $0xb8;
	[tilespmem:$0x16000] =	vst v63  }
0x23: {  	s22 =	simm.s32 $0x0;
	_ =	swait.ge [sflag:s20], $0x2000  }
0x24: {  	v0 =	vmov s22;
	[sflag:s20] =	ssyncset.done $0x0  }
0x25: {  	v0 =	vshll.u32 v0, $0x6;
	[sflag:s20] =	ssyncadd.s32 $0xFFFFE000  }
0x26: {  	v3 =	vor.u32 v56, v0;
	_ =	swait.ge [sflag:s20], $0x2000  }
0x27: {  	v0 =	vor.u32 $0x15, v3;
	[sflag:s20] =	ssyncset.done $0x0  }
0x28: {  	[sflag:s20] =	ssyncadd.s32 $0xFFFFE000  }
0x29: {  	v25 =	vor.u32 $0x9, v3;
	_ =	swait.ge [sflag:s20], $0x2000  }
0x2a: {  	v26 =	vor.u32 $0x8, v3;
	[sflag:s20] =	ssyncset.done $0x0  }
0x2b: {  	v27 =	vor.u32 $0x7, v3;
	[sflag:s20] =	ssyncadd.s32 $0xFFFFE000  }
0x2c: {  	v5 =	vor.u32 $0x14, v3;
	v1 =	vld.idx.msk [tilespmem:v0+s15+$0x0], $0xffff  }
0x2d: {  	v28 =	vor.u32 $0x6, v3  }
0x2e: {  	v29 =	vor.u32 $0x5, v3;
	v46 =	vld.idx.msk [tilespmem:v25+s15+$0x0], $0xffff  }
0x2f: {  	v30 =	vor.u32 $0x4, v3;
	v44 =	vld.idx.msk [tilespmem:v26+s15+$0x0], $0xffff  }
0x30: {  	v31 =	vor.u32 $0x3, v3;
	v43 =	vld.idx.msk [tilespmem:v27+s15+$0x0], $0xffff  }
0x31: {  	v19 =	vor.u32 $0x13, v3;
	[tilespmem:$0x1FB20] =	vst v1;
	v1 =	vld.idx.msk [tilespmem:v5+s15+$0x0], $0xffff  }
0x32: {  	v32 =	vor.u32 $0x2, v3;
	v39 =	vld.idx.msk [tilespmem:v28+s15+$0x0], $0xffff  }
0x33: {  	v33 =	vor.u32 $0x1, v3;
	v38 =	vld.idx.msk [tilespmem:v29+s15+$0x0], $0xffff  }
0x34: {  	v36 =	vld.idx.msk [tilespmem:v30+s15+$0x0], $0xffff  }
0x35: {  	v34 =	vld.idx.msk [tilespmem:v31+s15+$0x0], $0xffff  }
0x36: {  	v14 =	vor.u32 $0x12, v3;
	[tilespmem:$0x1FB10] =	vst v1;
	v1 =	vld.idx.msk [tilespmem:v19+s15+$0x0], $0xffff  }
0x37: {  	v35 =	vld.idx.msk [tilespmem:v32+s15+$0x0], $0xffff  }
0x38: {  	v37 =	vld.idx.msk [tilespmem:v33+s15+$0x0], $0xffff  }
0x39: {  	v40 =	vld.idx.msk [tilespmem:v33+s14+$0x0], $0xffff  }
0x3a: {  	v33 =	vld.idx.msk [tilespmem:v33+s16+$0x0], $0xffff  }
0x3b: {  	v18 =	vor.u32 $0x11, v3;
	[tilespmem:$0x1FB00] =	vst v1;
	v1 =	vld.idx.msk [tilespmem:v14+s15+$0x0], $0xffff  }
0x3c: {  	v41 =	vld.idx.msk [tilespmem:v32+s14+$0x0], $0xffff  }
0x3d: {  	v42 =	vld.idx.msk [tilespmem:v32+s16+$0x0], $0xffff  }
0x3e: {  	v45 =	vld.idx.msk [tilespmem:v31+s14+$0x0], $0xffff  }
0x3f: {  	v47 =	vld.idx.msk [tilespmem:v31+s16+$0x0], $0xffff  }
0x40: {  	v15 =	vor.u32 $0x10, v3;
	[tilespmem:$0x1FAF0] =	vst v1;
	v1 =	vld.idx.msk [tilespmem:v18+s15+$0x0], $0xffff  }
0x41: {  	v48 =	vld.idx.msk [tilespmem:v30+s14+$0x0], $0xffff  }
0x42: {  	v49 =	vld.idx.msk [tilespmem:v30+s16+$0x0], $0xffff  }
0x43: {  	v50 =	vld.idx.msk [tilespmem:v29+s14+$0x0], $0xffff  }
0x44: {  	v52 =	vld.idx.msk [tilespmem:v28+s14+$0x0], $0xffff  }
0x45: {  	v13 =	vor.u32 $0xF, v3;
	[tilespmem:$0x1FAE0] =	vst v1;
	v1 =	vld.idx.msk [tilespmem:v15+s15+$0x0], $0xffff  }
0x46: {  	v53 =	vld.idx.msk [tilespmem:v28+s16+$0x0], $0xffff  }
0x47: {  	v54 =	vld.idx.msk [tilespmem:v27+s14+$0x0], $0xffff  }
0x48: {  	v23 =	vor.u32 $0xB, v3;
	v56 =	vld.idx.msk [tilespmem:v27+s16+$0x0], $0xffff  }
0x49: {  	v57 =	vld.idx.msk [tilespmem:v26+s14+$0x0], $0xffff  }
0x4a: {  	v20 =	vor.u32 $0xE, v3;
	[tilespmem:$0x1FAD0] =	vst v1;
	v1 =	vld.idx.msk [tilespmem:v13+s15+$0x0], $0xffff  }
0x4b: {  	v22 =	vor.u32 $0xC, v3;
	v59 =	vld.idx.msk [tilespmem:v25+s14+$0x0], $0xffff  }
0x4c: {  	v60 =	vld.idx.msk [tilespmem:v25+s16+$0x0], $0xffff  }
0x4d: {  	v21 =	vor.u32 $0xD, v3;
	v63 =	vld.idx.msk [tilespmem:v23+s14+$0x0], $0xffff  }
0x4e: {  	v9 =	vld.idx.msk [tilespmem:v23+s16+$0x0], $0xffff  }
0x4f: {  	[tilespmem:$0x1FAC0] =	vst v1;
	v1 =	vld.idx.msk [tilespmem:v20+s15+$0x0], $0xffff  }
0x50: {  	v4 =	vld.idx.msk [tilespmem:v22+s14+$0x0], $0xffff  }
0x51: {  	v10 =	vld.idx.msk [tilespmem:v22+s16+$0x0], $0xffff  }
0x52: {  	v6 =	vld.idx.msk [tilespmem:v21+s14+$0x0], $0xffff  }
0x53: {  	v11 =	vld.idx.msk [tilespmem:v21+s16+$0x0], $0xffff  }
0x54: {  	[tilespmem:$0x1FAB0] =	vst v1;
	v1 =	vld.idx.msk [tilespmem:v21+s15+$0x0], $0xffff  }
0x55: {  	v7 =	vld.idx.msk [tilespmem:v20+s14+$0x0], $0xffff  }
0x56: {  	v12 =	vld.idx.msk [tilespmem:v20+s16+$0x0], $0xffff  }
0x57: {  	v32 =	vld.idx.msk [tilespmem:v5+s16+$0x0], $0xffff  }
0x58: {  	v25 =	vld.idx.msk [tilespmem:v3+s15+$0x0], $0xffff  }
0x59: {  	[tilespmem:$0x1FAA0] =	vst v1;
	v1 =	vld.idx.msk [tilespmem:v22+s15+$0x0], $0xffff  }
0x5a: {  	v20 =	vld.idx.msk [tilespmem:v14+s14+$0x0], $0xffff  }
0x5b: {  	v21 =	vld.idx.msk [tilespmem:v14+s16+$0x0], $0xffff  }
0x5c: {  	v14 =	vld.idx.msk [tilespmem:v19+s14+$0x0], $0xffff  }
0x5d: {  	v22 =	vld.idx.msk [tilespmem:v0+s14+$0x0], $0xffff  }
0x5e: {  	[tilespmem:$0x1FA90] =	vst v1;
	v1 =	vld.idx.msk [tilespmem:v23+s15+$0x0], $0xffff  }
0x5f: {  	v23 =	vld.idx.msk [tilespmem:v19+s16+$0x0], $0xffff  }
0x60: {  	v19 =	vld.idx.msk [tilespmem:v5+s14+$0x0], $0xffff;
	v5 =	vor.u32 $0x16, v3  }
0x61: {  	v0 =	vld.idx.msk [tilespmem:v0+s16+$0x0], $0xffff  }
0x62: {  	v27 =	vld.idx.msk [tilespmem:v3+s14+$0x0], $0xffff  }
0x63: {  	v30 =	vor.u32 $0x17, v3;
	v31 =	vld.idx.msk [tilespmem:v3+s16+$0x0], $0xffff  }
0x64: {  	v58 =	vld.idx.msk [tilespmem:v26+s16+$0x0], $0xffff  }
0x65: {  	[tilespmem:$0x1FA80] =	vst v1;
	v1 =	vld.idx.msk [tilespmem:v5+s16+$0x0], $0xffff  }
0x66: {  	[tilespmem:$0x1FB30] =	vst v0;
	v0 =	vor.u32 $0x18, v3;
	v28 =	vld.idx.msk [tilespmem:v5+s15+$0x0], $0xffff  }
0x67: {  	v26 =	vld.idx.msk [tilespmem:v5+s14+$0x0], $0xffff;
	v5 =	vmul.f32 v25, v27  }
0x68: {  	v2 =	vmul.f32 v31, v27;
	v31 =	vld.idx.msk [tilespmem:v30+s16+$0x0], $0xffff  }
0x69: {  	v37 =	vmul.f32 v37, v40;
	v27 =	vld.idx.msk [tilespmem:v30+s14+$0x0], $0xffff;
	v5 =	vadd.f32 $0.0e+00, v5  }
0x6a: {  	[tilespmem:$0x1FB40] =	vst v1;
	v1 =	vld.idx.msk [tilespmem:v30+s15+$0x0], $0xffff  }
0x6b: {  	v40 =	vmul.f32 v33, v40;
	v35 =	vmul.f32 v35, v41;
	v33 =	vld.idx.msk [tilespmem:v0+s14+$0x0], $0xffff;
	v5 =	vadd.f32 v37, v5  }
0x6c: {  	v25 =	vld.idx.msk [tilespmem:v0+s16+$0x0], $0xffff  }
0x6d: {  	v24 =	vor.u32 $0xA, v3;
	v30 =	vld.idx.msk [tilespmem:v0+s15+$0x0], $0xffff;
	v0 =	vadd.f32 v35, v5;
	v5 =	vmul.f32 v34, v45;
	_ =	sdelay $0x1  }
0x6e: {  	v0 =	vadd.f32 v5, v0;
	v5 =	vmul.f32 v36, v48;
	[tilespmem:$0x1FB50] =	vst v1;
	v1 =	vor.u32 $0x19, v3  }
0x6f: {  	v2 =	vadd.f32 $0.0e+00, v2  }
0x70: {  	v0 =	vadd.f32 v5, v0;
	v5 =	vmul.f32 v38, v50  }
0x71: {  	v17 =	vld.idx.msk [tilespmem:v24+s15+$0x0], $0xffff;
	v41 =	vmul.f32 v42, v41;
	v40 =	vadd.f32 v40, v2  }
0x72: {  	v51 =	vld.idx.msk [tilespmem:v29+s16+$0x0], $0xffff;
	v0 =	vadd.f32 v5, v0;
	v5 =	vmul.f32 v39, v52  }
0x73: {  	v42 =	vmul.f32 v47, v45;
	v41 =	vadd.f32 v41, v40;
	v29 =	vld.idx.msk [tilespmem:v1+s15+$0x0], $0xffff  }
0x74: {  	v0 =	vadd.f32 v5, v0;
	v5 =	vmul.f32 v43, v54;
	v35 =	vld.idx.msk [tilespmem:v1+s14+$0x0], $0xffff  }
0x75: {  	v49 =	vmul.f32 v49, v48;
	v40 =	vld.idx.msk [tilespmem:v1+s16+$0x0], $0xffff;
	v1 =	vadd.f32 v42, v41  }
0x76: {  	v61 =	vld.idx.msk [tilespmem:v24+s14+$0x0], $0xffff;
	v0 =	vadd.f32 v5, v0;
	v5 =	vmul.f32 v44, v57  }
0x77: {  	v62 =	vld.idx.msk [tilespmem:v24+s16+$0x0], $0xffff;
	v51 =	vmul.f32 v51, v50;
	v1 =	vadd.f32 v49, v1  }
0x78: {  	v5 =	vadd.f32 v5, v0;
	v0 =	vld [tilespmem:$0x1FA80]  }
0x79: {  	v53 =	vmul.f32 v53, v52;
	v1 =	vadd.f32 v51, v1;
	_ =	sdelay $0x1  }
0x7a: {  	v56 =	vmul.f32 v56, v54;
	v1 =	vadd.f32 v53, v1  }
0x7b: {  	v17 =	vmul.f32 v17, v61;
	v61 =	vmul.f32 v62, v61  }
0x7c: {  	v1 =	vadd.f32 v56, v1;
	v56 =	vor.u32 $0x3F, v3;
	v62 =	vmul.f32 v0, v63;
	v0 =	vld [tilespmem:$0x1FA90];
	_ =	sdelay $0x4  }
0x7d: {  	v34 =	vmul.f32 v58, v57;
	v57 =	vor.u32 $0x3E, v3;
	v54 =	vmul.f32 v0, v4;
	v0 =	vld.idx.msk [tilespmem:v56+s15+$0x0], $0xffff;
	_ =	sdelay $0x4  }
0x7e: {  	[tilespmem:$0x1FBA0] =	vst v0;
	v0 =	vld.idx.msk [tilespmem:v57+s15+$0x0], $0xffff;
	_ =	sdelay $0x1  }
0x7f: {  	v52 =	vmul.f32 v46, v59  }
0x80: {  	v1 =	vadd.f32 v34, v1;
	v34 =	vmul.f32 v60, v59  }
0x81: {  	v60 =	vadd.f32 v52, v5  }
0x82: {  	v1 =	vadd.f32 v34, v1;
	v34 =	vor.u32 $0x3D, v3;
	[tilespmem:$0x1FB90] =	vst v0;
	v0 =	vld [tilespmem:$0x1FAA0]  }
0x83: {  	v17 =	vadd.f32 v17, v60;
	_ =	sdelay $0x1  }
0x84: {  	v17 =	vadd.f32 v62, v17;
	_ =	sdelay $0x1  }
0x85: {  	v4 =	vmul.f32 v10, v4;
	v10 =	vadd.f32 v54, v17;
	v17 =	vmul.f32 v0, v6;
	v0 =	vld.idx.msk [tilespmem:v34+s15+$0x0], $0xffff;
	_ =	sdelay $0x4  }
0x86: {  	[tilespmem:$0x1FB80] =	vst v0;
	v0 =	vld [tilespmem:$0x1FAB0]  }
0x87: {  	v9 =	vmul.f32 v9, v63;
	v1 =	vadd.f32 v61, v1;
	_ =	sdelay $0x1  }
0x88: {  	v9 =	vadd.f32 v9, v1  }
0x89: {  	v8 =	vld.idx.msk [tilespmem:v13+s14+$0x0], $0xffff  }
0x8a: {  	v4 =	vadd.f32 v4, v9;
	v9 =	vadd.f32 v17, v10;
	v10 =	vmul.f32 v0, v7;
	v0 =	vld [tilespmem:$0x1FAC0];
	_ =	sdelay $0x2  }
0x8b: {  	v16 =	vld.idx.msk [tilespmem:v13+s16+$0x0], $0xffff  }
0x8c: {  	v13 =	vld.idx.msk [tilespmem:v15+s14+$0x0], $0xffff  }
0x8d: {  	v6 =	vmul.f32 v11, v6;
	v9 =	vadd.f32 v10, v9;
	v10 =	vmul.f32 v0, v8;
	v0 =	vld [tilespmem:$0x1FAD0];
	_ =	sdelay $0x1  }
0x8e: {  	v4 =	vadd.f32 v6, v4;
	v6 =	vmul.f32 v12, v7  }
0x8f: {  	v55 =	vld.idx.msk [tilespmem:v15+s16+$0x0], $0xffff  }
0x90: {  	v15 =	vld.idx.msk [tilespmem:v18+s14+$0x0], $0xffff;
	v4 =	vadd.f32 v6, v4  }
0x91: {  	v6 =	vmul.f32 v16, v8;
	v8 =	vadd.f32 v10, v9;
	v10 =	vmul.f32 v0, v13;
	v0 =	vld [tilespmem:$0x1FAE0];
	_ =	sdelay $0x4  }
0x92: {  	v24 =	vor.u32 $0x3C, v3;
	v8 =	vadd.f32 v10, v8;
	v10 =	vmul.f32 v0, v15;
	v0 =	vld [tilespmem:$0x1FAF0];
	_ =	sdelay $0x1  }
0x93: {  	v47 =	vor.u32 $0x1C, v3  }
0x94: {  	v37 =	vor.u32 $0x1A, v3;
	_ =	sdelay $0x1  }
0x95: {  	v9 =	vor.u32 $0x3B, v3;
	v16 =	vmul.f32 v0, v20;
	v0 =	vld.idx.msk [tilespmem:v24+s15+$0x0], $0xffff  }
0x96: {  	v18 =	vld.idx.msk [tilespmem:v18+s16+$0x0], $0xffff;
	v45 =	vor.u32 $0x1B, v3  }
0x97: {  	v48 =	vld.idx.msk [tilespmem:v47+s16+$0x0], $0xffff  }
0x98: {  	v36 =	vld.idx.msk [tilespmem:v37+s15+$0x0], $0xffff  }
0x99: {  	v38 =	vld.idx.msk [tilespmem:v37+s14+$0x0], $0xffff  }
0x9a: {  	[tilespmem:$0x1FB70] =	vst v0;
	v0 =	vld.idx.msk [tilespmem:v9+s15+$0x0], $0xffff  }
0x9b: {  	v39 =	vld.idx.msk [tilespmem:v45+s15+$0x0], $0xffff  }
0x9c: {  	v43 =	vld.idx.msk [tilespmem:v47+s15+$0x0], $0xffff  }
0x9d: {  	v42 =	vld.idx.msk [tilespmem:v37+s16+$0x0], $0xffff;
	v49 =	vor.u32 $0x1D, v3  }
0x9e: {  	v41 =	vld.idx.msk [tilespmem:v45+s14+$0x0], $0xffff  }
0x9f: {  	[tilespmem:$0x1FB60] =	vst v0;
	v0 =	vld [tilespmem:$0x1FB00]  }
0xa0: {  	v45 =	vld.idx.msk [tilespmem:v45+s16+$0x0], $0xffff  }
0xa1: {  	v37 =	vor.u32 $0x20, v3;
	v44 =	vld.idx.msk [tilespmem:v47+s14+$0x0], $0xffff  }
0xa2: {  	v53 =	vor.u32 $0x1E, v3;
	v46 =	vld.idx.msk [tilespmem:v49+s15+$0x0], $0xffff  }
0xa3: {  	v47 =	vld.idx.msk [tilespmem:v49+s14+$0x0], $0xffff  }
0xa4: {  	v17 =	vmul.f32 v0, v14;
	v0 =	vld [tilespmem:$0x1FB10]  }
0xa5: {  	v58 =	vor.u32 $0x1F, v3;
	v50 =	vld.idx.msk [tilespmem:v49+s16+$0x0], $0xffff;
	v12 =	vadd.f32 v10, v8  }
0xa6: {  	v63 =	vld.idx.msk [tilespmem:v37+s14+$0x0], $0xffff;
	v4 =	vadd.f32 v6, v4;
	v6 =	vmul.f32 v55, v13  }
0xa7: {  	v51 =	vld.idx.msk [tilespmem:v53+s15+$0x0], $0xffff;
	v16 =	vadd.f32 v16, v12  }
0xa8: {  	v52 =	vld.idx.msk [tilespmem:v53+s14+$0x0], $0xffff;
	v4 =	vadd.f32 v6, v4;
	v6 =	vmul.f32 v18, v15  }
0xa9: {  	v59 =	vor.u32 $0x21, v3;
	v53 =	vld.idx.msk [tilespmem:v53+s16+$0x0], $0xffff;
	v16 =	vadd.f32 v17, v16;
	v0 =	vmul.f32 v0, v19  }
0xaa: {  	v60 =	vld.idx.msk [tilespmem:v58+s16+$0x0], $0xffff;
	v4 =	vadd.f32 v6, v4;
	v6 =	vmul.f32 v21, v20  }
0xab: {  	v2 =	vadd.f32 v0, v16;
	v0 =	vld [tilespmem:$0x1FB20]  }
0xac: {  	v61 =	vld.idx.msk [tilespmem:v58+s15+$0x0], $0xffff;
	v4 =	vadd.f32 v6, v4;
	v6 =	vmul.f32 v23, v14  }
0xad: {  	v62 =	vld.idx.msk [tilespmem:v58+s14+$0x0], $0xffff  }
0xae: {  	v49 =	vld.idx.msk [tilespmem:v59+s15+$0x0], $0xffff;
	v11 =	vor.u32 $0x3A, v3;
	v4 =	vadd.f32 v6, v4;
	v6 =	vmul.f32 v32, v19  }
0xaf: {  	v54 =	vld.idx.msk [tilespmem:v37+s15+$0x0], $0xffff  }
0xb0: {  	v4 =	vadd.f32 v6, v4;
	v6 =	vld [tilespmem:$0x1FB30];
	v1 =	vmul.f32 v0, v22  }
0xb1: {  	v5 =	vor.u32 $0x24, v3;
	v37 =	vld.idx.msk [tilespmem:v37+s16+$0x0], $0xffff  }
0xb2: {  	v2 =	vadd.f32 v1, v2;
	v1 =	vld [tilespmem:$0x1FB40]  }
0xb3: {  	v58 =	vld.idx.msk [tilespmem:v11+s15+$0x0], $0xffff;
	v23 =	vor.u32 $0x34, v3  }
0xb4: {  	v55 =	vld.idx.msk [tilespmem:v59+s14+$0x0], $0xffff;
	v15 =	vor.u32 $0x38, v3  }
0xb5: {  	v59 =	vld.idx.msk [tilespmem:v59+s16+$0x0], $0xffff;
	v18 =	vor.u32 $0x37, v3;
	v6 =	vmul.f32 v6, v22  }
0xb6: {  	v7 =	vld.idx.msk [tilespmem:v5+s15+$0x0], $0xffff;
	v20 =	vor.u32 $0x36, v3  }
0xb7: {  	v21 =	vor.u32 $0x35, v3;
	v4 =	vadd.f32 v6, v4;
	v6 =	vmul.f32 v1, v26;
	v1 =	vld [tilespmem:$0x1FB50]  }
0xb8: {  	v32 =	vor.u32 $0x23, v3;
	v12 =	vld.idx.msk [tilespmem:v23+s15+$0x0], $0xffff  }
0xb9: {  	v17 =	vld.idx.msk [tilespmem:v15+s15+$0x0], $0xffff;
	v0 =	vor.u32 $0x22, v3  }
0xba: {  	v28 =	vmul.f32 v28, v26;
	v19 =	vld.idx.msk [tilespmem:v18+s15+$0x0], $0xffff  }
0xbb: {  	v16 =	vld.idx.msk [tilespmem:v20+s15+$0x0], $0xffff  }
0xbc: {  	v22 =	vld.idx.msk [tilespmem:v21+s15+$0x0], $0xffff;
	v2 =	vadd.f32 v28, v2;
	v26 =	vmul.f32 v1, v27  }
0xbd: {  	v28 =	vld.idx.msk [tilespmem:v32+s15+$0x0], $0xffff;
	v4 =	vadd.f32 v6, v4;
	v6 =	vmul.f32 v31, v27  }
0xbe: {  	v39 =	vmul.f32 v39, v41;
	v1 =	vld.idx.msk [tilespmem:v0+s15+$0x0], $0xffff;
	v2 =	vadd.f32 v26, v2;
	v26 =	vmul.f32 v30, v33  }
0xbf: {  	v45 =	vmul.f32 v45, v41;
	v4 =	vadd.f32 v6, v4;
	v6 =	vmul.f32 v25, v33;
	v30 =	vld.idx.msk [tilespmem:v0+s14+$0x0], $0xffff  }
0xc0: {  	v25 =	vor.u32 $0x33, v3;
	v33 =	vld.idx.msk [tilespmem:v0+s16+$0x0], $0xffff;
	v0 =	vadd.f32 v26, v2;
	v2 =	vmul.f32 v29, v35  }
0xc1: {  	v4 =	vadd.f32 v6, v4;
	v6 =	vmul.f32 v40, v35;
	v26 =	vld.idx.msk [tilespmem:v32+s14+$0x0], $0xffff;
	v29 =	vor.u32 $0x31, v3  }
0xc2: {  	v31 =	vor.u32 $0x30, v3;
	v32 =	vld.idx.msk [tilespmem:v32+s16+$0x0], $0xffff;
	v0 =	vadd.f32 v2, v0;
	v2 =	vmul.f32 v36, v38  }
0xc3: {  	v41 =	vor.u32 $0x2D, v3;
	v6 =	vadd.f32 v6, v4;
	v35 =	vld.idx.msk [tilespmem:v5+s14+$0x0], $0xffff;
	v36 =	vmul.f32 v42, v38  }
0xc4: {  	v13 =	vor.u32 $0x39, v3;
	v5 =	vld.idx.msk [tilespmem:v5+s16+$0x0], $0xffff;
	v38 =	vor.u32 $0x2F, v3;
	v2 =	vadd.f32 v2, v0  }
0xc5: {  	v40 =	vor.u32 $0x2E, v3;
	v10 =	vld.idx.msk [tilespmem:v25+s15+$0x0], $0xffff;
	v42 =	vmul.f32 v43, v44;
	v6 =	vadd.f32 v36, v6  }
0xc6: {  	v36 =	vmul.f32 v48, v44;
	v44 =	vor.u32 $0x2B, v3;
	v4 =	vld.idx.msk [tilespmem:v29+s15+$0x0], $0xffff;
	v39 =	vadd.f32 v39, v2  }
0xc7: {  	v27 =	vor.u32 $0x32, v3;
	v43 =	vor.u32 $0x2C, v3;
	v6 =	vadd.f32 v45, v6;
	v45 =	vld.idx.msk [tilespmem:v31+s15+$0x0], $0xffff  }
0xc8: {  	v2 =	vld.idx.msk [tilespmem:v41+s15+$0x0], $0xffff;
	v39 =	vadd.f32 v42, v39;
	v42 =	vmul.f32 v46, v47;
	v46 =	vor.u32 $0x2A, v3  }
0xc9: {  	v48 =	vld.idx.msk [tilespmem:v38+s15+$0x0], $0xffff;
	v6 =	vadd.f32 v36, v6;
	v36 =	vmul.f32 v50, v47;
	v47 =	vor.u32 $0x29, v3  }
0xca: {  	v50 =	vld.idx.msk [tilespmem:v40+s15+$0x0], $0xffff;
	v39 =	vadd.f32 v42, v39;
	v42 =	vmul.f32 v51, v52;
	v51 =	vor.u32 $0x28, v3  }
0xcb: {  	v0 =	vld.idx.msk [tilespmem:v44+s15+$0x0], $0xffff;
	v6 =	vadd.f32 v36, v6;
	v36 =	vmul.f32 v53, v52;
	v52 =	vor.u32 $0x27, v3  }
0xcc: {  	v53 =	vld.idx.msk [tilespmem:v43+s15+$0x0], $0xffff;
	v39 =	vadd.f32 v42, v39;
	v42 =	vmul.f32 v61, v62;
	v61 =	vor.u32 $0x26, v3  }
0xcd: {  	v6 =	vadd.f32 v36, v6;
	v36 =	vmul.f32 v60, v62;
	v3 =	vor.u32 $0x25, v3;
	v60 =	vld.idx.msk [tilespmem:v46+s15+$0x0], $0xffff  }
0xce: {  	v39 =	vadd.f32 v42, v39;
	v42 =	vmul.f32 v54, v63;
	v54 =	vld.idx.msk [tilespmem:v47+s15+$0x0], $0xffff  }
0xcf: {  	v62 =	vmul.f32 v37, v63;
	v6 =	vadd.f32 v36, v6;
	v37 =	vld.idx.msk [tilespmem:v51+s15+$0x0], $0xffff  }
0xd0: {  	v63 =	vmul.f32 v49, v55;
	v49 =	vld.idx.msk [tilespmem:v52+s15+$0x0], $0xffff;
	v39 =	vadd.f32 v42, v39  }
0xd1: {  	v59 =	vmul.f32 v59, v55;
	v6 =	vadd.f32 v62, v6;
	v62 =	vld.idx.msk [tilespmem:v61+s15+$0x0], $0xffff  }
0xd2: {  	v1 =	vmul.f32 v1, v30;
	v36 =	vld.idx.msk [tilespmem:v3+s14+$0x0], $0xffff;
	v39 =	vadd.f32 v63, v39  }
0xd3: {  	v30 =	vmul.f32 v33, v30;
	v63 =	vld.idx.msk [tilespmem:v3+s15+$0x0], $0xffff;
	v6 =	vadd.f32 v59, v6  }
0xd4: {  	v28 =	vmul.f32 v28, v26;
	v3 =	vld.idx.msk [tilespmem:v3+s16+$0x0], $0xffff;
	v1 =	vadd.f32 v1, v39  }
0xd5: {  	v26 =	vmul.f32 v32, v26;
	v6 =	vadd.f32 v30, v6;
	v30 =	vld.idx.msk [tilespmem:v61+s14+$0x0], $0xffff  }
0xd6: {  	v7 =	vmul.f32 v7, v35;
	v39 =	vld.idx.msk [tilespmem:v61+s16+$0x0], $0xffff;
	v1 =	vadd.f32 v28, v1  }
0xd7: {  	v5 =	vmul.f32 v5, v35;
	v28 =	vld.idx.msk [tilespmem:v52+s14+$0x0], $0xffff;
	v6 =	vadd.f32 v26, v6  }
0xd8: {  	v26 =	vld.idx.msk [tilespmem:v52+s16+$0x0], $0xffff;
	v1 =	vadd.f32 v7, v1;
	v7 =	vmul.f32 v63, v36  }
0xd9: {  	v52 =	vld.idx.msk [tilespmem:v51+s14+$0x0], $0xffff;
	v3 =	vmul.f32 v3, v36;
	v5 =	vadd.f32 v5, v6  }
0xda: {  	v6 =	vld.idx.msk [tilespmem:v51+s16+$0x0], $0xffff;
	v1 =	vadd.f32 v7, v1;
	v7 =	vmul.f32 v62, v30  }
0xdb: {  	v59 =	vld.idx.msk [tilespmem:v47+s14+$0x0], $0xffff;
	v3 =	vadd.f32 v3, v5;
	v5 =	vmul.f32 v39, v30  }
0xdc: {  	v30 =	vld.idx.msk [tilespmem:v47+s16+$0x0], $0xffff;
	v1 =	vadd.f32 v7, v1;
	v7 =	vmul.f32 v49, v28  }
0xdd: {  	v61 =	vld.idx.msk [tilespmem:v46+s14+$0x0], $0xffff;
	v3 =	vadd.f32 v5, v3;
	v5 =	vmul.f32 v26, v28  }
0xde: {  	v26 =	vld.idx.msk [tilespmem:v46+s16+$0x0], $0xffff;
	v1 =	vadd.f32 v7, v1;
	v7 =	vmul.f32 v37, v52  }
0xdf: {  	v28 =	vld.idx.msk [tilespmem:v44+s14+$0x0], $0xffff;
	v3 =	vadd.f32 v5, v3;
	v5 =	vmul.f32 v6, v52  }
0xe0: {  	v6 =	vld.idx.msk [tilespmem:v44+s16+$0x0], $0xffff;
	v1 =	vadd.f32 v7, v1;
	v7 =	vmul.f32 v54, v59  }
0xe1: {  	v62 =	vld.idx.msk [tilespmem:v43+s14+$0x0], $0xffff;
	v3 =	vadd.f32 v5, v3;
	v5 =	vmul.f32 v30, v59  }
0xe2: {  	v30 =	vld.idx.msk [tilespmem:v43+s16+$0x0], $0xffff;
	v1 =	vadd.f32 v7, v1;
	v7 =	vmul.f32 v60, v61  }
0xe3: {  	v63 =	vld.idx.msk [tilespmem:v41+s14+$0x0], $0xffff;
	v3 =	vadd.f32 v5, v3;
	v5 =	vmul.f32 v26, v61  }
0xe4: {  	v0 =	vmul.f32 v0, v28;
	v26 =	vld.idx.msk [tilespmem:v41+s16+$0x0], $0xffff;
	v1 =	vadd.f32 v7, v1  }
0xe5: {  	v7 =	vld.idx.msk [tilespmem:v40+s14+$0x0], $0xffff;
	v3 =	vadd.f32 v5, v3;
	v5 =	vmul.f32 v6, v28  }
0xe6: {  	v6 =	vld.idx.msk [tilespmem:v40+s16+$0x0], $0xffff;
	v0 =	vadd.f32 v0, v1;
	v1 =	vmul.f32 v53, v62  }
0xe7: {  	v28 =	vld.idx.msk [tilespmem:v38+s14+$0x0], $0xffff;
	v3 =	vadd.f32 v5, v3;
	v5 =	vmul.f32 v30, v62  }
0xe8: {  	v30 =	vld.idx.msk [tilespmem:v38+s16+$0x0], $0xffff;
	v0 =	vadd.f32 v1, v0;
	v1 =	vmul.f32 v2, v63  }
0xe9: {  	v2 =	vld.idx.msk [tilespmem:v31+s14+$0x0], $0xffff;
	v3 =	vadd.f32 v5, v3  }
0xea: {  	v5 =	vmul.f32 v26, v63;
	v26 =	vld.idx.msk [tilespmem:v31+s16+$0x0], $0xffff;
	v0 =	vadd.f32 v1, v0;
	v1 =	vmul.f32 v50, v7  }
0xeb: {  	v31 =	vld.idx.msk [tilespmem:v29+s14+$0x0], $0xffff  }
0xec: {  	v8 =	vld.idx.msk [tilespmem:v27+s15+$0x0], $0xffff;
	v0 =	vadd.f32 v1, v0;
	v1 =	vmul.f32 v48, v28  }
0xed: {  	v3 =	vadd.f32 v5, v3;
	v5 =	vmul.f32 v6, v7;
	v7 =	vld.idx.msk [tilespmem:v27+s14+$0x0], $0xffff  }
0xee: {  	v6 =	vld.idx.msk [tilespmem:v29+s16+$0x0], $0xffff;
	v0 =	vadd.f32 v1, v0;
	v1 =	vmul.f32 v45, v2  }
0xef: {  	v3 =	vadd.f32 v5, v3;
	v5 =	vmul.f32 v30, v28;
	v28 =	vld.idx.msk [tilespmem:v25+s14+$0x0], $0xffff  }
0xf0: {  	v27 =	vld.idx.msk [tilespmem:v27+s16+$0x0], $0xffff;
	v0 =	vadd.f32 v1, v0;
	v1 =	vmul.f32 v4, v31  }
0xf1: {  	v3 =	vadd.f32 v5, v3;
	v2 =	vmul.f32 v26, v2;
	v4 =	vld.idx.msk [tilespmem:v23+s14+$0x0], $0xffff  }
0xf2: {  	v5 =	vld.idx.msk [tilespmem:v25+s16+$0x0], $0xffff;
	v0 =	vadd.f32 v1, v0;
	v1 =	vmul.f32 v8, v7  }
0xf3: {  	v2 =	vadd.f32 v2, v3;
	v3 =	vmul.f32 v6, v31;
	v8 =	vld.idx.msk [tilespmem:v21+s14+$0x0], $0xffff  }
0xf4: {  	v6 =	vld.idx.msk [tilespmem:v23+s16+$0x0], $0xffff;
	v0 =	vadd.f32 v1, v0;
	v1 =	vmul.f32 v10, v28  }
0xf5: {  	v2 =	vadd.f32 v3, v2;
	v3 =	vmul.f32 v27, v7;
	v10 =	vld.idx.msk [tilespmem:v20+s14+$0x0], $0xffff  }
0xf6: {  	v7 =	vld.idx.msk [tilespmem:v21+s16+$0x0], $0xffff;
	v0 =	vadd.f32 v1, v0;
	v1 =	vmul.f32 v12, v4  }
0xf7: {  	v2 =	vadd.f32 v3, v2;
	v3 =	vmul.f32 v5, v28;
	v12 =	vld.idx.msk [tilespmem:v18+s14+$0x0], $0xffff  }
0xf8: {  	v5 =	vld.idx.msk [tilespmem:v20+s16+$0x0], $0xffff;
	v0 =	vadd.f32 v1, v0;
	v1 =	vmul.f32 v22, v8  }
0xf9: {  	v2 =	vadd.f32 v3, v2;
	v3 =	vmul.f32 v6, v4;
	v6 =	vld.idx.msk [tilespmem:v15+s14+$0x0], $0xffff  }
0xfa: {  	v14 =	vld.idx.msk [tilespmem:v13+s15+$0x0], $0xffff;
	v0 =	vadd.f32 v1, v0;
	v1 =	vmul.f32 v16, v10  }
0xfb: {  	v2 =	vadd.f32 v3, v2;
	v3 =	vmul.f32 v7, v8;
	v8 =	vld.idx.msk [tilespmem:v13+s14+$0x0], $0xffff  }
0xfc: {  	v4 =	vld.idx.msk [tilespmem:v18+s16+$0x0], $0xffff;
	v0 =	vadd.f32 v1, v0;
	v1 =	vmul.f32 v19, v12  }
0xfd: {  	v2 =	vadd.f32 v3, v2;
	v3 =	vmul.f32 v5, v10;
	v10 =	vld.idx.msk [tilespmem:v11+s14+$0x0], $0xffff  }
0xfe: {  	v0 =	vadd.f32 v1, v0;
	v1 =	vmul.f32 v17, v6;
	_ =	sdelay $0x1  }
0xff: {  	v0 =	vadd.f32 v1, v0;
	v1 =	vmul.f32 v14, v8  }
0x100: {  	v2 =	vadd.f32 v3, v2  }
0x101: {  	v3 =	vmul.f32 v4, v12;
	v4 =	vld.idx.msk [tilespmem:v11+s16+$0x0], $0xffff;
	v0 =	vadd.f32 v1, v0;
	v1 =	vmul.f32 v58, v10  }
0x102: {  	v11 =	vld.idx.msk [tilespmem:v9+s14+$0x0], $0xffff  }
0x103: {  	v0 =	vadd.f32 v1, v0;
	v1 =	vld [tilespmem:$0x1FB60]  }
0x104: {  	v7 =	vld.idx.msk [tilespmem:v15+s16+$0x0], $0xffff;
	_ =	sdelay $0x3  }
0x105: {  	v1 =	vmul.f32 v1, v11  }
0x106: {  	v2 =	vadd.f32 v3, v2;
	v3 =	vmul.f32 v7, v6;
	v7 =	vld.idx.msk [tilespmem:v24+s14+$0x0], $0xffff  }
0x107: {  	v0 =	vadd.f32 v1, v0;
	v1 =	vld [tilespmem:$0x1FB70]  }
0x108: {  	v5 =	vld.idx.msk [tilespmem:v13+s16+$0x0], $0xffff;
	_ =	sdelay $0x3  }
0x109: {  	v1 =	vmul.f32 v1, v7  }
0x10a: {  	v2 =	vadd.f32 v3, v2;
	v3 =	vmul.f32 v5, v8;
	v8 =	vld.idx.msk [tilespmem:v34+s14+$0x0], $0xffff  }
0x10b: {  	v0 =	vadd.f32 v1, v0;
	v1 =	vld [tilespmem:$0x1FB80];
	_ =	sdelay $0x1  }
0x10c: {  	v6 =	vld.idx.msk [tilespmem:v9+s16+$0x0], $0xffff;
	_ =	sdelay $0x1  }
0x10d: {  	v5 =	vld.idx.msk [tilespmem:v24+s16+$0x0], $0xffff  }
0x10e: {  	v9 =	vld.idx.msk [tilespmem:v57+s14+$0x0], $0xffff;
	v2 =	vadd.f32 v3, v2;
	v3 =	vmul.f32 v4, v10;
	v1 =	vmul.f32 v1, v8  }
0x10f: {  	v4 =	vld.idx.msk [tilespmem:v34+s16+$0x0], $0xffff  }
0x110: {  	v2 =	vadd.f32 v3, v2;
	v3 =	vmul.f32 v6, v11;
	v0 =	vadd.f32 v1, v0;
	v1 =	vld [tilespmem:$0x1FB90]  }
0x111: {  	v6 =	vld.idx.msk [tilespmem:v57+s16+$0x0], $0xffff  }
0x112: {  	v2 =	vadd.f32 v3, v2;
	v3 =	vmul.f32 v5, v7;
	_ =	sdelay $0x1  }
0x113: {  	v2 =	vadd.f32 v3, v2;
	v3 =	vmul.f32 v4, v8  }
0x114: {  	v10 =	vld.idx.msk [tilespmem:v56+s14+$0x0], $0xffff;
	v1 =	vmul.f32 v1, v9  }
0x115: {  	v2 =	vadd.f32 v3, v2;
	v3 =	vmul.f32 v6, v9;
	v6 =	vld [tilespmem:$0x1FFF0]  }
0x116: {  	v0 =	vadd.f32 v1, v0;
	v1 =	vld [tilespmem:$0x1FBA0]  }
0x117: {  	v5 =	vld.idx.msk [tilespmem:v56+s16+$0x0], $0xffff  }
0x118: {  	s22 =	simm.s32 $0x10  }
0x119: {  	v4 =	vmov s22  }
0x11a: {  	v4 =	vshll.u32 v4, $0x6  }
0x11b: {  	v49 =	vor.u32 v6, v4;
	v1 =	vmul.f32 v1, v10  }
0x11c: {  	v2 =	vadd.f32 v3, v2;
	v3 =	vmul.f32 v5, v10;
	v4 =	vor.u32 $0x3F, v49  }
0x11d: {  	v0 =	vadd.f32 v1, v0  }
0x11e: {  	v1 =	vadd.f32 v3, v2  }
0x11f: {  	[tilespmem:s1+$0x0] =	vst v0  }
0x120: {  	[tilespmem:s0+$0x0] =	vst v1  }
0x121: {  	v5 =	vor.u32 $0x3E, v49;
	v0 =	vld.idx.msk [tilespmem:v4+s15+$0x0], $0xffff;
	_ =	sdelay $0x4  }
0x122: {  	v6 =	vor.u32 $0x3D, v49;
	[tilespmem:$0x1FBC0] =	vst v0;
	v0 =	vld.idx.msk [tilespmem:v5+s15+$0x0], $0xffff;
	_ =	sdelay $0x4  }
0x123: {  	v2 =	vor.u32 $0x3C, v49;
	[tilespmem:$0x1FBE0] =	vst v0;
	v0 =	vld.idx.msk [tilespmem:v6+s15+$0x0], $0xffff;
	_ =	sdelay $0x4  }
0x124: {  	v3 =	vor.u32 $0x3B, v49;
	[tilespmem:$0x1FC00] =	vst v0;
	v0 =	vld.idx.msk [tilespmem:v2+s15+$0x0], $0xffff;
	_ =	sdelay $0x4  }
0x125: {  	v1 =	vor.u32 $0x3A, v49;
	[tilespmem:$0x1FC20] =	vst v0;
	v0 =	vld.idx.msk [tilespmem:v3+s15+$0x0], $0xffff;
	_ =	sdelay $0x3  }
0x126: {  	[tilespmem:$0x1FBB0] =	vst v4  }
0x127: {  	v4 =	vor.u32 $0x39, v49;
	[tilespmem:$0x1FC40] =	vst v0;
	v0 =	vld.idx.msk [tilespmem:v1+s15+$0x0], $0xffff;
	_ =	sdelay $0x3  }
0x128: {  	[tilespmem:$0x1FBD0] =	vst v5  }
0x129: {  	v5 =	vor.u32 $0x38, v49;
	[tilespmem:$0x1FC60] =	vst v0;
	v0 =	vld.idx.msk [tilespmem:v4+s15+$0x0], $0xffff;
	_ =	sdelay $0x3  }
0x12a: {  	[tilespmem:$0x1FBF0] =	vst v6  }
0x12b: {  	v6 =	vor.u32 $0x37, v49;
	[tilespmem:$0x1FC80] =	vst v0;
	v0 =	vld.idx.msk [tilespmem:v5+s15+$0x0], $0xffff;
	_ =	sdelay $0x3  }
0x12c: {  	[tilespmem:$0x1FC10] =	vst v2  }
0x12d: {  	v2 =	vor.u32 $0x36, v49;
	[tilespmem:$0x1FCA0] =	vst v0;
	v0 =	vld.idx.msk [tilespmem:v6+s15+$0x0], $0xffff;
	_ =	sdelay $0x3  }
0x12e: {  	[tilespmem:$0x1FC30] =	vst v3  }
0x12f: {  	v3 =	vor.u32 $0x35, v49;
	[tilespmem:$0x1FCC0] =	vst v0;
	v0 =	vld.idx.msk [tilespmem:v2+s15+$0x0], $0xffff;
	_ =	sdelay $0x3  }
0x130: {  	[tilespmem:$0x1FC50] =	vst v1  }
0x131: {  	v1 =	vor.u32 $0x34, v49;
	[tilespmem:$0x1FCE0] =	vst v0;
	v0 =	vld.idx.msk [tilespmem:v3+s15+$0x0], $0xffff;
	_ =	sdelay $0x3  }
0x132: {  	[tilespmem:$0x1FC70] =	vst v4  }
0x133: {  	v4 =	vor.u32 $0x33, v49;
	[tilespmem:$0x1FD00] =	vst v0;
	v0 =	vld.idx.msk [tilespmem:v1+s15+$0x0], $0xffff;
	_ =	sdelay $0x3  }
0x134: {  	[tilespmem:$0x1FC90] =	vst v5  }
0x135: {  	v5 =	vor.u32 $0x32, v49;
	[tilespmem:$0x1FD20] =	vst v0;
	v0 =	vld.idx.msk [tilespmem:v4+s15+$0x0], $0xffff;
	_ =	sdelay $0x3  }
0x136: {  	[tilespmem:$0x1FCB0] =	vst v6  }
0x137: {  	v6 =	vor.u32 $0x31, v49;
	[tilespmem:$0x1FD40] =	vst v0;
	v0 =	vld.idx.msk [tilespmem:v5+s15+$0x0], $0xffff;
	_ =	sdelay $0x3  }
0x138: {  	[tilespmem:$0x1FCD0] =	vst v2  }
0x139: {  	v2 =	vor.u32 $0x30, v49;
	[tilespmem:$0x1FD60] =	vst v0;
	v0 =	vld.idx.msk [tilespmem:v6+s15+$0x0], $0xffff;
	_ =	sdelay $0x3  }
0x13a: {  	[tilespmem:$0x1FCF0] =	vst v3  }
0x13b: {  	v3 =	vor.u32 $0x2F, v49;
	[tilespmem:$0x1FD80] =	vst v0;
	v0 =	vld.idx.msk [tilespmem:v2+s15+$0x0], $0xffff;
	_ =	sdelay $0x3  }
0x13c: {  	[tilespmem:$0x1FD10] =	vst v1  }
0x13d: {  	v1 =	vor.u32 $0x2E, v49;
	[tilespmem:$0x1FDA0] =	vst v0;
	v0 =	vld.idx.msk [tilespmem:v3+s15+$0x0], $0xffff;
	_ =	sdelay $0x3  }
0x13e: {  	[tilespmem:$0x1FD30] =	vst v4  }
0x13f: {  	v4 =	vor.u32 $0x2D, v49;
	[tilespmem:$0x1FDC0] =	vst v0;
	v0 =	vld.idx.msk [tilespmem:v1+s15+$0x0], $0xffff;
	_ =	sdelay $0x3  }
0x140: {  	[tilespmem:$0x1FD50] =	vst v5  }
0x141: {  	v5 =	vor.u32 $0x2C, v49;
	[tilespmem:$0x1FDE0] =	vst v0;
	v0 =	vld.idx.msk [tilespmem:v4+s15+$0x0], $0xffff;
	_ =	sdelay $0x3  }
0x142: {  	[tilespmem:$0x1FD70] =	vst v6  }
0x143: {  	v6 =	vor.u32 $0x2B, v49;
	[tilespmem:$0x1FE00] =	vst v0;
	v0 =	vld.idx.msk [tilespmem:v5+s15+$0x0], $0xffff;
	_ =	sdelay $0x3  }
0x144: {  	[tilespmem:$0x1FD90] =	vst v2  }
0x145: {  	v2 =	vor.u32 $0x2A, v49;
	[tilespmem:$0x1FE20] =	vst v0;
	v0 =	vld.idx.msk [tilespmem:v6+s15+$0x0], $0xffff;
	_ =	sdelay $0x3  }
0x146: {  	[tilespmem:$0x1FDB0] =	vst v3  }
0x147: {  	v3 =	vor.u32 $0x29, v49;
	[tilespmem:$0x1FE40] =	vst v0;
	v0 =	vld.idx.msk [tilespmem:v2+s15+$0x0], $0xffff;
	_ =	sdelay $0x3  }
0x148: {  	[tilespmem:$0x1FDD0] =	vst v1  }
0x149: {  	v1 =	vor.u32 $0x28, v49;
	[tilespmem:$0x1FE60] =	vst v0;
	v0 =	vld.idx.msk [tilespmem:v3+s15+$0x0], $0xffff  }
0x14a: {  	[tilespmem:$0x1FE30] =	vst v6;
	v6 =	vor.u32 $0x25, v49;
	_ =	sdelay $0x2  }
0x14b: {  	[tilespmem:$0x1FE50] =	vst v2  }
0x14c: {  	[tilespmem:$0x1FE80] =	vst v0;
	v0 =	vld.idx.msk [tilespmem:v1+s15+$0x0], $0xffff  }
0x14d: {  	[tilespmem:$0x1FE90] =	vst v1;
	v2 =	vor.u32 $0x24, v49;
	v1 =	vld.idx.msk [tilespmem:v6+s15+$0x0], $0xffff;
	_ =	sdelay $0x3  }
0x14e: {  	[tilespmem:$0x1FDF0] =	vst v4;
	v4 =	vor.u32 $0x27, v49  }
0x14f: {  	v58 =	vor.u32 $0x23, v49;
	[tilespmem:$0x1FF00] =	vst v1;
	v1 =	vld.idx.msk [tilespmem:v2+s15+$0x0], $0xffff;
	_ =	sdelay $0x2  }
0x150: {  	[tilespmem:$0x1FE10] =	vst v5  }
0x151: {  	v5 =	vor.u32 $0x26, v49;
	[tilespmem:$0x1FEA0] =	vst v0;
	v0 =	vld.idx.msk [tilespmem:v4+s15+$0x0], $0xffff  }
0x152: {  	v60 =	vor.u32 $0x22, v49;
	[tilespmem:$0x1FF20] =	vst v1;
	v1 =	vld.idx.msk [tilespmem:v58+s15+$0x0], $0xffff;
	_ =	sdelay $0x3  }
0x153: {  	[tilespmem:$0x1FEC0] =	vst v0;
	v0 =	vld.idx.msk [tilespmem:v5+s15+$0x0], $0xffff  }
0x154: {  	v62 =	vor.u32 $0x21, v49;
	[tilespmem:$0x1FF30] =	vst v1;
	v1 =	vld.idx.msk [tilespmem:v60+s15+$0x0], $0xffff;
	_ =	sdelay $0x3  }
0x155: {  	[tilespmem:$0x1FEE0] =	vst v0  }
0x156: {  	v0 =	vor.u32 $0x20, v49;
	[tilespmem:$0x1FF40] =	vst v1;
	v1 =	vld.idx.msk [tilespmem:v62+s15+$0x0], $0xffff;
	_ =	sdelay $0x3  }
0x157: {  	[tilespmem:$0x1FE70] =	vst v3  }
0x158: {  	v3 =	vor.u32 $0x1F, v49;
	[tilespmem:$0x1FF50] =	vst v1;
	v1 =	vld.idx.msk [tilespmem:v0+s15+$0x0], $0xffff;
	_ =	sdelay $0x4  }
0x159: {  	v7 =	vor.u32 $0x1E, v49;
	[tilespmem:$0x1FF60] =	vst v1;
	v1 =	vld.idx.msk [tilespmem:v3+s15+$0x0], $0xffff;
	_ =	sdelay $0x4  }
0x15a: {  	v11 =	vor.u32 $0x1D, v49;
	[tilespmem:$0x1FF70] =	vst v1;
	v1 =	vld.idx.msk [tilespmem:v7+s15+$0x0], $0xffff;
	_ =	sdelay $0x4  }
0x15b: {  	v15 =	vor.u32 $0x1C, v49;
	[tilespmem:$0x1FF80] =	vst v1;
	v1 =	vld.idx.msk [tilespmem:v11+s15+$0x0], $0xffff;
	_ =	sdelay $0x2  }
0x15c: {  	v35 =	vor.u32 $0x17, v49  }
0x15d: {  	v39 =	vor.u32 $0x16, v49  }
0x15e: {  	v19 =	vor.u32 $0x1B, v49;
	[tilespmem:$0x1FF90] =	vst v1;
	v1 =	vld.idx.msk [tilespmem:v15+s15+$0x0], $0xffff  }
0x15f: {  	v43 =	vor.u32 $0x15, v49  }
0x160: {  	v51 =	vor.u32 $0x11, v49  }
0x161: {  	v14 =	vor.u32 $0x10, v49;
	v33 =	vld.idx.msk [tilespmem:v35+s15+$0x0], $0xffff  }
0x162: {  	v16 =	vor.u32 $0xF, v49;
	v37 =	vld.idx.msk [tilespmem:v39+s15+$0x0], $0xffff  }
0x163: {  	v23 =	vor.u32 $0x1A, v49;
	[tilespmem:$0x1FFA0] =	vst v1;
	v1 =	vld.idx.msk [tilespmem:v19+s15+$0x0], $0xffff  }
0x164: {  	v18 =	vor.u32 $0xE, v49;
	v41 =	vld.idx.msk [tilespmem:v43+s15+$0x0], $0xffff  }
0x165: {  	v57 =	vor.u32 $0xD, v49;
	v10 =	vld.idx.msk [tilespmem:v51+s15+$0x0], $0xffff  }
0x166: {  	v59 =	vor.u32 $0xC, v49;
	v12 =	vld.idx.msk [tilespmem:v14+s15+$0x0], $0xffff  }
0x167: {  	v26 =	vor.u32 $0xB, v49;
	v53 =	vld.idx.msk [tilespmem:v16+s15+$0x0], $0xffff  }
0x168: {  	v27 =	vor.u32 $0x19, v49;
	[tilespmem:$0x1FFB0] =	vst v1;
	v1 =	vld.idx.msk [tilespmem:v23+s15+$0x0], $0xffff  }
0x169: {  	v28 =	vor.u32 $0xA, v49;
	v55 =	vld.idx.msk [tilespmem:v18+s15+$0x0], $0xffff  }
0x16a: {  	v30 =	vor.u32 $0x9, v49;
	v20 =	vld.idx.msk [tilespmem:v57+s15+$0x0], $0xffff  }
0x16b: {  	v38 =	vor.u32 $0x6, v49;
	v22 =	vld.idx.msk [tilespmem:v59+s15+$0x0], $0xffff  }
0x16c: {  	v40 =	vor.u32 $0x5, v49;
	v24 =	vld.idx.msk [tilespmem:v26+s15+$0x0], $0xffff  }
0x16d: {  	v31 =	vor.u32 $0x18, v49;
	[tilespmem:$0x1FFC0] =	vst v1;
	v1 =	vld.idx.msk [tilespmem:v27+s15+$0x0], $0xffff  }
0x16e: {  	v8 =	vor.u32 $0x12, v49;
	v61 =	vld.idx.msk [tilespmem:v28+s15+$0x0], $0xffff  }
0x16f: {  	v47 =	vor.u32 $0x13, v49;
	v63 =	vld.idx.msk [tilespmem:v30+s15+$0x0], $0xffff  }
0x170: {  	v36 =	vld.idx.msk [tilespmem:v38+s15+$0x0], $0xffff;
	[tilespmem:$0x1FF10] =	vst v2;
	v2 =	vor.u32 $0x8, v49  }
0x171: {  	v9 =	vld.idx.msk [tilespmem:v40+s15+$0x0], $0xffff;
	[tilespmem:$0x1FED0] =	vst v5;
	v5 =	vor.u32 $0x7, v49  }
0x172: {  	v45 =	vor.u32 $0x14, v49;
	[tilespmem:$0x1FFD0] =	vst v1;
	v1 =	vld.idx.msk [tilespmem:v31+s15+$0x0], $0xffff  }
0x173: {  	[tilespmem:$0x1FEF0] =	vst v6;
	v6 =	vld.idx.msk [tilespmem:v8+s15+$0x0], $0xffff  }
0x174: {  	[tilespmem:$0x1FEB0] =	vst v4;
	v4 =	vld.idx.msk [tilespmem:v47+s15+$0x0], $0xffff  }
0x175: {  	v32 =	vld.idx.msk [tilespmem:v2+s15+$0x0], $0xffff  }
0x176: {  	v13 =	vor.u32 $0x4, v49;
	v34 =	vld.idx.msk [tilespmem:v5+s15+$0x0], $0xffff  }
0x177: {  	s28 =	smov.u32 s1;
	s29 =	smov.u32 s0;
	s22 =	simm.s32 $0x20;
	v42 =	vor.u32 $0x3, v49;
	v44 =	vor.u32 $0x2, v49;
	v17 =	vor.u32 $0x1, v49;
	[tilespmem:$0x1FFE0] =	vst v1;
	v1 =	vld.idx.msk [tilespmem:v45+s15+$0x0], $0xffff  }
.LBB2_4:
0x178: {  	_ =	sdelay $0x2  }
0x179: {  	v46 =	vld.idx.msk [tilespmem:v13+s15+$0x0], $0xffff  }
0x17a: {  	v21 =	vld.idx.msk [tilespmem:v42+s15+$0x0], $0xffff  }
0x17b: {  	v48 =	vld.idx.msk [tilespmem:v44+s15+$0x0], $0xffff  }
0x17c: {  	v50 =	vld.idx.msk [tilespmem:v17+s15+$0x0], $0xffff  }
0x17d: {  	v25 =	vld.idx.msk [tilespmem:v49+s15+$0x0], $0xffff  }
0x17e: {  	v52 =	vld.idx.msk [tilespmem:v49+s14+$0x0], $0xffff  }
0x17f: {  	v49 =	vld.idx.msk [tilespmem:v49+s16+$0x0], $0xffff  }
0x180: {  	v29 =	vld.idx.msk [tilespmem:v17+s14+$0x0], $0xffff  }
0x181: {  	v17 =	vld.idx.msk [tilespmem:v17+s16+$0x0], $0xffff  }
0x182: {  	v54 =	vld.idx.msk [tilespmem:v44+s14+$0x0], $0xffff  }
0x183: {  	v44 =	vld.idx.msk [tilespmem:v44+s16+$0x0], $0xffff;
	v25 =	vmul.f32 v25, v52  }
0x184: {  	v56 =	vld.idx.msk [tilespmem:v42+s14+$0x0], $0xffff;
	v49 =	vmul.f32 v49, v52  }
0x185: {  	v42 =	vld.idx.msk [tilespmem:v42+s16+$0x0], $0xffff;
	v50 =	vmul.f32 v50, v29;
	v25 =	vadd.f32 $0.0e+00, v25  }
0x186: {  	v52 =	vld.idx.msk [tilespmem:v13+s14+$0x0], $0xffff;
	v17 =	vmul.f32 v17, v29;
	v49 =	vadd.f32 $0.0e+00, v49  }
0x187: {  	v13 =	vld.idx.msk [tilespmem:v13+s16+$0x0], $0xffff;
	v29 =	vmul.f32 v48, v54;
	v25 =	vadd.f32 v50, v25  }
0x188: {  	v48 =	vld.idx.msk [tilespmem:v40+s14+$0x0], $0xffff;
	v44 =	vmul.f32 v44, v54;
	v17 =	vadd.f32 v17, v49  }
0x189: {  	v40 =	vld.idx.msk [tilespmem:v40+s16+$0x0], $0xffff;
	v21 =	vmul.f32 v21, v56;
	v25 =	vadd.f32 v29, v25  }
0x18a: {  	v42 =	vmul.f32 v42, v56;
	v29 =	vld.idx.msk [tilespmem:v38+s14+$0x0], $0xffff;
	v17 =	vadd.f32 v44, v17  }
0x18b: {  	v49 =	vld.idx.msk [tilespmem:v38+s16+$0x0], $0xffff;
	v21 =	vadd.f32 v21, v25;
	v25 =	vmul.f32 v46, v52  }
0x18c: {  	v50 =	vld.idx.msk [tilespmem:v5+s14+$0x0], $0xffff;
	v13 =	vmul.f32 v13, v52;
	v17 =	vadd.f32 v42, v17  }
0x18d: {  	v5 =	vld.idx.msk [tilespmem:v5+s16+$0x0], $0xffff;
	v9 =	vmul.f32 v9, v48;
	v21 =	vadd.f32 v25, v21  }
0x18e: {  	v25 =	vld.idx.msk [tilespmem:v2+s14+$0x0], $0xffff;
	v13 =	vadd.f32 v13, v17;
	v17 =	vmul.f32 v40, v48  }
0x18f: {  	v2 =	vld.idx.msk [tilespmem:v2+s16+$0x0], $0xffff;
	v9 =	vadd.f32 v9, v21;
	v21 =	vmul.f32 v36, v29  }
0x190: {  	v54 =	vld.idx.msk [tilespmem:v30+s14+$0x0], $0xffff;
	v13 =	vadd.f32 v17, v13;
	v17 =	vmul.f32 v49, v29  }
0x191: {  	v29 =	vld.idx.msk [tilespmem:v30+s16+$0x0], $0xffff;
	v9 =	vadd.f32 v21, v9;
	v21 =	vmul.f32 v34, v50  }
0x192: {  	v5 =	vmul.f32 v5, v50;
	v30 =	vld.idx.msk [tilespmem:v28+s14+$0x0], $0xffff;
	v13 =	vadd.f32 v17, v13  }
0x193: {  	v17 =	vld.idx.msk [tilespmem:v28+s16+$0x0], $0xffff;
	v9 =	vadd.f32 v21, v9;
	v21 =	vmul.f32 v32, v25  }
0x194: {  	v28 =	vld.idx.msk [tilespmem:v26+s14+$0x0], $0xffff;
	v2 =	vmul.f32 v2, v25;
	v5 =	vadd.f32 v5, v13  }
0x195: {  	v13 =	vld.idx.msk [tilespmem:v26+s16+$0x0], $0xffff;
	v9 =	vadd.f32 v21, v9;
	v21 =	vmul.f32 v63, v54  }
0x196: {  	v25 =	vld.idx.msk [tilespmem:v59+s14+$0x0], $0xffff;
	v2 =	vadd.f32 v2, v5;
	v5 =	vmul.f32 v29, v54  }
0x197: {  	v26 =	vld.idx.msk [tilespmem:v59+s16+$0x0], $0xffff;
	v9 =	vadd.f32 v21, v9;
	v21 =	vmul.f32 v61, v30  }
0x198: {  	v29 =	vld.idx.msk [tilespmem:v57+s14+$0x0], $0xffff;
	v2 =	vadd.f32 v5, v2;
	v5 =	vmul.f32 v17, v30  }
0x199: {  	v17 =	vld.idx.msk [tilespmem:v57+s16+$0x0], $0xffff;
	v9 =	vadd.f32 v21, v9;
	v21 =	vmul.f32 v24, v28  }
0x19a: {  	v24 =	vld.idx.msk [tilespmem:v18+s14+$0x0], $0xffff;
	v2 =	vadd.f32 v5, v2;
	v5 =	vmul.f32 v13, v28  }
0x19b: {  	v13 =	vld.idx.msk [tilespmem:v18+s16+$0x0], $0xffff;
	v18 =	vmul.f32 v22, v25;
	v9 =	vadd.f32 v21, v9  }
0x19c: {  	v21 =	vld.idx.msk [tilespmem:v16+s14+$0x0], $0xffff;
	v2 =	vadd.f32 v5, v2;
	v5 =	vmul.f32 v26, v25  }
0x19d: {  	v9 =	vadd.f32 v18, v9;
	v18 =	vmul.f32 v20, v29  }
0x19e: {  	v20 =	vld.idx.msk [tilespmem:v14+s14+$0x0], $0xffff;
	v2 =	vadd.f32 v5, v2  }
0x19f: {  	v16 =	vld.idx.msk [tilespmem:v16+s16+$0x0], $0xffff;
	v5 =	vmul.f32 v17, v29;
	v17 =	vmul.f32 v55, v24;
	v9 =	vadd.f32 v18, v9  }
0x1a0: {  	v18 =	vld.idx.msk [tilespmem:v51+s14+$0x0], $0xffff  }
0x1a1: {  	v9 =	vadd.f32 v17, v9;
	v17 =	vmul.f32 v53, v21  }
0x1a2: {  	v22 =	vld.idx.msk [tilespmem:v8+s14+$0x0], $0xffff;
	v2 =	vadd.f32 v5, v2;
	v5 =	vmul.f32 v13, v24  }
0x1a3: {  	v12 =	vmul.f32 v12, v20;
	v9 =	vadd.f32 v17, v9  }
0x1a4: {  	v2 =	vadd.f32 v5, v2;
	v5 =	vmul.f32 v16, v21;
	v16 =	vld.idx.msk [tilespmem:v47+s14+$0x0], $0xffff  }
0x1a5: {  	v14 =	vld.idx.msk [tilespmem:v14+s16+$0x0], $0xffff;
	v10 =	vmul.f32 v10, v18;
	v9 =	vadd.f32 v12, v9  }
0x1a6: {  	v12 =	vld.idx.msk [tilespmem:v45+s14+$0x0], $0xffff  }
0x1a7: {  	v6 =	vmul.f32 v6, v22;
	v13 =	vld.idx.msk [tilespmem:v51+s16+$0x0], $0xffff;
	v9 =	vadd.f32 v10, v9  }
0x1a8: {  	v10 =	vld.idx.msk [tilespmem:v43+s14+$0x0], $0xffff  }
0x1a9: {  	v8 =	vld.idx.msk [tilespmem:v8+s16+$0x0], $0xffff;
	v4 =	vmul.f32 v4, v16;
	v6 =	vadd.f32 v6, v9  }
0x1aa: {  	v2 =	vadd.f32 v5, v2;
	v5 =	vmul.f32 v14, v20;
	v9 =	vld.idx.msk [tilespmem:v39+s14+$0x0], $0xffff  }
0x1ab: {  	v14 =	vld.idx.msk [tilespmem:v47+s16+$0x0], $0xffff;
	v1 =	vmul.f32 v1, v12;
	v4 =	vadd.f32 v4, v6  }
0x1ac: {  	v2 =	vadd.f32 v5, v2;
	v5 =	vmul.f32 v13, v18;
	v6 =	vld.idx.msk [tilespmem:v35+s14+$0x0], $0xffff  }
0x1ad: {  	v13 =	vld.idx.msk [tilespmem:v45+s16+$0x0], $0xffff;
	v1 =	vadd.f32 v1, v4;
	v4 =	vmul.f32 v41, v10  }
0x1ae: {  	v2 =	vadd.f32 v5, v2;
	v5 =	vmul.f32 v8, v22  }
0x1af: {  	v1 =	vadd.f32 v4, v1;
	v4 =	vmul.f32 v37, v9  }
0x1b0: {  	v2 =	vadd.f32 v5, v2;
	v5 =	vmul.f32 v14, v16  }
0x1b1: {  	v1 =	vadd.f32 v4, v1;
	v4 =	vmul.f32 v33, v6  }
0x1b2: {  	v2 =	vadd.f32 v5, v2;
	v5 =	vmul.f32 v13, v12;
	v13 =	vld.idx.msk [tilespmem:v31+s14+$0x0], $0xffff  }
0x1b3: {  	v1 =	vadd.f32 v4, v1;
	v4 =	vld [tilespmem:$0x1FFE0]  }
0x1b4: {  	v8 =	vld.idx.msk [tilespmem:v43+s16+$0x0], $0xffff;
	_ =	sdelay $0x3  }
0x1b5: {  	v4 =	vmul.f32 v4, v13  }
0x1b6: {  	v2 =	vadd.f32 v5, v2;
	v5 =	vmul.f32 v8, v10;
	v10 =	vld.idx.msk [tilespmem:v27+s14+$0x0], $0xffff  }
0x1b7: {  	v1 =	vadd.f32 v4, v1;
	v4 =	vld [tilespmem:$0x1FFD0]  }
0x1b8: {  	v14 =	vld.idx.msk [tilespmem:v39+s16+$0x0], $0xffff;
	_ =	sdelay $0x3  }
0x1b9: {  	v4 =	vmul.f32 v4, v10  }
0x1ba: {  	v2 =	vadd.f32 v5, v2;
	v5 =	vmul.f32 v14, v9;
	v14 =	vld.idx.msk [tilespmem:v23+s14+$0x0], $0xffff  }
0x1bb: {  	v1 =	vadd.f32 v4, v1;
	v4 =	vld [tilespmem:$0x1FFC0]  }
0x1bc: {  	v12 =	vld.idx.msk [tilespmem:v35+s16+$0x0], $0xffff;
	_ =	sdelay $0x3  }
0x1bd: {  	v4 =	vmul.f32 v4, v14  }
0x1be: {  	v2 =	vadd.f32 v5, v2;
	v5 =	vmul.f32 v12, v6;
	v12 =	vld.idx.msk [tilespmem:v19+s14+$0x0], $0xffff  }
0x1bf: {  	v1 =	vadd.f32 v4, v1;
	v4 =	vld [tilespmem:$0x1FFB0]  }
0x1c0: {  	v8 =	vld.idx.msk [tilespmem:v31+s16+$0x0], $0xffff;
	_ =	sdelay $0x3  }
0x1c1: {  	v4 =	vmul.f32 v4, v12  }
0x1c2: {  	v2 =	vadd.f32 v5, v2;
	v5 =	vmul.f32 v8, v13;
	v13 =	vld.idx.msk [tilespmem:v15+s14+$0x0], $0xffff  }
0x1c3: {  	v1 =	vadd.f32 v4, v1;
	v4 =	vld [tilespmem:$0x1FFA0]  }
0x1c4: {  	v9 =	vld.idx.msk [tilespmem:v27+s16+$0x0], $0xffff;
	_ =	sdelay $0x3  }
0x1c5: {  	v6 =	vld.idx.msk [tilespmem:v23+s16+$0x0], $0xffff;
	v4 =	vmul.f32 v4, v13  }
0x1c6: {  	v2 =	vadd.f32 v5, v2;
	v5 =	vmul.f32 v9, v10;
	v10 =	vld.idx.msk [tilespmem:v11+s14+$0x0], $0xffff  }
0x1c7: {  	v1 =	vadd.f32 v4, v1;
	v4 =	vld [tilespmem:$0x1FF90];
	_ =	sdelay $0x4  }
0x1c8: {  	v2 =	vadd.f32 v5, v2;
	v5 =	vmul.f32 v6, v14;
	v6 =	vld.idx.msk [tilespmem:v11+s16+$0x0], $0xffff;
	v4 =	vmul.f32 v4, v10  }
0x1c9: {  	v11 =	vld.idx.msk [tilespmem:v7+s14+$0x0], $0xffff  }
0x1ca: {  	v1 =	vadd.f32 v4, v1;
	v4 =	vld [tilespmem:$0x1FF80]  }
0x1cb: {  	v8 =	vld.idx.msk [tilespmem:v19+s16+$0x0], $0xffff;
	_ =	sdelay $0x3  }
0x1cc: {  	v4 =	vmul.f32 v4, v11  }
0x1cd: {  	v2 =	vadd.f32 v5, v2;
	v5 =	vmul.f32 v8, v12;
	v8 =	vld.idx.msk [tilespmem:v3+s14+$0x0], $0xffff  }
0x1ce: {  	v1 =	vadd.f32 v4, v1;
	v4 =	vld [tilespmem:$0x1FF70]  }
0x1cf: {  	v9 =	vld.idx.msk [tilespmem:v15+s16+$0x0], $0xffff;
	_ =	sdelay $0x3  }
0x1d0: {  	v7 =	vld.idx.msk [tilespmem:v7+s16+$0x0], $0xffff;
	v4 =	vmul.f32 v4, v8  }
0x1d1: {  	v2 =	vadd.f32 v5, v2;
	v5 =	vmul.f32 v9, v13;
	v9 =	vld.idx.msk [tilespmem:v0+s14+$0x0], $0xffff  }
0x1d2: {  	v1 =	vadd.f32 v4, v1;
	v4 =	vld [tilespmem:$0x1FF60]  }
0x1d3: {  	v2 =	vadd.f32 v5, v2;
	v5 =	vmul.f32 v6, v10  }
0x1d4: {  	v3 =	vld.idx.msk [tilespmem:v3+s16+$0x0], $0xffff  }
0x1d5: {  	v2 =	vadd.f32 v5, v2;
	v5 =	vmul.f32 v7, v11;
	v11 =	vld [tilespmem:$0x1FF10]  }
0x1d6: {  	v0 =	vld.idx.msk [tilespmem:v0+s16+$0x0], $0xffff  }
0x1d7: {  	v6 =	vld.idx.msk [tilespmem:v62+s14+$0x0], $0xffff;
	v4 =	vmul.f32 v4, v9  }
0x1d8: {  	v7 =	vld.idx.msk [tilespmem:v62+s16+$0x0], $0xffff  }
0x1d9: {  	v1 =	vadd.f32 v4, v1;
	v4 =	vld [tilespmem:$0x1FF50]  }
0x1da: {  	v3 =	vmul.f32 v3, v8;
	v2 =	vadd.f32 v5, v2;
	_ =	sdelay $0x1  }
0x1db: {  	v0 =	vmul.f32 v0, v9;
	v2 =	vadd.f32 v3, v2  }
0x1dc: {  	v9 =	vld.idx.msk [tilespmem:v11+s14+$0x0], $0xffff  }
0x1dd: {  	v0 =	vadd.f32 v0, v2;
	v2 =	vmul.f32 v7, v6;
	v4 =	vmul.f32 v4, v6;
	v6 =	vld.idx.msk [tilespmem:v11+s16+$0x0], $0xffff  }
0x1de: {  	v11 =	vld [tilespmem:$0x1FEF0];
	_ =	sdelay $0x2  }
0x1df: {  	v5 =	vld.idx.msk [tilespmem:v60+s16+$0x0], $0xffff  }
0x1e0: {  	v10 =	vld.idx.msk [tilespmem:v60+s14+$0x0], $0xffff;
	_ =	sdelay $0x1  }
0x1e1: {  	v1 =	vadd.f32 v4, v1;
	v4 =	vld [tilespmem:$0x1FF40];
	_ =	sdelay $0x1  }
0x1e2: {  	v7 =	vld.idx.msk [tilespmem:v11+s14+$0x0], $0xffff  }
0x1e3: {  	v0 =	vadd.f32 v2, v0;
	v2 =	vmul.f32 v5, v10;
	v5 =	vld.idx.msk [tilespmem:v11+s16+$0x0], $0xffff  }
0x1e4: {  	v11 =	vld [tilespmem:$0x1FED0]  }
0x1e5: {  	v4 =	vmul.f32 v4, v10  }
0x1e6: {  	v8 =	vld.idx.msk [tilespmem:v58+s14+$0x0], $0xffff  }
0x1e7: {  	v1 =	vadd.f32 v4, v1;
	v4 =	vld [tilespmem:$0x1FF30]  }
0x1e8: {  	v3 =	vld.idx.msk [tilespmem:v58+s16+$0x0], $0xffff;
	_ =	sdelay $0x3  }
0x1e9: {  	v4 =	vmul.f32 v4, v8;
	v10 =	vld.idx.msk [tilespmem:v11+s14+$0x0], $0xffff  }
0x1ea: {  	v0 =	vadd.f32 v2, v0;
	v2 =	vmul.f32 v3, v8;
	v3 =	vld.idx.msk [tilespmem:v11+s16+$0x0], $0xffff  }
0x1eb: {  	v1 =	vadd.f32 v4, v1;
	v4 =	vld [tilespmem:$0x1FF20]  }
0x1ec: {  	v11 =	vld [tilespmem:$0x1FEB0];
	_ =	sdelay $0x4  }
0x1ed: {  	v4 =	vmul.f32 v4, v9;
	_ =	sdelay $0x1  }
0x1ee: {  	v1 =	vadd.f32 v4, v1;
	v4 =	vld [tilespmem:$0x1FF00]  }
0x1ef: {  	v8 =	vld.idx.msk [tilespmem:v11+s14+$0x0], $0xffff  }
0x1f0: {  	v0 =	vadd.f32 v2, v0;
	v2 =	vmul.f32 v6, v9;
	v6 =	vld.idx.msk [tilespmem:v11+s16+$0x0], $0xffff  }
0x1f1: {  	v11 =	vld [tilespmem:$0x1FE90];
	_ =	sdelay $0x4  }
0x1f2: {  	v4 =	vmul.f32 v4, v7;
	_ =	sdelay $0x1  }
0x1f3: {  	v1 =	vadd.f32 v4, v1;
	v4 =	vld [tilespmem:$0x1FEE0]  }
0x1f4: {  	v9 =	vld.idx.msk [tilespmem:v11+s14+$0x0], $0xffff  }
0x1f5: {  	v0 =	vadd.f32 v2, v0;
	v2 =	vmul.f32 v5, v7;
	v5 =	vld.idx.msk [tilespmem:v11+s16+$0x0], $0xffff  }
0x1f6: {  	v11 =	vld [tilespmem:$0x1FE70];
	_ =	sdelay $0x4  }
0x1f7: {  	v4 =	vmul.f32 v4, v10;
	_ =	sdelay $0x1  }
0x1f8: {  	v1 =	vadd.f32 v4, v1;
	v4 =	vld [tilespmem:$0x1FEC0]  }
0x1f9: {  	v7 =	vld.idx.msk [tilespmem:v11+s14+$0x0], $0xffff  }
0x1fa: {  	v0 =	vadd.f32 v2, v0;
	v2 =	vmul.f32 v3, v10;
	v3 =	vld.idx.msk [tilespmem:v11+s16+$0x0], $0xffff  }
0x1fb: {  	v11 =	vld [tilespmem:$0x1FE50];
	_ =	sdelay $0x4  }
0x1fc: {  	v4 =	vmul.f32 v4, v8;
	_ =	sdelay $0x1  }
0x1fd: {  	v1 =	vadd.f32 v4, v1;
	v4 =	vld [tilespmem:$0x1FEA0]  }
0x1fe: {  	v10 =	vld.idx.msk [tilespmem:v11+s14+$0x0], $0xffff  }
0x1ff: {  	v0 =	vadd.f32 v2, v0;
	v2 =	vmul.f32 v6, v8;
	v6 =	vld.idx.msk [tilespmem:v11+s16+$0x0], $0xffff  }
0x200: {  	v11 =	vld [tilespmem:$0x1FE30];
	_ =	sdelay $0x4  }
0x201: {  	v4 =	vmul.f32 v4, v9;
	_ =	sdelay $0x1  }
0x202: {  	v1 =	vadd.f32 v4, v1;
	v4 =	vld [tilespmem:$0x1FE80]  }
0x203: {  	v8 =	vld.idx.msk [tilespmem:v11+s14+$0x0], $0xffff  }
0x204: {  	v0 =	vadd.f32 v2, v0;
	v2 =	vmul.f32 v5, v9;
	v5 =	vld.idx.msk [tilespmem:v11+s16+$0x0], $0xffff  }
0x205: {  	v11 =	vld [tilespmem:$0x1FE10];
	_ =	sdelay $0x4  }
0x206: {  	v4 =	vmul.f32 v4, v7;
	_ =	sdelay $0x1  }
0x207: {  	v1 =	vadd.f32 v4, v1;
	v4 =	vld [tilespmem:$0x1FE60]  }
0x208: {  	v9 =	vld.idx.msk [tilespmem:v11+s14+$0x0], $0xffff  }
0x209: {  	v0 =	vadd.f32 v2, v0;
	v2 =	vmul.f32 v3, v7;
	v3 =	vld.idx.msk [tilespmem:v11+s16+$0x0], $0xffff  }
0x20a: {  	v11 =	vld [tilespmem:$0x1FDF0];
	_ =	sdelay $0x1  }
0x20b: {  	v4 =	vmul.f32 v4, v10;
	_ =	sdelay $0x1  }
0x20c: {  	v1 =	vadd.f32 v4, v1;
	v4 =	vld [tilespmem:$0x1FE40];
	_ =	sdelay $0x3  }
0x20d: {  	v7 =	vld.idx.msk [tilespmem:v11+s14+$0x0], $0xffff  }
0x20e: {  	v0 =	vadd.f32 v2, v0;
	v2 =	vmul.f32 v6, v10;
	v4 =	vmul.f32 v4, v8;
	v6 =	vld.idx.msk [tilespmem:v11+s16+$0x0], $0xffff  }
0x20f: {  	v11 =	vld [tilespmem:$0x1FDD0]  }
0x210: {  	v1 =	vadd.f32 v4, v1;
	v4 =	vld [tilespmem:$0x1FE20];
	_ =	sdelay $0x4  }
0x211: {  	v4 =	vmul.f32 v4, v9;
	_ =	sdelay $0x1  }
0x212: {  	v1 =	vadd.f32 v4, v1;
	v4 =	vld [tilespmem:$0x1FE00]  }
0x213: {  	v10 =	vld.idx.msk [tilespmem:v11+s14+$0x0], $0xffff  }
0x214: {  	v0 =	vadd.f32 v2, v0;
	v2 =	vmul.f32 v5, v8;
	v5 =	vld.idx.msk [tilespmem:v11+s16+$0x0], $0xffff  }
0x215: {  	v11 =	vld [tilespmem:$0x1FDB0];
	_ =	sdelay $0x4  }
0x216: {  	v4 =	vmul.f32 v4, v7;
	_ =	sdelay $0x1  }
0x217: {  	v1 =	vadd.f32 v4, v1;
	v4 =	vld [tilespmem:$0x1FDE0]  }
0x218: {  	v8 =	vld.idx.msk [tilespmem:v11+s14+$0x0], $0xffff  }
0x219: {  	v0 =	vadd.f32 v2, v0;
	v2 =	vmul.f32 v3, v9;
	v3 =	vld.idx.msk [tilespmem:v11+s16+$0x0], $0xffff  }
0x21a: {  	v11 =	vld [tilespmem:$0x1FD90];
	_ =	sdelay $0x4  }
0x21b: {  	v4 =	vmul.f32 v4, v10;
	_ =	sdelay $0x1  }
0x21c: {  	v1 =	vadd.f32 v4, v1;
	v4 =	vld [tilespmem:$0x1FDC0]  }
0x21d: {  	v9 =	vld.idx.msk [tilespmem:v11+s14+$0x0], $0xffff  }
0x21e: {  	v0 =	vadd.f32 v2, v0;
	v2 =	vmul.f32 v6, v7;
	v6 =	vld.idx.msk [tilespmem:v11+s16+$0x0], $0xffff  }
0x21f: {  	v11 =	vld [tilespmem:$0x1FD70];
	_ =	sdelay $0x4  }
0x220: {  	v4 =	vmul.f32 v4, v8;
	_ =	sdelay $0x1  }
0x221: {  	v1 =	vadd.f32 v4, v1;
	v4 =	vld [tilespmem:$0x1FDA0]  }
0x222: {  	v7 =	vld.idx.msk [tilespmem:v11+s14+$0x0], $0xffff  }
0x223: {  	v0 =	vadd.f32 v2, v0;
	v2 =	vmul.f32 v5, v10;
	v5 =	vld.idx.msk [tilespmem:v11+s16+$0x0], $0xffff  }
0x224: {  	v11 =	vld [tilespmem:$0x1FD50];
	_ =	sdelay $0x4  }
0x225: {  	v4 =	vmul.f32 v4, v9;
	_ =	sdelay $0x1  }
0x226: {  	v1 =	vadd.f32 v4, v1;
	v4 =	vld [tilespmem:$0x1FD80]  }
0x227: {  	v10 =	vld.idx.msk [tilespmem:v11+s14+$0x0], $0xffff  }
0x228: {  	v0 =	vadd.f32 v2, v0;
	v2 =	vmul.f32 v3, v8;
	v3 =	vld.idx.msk [tilespmem:v11+s16+$0x0], $0xffff  }
0x229: {  	v11 =	vld [tilespmem:$0x1FD30];
	_ =	sdelay $0x4  }
0x22a: {  	v4 =	vmul.f32 v4, v7;
	_ =	sdelay $0x1  }
0x22b: {  	v1 =	vadd.f32 v4, v1;
	v4 =	vld [tilespmem:$0x1FD60]  }
0x22c: {  	v8 =	vld.idx.msk [tilespmem:v11+s14+$0x0], $0xffff  }
0x22d: {  	v0 =	vadd.f32 v2, v0;
	v2 =	vmul.f32 v6, v9;
	v6 =	vld.idx.msk [tilespmem:v11+s16+$0x0], $0xffff  }
0x22e: {  	v11 =	vld [tilespmem:$0x1FD10];
	_ =	sdelay $0x4  }
0x22f: {  	v4 =	vmul.f32 v4, v10;
	_ =	sdelay $0x1  }
0x230: {  	v1 =	vadd.f32 v4, v1;
	v4 =	vld [tilespmem:$0x1FD40]  }
0x231: {  	v9 =	vld.idx.msk [tilespmem:v11+s14+$0x0], $0xffff  }
0x232: {  	v0 =	vadd.f32 v2, v0;
	v2 =	vmul.f32 v5, v7;
	v5 =	vld.idx.msk [tilespmem:v11+s16+$0x0], $0xffff  }
0x233: {  	v11 =	vld [tilespmem:$0x1FCF0];
	_ =	sdelay $0x4  }
0x234: {  	v4 =	vmul.f32 v4, v8;
	_ =	sdelay $0x1  }
0x235: {  	v1 =	vadd.f32 v4, v1;
	v4 =	vld [tilespmem:$0x1FD20]  }
0x236: {  	v7 =	vld.idx.msk [tilespmem:v11+s14+$0x0], $0xffff  }
0x237: {  	v0 =	vadd.f32 v2, v0;
	v2 =	vmul.f32 v3, v10;
	v3 =	vld.idx.msk [tilespmem:v11+s16+$0x0], $0xffff  }
0x238: {  	v11 =	vld [tilespmem:$0x1FCD0];
	_ =	sdelay $0x4  }
0x239: {  	v4 =	vmul.f32 v4, v9;
	_ =	sdelay $0x1  }
0x23a: {  	v1 =	vadd.f32 v4, v1;
	v4 =	vld [tilespmem:$0x1FD00]  }
0x23b: {  	v10 =	vld.idx.msk [tilespmem:v11+s14+$0x0], $0xffff  }
0x23c: {  	v0 =	vadd.f32 v2, v0;
	v2 =	vmul.f32 v6, v8;
	v6 =	vld.idx.msk [tilespmem:v11+s16+$0x0], $0xffff  }
0x23d: {  	v11 =	vld [tilespmem:$0x1FCB0];
	_ =	sdelay $0x4  }
0x23e: {  	v4 =	vmul.f32 v4, v7;
	_ =	sdelay $0x1  }
0x23f: {  	v1 =	vadd.f32 v4, v1;
	v4 =	vld [tilespmem:$0x1FCE0]  }
0x240: {  	v8 =	vld.idx.msk [tilespmem:v11+s14+$0x0], $0xffff  }
0x241: {  	v0 =	vadd.f32 v2, v0;
	v2 =	vmul.f32 v5, v9;
	v5 =	vld.idx.msk [tilespmem:v11+s16+$0x0], $0xffff  }
0x242: {  	v11 =	vld [tilespmem:$0x1FC90];
	_ =	sdelay $0x4  }
0x243: {  	v4 =	vmul.f32 v4, v10;
	_ =	sdelay $0x1  }
0x244: {  	v1 =	vadd.f32 v4, v1;
	v4 =	vld [tilespmem:$0x1FCC0]  }
0x245: {  	v9 =	vld.idx.msk [tilespmem:v11+s14+$0x0], $0xffff  }
0x246: {  	v0 =	vadd.f32 v2, v0;
	v2 =	vmul.f32 v3, v7;
	v3 =	vld.idx.msk [tilespmem:v11+s16+$0x0], $0xffff  }
0x247: {  	v11 =	vld [tilespmem:$0x1FC70];
	_ =	sdelay $0x4  }
0x248: {  	v4 =	vmul.f32 v4, v8;
	_ =	sdelay $0x1  }
0x249: {  	v1 =	vadd.f32 v4, v1;
	v4 =	vld [tilespmem:$0x1FCA0]  }
0x24a: {  	v7 =	vld.idx.msk [tilespmem:v11+s14+$0x0], $0xffff  }
0x24b: {  	v0 =	vadd.f32 v2, v0;
	v2 =	vmul.f32 v6, v10;
	v6 =	vld.idx.msk [tilespmem:v11+s16+$0x0], $0xffff  }
0x24c: {  	v11 =	vld [tilespmem:$0x1FC50];
	_ =	sdelay $0x4  }
0x24d: {  	v4 =	vmul.f32 v4, v9;
	_ =	sdelay $0x1  }
0x24e: {  	v1 =	vadd.f32 v4, v1;
	v4 =	vld [tilespmem:$0x1FC80]  }
0x24f: {  	v10 =	vld.idx.msk [tilespmem:v11+s14+$0x0], $0xffff  }
0x250: {  	v0 =	vadd.f32 v2, v0;
	v2 =	vmul.f32 v5, v8;
	v5 =	vld.idx.msk [tilespmem:v11+s16+$0x0], $0xffff  }
0x251: {  	v11 =	vld [tilespmem:$0x1FC30];
	_ =	sdelay $0x4  }
0x252: {  	v4 =	vmul.f32 v4, v7;
	_ =	sdelay $0x1  }
0x253: {  	v1 =	vadd.f32 v4, v1;
	v4 =	vld [tilespmem:$0x1FC60]  }
0x254: {  	v8 =	vld.idx.msk [tilespmem:v11+s14+$0x0], $0xffff  }
0x255: {  	v0 =	vadd.f32 v2, v0;
	v2 =	vmul.f32 v3, v9;
	v3 =	vld.idx.msk [tilespmem:v11+s16+$0x0], $0xffff  }
0x256: {  	v11 =	vld [tilespmem:$0x1FC10];
	_ =	sdelay $0x4  }
0x257: {  	v4 =	vmul.f32 v4, v10;
	_ =	sdelay $0x1  }
0x258: {  	v1 =	vadd.f32 v4, v1;
	v4 =	vld [tilespmem:$0x1FC40]  }
0x259: {  	v9 =	vld.idx.msk [tilespmem:v11+s14+$0x0], $0xffff  }
0x25a: {  	v0 =	vadd.f32 v2, v0;
	v2 =	vmul.f32 v6, v7;
	v6 =	vld.idx.msk [tilespmem:v11+s16+$0x0], $0xffff  }
0x25b: {  	v11 =	vld [tilespmem:$0x1FBF0];
	_ =	sdelay $0x4  }
0x25c: {  	v4 =	vmul.f32 v4, v8;
	_ =	sdelay $0x1  }
0x25d: {  	v1 =	vadd.f32 v4, v1;
	v4 =	vld [tilespmem:$0x1FC20]  }
0x25e: {  	v7 =	vld.idx.msk [tilespmem:v11+s14+$0x0], $0xffff  }
0x25f: {  	v0 =	vadd.f32 v2, v0;
	v2 =	vmul.f32 v5, v10;
	v5 =	vld.idx.msk [tilespmem:v11+s16+$0x0], $0xffff  }
0x260: {  	v11 =	vld [tilespmem:$0x1FBD0];
	_ =	sdelay $0x4  }
0x261: {  	v4 =	vmul.f32 v4, v9;
	_ =	sdelay $0x1  }
0x262: {  	v1 =	vadd.f32 v4, v1;
	v4 =	vld [tilespmem:$0x1FC00]  }
0x263: {  	v10 =	vld.idx.msk [tilespmem:v11+s14+$0x0], $0xffff  }
0x264: {  	v0 =	vadd.f32 v2, v0;
	v2 =	vmul.f32 v3, v8;
	v3 =	vld.idx.msk [tilespmem:v11+s16+$0x0], $0xffff  }
0x265: {  	v11 =	vld [tilespmem:$0x1FBB0];
	_ =	sdelay $0x2  }
0x266: {  	v0 =	vadd.f32 v2, v0;
	v2 =	vmul.f32 v6, v9  }
0x267: {  	v4 =	vmul.f32 v4, v7  }
0x268: {  	v56 =	vld [tilespmem:$0x1FFF0];
	v0 =	vadd.f32 v2, v0;
	v2 =	vmul.f32 v5, v7  }
0x269: {  	v1 =	vadd.f32 v4, v1;
	v4 =	vld [tilespmem:$0x1FBE0]  }
0x26a: {  	v0 =	vadd.f32 v2, v0;
	v2 =	vmul.f32 v3, v10;
	v3 =	vld [tilespmem:$0x1FBC0]  }
0x26b: {  	v8 =	vld.idx.msk [tilespmem:v11+s14+$0x0], $0xffff  }
0x26c: {  	v6 =	vld.idx.msk [tilespmem:v11+s16+$0x0], $0xffff;
	_ =	sdelay $0x1  }
0x26d: {  	v5 =	vmov s22;
	v4 =	vmul.f32 v4, v10  }
0x26e: {  	v5 =	vshll.u32 v5, $0x6  }
0x26f: {  	v49 =	vor.u32 v56, v5;
	v1 =	vadd.f32 v4, v1;
	v3 =	vmul.f32 v3, v8  }
0x270: {  	v4 =	vor.u32 $0x3F, v49;
	v0 =	vadd.f32 v2, v0;
	v2 =	vmul.f32 v6, v8  }
0x271: {  	v1 =	vadd.f32 v3, v1  }
0x272: {  	s28 =	sadd.s32 $0x10, s28;
	v0 =	vadd.f32 v2, v0  }
0x273: {  	s29 =	sadd.s32 $0x10, s29;
	[tilespmem:s28+$0x0] =	vst v1  }
0x274: {  	[tilespmem:s29+$0x0] =	vst v0  }
0x275: {  	v5 =	vor.u32 $0x3E, v49;
	v0 =	vld.idx.msk [tilespmem:v4+s15+$0x0], $0xffff;
	_ =	sdelay $0x4  }
0x276: {  	v3 =	vor.u32 $0x3D, v49;
	[tilespmem:$0x1FBC0] =	vst v0;
	v0 =	vld.idx.msk [tilespmem:v5+s15+$0x0], $0xffff;
	_ =	sdelay $0x4  }
0x277: {  	v2 =	vor.u32 $0x3C, v49;
	[tilespmem:$0x1FBE0] =	vst v0;
	v0 =	vld.idx.msk [tilespmem:v3+s15+$0x0], $0xffff;
	_ =	sdelay $0x4  }
0x278: {  	v1 =	vor.u32 $0x3B, v49;
	[tilespmem:$0x1FC00] =	vst v0;
	v0 =	vld.idx.msk [tilespmem:v2+s15+$0x0], $0xffff;
	_ =	sdelay $0x4  }
0x279: {  	v6 =	vor.u32 $0x3A, v49;
	[tilespmem:$0x1FC20] =	vst v0;
	v0 =	vld.idx.msk [tilespmem:v1+s15+$0x0], $0xffff;
	_ =	sdelay $0x3  }
0x27a: {  	[tilespmem:$0x1FBB0] =	vst v4  }
0x27b: {  	v4 =	vor.u32 $0x39, v49;
	[tilespmem:$0x1FC40] =	vst v0;
	v0 =	vld.idx.msk [tilespmem:v6+s15+$0x0], $0xffff;
	_ =	sdelay $0x3  }
0x27c: {  	[tilespmem:$0x1FBD0] =	vst v5  }
0x27d: {  	v5 =	vor.u32 $0x38, v49;
	[tilespmem:$0x1FC60] =	vst v0;
	v0 =	vld.idx.msk [tilespmem:v4+s15+$0x0], $0xffff;
	_ =	sdelay $0x3  }
0x27e: {  	[tilespmem:$0x1FBF0] =	vst v3  }
0x27f: {  	v3 =	vor.u32 $0x37, v49;
	[tilespmem:$0x1FC80] =	vst v0;
	v0 =	vld.idx.msk [tilespmem:v5+s15+$0x0], $0xffff;
	_ =	sdelay $0x3  }
0x280: {  	[tilespmem:$0x1FC10] =	vst v2  }
0x281: {  	v2 =	vor.u32 $0x36, v49;
	[tilespmem:$0x1FCA0] =	vst v0;
	v0 =	vld.idx.msk [tilespmem:v3+s15+$0x0], $0xffff;
	_ =	sdelay $0x3  }
0x282: {  	[tilespmem:$0x1FC30] =	vst v1  }
0x283: {  	v1 =	vor.u32 $0x35, v49;
	[tilespmem:$0x1FCC0] =	vst v0;
	v0 =	vld.idx.msk [tilespmem:v2+s15+$0x0], $0xffff;
	_ =	sdelay $0x3  }
0x284: {  	[tilespmem:$0x1FC50] =	vst v6  }
0x285: {  	v6 =	vor.u32 $0x34, v49;
	[tilespmem:$0x1FCE0] =	vst v0;
	v0 =	vld.idx.msk [tilespmem:v1+s15+$0x0], $0xffff;
	_ =	sdelay $0x3  }
0x286: {  	[tilespmem:$0x1FC70] =	vst v4  }
0x287: {  	v4 =	vor.u32 $0x33, v49;
	[tilespmem:$0x1FD00] =	vst v0;
	v0 =	vld.idx.msk [tilespmem:v6+s15+$0x0], $0xffff;
	_ =	sdelay $0x3  }
0x288: {  	[tilespmem:$0x1FC90] =	vst v5  }
0x289: {  	v5 =	vor.u32 $0x32, v49;
	[tilespmem:$0x1FD20] =	vst v0;
	v0 =	vld.idx.msk [tilespmem:v4+s15+$0x0], $0xffff;
	_ =	sdelay $0x3  }
0x28a: {  	[tilespmem:$0x1FCB0] =	vst v3  }
0x28b: {  	v3 =	vor.u32 $0x31, v49;
	[tilespmem:$0x1FD40] =	vst v0;
	v0 =	vld.idx.msk [tilespmem:v5+s15+$0x0], $0xffff;
	_ =	sdelay $0x3  }
0x28c: {  	[tilespmem:$0x1FCD0] =	vst v2  }
0x28d: {  	v2 =	vor.u32 $0x30, v49;
	[tilespmem:$0x1FD60] =	vst v0;
	v0 =	vld.idx.msk [tilespmem:v3+s15+$0x0], $0xffff;
	_ =	sdelay $0x3  }
0x28e: {  	[tilespmem:$0x1FCF0] =	vst v1  }
0x28f: {  	v1 =	vor.u32 $0x2F, v49;
	[tilespmem:$0x1FD80] =	vst v0;
	v0 =	vld.idx.msk [tilespmem:v2+s15+$0x0], $0xffff;
	_ =	sdelay $0x3  }
0x290: {  	[tilespmem:$0x1FD10] =	vst v6  }
0x291: {  	v6 =	vor.u32 $0x2E, v49;
	[tilespmem:$0x1FDA0] =	vst v0;
	v0 =	vld.idx.msk [tilespmem:v1+s15+$0x0], $0xffff;
	_ =	sdelay $0x3  }
0x292: {  	[tilespmem:$0x1FD30] =	vst v4  }
0x293: {  	v4 =	vor.u32 $0x2D, v49;
	[tilespmem:$0x1FDC0] =	vst v0;
	v0 =	vld.idx.msk [tilespmem:v6+s15+$0x0], $0xffff;
	_ =	sdelay $0x3  }
0x294: {  	[tilespmem:$0x1FD50] =	vst v5  }
0x295: {  	v5 =	vor.u32 $0x2C, v49;
	[tilespmem:$0x1FDE0] =	vst v0;
	v0 =	vld.idx.msk [tilespmem:v4+s15+$0x0], $0xffff;
	_ =	sdelay $0x3  }
0x296: {  	[tilespmem:$0x1FD70] =	vst v3  }
0x297: {  	v3 =	vor.u32 $0x2B, v49;
	[tilespmem:$0x1FE00] =	vst v0;
	v0 =	vld.idx.msk [tilespmem:v5+s15+$0x0], $0xffff;
	_ =	sdelay $0x3  }
0x298: {  	[tilespmem:$0x1FD90] =	vst v2  }
0x299: {  	v2 =	vor.u32 $0x2A, v49;
	[tilespmem:$0x1FE20] =	vst v0;
	v0 =	vld.idx.msk [tilespmem:v3+s15+$0x0], $0xffff;
	_ =	sdelay $0x3  }
0x29a: {  	[tilespmem:$0x1FDB0] =	vst v1  }
0x29b: {  	v1 =	vor.u32 $0x29, v49;
	[tilespmem:$0x1FE40] =	vst v0;
	v0 =	vld.idx.msk [tilespmem:v2+s15+$0x0], $0xffff  }
0x29c: {  	[tilespmem:$0x1FE30] =	vst v3;
	v3 =	vor.u32 $0x25, v49;
	_ =	sdelay $0x1  }
0x29d: {  	[tilespmem:$0x1FDD0] =	vst v6  }
0x29e: {  	[tilespmem:$0x1FE50] =	vst v2  }
0x29f: {  	v6 =	vor.u32 $0x28, v49;
	[tilespmem:$0x1FE60] =	vst v0;
	v0 =	vld.idx.msk [tilespmem:v1+s15+$0x0], $0xffff  }
0x2a0: {  	[tilespmem:$0x1FE70] =	vst v1;
	v2 =	vor.u32 $0x24, v49;
	v1 =	vld.idx.msk [tilespmem:v3+s15+$0x0], $0xffff;
	_ =	sdelay $0x2  }
0x2a1: {  	[tilespmem:$0x1FDF0] =	vst v4  }
0x2a2: {  	v4 =	vor.u32 $0x27, v49;
	[tilespmem:$0x1FE80] =	vst v0;
	v0 =	vld.idx.msk [tilespmem:v6+s15+$0x0], $0xffff  }
0x2a3: {  	v58 =	vor.u32 $0x23, v49;
	[tilespmem:$0x1FF00] =	vst v1;
	v1 =	vld.idx.msk [tilespmem:v2+s15+$0x0], $0xffff;
	_ =	sdelay $0x2  }
0x2a4: {  	[tilespmem:$0x1FE10] =	vst v5  }
0x2a5: {  	v5 =	vor.u32 $0x26, v49;
	[tilespmem:$0x1FEA0] =	vst v0;
	v0 =	vld.idx.msk [tilespmem:v4+s15+$0x0], $0xffff  }
0x2a6: {  	v60 =	vor.u32 $0x22, v49;
	[tilespmem:$0x1FF20] =	vst v1;
	v1 =	vld.idx.msk [tilespmem:v58+s15+$0x0], $0xffff;
	_ =	sdelay $0x3  }
0x2a7: {  	[tilespmem:$0x1FEC0] =	vst v0;
	v0 =	vld.idx.msk [tilespmem:v5+s15+$0x0], $0xffff  }
0x2a8: {  	v62 =	vor.u32 $0x21, v49;
	[tilespmem:$0x1FF30] =	vst v1;
	v1 =	vld.idx.msk [tilespmem:v60+s15+$0x0], $0xffff;
	_ =	sdelay $0x3  }
0x2a9: {  	[tilespmem:$0x1FEE0] =	vst v0  }
0x2aa: {  	v0 =	vor.u32 $0x20, v49;
	[tilespmem:$0x1FF40] =	vst v1;
	v1 =	vld.idx.msk [tilespmem:v62+s15+$0x0], $0xffff;
	_ =	sdelay $0x3  }
0x2ab: {  	[tilespmem:$0x1FEF0] =	vst v3  }
0x2ac: {  	v3 =	vor.u32 $0x1F, v49;
	[tilespmem:$0x1FF50] =	vst v1;
	v1 =	vld.idx.msk [tilespmem:v0+s15+$0x0], $0xffff;
	_ =	sdelay $0x4  }
0x2ad: {  	v7 =	vor.u32 $0x1E, v49;
	[tilespmem:$0x1FF60] =	vst v1;
	v1 =	vld.idx.msk [tilespmem:v3+s15+$0x0], $0xffff;
	_ =	sdelay $0x4  }
0x2ae: {  	v11 =	vor.u32 $0x1D, v49;
	[tilespmem:$0x1FF70] =	vst v1;
	v1 =	vld.idx.msk [tilespmem:v7+s15+$0x0], $0xffff;
	_ =	sdelay $0x4  }
0x2af: {  	v15 =	vor.u32 $0x1C, v49;
	[tilespmem:$0x1FF80] =	vst v1;
	v1 =	vld.idx.msk [tilespmem:v11+s15+$0x0], $0xffff;
	_ =	sdelay $0x2  }
0x2b0: {  	v35 =	vor.u32 $0x17, v49  }
0x2b1: {  	v39 =	vor.u32 $0x16, v49  }
0x2b2: {  	v19 =	vor.u32 $0x1B, v49;
	[tilespmem:$0x1FF90] =	vst v1;
	v1 =	vld.idx.msk [tilespmem:v15+s15+$0x0], $0xffff  }
0x2b3: {  	v43 =	vor.u32 $0x15, v49  }
0x2b4: {  	v51 =	vor.u32 $0x11, v49  }
0x2b5: {  	v14 =	vor.u32 $0x10, v49;
	v33 =	vld.idx.msk [tilespmem:v35+s15+$0x0], $0xffff  }
0x2b6: {  	v16 =	vor.u32 $0xF, v49;
	v37 =	vld.idx.msk [tilespmem:v39+s15+$0x0], $0xffff  }
0x2b7: {  	v23 =	vor.u32 $0x1A, v49;
	[tilespmem:$0x1FFA0] =	vst v1;
	v1 =	vld.idx.msk [tilespmem:v19+s15+$0x0], $0xffff  }
0x2b8: {  	v18 =	vor.u32 $0xE, v49;
	v41 =	vld.idx.msk [tilespmem:v43+s15+$0x0], $0xffff  }
0x2b9: {  	v57 =	vor.u32 $0xD, v49;
	v10 =	vld.idx.msk [tilespmem:v51+s15+$0x0], $0xffff  }
0x2ba: {  	v59 =	vor.u32 $0xC, v49;
	v12 =	vld.idx.msk [tilespmem:v14+s15+$0x0], $0xffff  }
0x2bb: {  	v26 =	vor.u32 $0xB, v49;
	v53 =	vld.idx.msk [tilespmem:v16+s15+$0x0], $0xffff  }
0x2bc: {  	v27 =	vor.u32 $0x19, v49;
	[tilespmem:$0x1FFB0] =	vst v1;
	v1 =	vld.idx.msk [tilespmem:v23+s15+$0x0], $0xffff  }
0x2bd: {  	v28 =	vor.u32 $0xA, v49;
	v55 =	vld.idx.msk [tilespmem:v18+s15+$0x0], $0xffff  }
0x2be: {  	v30 =	vor.u32 $0x9, v49;
	v20 =	vld.idx.msk [tilespmem:v57+s15+$0x0], $0xffff  }
0x2bf: {  	v38 =	vor.u32 $0x6, v49;
	v22 =	vld.idx.msk [tilespmem:v59+s15+$0x0], $0xffff  }
0x2c0: {  	v40 =	vor.u32 $0x5, v49;
	v24 =	vld.idx.msk [tilespmem:v26+s15+$0x0], $0xffff  }
0x2c1: {  	v31 =	vor.u32 $0x18, v49;
	[tilespmem:$0x1FFC0] =	vst v1;
	v1 =	vld.idx.msk [tilespmem:v27+s15+$0x0], $0xffff  }
0x2c2: {  	v8 =	vor.u32 $0x12, v49;
	v61 =	vld.idx.msk [tilespmem:v28+s15+$0x0], $0xffff  }
0x2c3: {  	v47 =	vor.u32 $0x13, v49;
	v63 =	vld.idx.msk [tilespmem:v30+s15+$0x0], $0xffff  }
0x2c4: {  	v36 =	vld.idx.msk [tilespmem:v38+s15+$0x0], $0xffff;
	[tilespmem:$0x1FF10] =	vst v2;
	v2 =	vor.u32 $0x8, v49  }
0x2c5: {  	v9 =	vld.idx.msk [tilespmem:v40+s15+$0x0], $0xffff;
	[tilespmem:$0x1FED0] =	vst v5;
	v5 =	vor.u32 $0x7, v49  }
0x2c6: {  	p0 =	sne.s32 s22, $0x70;
	v45 =	vor.u32 $0x14, v49;
	[tilespmem:$0x1FFD0] =	vst v1;
	v1 =	vld.idx.msk [tilespmem:v31+s15+$0x0], $0xffff  }
.Ltmp0:
0x2c7: {  	[tilespmem:$0x1FE90] =	vst v6;
	v6 =	vld.idx.msk [tilespmem:v8+s15+$0x0], $0xffff;
	(pc) =	sbr.rel @p0 .LBB2_4-.Ltmp0, $4  }
0x2c8: {  	[tilespmem:$0x1FEB0] =	vst v4;
	v4 =	vld.idx.msk [tilespmem:v47+s15+$0x0], $0xffff  }
0x2c9: {  	v32 =	vld.idx.msk [tilespmem:v2+s15+$0x0], $0xffff  }
0x2ca: {  	v13 =	vor.u32 $0x4, v49;
	v34 =	vld.idx.msk [tilespmem:v5+s15+$0x0], $0xffff  }
0x2cb: {  	s22 =	sadd.s32 $0x10, s22;
	v42 =	vor.u32 $0x3, v49;
	v44 =	vor.u32 $0x2, v49;
	v17 =	vor.u32 $0x1, v49;
	[tilespmem:$0x1FFE0] =	vst v1;
	v1 =	vld.idx.msk [tilespmem:v45+s15+$0x0], $0xffff  }
0x2cc: {  	_ =	sdelay $0x3  }
0x2cd: {  	v21 =	vld.idx.msk [tilespmem:v49+s15+$0x0], $0xffff  }
0x2ce: {  	v25 =	vld.idx.msk [tilespmem:v49+s14+$0x0], $0xffff  }
0x2cf: {  	v29 =	vld.idx.msk [tilespmem:v49+s16+$0x0], $0xffff  }
0x2d0: {  	v46 =	vld.idx.msk [tilespmem:v17+s15+$0x0], $0xffff  }
0x2d1: {  	v48 =	vld.idx.msk [tilespmem:v17+s14+$0x0], $0xffff  }
0x2d2: {  	v17 =	vld.idx.msk [tilespmem:v17+s16+$0x0], $0xffff  }
0x2d3: {  	v49 =	vld.idx.msk [tilespmem:v44+s15+$0x0], $0xffff  }
0x2d4: {  	v50 =	vld.idx.msk [tilespmem:v44+s14+$0x0], $0xffff  }
0x2d5: {  	v44 =	vld.idx.msk [tilespmem:v44+s16+$0x0], $0xffff  }
0x2d6: {  	v52 =	vld.idx.msk [tilespmem:v42+s15+$0x0], $0xffff  }
0x2d7: {  	v54 =	vld.idx.msk [tilespmem:v42+s14+$0x0], $0xffff;
	v21 =	vmul.f32 v21, v25  }
0x2d8: {  	v25 =	vmul.f32 v29, v25;
	v29 =	vld.idx.msk [tilespmem:v42+s16+$0x0], $0xffff  }
0x2d9: {  	v42 =	vmul.f32 v46, v48;
	v46 =	vld.idx.msk [tilespmem:v13+s15+$0x0], $0xffff;
	v21 =	vadd.f32 $0.0e+00, v21  }
0x2da: {  	v17 =	vmul.f32 v17, v48;
	v48 =	vld.idx.msk [tilespmem:v13+s14+$0x0], $0xffff;
	v25 =	vadd.f32 $0.0e+00, v25  }
0x2db: {  	v13 =	vld.idx.msk [tilespmem:v13+s16+$0x0], $0xffff;
	v49 =	vmul.f32 v49, v50;
	v21 =	vadd.f32 v42, v21  }
0x2dc: {  	v17 =	vadd.f32 v17, v25;
	v25 =	vmul.f32 v44, v50;
	v44 =	vld.idx.msk [tilespmem:v40+s14+$0x0], $0xffff  }
0x2dd: {  	v50 =	vmul.f32 v52, v54;
	v21 =	vadd.f32 v49, v21;
	v49 =	vld.idx.msk [tilespmem:v40+s16+$0x0], $0xffff  }
0x2de: {  	v17 =	vadd.f32 v25, v17;
	v25 =	vmul.f32 v29, v54;
	v29 =	vld.idx.msk [tilespmem:v38+s14+$0x0], $0xffff  }
0x2df: {  	v52 =	vld.idx.msk [tilespmem:v38+s16+$0x0], $0xffff;
	v54 =	vmul.f32 v46, v48;
	v21 =	vadd.f32 v50, v21  }
0x2e0: {  	v13 =	vmul.f32 v13, v48;
	v17 =	vadd.f32 v25, v17;
	v25 =	vld.idx.msk [tilespmem:v5+s14+$0x0], $0xffff  }
0x2e1: {  	v5 =	vld.idx.msk [tilespmem:v5+s16+$0x0], $0xffff;
	v9 =	vmul.f32 v9, v44;
	v21 =	vadd.f32 v54, v21  }
0x2e2: {  	v46 =	vld.idx.msk [tilespmem:v2+s14+$0x0], $0xffff;
	v13 =	vadd.f32 v13, v17;
	v17 =	vmul.f32 v49, v44  }
0x2e3: {  	v2 =	vld.idx.msk [tilespmem:v2+s16+$0x0], $0xffff;
	v9 =	vadd.f32 v9, v21;
	v21 =	vmul.f32 v36, v29  }
0x2e4: {  	v13 =	vadd.f32 v17, v13;
	v17 =	vmul.f32 v52, v29;
	v29 =	vld.idx.msk [tilespmem:v30+s14+$0x0], $0xffff  }
0x2e5: {  	v9 =	vadd.f32 v21, v9;
	v21 =	vld.idx.msk [tilespmem:v30+s16+$0x0], $0xffff;
	v30 =	vmul.f32 v34, v25  }
0x2e6: {  	v5 =	vmul.f32 v5, v25;
	v13 =	vadd.f32 v17, v13;
	v17 =	vld.idx.msk [tilespmem:v28+s14+$0x0], $0xffff  }
0x2e7: {  	v25 =	vld.idx.msk [tilespmem:v28+s16+$0x0], $0xffff;
	v28 =	vmul.f32 v32, v46;
	v9 =	vadd.f32 v30, v9  }
0x2e8: {  	v2 =	vmul.f32 v2, v46;
	v5 =	vadd.f32 v5, v13;
	v13 =	vld.idx.msk [tilespmem:v26+s14+$0x0], $0xffff  }
0x2e9: {  	v26 =	vld.idx.msk [tilespmem:v26+s16+$0x0], $0xffff;
	v9 =	vadd.f32 v28, v9;
	v28 =	vmul.f32 v63, v29  }
0x2ea: {  	v2 =	vadd.f32 v2, v5;
	v5 =	vmul.f32 v21, v29;
	v21 =	vld.idx.msk [tilespmem:v59+s14+$0x0], $0xffff  }
0x2eb: {  	v9 =	vadd.f32 v28, v9;
	v28 =	vld.idx.msk [tilespmem:v59+s16+$0x0], $0xffff;
	v29 =	vmul.f32 v61, v17  }
0x2ec: {  	v2 =	vadd.f32 v5, v2;
	v5 =	vmul.f32 v25, v17;
	v17 =	vld.idx.msk [tilespmem:v57+s14+$0x0], $0xffff  }
0x2ed: {  	v25 =	vld.idx.msk [tilespmem:v57+s16+$0x0], $0xffff;
	v9 =	vadd.f32 v29, v9;
	v24 =	vmul.f32 v24, v13  }
0x2ee: {  	v2 =	vadd.f32 v5, v2;
	v5 =	vmul.f32 v26, v13;
	v13 =	vld.idx.msk [tilespmem:v18+s14+$0x0], $0xffff  }
0x2ef: {  	v18 =	vld.idx.msk [tilespmem:v18+s16+$0x0], $0xffff;
	v9 =	vadd.f32 v24, v9;
	v22 =	vmul.f32 v22, v21  }
0x2f0: {  	v2 =	vadd.f32 v5, v2;
	v5 =	vmul.f32 v28, v21;
	v21 =	vld.idx.msk [tilespmem:v16+s14+$0x0], $0xffff  }
0x2f1: {  	v16 =	vld.idx.msk [tilespmem:v16+s16+$0x0], $0xffff;
	v9 =	vadd.f32 v22, v9;
	v20 =	vmul.f32 v20, v17  }
0x2f2: {  	v2 =	vadd.f32 v5, v2;
	v5 =	vmul.f32 v25, v17;
	v17 =	vld.idx.msk [tilespmem:v14+s14+$0x0], $0xffff  }
0x2f3: {  	v14 =	vld.idx.msk [tilespmem:v14+s16+$0x0], $0xffff;
	v9 =	vadd.f32 v20, v9;
	v20 =	vmul.f32 v55, v13  }
0x2f4: {  	v2 =	vadd.f32 v5, v2;
	v5 =	vmul.f32 v18, v13;
	v13 =	vld.idx.msk [tilespmem:v51+s14+$0x0], $0xffff  }
0x2f5: {  	v18 =	vld.idx.msk [tilespmem:v51+s16+$0x0], $0xffff;
	v9 =	vadd.f32 v20, v9;
	v20 =	vmul.f32 v53, v21  }
0x2f6: {  	v2 =	vadd.f32 v5, v2;
	v5 =	vmul.f32 v16, v21;
	v16 =	vld.idx.msk [tilespmem:v8+s14+$0x0], $0xffff  }
0x2f7: {  	v8 =	vld.idx.msk [tilespmem:v8+s16+$0x0], $0xffff;
	v9 =	vadd.f32 v20, v9;
	v12 =	vmul.f32 v12, v17  }
0x2f8: {  	v2 =	vadd.f32 v5, v2;
	v5 =	vmul.f32 v14, v17;
	v14 =	vld.idx.msk [tilespmem:v47+s14+$0x0], $0xffff  }
0x2f9: {  	v9 =	vadd.f32 v12, v9;
	v12 =	vld.idx.msk [tilespmem:v47+s16+$0x0], $0xffff;
	v10 =	vmul.f32 v10, v13  }
0x2fa: {  	v2 =	vadd.f32 v5, v2;
	v5 =	vmul.f32 v18, v13;
	v13 =	vld.idx.msk [tilespmem:v45+s14+$0x0], $0xffff  }
0x2fb: {  	v9 =	vadd.f32 v10, v9;
	v10 =	vld.idx.msk [tilespmem:v45+s16+$0x0], $0xffff;
	v6 =	vmul.f32 v6, v16  }
0x2fc: {  	v2 =	vadd.f32 v5, v2;
	v5 =	vmul.f32 v8, v16;
	v8 =	vld.idx.msk [tilespmem:v43+s14+$0x0], $0xffff  }
0x2fd: {  	v6 =	vadd.f32 v6, v9;
	v4 =	vmul.f32 v4, v14  }
0x2fe: {  	v2 =	vadd.f32 v5, v2;
	v5 =	vmul.f32 v12, v14;
	v12 =	vld.idx.msk [tilespmem:v39+s14+$0x0], $0xffff  }
0x2ff: {  	v4 =	vadd.f32 v4, v6;
	v1 =	vmul.f32 v1, v13  }
0x300: {  	v2 =	vadd.f32 v5, v2;
	v5 =	vmul.f32 v10, v13;
	v10 =	vld.idx.msk [tilespmem:v35+s14+$0x0], $0xffff  }
0x301: {  	v9 =	vld.idx.msk [tilespmem:v43+s16+$0x0], $0xffff;
	v1 =	vadd.f32 v1, v4;
	v13 =	vmul.f32 v41, v8;
	_ =	sdelay $0x1  }
0x302: {  	v1 =	vadd.f32 v13, v1;
	v13 =	vmul.f32 v37, v12;
	_ =	sdelay $0x1  }
0x303: {  	v1 =	vadd.f32 v13, v1;
	v13 =	vmul.f32 v33, v10  }
0x304: {  	v2 =	vadd.f32 v5, v2;
	v5 =	vmul.f32 v9, v8;
	v8 =	vld.idx.msk [tilespmem:v31+s14+$0x0], $0xffff  }
0x305: {  	v1 =	vadd.f32 v13, v1;
	v13 =	vld [tilespmem:$0x1FFE0]  }
0x306: {  	v6 =	vld.idx.msk [tilespmem:v39+s16+$0x0], $0xffff;
	_ =	sdelay $0x3  }
0x307: {  	v4 =	vld.idx.msk [tilespmem:v35+s16+$0x0], $0xffff;
	v13 =	vmul.f32 v13, v8  }
0x308: {  	v2 =	vadd.f32 v5, v2;
	v5 =	vmul.f32 v6, v12;
	v6 =	vld.idx.msk [tilespmem:v27+s14+$0x0], $0xffff  }
0x309: {  	v1 =	vadd.f32 v13, v1;
	v13 =	vld [tilespmem:$0x1FFD0];
	_ =	sdelay $0x1  }
0x30a: {  	v9 =	vld.idx.msk [tilespmem:v31+s16+$0x0], $0xffff;
	_ =	sdelay $0x1  }
0x30b: {  	v12 =	vld.idx.msk [tilespmem:v27+s16+$0x0], $0xffff  }
0x30c: {  	v2 =	vadd.f32 v5, v2;
	v4 =	vmul.f32 v4, v10;
	v5 =	vld.idx.msk [tilespmem:v23+s14+$0x0], $0xffff;
	v13 =	vmul.f32 v13, v6  }
0x30d: {  	v10 =	vld.idx.msk [tilespmem:v23+s16+$0x0], $0xffff  }
0x30e: {  	v2 =	vadd.f32 v4, v2;
	v4 =	vmul.f32 v9, v8;
	v1 =	vadd.f32 v13, v1;
	v13 =	vld [tilespmem:$0x1FFC0]  }
0x30f: {  	v9 =	vld.idx.msk [tilespmem:v19+s16+$0x0], $0xffff  }
0x310: {  	v2 =	vadd.f32 v4, v2;
	v4 =	vmul.f32 v12, v6;
	v8 =	vld.idx.msk [tilespmem:v19+s14+$0x0], $0xffff;
	_ =	sdelay $0x1  }
0x311: {  	v2 =	vadd.f32 v4, v2;
	v4 =	vmul.f32 v10, v5;
	v10 =	vld.idx.msk [tilespmem:v11+s16+$0x0], $0xffff  }
0x312: {  	v13 =	vmul.f32 v13, v5;
	v5 =	vld.idx.msk [tilespmem:v11+s14+$0x0], $0xffff  }
0x313: {  	v11 =	vld [tilespmem:$0x1FFB0]  }
0x314: {  	v2 =	vadd.f32 v4, v2;
	v4 =	vmul.f32 v9, v8;
	v9 =	vld [tilespmem:$0x1FFA0]  }
0x315: {  	v6 =	vld.idx.msk [tilespmem:v15+s14+$0x0], $0xffff  }
0x316: {  	v12 =	vld.idx.msk [tilespmem:v15+s16+$0x0], $0xffff;
	_ =	sdelay $0x1  }
0x317: {  	v1 =	vadd.f32 v13, v1;
	v11 =	vmul.f32 v11, v8  }
0x318: {  	v8 =	vld.idx.msk [tilespmem:v7+s14+$0x0], $0xffff  }
0x319: {  	v9 =	vmul.f32 v9, v6;
	v7 =	vld.idx.msk [tilespmem:v7+s16+$0x0], $0xffff;
	v1 =	vadd.f32 v11, v1  }
0x31a: {  	v2 =	vadd.f32 v4, v2;
	v4 =	vmul.f32 v12, v6;
	v6 =	vld.idx.msk [tilespmem:v3+s14+$0x0], $0xffff  }
0x31b: {  	v1 =	vadd.f32 v9, v1;
	v9 =	vld [tilespmem:$0x1FF90];
	_ =	sdelay $0x4  }
0x31c: {  	v9 =	vmul.f32 v9, v5;
	_ =	sdelay $0x1  }
0x31d: {  	v1 =	vadd.f32 v9, v1;
	v9 =	vld [tilespmem:$0x1FF80];
	_ =	sdelay $0x4  }
0x31e: {  	v9 =	vmul.f32 v9, v8;
	_ =	sdelay $0x1  }
0x31f: {  	v1 =	vadd.f32 v9, v1;
	v9 =	vld [tilespmem:$0x1FF70];
	_ =	sdelay $0x4  }
0x320: {  	v9 =	vmul.f32 v9, v6  }
0x321: {  	v2 =	vadd.f32 v4, v2;
	v4 =	vmul.f32 v10, v5;
	v5 =	vld.idx.msk [tilespmem:v0+s14+$0x0], $0xffff  }
0x322: {  	v1 =	vadd.f32 v9, v1;
	v9 =	vld [tilespmem:$0x1FF60];
	_ =	sdelay $0x4  }
0x323: {  	v9 =	vmul.f32 v9, v5  }
0x324: {  	v2 =	vadd.f32 v4, v2;
	v4 =	vmul.f32 v7, v8;
	v7 =	vld.idx.msk [tilespmem:v62+s14+$0x0], $0xffff  }
0x325: {  	v1 =	vadd.f32 v9, v1;
	v9 =	vld [tilespmem:$0x1FF50];
	_ =	sdelay $0x1  }
0x326: {  	v3 =	vld.idx.msk [tilespmem:v3+s16+$0x0], $0xffff;
	_ =	sdelay $0x1  }
0x327: {  	v0 =	vld.idx.msk [tilespmem:v0+s16+$0x0], $0xffff  }
0x328: {  	v2 =	vadd.f32 v4, v2;
	v4 =	vld.idx.msk [tilespmem:v60+s14+$0x0], $0xffff;
	v9 =	vmul.f32 v9, v7  }
0x329: {  	v8 =	vld.idx.msk [tilespmem:v62+s16+$0x0], $0xffff  }
0x32a: {  	v3 =	vmul.f32 v3, v6;
	v1 =	vadd.f32 v9, v1;
	v9 =	vld [tilespmem:$0x1FF40];
	_ =	sdelay $0x1  }
0x32b: {  	v2 =	vadd.f32 v3, v2;
	v0 =	vmul.f32 v0, v5;
	_ =	sdelay $0x1  }
0x32c: {  	v0 =	vadd.f32 v0, v2;
	v2 =	vmul.f32 v8, v7;
	v8 =	vld [tilespmem:$0x1FF10]  }
0x32d: {  	v6 =	vld.idx.msk [tilespmem:v60+s16+$0x0], $0xffff;
	v9 =	vmul.f32 v9, v4  }
0x32e: {  	v3 =	vld.idx.msk [tilespmem:v58+s14+$0x0], $0xffff  }
0x32f: {  	v1 =	vadd.f32 v9, v1;
	v9 =	vld [tilespmem:$0x1FF30]  }
0x330: {  	v10 =	vld [tilespmem:$0x1FED0]  }
0x331: {  	v11 =	vld [tilespmem:$0x1FEB0]  }
0x332: {  	v0 =	vadd.f32 v2, v0;
	v2 =	vmul.f32 v6, v4;
	v6 =	vld [tilespmem:$0x1FEF0]  }
0x333: {  	v5 =	vld.idx.msk [tilespmem:v58+s16+$0x0], $0xffff  }
0x334: {  	v7 =	vld.idx.msk [tilespmem:v8+s14+$0x0], $0xffff;
	v9 =	vmul.f32 v9, v3  }
0x335: {  	v8 =	vld.idx.msk [tilespmem:v8+s16+$0x0], $0xffff  }
0x336: {  	v1 =	vadd.f32 v9, v1;
	v9 =	vld [tilespmem:$0x1FF20];
	_ =	sdelay $0x1  }
0x337: {  	v0 =	vadd.f32 v2, v0;
	v2 =	vld.idx.msk [tilespmem:v10+s14+$0x0], $0xffff  }
0x338: {  	v3 =	vmul.f32 v5, v3;
	v5 =	vld.idx.msk [tilespmem:v10+s16+$0x0], $0xffff  }
0x339: {  	v10 =	vld.idx.msk [tilespmem:v11+s14+$0x0], $0xffff  }
0x33a: {  	v0 =	vadd.f32 v3, v0;
	v3 =	vmul.f32 v8, v7;
	v9 =	vmul.f32 v9, v7;
	v7 =	vld.idx.msk [tilespmem:v11+s16+$0x0], $0xffff  }
0x33b: {  	v11 =	vld [tilespmem:$0x1FE90];
	_ =	sdelay $0x1  }
0x33c: {  	v4 =	vld.idx.msk [tilespmem:v6+s14+$0x0], $0xffff  }
0x33d: {  	v6 =	vld.idx.msk [tilespmem:v6+s16+$0x0], $0xffff  }
0x33e: {  	v8 =	vld [tilespmem:$0x1FF00];
	_ =	sdelay $0x3  }
0x33f: {  	v1 =	vadd.f32 v9, v1;
	v9 =	vld.idx.msk [tilespmem:v11+s14+$0x0], $0xffff  }
0x340: {  	v0 =	vadd.f32 v3, v0;
	v3 =	vmul.f32 v6, v4;
	v8 =	vmul.f32 v8, v4;
	v4 =	vld.idx.msk [tilespmem:v11+s16+$0x0], $0xffff  }
0x341: {  	v11 =	vld [tilespmem:$0x1FE70];
	_ =	sdelay $0x1  }
0x342: {  	v6 =	vld [tilespmem:$0x1FEE0];
	_ =	sdelay $0x4  }
0x343: {  	v6 =	vmul.f32 v6, v2;
	v2 =	vmul.f32 v5, v2;
	v5 =	vld [tilespmem:$0x1FEC0]  }
0x344: {  	v1 =	vadd.f32 v8, v1;
	v8 =	vld.idx.msk [tilespmem:v11+s14+$0x0], $0xffff  }
0x345: {  	v0 =	vadd.f32 v3, v0;
	v3 =	vld.idx.msk [tilespmem:v11+s16+$0x0], $0xffff  }
0x346: {  	v11 =	vld [tilespmem:$0x1FE50];
	_ =	sdelay $0x4  }
0x347: {  	v1 =	vadd.f32 v6, v1;
	v5 =	vmul.f32 v5, v10;
	_ =	sdelay $0x1  }
0x348: {  	v1 =	vadd.f32 v5, v1;
	v5 =	vld [tilespmem:$0x1FEA0]  }
0x349: {  	v6 =	vld.idx.msk [tilespmem:v11+s14+$0x0], $0xffff  }
0x34a: {  	v0 =	vadd.f32 v2, v0;
	v2 =	vmul.f32 v7, v10;
	v7 =	vld.idx.msk [tilespmem:v11+s16+$0x0], $0xffff  }
0x34b: {  	v11 =	vld [tilespmem:$0x1FE30];
	_ =	sdelay $0x4  }
0x34c: {  	v5 =	vmul.f32 v5, v9;
	_ =	sdelay $0x1  }
0x34d: {  	v1 =	vadd.f32 v5, v1;
	v5 =	vld [tilespmem:$0x1FE80]  }
0x34e: {  	v10 =	vld.idx.msk [tilespmem:v11+s14+$0x0], $0xffff  }
0x34f: {  	v0 =	vadd.f32 v2, v0;
	v2 =	vmul.f32 v4, v9;
	v4 =	vld.idx.msk [tilespmem:v11+s16+$0x0], $0xffff  }
0x350: {  	v11 =	vld [tilespmem:$0x1FE10];
	_ =	sdelay $0x4  }
0x351: {  	v5 =	vmul.f32 v5, v8;
	_ =	sdelay $0x1  }
0x352: {  	v1 =	vadd.f32 v5, v1;
	v5 =	vld [tilespmem:$0x1FE60]  }
0x353: {  	v9 =	vld.idx.msk [tilespmem:v11+s14+$0x0], $0xffff  }
0x354: {  	v0 =	vadd.f32 v2, v0;
	v2 =	vmul.f32 v3, v8;
	v3 =	vld.idx.msk [tilespmem:v11+s16+$0x0], $0xffff  }
0x355: {  	v11 =	vld [tilespmem:$0x1FDF0];
	_ =	sdelay $0x4  }
0x356: {  	v5 =	vmul.f32 v5, v6;
	_ =	sdelay $0x1  }
0x357: {  	v1 =	vadd.f32 v5, v1;
	v5 =	vld [tilespmem:$0x1FE40]  }
0x358: {  	v8 =	vld.idx.msk [tilespmem:v11+s14+$0x0], $0xffff  }
0x359: {  	v0 =	vadd.f32 v2, v0;
	v2 =	vmul.f32 v7, v6;
	v6 =	vld.idx.msk [tilespmem:v11+s16+$0x0], $0xffff  }
0x35a: {  	v11 =	vld [tilespmem:$0x1FDD0];
	_ =	sdelay $0x4  }
0x35b: {  	v5 =	vmul.f32 v5, v10;
	_ =	sdelay $0x1  }
0x35c: {  	v1 =	vadd.f32 v5, v1;
	v5 =	vld [tilespmem:$0x1FE20]  }
0x35d: {  	v7 =	vld.idx.msk [tilespmem:v11+s14+$0x0], $0xffff  }
0x35e: {  	v0 =	vadd.f32 v2, v0;
	v2 =	vmul.f32 v4, v10;
	v4 =	vld.idx.msk [tilespmem:v11+s16+$0x0], $0xffff  }
0x35f: {  	v11 =	vld [tilespmem:$0x1FDB0];
	_ =	sdelay $0x4  }
0x360: {  	v5 =	vmul.f32 v5, v9;
	_ =	sdelay $0x1  }
0x361: {  	v1 =	vadd.f32 v5, v1;
	v5 =	vld [tilespmem:$0x1FE00]  }
0x362: {  	v10 =	vld.idx.msk [tilespmem:v11+s14+$0x0], $0xffff  }
0x363: {  	v0 =	vadd.f32 v2, v0;
	v2 =	vmul.f32 v3, v9;
	v3 =	vld.idx.msk [tilespmem:v11+s16+$0x0], $0xffff  }
0x364: {  	v11 =	vld [tilespmem:$0x1FD90];
	_ =	sdelay $0x4  }
0x365: {  	v5 =	vmul.f32 v5, v8;
	_ =	sdelay $0x1  }
0x366: {  	v1 =	vadd.f32 v5, v1;
	v5 =	vld [tilespmem:$0x1FDE0]  }
0x367: {  	v9 =	vld.idx.msk [tilespmem:v11+s14+$0x0], $0xffff  }
0x368: {  	v0 =	vadd.f32 v2, v0;
	v2 =	vmul.f32 v6, v8;
	v6 =	vld.idx.msk [tilespmem:v11+s16+$0x0], $0xffff  }
0x369: {  	v11 =	vld [tilespmem:$0x1FD70];
	_ =	sdelay $0x4  }
0x36a: {  	v5 =	vmul.f32 v5, v7;
	_ =	sdelay $0x1  }
0x36b: {  	v1 =	vadd.f32 v5, v1;
	v5 =	vld [tilespmem:$0x1FDC0]  }
0x36c: {  	v8 =	vld.idx.msk [tilespmem:v11+s14+$0x0], $0xffff  }
0x36d: {  	v0 =	vadd.f32 v2, v0;
	v2 =	vmul.f32 v4, v7;
	v4 =	vld.idx.msk [tilespmem:v11+s16+$0x0], $0xffff  }
0x36e: {  	v11 =	vld [tilespmem:$0x1FD50];
	_ =	sdelay $0x4  }
0x36f: {  	v5 =	vmul.f32 v5, v10;
	_ =	sdelay $0x1  }
0x370: {  	v1 =	vadd.f32 v5, v1;
	v5 =	vld [tilespmem:$0x1FDA0]  }
0x371: {  	v7 =	vld.idx.msk [tilespmem:v11+s14+$0x0], $0xffff  }
0x372: {  	v0 =	vadd.f32 v2, v0;
	v2 =	vmul.f32 v3, v10;
	v3 =	vld.idx.msk [tilespmem:v11+s16+$0x0], $0xffff  }
0x373: {  	v11 =	vld [tilespmem:$0x1FD30];
	_ =	sdelay $0x4  }
0x374: {  	v5 =	vmul.f32 v5, v9;
	_ =	sdelay $0x1  }
0x375: {  	v1 =	vadd.f32 v5, v1;
	v5 =	vld [tilespmem:$0x1FD80]  }
0x376: {  	v10 =	vld.idx.msk [tilespmem:v11+s14+$0x0], $0xffff  }
0x377: {  	v0 =	vadd.f32 v2, v0;
	v2 =	vmul.f32 v6, v9;
	v6 =	vld.idx.msk [tilespmem:v11+s16+$0x0], $0xffff  }
0x378: {  	v11 =	vld [tilespmem:$0x1FD10];
	_ =	sdelay $0x4  }
0x379: {  	v5 =	vmul.f32 v5, v8;
	_ =	sdelay $0x1  }
0x37a: {  	v1 =	vadd.f32 v5, v1;
	v5 =	vld [tilespmem:$0x1FD60]  }
0x37b: {  	v9 =	vld.idx.msk [tilespmem:v11+s14+$0x0], $0xffff  }
0x37c: {  	v0 =	vadd.f32 v2, v0;
	v2 =	vmul.f32 v4, v8;
	v4 =	vld.idx.msk [tilespmem:v11+s16+$0x0], $0xffff  }
0x37d: {  	v11 =	vld [tilespmem:$0x1FCF0];
	_ =	sdelay $0x4  }
0x37e: {  	v5 =	vmul.f32 v5, v7;
	_ =	sdelay $0x1  }
0x37f: {  	v1 =	vadd.f32 v5, v1;
	v5 =	vld [tilespmem:$0x1FD40]  }
0x380: {  	v8 =	vld.idx.msk [tilespmem:v11+s14+$0x0], $0xffff  }
0x381: {  	v0 =	vadd.f32 v2, v0;
	v2 =	vmul.f32 v3, v7;
	v3 =	vld.idx.msk [tilespmem:v11+s16+$0x0], $0xffff  }
0x382: {  	v11 =	vld [tilespmem:$0x1FCD0];
	_ =	sdelay $0x4  }
0x383: {  	v5 =	vmul.f32 v5, v10;
	_ =	sdelay $0x1  }
0x384: {  	v1 =	vadd.f32 v5, v1;
	v5 =	vld [tilespmem:$0x1FD20]  }
0x385: {  	v7 =	vld.idx.msk [tilespmem:v11+s14+$0x0], $0xffff  }
0x386: {  	v0 =	vadd.f32 v2, v0;
	v2 =	vmul.f32 v6, v10;
	v6 =	vld.idx.msk [tilespmem:v11+s16+$0x0], $0xffff  }
0x387: {  	v11 =	vld [tilespmem:$0x1FCB0];
	_ =	sdelay $0x4  }
0x388: {  	v5 =	vmul.f32 v5, v9;
	_ =	sdelay $0x1  }
0x389: {  	v1 =	vadd.f32 v5, v1;
	v5 =	vld [tilespmem:$0x1FD00]  }
0x38a: {  	v10 =	vld.idx.msk [tilespmem:v11+s14+$0x0], $0xffff  }
0x38b: {  	v0 =	vadd.f32 v2, v0;
	v2 =	vmul.f32 v4, v9;
	v4 =	vld.idx.msk [tilespmem:v11+s16+$0x0], $0xffff  }
0x38c: {  	v11 =	vld [tilespmem:$0x1FC90];
	_ =	sdelay $0x4  }
0x38d: {  	v5 =	vmul.f32 v5, v8;
	_ =	sdelay $0x1  }
0x38e: {  	v1 =	vadd.f32 v5, v1;
	v5 =	vld [tilespmem:$0x1FCE0]  }
0x38f: {  	v9 =	vld.idx.msk [tilespmem:v11+s14+$0x0], $0xffff  }
0x390: {  	v0 =	vadd.f32 v2, v0;
	v2 =	vmul.f32 v3, v8;
	v3 =	vld.idx.msk [tilespmem:v11+s16+$0x0], $0xffff  }
0x391: {  	v11 =	vld [tilespmem:$0x1FC70];
	_ =	sdelay $0x4  }
0x392: {  	v5 =	vmul.f32 v5, v7;
	_ =	sdelay $0x1  }
0x393: {  	v1 =	vadd.f32 v5, v1;
	v5 =	vld [tilespmem:$0x1FCC0]  }
0x394: {  	v8 =	vld.idx.msk [tilespmem:v11+s14+$0x0], $0xffff  }
0x395: {  	v0 =	vadd.f32 v2, v0;
	v2 =	vmul.f32 v6, v7;
	v6 =	vld.idx.msk [tilespmem:v11+s16+$0x0], $0xffff  }
0x396: {  	v11 =	vld [tilespmem:$0x1FC50];
	_ =	sdelay $0x4  }
0x397: {  	v5 =	vmul.f32 v5, v10;
	_ =	sdelay $0x1  }
0x398: {  	v1 =	vadd.f32 v5, v1;
	v5 =	vld [tilespmem:$0x1FCA0]  }
0x399: {  	v7 =	vld.idx.msk [tilespmem:v11+s14+$0x0], $0xffff  }
0x39a: {  	v0 =	vadd.f32 v2, v0;
	v2 =	vmul.f32 v4, v10;
	v4 =	vld.idx.msk [tilespmem:v11+s16+$0x0], $0xffff  }
0x39b: {  	v11 =	vld [tilespmem:$0x1FC30];
	_ =	sdelay $0x4  }
0x39c: {  	v5 =	vmul.f32 v5, v9;
	_ =	sdelay $0x1  }
0x39d: {  	v1 =	vadd.f32 v5, v1;
	v5 =	vld [tilespmem:$0x1FC80]  }
0x39e: {  	v10 =	vld.idx.msk [tilespmem:v11+s14+$0x0], $0xffff  }
0x39f: {  	v0 =	vadd.f32 v2, v0;
	v2 =	vmul.f32 v3, v9;
	v3 =	vld.idx.msk [tilespmem:v11+s16+$0x0], $0xffff  }
0x3a0: {  	v11 =	vld [tilespmem:$0x1FC10];
	_ =	sdelay $0x4  }
0x3a1: {  	v5 =	vmul.f32 v5, v8;
	_ =	sdelay $0x1  }
0x3a2: {  	v1 =	vadd.f32 v5, v1;
	v5 =	vld [tilespmem:$0x1FC60]  }
0x3a3: {  	v9 =	vld.idx.msk [tilespmem:v11+s14+$0x0], $0xffff  }
0x3a4: {  	v0 =	vadd.f32 v2, v0;
	v2 =	vmul.f32 v6, v8;
	v6 =	vld.idx.msk [tilespmem:v11+s16+$0x0], $0xffff  }
0x3a5: {  	v11 =	vld [tilespmem:$0x1FBF0];
	_ =	sdelay $0x4  }
0x3a6: {  	v5 =	vmul.f32 v5, v7;
	_ =	sdelay $0x1  }
0x3a7: {  	v1 =	vadd.f32 v5, v1;
	v5 =	vld [tilespmem:$0x1FC40]  }
0x3a8: {  	v8 =	vld.idx.msk [tilespmem:v11+s14+$0x0], $0xffff  }
0x3a9: {  	v0 =	vadd.f32 v2, v0;
	v2 =	vmul.f32 v4, v7;
	v4 =	vld.idx.msk [tilespmem:v11+s16+$0x0], $0xffff  }
0x3aa: {  	v11 =	vld [tilespmem:$0x1FBD0];
	_ =	sdelay $0x4  }
0x3ab: {  	v5 =	vmul.f32 v5, v10;
	_ =	sdelay $0x1  }
0x3ac: {  	v1 =	vadd.f32 v5, v1;
	v5 =	vld [tilespmem:$0x1FC20]  }
0x3ad: {  	v7 =	vld.idx.msk [tilespmem:v11+s14+$0x0], $0xffff  }
0x3ae: {  	v0 =	vadd.f32 v2, v0;
	v2 =	vmul.f32 v3, v10;
	v3 =	vld.idx.msk [tilespmem:v11+s16+$0x0], $0xffff  }
0x3af: {  	v11 =	vld [tilespmem:$0x1FBB0];
	_ =	sdelay $0x1  }
0x3b0: {  	v5 =	vmul.f32 v5, v9  }
0x3b1: {  	v0 =	vadd.f32 v2, v0;
	v2 =	vmul.f32 v6, v9  }
0x3b2: {  	v1 =	vadd.f32 v5, v1;
	v5 =	vld [tilespmem:$0x1FC00]  }
0x3b3: {  	v0 =	vadd.f32 v2, v0;
	v2 =	vmul.f32 v4, v8  }
0x3b4: {  	v4 =	vld [tilespmem:$0x1FBE0]  }
0x3b5: {  	v0 =	vadd.f32 v2, v0;
	v2 =	vmul.f32 v3, v7;
	v3 =	vld [tilespmem:$0x1FBC0]  }
0x3b6: {  	v10 =	vld.idx.msk [tilespmem:v11+s14+$0x0], $0xffff  }
0x3b7: {  	v5 =	vmul.f32 v5, v8;
	v6 =	vld.idx.msk [tilespmem:v11+s16+$0x0], $0xffff;
	_ =	sdelay $0x1  }
0x3b8: {  	v1 =	vadd.f32 v5, v1;
	v4 =	vmul.f32 v4, v7;
	_ =	sdelay $0x1  }
0x3b9: {  	v1 =	vadd.f32 v4, v1;
	v3 =	vmul.f32 v3, v10  }
0x3ba: {  	v0 =	vadd.f32 v2, v0;
	v2 =	vmul.f32 v6, v10  }
0x3bb: {  	v1 =	vadd.f32 v3, v1  }
0x3bc: {  	s22 =	sadd.s32 $0x10, s28;
	v0 =	vadd.f32 v2, v0  }
0x3bd: {  	p0 =	seq.s32 s30, $0x27;
	[tilespmem:s22+$0x0] =	vst v1;
	s22 =	sadd.s32 $0x10, s29  }
0x3be: {  	s28 =	simm.s32 @!p0 $0x80;
	s29 =	simm.s32 @!p0 $0xA000;
	[tilespmem:s22+$0x0] =	vst v0;
	s22 =	sadd.s32 @!p0 $0x100, s31  }
0x3bf: {  	[tilespmem:s29], [sflag:$0x1] =	stream.indirect.gather @!p0 [hbm4b:s3+s28], $0x40, s22, s28, $0xb8;
	[tilespmem:$0x16000] =	vst v63  }
0x3c0: {  	s22 =	sadd.s32 @!p0 $0x2900, s31;
	s29 =	simm.s32 @!p0 $0xC000  }
0x3c1: {  	[tilespmem:s29], [sflag:$0x1] =	stream.indirect.gather @!p0 [hbm4b:s4+s28], $0x40, s22, s28, $0xb8;
	[tilespmem:$0x16000] =	vst v63  }
0x3c2: {  	s29 =	simm.s32 @!p0 $0xE000  }
0x3c3: {  	[tilespmem:s29], [sflag:$0x1] =	stream.indirect.gather @!p0 [hbm4b:s5+s28], $0x40, s22, s28, $0xb8;
	[tilespmem:$0x16000] =	vst v63  }
0x3c4: {  	s31 =	simm.s32 $0x0;
	_ =	swait.ge [sflag:s21], $0x2000  }
0x3c5: {  	v0 =	vmov s31;
	[sflag:s21] =	ssyncset.done $0x0  }
0x3c6: {  	v0 =	vshll.u32 v0, $0x6;
	[sflag:s21] =	ssyncadd.s32 $0xFFFFE000  }
0x3c7: {  	v3 =	vor.u32 v56, v0;
	_ =	swait.ge [sflag:s21], $0x2000  }
0x3c8: {  	v0 =	vor.u32 $0x15, v3;
	[sflag:s21] =	ssyncset.done $0x0  }
0x3c9: {  	[sflag:s21] =	ssyncadd.s32 $0xFFFFE000  }
0x3ca: {  	v25 =	vor.u32 $0x9, v3;
	_ =	swait.ge [sflag:s21], $0x2000  }
0x3cb: {  	v26 =	vor.u32 $0x8, v3;
	[sflag:s21] =	ssyncset.done $0x0  }
0x3cc: {  	v27 =	vor.u32 $0x7, v3;
	[sflag:s21] =	ssyncadd.s32 $0xFFFFE000  }
0x3cd: {  	v5 =	vor.u32 $0x14, v3;
	v1 =	vld.idx.msk [tilespmem:v0+s18+$0x0], $0xffff  }
0x3ce: {  	v28 =	vor.u32 $0x6, v3  }
0x3cf: {  	v29 =	vor.u32 $0x5, v3;
	v46 =	vld.idx.msk [tilespmem:v25+s18+$0x0], $0xffff  }
0x3d0: {  	v30 =	vor.u32 $0x4, v3;
	v44 =	vld.idx.msk [tilespmem:v26+s18+$0x0], $0xffff  }
0x3d1: {  	v31 =	vor.u32 $0x3, v3;
	v43 =	vld.idx.msk [tilespmem:v27+s18+$0x0], $0xffff  }
0x3d2: {  	v19 =	vor.u32 $0x13, v3;
	[tilespmem:$0x1F5B0] =	vst v1;
	v1 =	vld.idx.msk [tilespmem:v5+s18+$0x0], $0xffff  }
0x3d3: {  	v47 =	vor.u32 $0x2, v3;
	v39 =	vld.idx.msk [tilespmem:v28+s18+$0x0], $0xffff  }
0x3d4: {  	v48 =	vor.u32 $0x1, v3;
	v38 =	vld.idx.msk [tilespmem:v29+s18+$0x0], $0xffff  }
0x3d5: {  	v36 =	vld.idx.msk [tilespmem:v30+s18+$0x0], $0xffff  }
0x3d6: {  	v34 =	vld.idx.msk [tilespmem:v31+s18+$0x0], $0xffff  }
0x3d7: {  	v14 =	vor.u32 $0x12, v3;
	[tilespmem:$0x1F5A0] =	vst v1;
	v1 =	vld.idx.msk [tilespmem:v19+s18+$0x0], $0xffff  }
0x3d8: {  	v35 =	vld.idx.msk [tilespmem:v47+s18+$0x0], $0xffff  }
0x3d9: {  	v37 =	vld.idx.msk [tilespmem:v48+s18+$0x0], $0xffff  }
0x3da: {  	v40 =	vld.idx.msk [tilespmem:v48+s17+$0x0], $0xffff  }
0x3db: {  	v33 =	vld.idx.msk [tilespmem:v48+s19+$0x0], $0xffff  }
0x3dc: {  	v18 =	vor.u32 $0x11, v3;
	[tilespmem:$0x1F590] =	vst v1;
	v1 =	vld.idx.msk [tilespmem:v14+s18+$0x0], $0xffff  }
0x3dd: {  	v41 =	vld.idx.msk [tilespmem:v47+s17+$0x0], $0xffff  }
0x3de: {  	v42 =	vld.idx.msk [tilespmem:v47+s19+$0x0], $0xffff  }
0x3df: {  	v45 =	vld.idx.msk [tilespmem:v31+s17+$0x0], $0xffff  }
0x3e0: {  	v47 =	vld.idx.msk [tilespmem:v31+s19+$0x0], $0xffff  }
0x3e1: {  	v15 =	vor.u32 $0x10, v3;
	[tilespmem:$0x1F580] =	vst v1;
	v1 =	vld.idx.msk [tilespmem:v18+s18+$0x0], $0xffff  }
0x3e2: {  	v48 =	vld.idx.msk [tilespmem:v30+s17+$0x0], $0xffff  }
0x3e3: {  	v49 =	vld.idx.msk [tilespmem:v30+s19+$0x0], $0xffff  }
0x3e4: {  	v50 =	vld.idx.msk [tilespmem:v29+s17+$0x0], $0xffff  }
0x3e5: {  	v52 =	vld.idx.msk [tilespmem:v28+s17+$0x0], $0xffff  }
0x3e6: {  	v13 =	vor.u32 $0xF, v3;
	[tilespmem:$0x1F570] =	vst v1;
	v1 =	vld.idx.msk [tilespmem:v15+s18+$0x0], $0xffff  }
0x3e7: {  	v53 =	vld.idx.msk [tilespmem:v28+s19+$0x0], $0xffff  }
0x3e8: {  	v54 =	vld.idx.msk [tilespmem:v27+s17+$0x0], $0xffff  }
0x3e9: {  	v23 =	vor.u32 $0xB, v3;
	v56 =	vld.idx.msk [tilespmem:v27+s19+$0x0], $0xffff  }
0x3ea: {  	v57 =	vld.idx.msk [tilespmem:v26+s17+$0x0], $0xffff  }
0x3eb: {  	v20 =	vor.u32 $0xE, v3;
	[tilespmem:$0x1F560] =	vst v1;
	v1 =	vld.idx.msk [tilespmem:v13+s18+$0x0], $0xffff  }
0x3ec: {  	v22 =	vor.u32 $0xC, v3;
	v59 =	vld.idx.msk [tilespmem:v25+s17+$0x0], $0xffff  }
0x3ed: {  	v60 =	vld.idx.msk [tilespmem:v25+s19+$0x0], $0xffff  }
0x3ee: {  	v21 =	vor.u32 $0xD, v3;
	v63 =	vld.idx.msk [tilespmem:v23+s17+$0x0], $0xffff  }
0x3ef: {  	v9 =	vld.idx.msk [tilespmem:v23+s19+$0x0], $0xffff  }
0x3f0: {  	[tilespmem:$0x1F550] =	vst v1;
	v1 =	vld.idx.msk [tilespmem:v20+s18+$0x0], $0xffff  }
0x3f1: {  	v4 =	vld.idx.msk [tilespmem:v22+s17+$0x0], $0xffff  }
0x3f2: {  	v10 =	vld.idx.msk [tilespmem:v22+s19+$0x0], $0xffff  }
0x3f3: {  	v6 =	vld.idx.msk [tilespmem:v21+s17+$0x0], $0xffff  }
0x3f4: {  	v11 =	vld.idx.msk [tilespmem:v21+s19+$0x0], $0xffff  }
0x3f5: {  	[tilespmem:$0x1F540] =	vst v1;
	v1 =	vld.idx.msk [tilespmem:v21+s18+$0x0], $0xffff  }
0x3f6: {  	v7 =	vld.idx.msk [tilespmem:v20+s17+$0x0], $0xffff  }
0x3f7: {  	v12 =	vld.idx.msk [tilespmem:v20+s19+$0x0], $0xffff  }
0x3f8: {  	v32 =	vld.idx.msk [tilespmem:v5+s19+$0x0], $0xffff  }
0x3f9: {  	v25 =	vld.idx.msk [tilespmem:v3+s18+$0x0], $0xffff  }
0x3fa: {  	[tilespmem:$0x1F530] =	vst v1;
	v1 =	vld.idx.msk [tilespmem:v22+s18+$0x0], $0xffff  }
0x3fb: {  	v20 =	vld.idx.msk [tilespmem:v14+s17+$0x0], $0xffff  }
0x3fc: {  	v21 =	vld.idx.msk [tilespmem:v14+s19+$0x0], $0xffff  }
0x3fd: {  	v14 =	vld.idx.msk [tilespmem:v19+s17+$0x0], $0xffff  }
0x3fe: {  	v22 =	vld.idx.msk [tilespmem:v0+s17+$0x0], $0xffff  }
0x3ff: {  	[tilespmem:$0x1F520] =	vst v1;
	v1 =	vld.idx.msk [tilespmem:v23+s18+$0x0], $0xffff  }
0x400: {  	v23 =	vld.idx.msk [tilespmem:v19+s19+$0x0], $0xffff  }
0x401: {  	v19 =	vld.idx.msk [tilespmem:v5+s17+$0x0], $0xffff;
	v5 =	vor.u32 $0x16, v3  }
0x402: {  	v0 =	vld.idx.msk [tilespmem:v0+s19+$0x0], $0xffff  }
0x403: {  	v27 =	vld.idx.msk [tilespmem:v3+s17+$0x0], $0xffff  }
0x404: {  	v30 =	vor.u32 $0x17, v3;
	v31 =	vld.idx.msk [tilespmem:v3+s19+$0x0], $0xffff  }
0x405: {  	v58 =	vld.idx.msk [tilespmem:v26+s19+$0x0], $0xffff  }
0x406: {  	[tilespmem:$0x1F510] =	vst v1;
	v1 =	vld.idx.msk [tilespmem:v5+s19+$0x0], $0xffff  }
0x407: {  	[tilespmem:$0x1F5C0] =	vst v0;
	v0 =	vor.u32 $0x18, v3;
	v28 =	vld.idx.msk [tilespmem:v5+s18+$0x0], $0xffff  }
0x408: {  	v26 =	vld.idx.msk [tilespmem:v5+s17+$0x0], $0xffff;
	v5 =	vmul.f32 v25, v27  }
0x409: {  	v2 =	vmul.f32 v31, v27;
	v31 =	vld.idx.msk [tilespmem:v30+s19+$0x0], $0xffff  }
0x40a: {  	v37 =	vmul.f32 v37, v40;
	v27 =	vld.idx.msk [tilespmem:v30+s17+$0x0], $0xffff;
	v5 =	vadd.f32 $0.0e+00, v5  }
0x40b: {  	[tilespmem:$0x1F5D0] =	vst v1;
	v1 =	vld.idx.msk [tilespmem:v30+s18+$0x0], $0xffff  }
0x40c: {  	v40 =	vmul.f32 v33, v40;
	v35 =	vmul.f32 v35, v41;
	v33 =	vld.idx.msk [tilespmem:v0+s17+$0x0], $0xffff;
	v5 =	vadd.f32 v37, v5  }
0x40d: {  	v25 =	vld.idx.msk [tilespmem:v0+s19+$0x0], $0xffff  }
0x40e: {  	v24 =	vor.u32 $0xA, v3;
	v30 =	vld.idx.msk [tilespmem:v0+s18+$0x0], $0xffff;
	v0 =	vadd.f32 v35, v5;
	v5 =	vmul.f32 v34, v45;
	_ =	sdelay $0x1  }
0x40f: {  	v0 =	vadd.f32 v5, v0;
	v5 =	vmul.f32 v36, v48;
	[tilespmem:$0x1F5E0] =	vst v1;
	v1 =	vor.u32 $0x19, v3  }
0x410: {  	v2 =	vadd.f32 $0.0e+00, v2  }
0x411: {  	v0 =	vadd.f32 v5, v0;
	v5 =	vmul.f32 v38, v50  }
0x412: {  	v17 =	vld.idx.msk [tilespmem:v24+s18+$0x0], $0xffff;
	v41 =	vmul.f32 v42, v41;
	v40 =	vadd.f32 v40, v2  }
0x413: {  	v51 =	vld.idx.msk [tilespmem:v29+s19+$0x0], $0xffff;
	v0 =	vadd.f32 v5, v0;
	v5 =	vmul.f32 v39, v52  }
0x414: {  	v42 =	vmul.f32 v47, v45;
	v41 =	vadd.f32 v41, v40;
	v29 =	vld.idx.msk [tilespmem:v1+s18+$0x0], $0xffff  }
0x415: {  	v0 =	vadd.f32 v5, v0;
	v5 =	vmul.f32 v43, v54;
	v35 =	vld.idx.msk [tilespmem:v1+s17+$0x0], $0xffff  }
0x416: {  	v49 =	vmul.f32 v49, v48;
	v40 =	vld.idx.msk [tilespmem:v1+s19+$0x0], $0xffff;
	v1 =	vadd.f32 v42, v41  }
0x417: {  	v61 =	vld.idx.msk [tilespmem:v24+s17+$0x0], $0xffff;
	v0 =	vadd.f32 v5, v0;
	v5 =	vmul.f32 v44, v57  }
0x418: {  	v62 =	vld.idx.msk [tilespmem:v24+s19+$0x0], $0xffff;
	v51 =	vmul.f32 v51, v50;
	v1 =	vadd.f32 v49, v1  }
0x419: {  	v5 =	vadd.f32 v5, v0;
	v0 =	vld [tilespmem:$0x1F510]  }
0x41a: {  	v53 =	vmul.f32 v53, v52;
	v1 =	vadd.f32 v51, v1;
	_ =	sdelay $0x1  }
0x41b: {  	v56 =	vmul.f32 v56, v54;
	v1 =	vadd.f32 v53, v1  }
0x41c: {  	v17 =	vmul.f32 v17, v61;
	v61 =	vmul.f32 v62, v61  }
0x41d: {  	v1 =	vadd.f32 v56, v1;
	v56 =	vor.u32 $0x3F, v3;
	v62 =	vmul.f32 v0, v63;
	v0 =	vld [tilespmem:$0x1F520];
	_ =	sdelay $0x4  }
0x41e: {  	v34 =	vmul.f32 v58, v57;
	v57 =	vor.u32 $0x3E, v3;
	v54 =	vmul.f32 v0, v4;
	v0 =	vld.idx.msk [tilespmem:v56+s18+$0x0], $0xffff;
	_ =	sdelay $0x4  }
0x41f: {  	[tilespmem:$0x1F630] =	vst v0;
	v0 =	vld.idx.msk [tilespmem:v57+s18+$0x0], $0xffff;
	_ =	sdelay $0x1  }
0x420: {  	v52 =	vmul.f32 v46, v59  }
0x421: {  	v1 =	vadd.f32 v34, v1;
	v34 =	vmul.f32 v60, v59  }
0x422: {  	v60 =	vadd.f32 v52, v5  }
0x423: {  	v1 =	vadd.f32 v34, v1;
	v34 =	vor.u32 $0x3D, v3;
	[tilespmem:$0x1F620] =	vst v0;
	v0 =	vld [tilespmem:$0x1F530]  }
0x424: {  	v17 =	vadd.f32 v17, v60;
	_ =	sdelay $0x1  }
0x425: {  	v17 =	vadd.f32 v62, v17;
	_ =	sdelay $0x1  }
0x426: {  	v4 =	vmul.f32 v10, v4;
	v10 =	vadd.f32 v54, v17;
	v17 =	vmul.f32 v0, v6;
	v0 =	vld.idx.msk [tilespmem:v34+s18+$0x0], $0xffff;
	_ =	sdelay $0x4  }
0x427: {  	[tilespmem:$0x1F610] =	vst v0;
	v0 =	vld [tilespmem:$0x1F540]  }
0x428: {  	v9 =	vmul.f32 v9, v63;
	v1 =	vadd.f32 v61, v1;
	_ =	sdelay $0x1  }
0x429: {  	v9 =	vadd.f32 v9, v1  }
0x42a: {  	v8 =	vld.idx.msk [tilespmem:v13+s17+$0x0], $0xffff  }
0x42b: {  	v4 =	vadd.f32 v4, v9;
	v9 =	vadd.f32 v17, v10;
	v10 =	vmul.f32 v0, v7;
	v0 =	vld [tilespmem:$0x1F550];
	_ =	sdelay $0x2  }
0x42c: {  	v16 =	vld.idx.msk [tilespmem:v13+s19+$0x0], $0xffff  }
0x42d: {  	v13 =	vld.idx.msk [tilespmem:v15+s17+$0x0], $0xffff  }
0x42e: {  	v6 =	vmul.f32 v11, v6;
	v9 =	vadd.f32 v10, v9;
	v10 =	vmul.f32 v0, v8;
	v0 =	vld [tilespmem:$0x1F560];
	_ =	sdelay $0x1  }
0x42f: {  	v4 =	vadd.f32 v6, v4;
	v6 =	vmul.f32 v12, v7  }
0x430: {  	v55 =	vld.idx.msk [tilespmem:v15+s19+$0x0], $0xffff  }
0x431: {  	v15 =	vld.idx.msk [tilespmem:v18+s17+$0x0], $0xffff;
	v4 =	vadd.f32 v6, v4  }
0x432: {  	v6 =	vmul.f32 v16, v8;
	v8 =	vadd.f32 v10, v9;
	v10 =	vmul.f32 v0, v13;
	v0 =	vld [tilespmem:$0x1F570];
	_ =	sdelay $0x4  }
0x433: {  	v24 =	vor.u32 $0x3C, v3;
	v8 =	vadd.f32 v10, v8;
	v10 =	vmul.f32 v0, v15;
	v0 =	vld [tilespmem:$0x1F580];
	_ =	sdelay $0x1  }
0x434: {  	v47 =	vor.u32 $0x1C, v3  }
0x435: {  	v37 =	vor.u32 $0x1A, v3;
	_ =	sdelay $0x1  }
0x436: {  	v9 =	vor.u32 $0x3B, v3;
	v16 =	vmul.f32 v0, v20;
	v0 =	vld.idx.msk [tilespmem:v24+s18+$0x0], $0xffff  }
0x437: {  	v18 =	vld.idx.msk [tilespmem:v18+s19+$0x0], $0xffff;
	v45 =	vor.u32 $0x1B, v3  }
0x438: {  	v48 =	vld.idx.msk [tilespmem:v47+s19+$0x0], $0xffff  }
0x439: {  	v36 =	vld.idx.msk [tilespmem:v37+s18+$0x0], $0xffff  }
0x43a: {  	v38 =	vld.idx.msk [tilespmem:v37+s17+$0x0], $0xffff  }
0x43b: {  	[tilespmem:$0x1F600] =	vst v0;
	v0 =	vld.idx.msk [tilespmem:v9+s18+$0x0], $0xffff  }
0x43c: {  	v39 =	vld.idx.msk [tilespmem:v45+s18+$0x0], $0xffff  }
0x43d: {  	v43 =	vld.idx.msk [tilespmem:v47+s18+$0x0], $0xffff  }
0x43e: {  	v42 =	vld.idx.msk [tilespmem:v37+s19+$0x0], $0xffff;
	v49 =	vor.u32 $0x1D, v3  }
0x43f: {  	v41 =	vld.idx.msk [tilespmem:v45+s17+$0x0], $0xffff  }
0x440: {  	[tilespmem:$0x1F5F0] =	vst v0;
	v0 =	vld [tilespmem:$0x1F590]  }
0x441: {  	v45 =	vld.idx.msk [tilespmem:v45+s19+$0x0], $0xffff  }
0x442: {  	v37 =	vor.u32 $0x20, v3;
	v44 =	vld.idx.msk [tilespmem:v47+s17+$0x0], $0xffff  }
0x443: {  	v53 =	vor.u32 $0x1E, v3;
	v46 =	vld.idx.msk [tilespmem:v49+s18+$0x0], $0xffff  }
0x444: {  	v47 =	vld.idx.msk [tilespmem:v49+s17+$0x0], $0xffff  }
0x445: {  	v17 =	vmul.f32 v0, v14;
	v0 =	vld [tilespmem:$0x1F5A0]  }
0x446: {  	v58 =	vor.u32 $0x1F, v3;
	v50 =	vld.idx.msk [tilespmem:v49+s19+$0x0], $0xffff;
	v12 =	vadd.f32 v10, v8  }
0x447: {  	v63 =	vld.idx.msk [tilespmem:v37+s17+$0x0], $0xffff;
	v4 =	vadd.f32 v6, v4;
	v6 =	vmul.f32 v55, v13  }
0x448: {  	v51 =	vld.idx.msk [tilespmem:v53+s18+$0x0], $0xffff;
	v16 =	vadd.f32 v16, v12  }
0x449: {  	v52 =	vld.idx.msk [tilespmem:v53+s17+$0x0], $0xffff;
	v4 =	vadd.f32 v6, v4;
	v6 =	vmul.f32 v18, v15  }
0x44a: {  	v59 =	vor.u32 $0x21, v3;
	v53 =	vld.idx.msk [tilespmem:v53+s19+$0x0], $0xffff;
	v16 =	vadd.f32 v17, v16;
	v0 =	vmul.f32 v0, v19  }
0x44b: {  	v60 =	vld.idx.msk [tilespmem:v58+s19+$0x0], $0xffff;
	v4 =	vadd.f32 v6, v4;
	v6 =	vmul.f32 v21, v20  }
0x44c: {  	v2 =	vadd.f32 v0, v16;
	v0 =	vld [tilespmem:$0x1F5B0]  }
0x44d: {  	v61 =	vld.idx.msk [tilespmem:v58+s18+$0x0], $0xffff;
	v4 =	vadd.f32 v6, v4;
	v6 =	vmul.f32 v23, v14  }
0x44e: {  	v62 =	vld.idx.msk [tilespmem:v58+s17+$0x0], $0xffff  }
0x44f: {  	v49 =	vld.idx.msk [tilespmem:v59+s18+$0x0], $0xffff;
	v11 =	vor.u32 $0x3A, v3;
	v4 =	vadd.f32 v6, v4;
	v6 =	vmul.f32 v32, v19  }
0x450: {  	v54 =	vld.idx.msk [tilespmem:v37+s18+$0x0], $0xffff  }
0x451: {  	v4 =	vadd.f32 v6, v4;
	v6 =	vld [tilespmem:$0x1F5C0];
	v1 =	vmul.f32 v0, v22  }
0x452: {  	v5 =	vor.u32 $0x24, v3;
	v37 =	vld.idx.msk [tilespmem:v37+s19+$0x0], $0xffff  }
0x453: {  	v2 =	vadd.f32 v1, v2;
	v1 =	vld [tilespmem:$0x1F5D0]  }
0x454: {  	v58 =	vld.idx.msk [tilespmem:v11+s18+$0x0], $0xffff;
	v23 =	vor.u32 $0x34, v3  }
0x455: {  	v55 =	vld.idx.msk [tilespmem:v59+s17+$0x0], $0xffff;
	v15 =	vor.u32 $0x38, v3  }
0x456: {  	v59 =	vld.idx.msk [tilespmem:v59+s19+$0x0], $0xffff;
	v18 =	vor.u32 $0x37, v3;
	v6 =	vmul.f32 v6, v22  }
0x457: {  	v7 =	vld.idx.msk [tilespmem:v5+s18+$0x0], $0xffff;
	v20 =	vor.u32 $0x36, v3  }
0x458: {  	v21 =	vor.u32 $0x35, v3;
	v4 =	vadd.f32 v6, v4;
	v6 =	vmul.f32 v1, v26;
	v1 =	vld [tilespmem:$0x1F5E0]  }
0x459: {  	v32 =	vor.u32 $0x23, v3;
	v12 =	vld.idx.msk [tilespmem:v23+s18+$0x0], $0xffff  }
0x45a: {  	v17 =	vld.idx.msk [tilespmem:v15+s18+$0x0], $0xffff;
	v0 =	vor.u32 $0x22, v3  }
0x45b: {  	v28 =	vmul.f32 v28, v26;
	v19 =	vld.idx.msk [tilespmem:v18+s18+$0x0], $0xffff  }
0x45c: {  	v16 =	vld.idx.msk [tilespmem:v20+s18+$0x0], $0xffff  }
0x45d: {  	v22 =	vld.idx.msk [tilespmem:v21+s18+$0x0], $0xffff;
	v2 =	vadd.f32 v28, v2;
	v26 =	vmul.f32 v1, v27  }
0x45e: {  	v28 =	vld.idx.msk [tilespmem:v32+s18+$0x0], $0xffff;
	v4 =	vadd.f32 v6, v4;
	v6 =	vmul.f32 v31, v27  }
0x45f: {  	v39 =	vmul.f32 v39, v41;
	v1 =	vld.idx.msk [tilespmem:v0+s18+$0x0], $0xffff;
	v2 =	vadd.f32 v26, v2;
	v26 =	vmul.f32 v30, v33  }
0x460: {  	v45 =	vmul.f32 v45, v41;
	v4 =	vadd.f32 v6, v4;
	v6 =	vmul.f32 v25, v33;
	v30 =	vld.idx.msk [tilespmem:v0+s17+$0x0], $0xffff  }
0x461: {  	v25 =	vor.u32 $0x33, v3;
	v33 =	vld.idx.msk [tilespmem:v0+s19+$0x0], $0xffff;
	v0 =	vadd.f32 v26, v2;
	v2 =	vmul.f32 v29, v35  }
0x462: {  	v4 =	vadd.f32 v6, v4;
	v6 =	vmul.f32 v40, v35;
	v26 =	vld.idx.msk [tilespmem:v32+s17+$0x0], $0xffff;
	v29 =	vor.u32 $0x31, v3  }
0x463: {  	v31 =	vor.u32 $0x30, v3;
	v32 =	vld.idx.msk [tilespmem:v32+s19+$0x0], $0xffff;
	v0 =	vadd.f32 v2, v0;
	v2 =	vmul.f32 v36, v38  }
0x464: {  	v41 =	vor.u32 $0x2D, v3;
	v6 =	vadd.f32 v6, v4;
	v35 =	vld.idx.msk [tilespmem:v5+s17+$0x0], $0xffff;
	v36 =	vmul.f32 v42, v38  }
0x465: {  	v13 =	vor.u32 $0x39, v3;
	v5 =	vld.idx.msk [tilespmem:v5+s19+$0x0], $0xffff;
	v38 =	vor.u32 $0x2F, v3;
	v2 =	vadd.f32 v2, v0  }
0x466: {  	v40 =	vor.u32 $0x2E, v3;
	v10 =	vld.idx.msk [tilespmem:v25+s18+$0x0], $0xffff;
	v42 =	vmul.f32 v43, v44;
	v6 =	vadd.f32 v36, v6  }
0x467: {  	v36 =	vmul.f32 v48, v44;
	v44 =	vor.u32 $0x2B, v3;
	v4 =	vld.idx.msk [tilespmem:v29+s18+$0x0], $0xffff;
	v39 =	vadd.f32 v39, v2  }
0x468: {  	v27 =	vor.u32 $0x32, v3;
	v43 =	vor.u32 $0x2C, v3;
	v6 =	vadd.f32 v45, v6;
	v45 =	vld.idx.msk [tilespmem:v31+s18+$0x0], $0xffff  }
0x469: {  	v2 =	vld.idx.msk [tilespmem:v41+s18+$0x0], $0xffff;
	v39 =	vadd.f32 v42, v39;
	v42 =	vmul.f32 v46, v47;
	v46 =	vor.u32 $0x2A, v3  }
0x46a: {  	v48 =	vld.idx.msk [tilespmem:v38+s18+$0x0], $0xffff;
	v6 =	vadd.f32 v36, v6;
	v36 =	vmul.f32 v50, v47;
	v47 =	vor.u32 $0x29, v3  }
0x46b: {  	v50 =	vld.idx.msk [tilespmem:v40+s18+$0x0], $0xffff;
	v39 =	vadd.f32 v42, v39;
	v42 =	vmul.f32 v51, v52;
	v51 =	vor.u32 $0x28, v3  }
0x46c: {  	v0 =	vld.idx.msk [tilespmem:v44+s18+$0x0], $0xffff;
	v6 =	vadd.f32 v36, v6;
	v36 =	vmul.f32 v53, v52;
	v52 =	vor.u32 $0x27, v3  }
0x46d: {  	v53 =	vld.idx.msk [tilespmem:v43+s18+$0x0], $0xffff;
	v39 =	vadd.f32 v42, v39;
	v42 =	vmul.f32 v61, v62;
	v61 =	vor.u32 $0x26, v3  }
0x46e: {  	v6 =	vadd.f32 v36, v6;
	v36 =	vmul.f32 v60, v62;
	v3 =	vor.u32 $0x25, v3;
	v60 =	vld.idx.msk [tilespmem:v46+s18+$0x0], $0xffff  }
0x46f: {  	v39 =	vadd.f32 v42, v39;
	v42 =	vmul.f32 v54, v63;
	v54 =	vld.idx.msk [tilespmem:v47+s18+$0x0], $0xffff  }
0x470: {  	v62 =	vmul.f32 v37, v63;
	v6 =	vadd.f32 v36, v6;
	v37 =	vld.idx.msk [tilespmem:v51+s18+$0x0], $0xffff  }
0x471: {  	v63 =	vmul.f32 v49, v55;
	v49 =	vld.idx.msk [tilespmem:v52+s18+$0x0], $0xffff;
	v39 =	vadd.f32 v42, v39  }
0x472: {  	v59 =	vmul.f32 v59, v55;
	v6 =	vadd.f32 v62, v6;
	v62 =	vld.idx.msk [tilespmem:v61+s18+$0x0], $0xffff  }
0x473: {  	v1 =	vmul.f32 v1, v30;
	v36 =	vld.idx.msk [tilespmem:v3+s17+$0x0], $0xffff;
	v39 =	vadd.f32 v63, v39  }
0x474: {  	v30 =	vmul.f32 v33, v30;
	v63 =	vld.idx.msk [tilespmem:v3+s18+$0x0], $0xffff;
	v6 =	vadd.f32 v59, v6  }
0x475: {  	v28 =	vmul.f32 v28, v26;
	v3 =	vld.idx.msk [tilespmem:v3+s19+$0x0], $0xffff;
	v1 =	vadd.f32 v1, v39  }
0x476: {  	v26 =	vmul.f32 v32, v26;
	v6 =	vadd.f32 v30, v6;
	v30 =	vld.idx.msk [tilespmem:v61+s17+$0x0], $0xffff  }
0x477: {  	v7 =	vmul.f32 v7, v35;
	v39 =	vld.idx.msk [tilespmem:v61+s19+$0x0], $0xffff;
	v1 =	vadd.f32 v28, v1  }
0x478: {  	v5 =	vmul.f32 v5, v35;
	v28 =	vld.idx.msk [tilespmem:v52+s17+$0x0], $0xffff;
	v6 =	vadd.f32 v26, v6  }
0x479: {  	v26 =	vld.idx.msk [tilespmem:v52+s19+$0x0], $0xffff;
	v1 =	vadd.f32 v7, v1;
	v7 =	vmul.f32 v63, v36  }
0x47a: {  	v52 =	vld.idx.msk [tilespmem:v51+s17+$0x0], $0xffff;
	v3 =	vmul.f32 v3, v36;
	v5 =	vadd.f32 v5, v6  }
0x47b: {  	v6 =	vld.idx.msk [tilespmem:v51+s19+$0x0], $0xffff;
	v1 =	vadd.f32 v7, v1;
	v7 =	vmul.f32 v62, v30  }
0x47c: {  	v59 =	vld.idx.msk [tilespmem:v47+s17+$0x0], $0xffff;
	v3 =	vadd.f32 v3, v5;
	v5 =	vmul.f32 v39, v30  }
0x47d: {  	v30 =	vld.idx.msk [tilespmem:v47+s19+$0x0], $0xffff;
	v1 =	vadd.f32 v7, v1;
	v7 =	vmul.f32 v49, v28  }
0x47e: {  	v61 =	vld.idx.msk [tilespmem:v46+s17+$0x0], $0xffff;
	v3 =	vadd.f32 v5, v3;
	v5 =	vmul.f32 v26, v28  }
0x47f: {  	v26 =	vld.idx.msk [tilespmem:v46+s19+$0x0], $0xffff;
	v1 =	vadd.f32 v7, v1;
	v7 =	vmul.f32 v37, v52  }
0x480: {  	v28 =	vld.idx.msk [tilespmem:v44+s17+$0x0], $0xffff;
	v3 =	vadd.f32 v5, v3;
	v5 =	vmul.f32 v6, v52  }
0x481: {  	v6 =	vld.idx.msk [tilespmem:v44+s19+$0x0], $0xffff;
	v1 =	vadd.f32 v7, v1;
	v7 =	vmul.f32 v54, v59  }
0x482: {  	v62 =	vld.idx.msk [tilespmem:v43+s17+$0x0], $0xffff;
	v3 =	vadd.f32 v5, v3;
	v5 =	vmul.f32 v30, v59  }
0x483: {  	v30 =	vld.idx.msk [tilespmem:v43+s19+$0x0], $0xffff;
	v1 =	vadd.f32 v7, v1;
	v7 =	vmul.f32 v60, v61  }
0x484: {  	v63 =	vld.idx.msk [tilespmem:v41+s17+$0x0], $0xffff;
	v3 =	vadd.f32 v5, v3;
	v5 =	vmul.f32 v26, v61  }
0x485: {  	v0 =	vmul.f32 v0, v28;
	v26 =	vld.idx.msk [tilespmem:v41+s19+$0x0], $0xffff;
	v1 =	vadd.f32 v7, v1  }
0x486: {  	v7 =	vld.idx.msk [tilespmem:v40+s17+$0x0], $0xffff;
	v3 =	vadd.f32 v5, v3;
	v5 =	vmul.f32 v6, v28  }
0x487: {  	v6 =	vld.idx.msk [tilespmem:v40+s19+$0x0], $0xffff;
	v0 =	vadd.f32 v0, v1;
	v1 =	vmul.f32 v53, v62  }
0x488: {  	v28 =	vld.idx.msk [tilespmem:v38+s17+$0x0], $0xffff;
	v3 =	vadd.f32 v5, v3;
	v5 =	vmul.f32 v30, v62  }
0x489: {  	v30 =	vld.idx.msk [tilespmem:v38+s19+$0x0], $0xffff;
	v0 =	vadd.f32 v1, v0;
	v1 =	vmul.f32 v2, v63  }
0x48a: {  	v2 =	vld.idx.msk [tilespmem:v31+s17+$0x0], $0xffff;
	v3 =	vadd.f32 v5, v3  }
0x48b: {  	v5 =	vmul.f32 v26, v63;
	v26 =	vld.idx.msk [tilespmem:v31+s19+$0x0], $0xffff;
	v0 =	vadd.f32 v1, v0;
	v1 =	vmul.f32 v50, v7  }
0x48c: {  	v31 =	vld.idx.msk [tilespmem:v29+s17+$0x0], $0xffff  }
0x48d: {  	v8 =	vld.idx.msk [tilespmem:v27+s18+$0x0], $0xffff;
	v0 =	vadd.f32 v1, v0;
	v1 =	vmul.f32 v48, v28  }
0x48e: {  	v3 =	vadd.f32 v5, v3;
	v5 =	vmul.f32 v6, v7;
	v7 =	vld.idx.msk [tilespmem:v27+s17+$0x0], $0xffff  }
0x48f: {  	v6 =	vld.idx.msk [tilespmem:v29+s19+$0x0], $0xffff;
	v0 =	vadd.f32 v1, v0;
	v1 =	vmul.f32 v45, v2  }
0x490: {  	v3 =	vadd.f32 v5, v3;
	v5 =	vmul.f32 v30, v28;
	v28 =	vld.idx.msk [tilespmem:v25+s17+$0x0], $0xffff  }
0x491: {  	v27 =	vld.idx.msk [tilespmem:v27+s19+$0x0], $0xffff;
	v0 =	vadd.f32 v1, v0;
	v1 =	vmul.f32 v4, v31  }
0x492: {  	v3 =	vadd.f32 v5, v3;
	v2 =	vmul.f32 v26, v2;
	v4 =	vld.idx.msk [tilespmem:v23+s17+$0x0], $0xffff  }
0x493: {  	v5 =	vld.idx.msk [tilespmem:v25+s19+$0x0], $0xffff;
	v0 =	vadd.f32 v1, v0;
	v1 =	vmul.f32 v8, v7  }
0x494: {  	v2 =	vadd.f32 v2, v3;
	v3 =	vmul.f32 v6, v31;
	v8 =	vld.idx.msk [tilespmem:v21+s17+$0x0], $0xffff  }
0x495: {  	v6 =	vld.idx.msk [tilespmem:v23+s19+$0x0], $0xffff;
	v0 =	vadd.f32 v1, v0;
	v1 =	vmul.f32 v10, v28  }
0x496: {  	v2 =	vadd.f32 v3, v2;
	v3 =	vmul.f32 v27, v7;
	v10 =	vld.idx.msk [tilespmem:v20+s17+$0x0], $0xffff  }
0x497: {  	v7 =	vld.idx.msk [tilespmem:v21+s19+$0x0], $0xffff;
	v0 =	vadd.f32 v1, v0;
	v1 =	vmul.f32 v12, v4  }
0x498: {  	v2 =	vadd.f32 v3, v2;
	v3 =	vmul.f32 v5, v28;
	v12 =	vld.idx.msk [tilespmem:v18+s17+$0x0], $0xffff  }
0x499: {  	v5 =	vld.idx.msk [tilespmem:v20+s19+$0x0], $0xffff;
	v0 =	vadd.f32 v1, v0;
	v1 =	vmul.f32 v22, v8  }
0x49a: {  	v2 =	vadd.f32 v3, v2;
	v3 =	vmul.f32 v6, v4;
	v6 =	vld.idx.msk [tilespmem:v15+s17+$0x0], $0xffff  }
0x49b: {  	v14 =	vld.idx.msk [tilespmem:v13+s18+$0x0], $0xffff;
	v0 =	vadd.f32 v1, v0;
	v1 =	vmul.f32 v16, v10  }
0x49c: {  	v2 =	vadd.f32 v3, v2;
	v3 =	vmul.f32 v7, v8;
	v8 =	vld.idx.msk [tilespmem:v13+s17+$0x0], $0xffff  }
0x49d: {  	v4 =	vld.idx.msk [tilespmem:v18+s19+$0x0], $0xffff;
	v0 =	vadd.f32 v1, v0;
	v1 =	vmul.f32 v19, v12  }
0x49e: {  	v2 =	vadd.f32 v3, v2;
	v3 =	vmul.f32 v5, v10;
	v10 =	vld.idx.msk [tilespmem:v11+s17+$0x0], $0xffff  }
0x49f: {  	v0 =	vadd.f32 v1, v0;
	v1 =	vmul.f32 v17, v6;
	_ =	sdelay $0x1  }
0x4a0: {  	v0 =	vadd.f32 v1, v0;
	v1 =	vmul.f32 v14, v8  }
0x4a1: {  	v2 =	vadd.f32 v3, v2  }
0x4a2: {  	v3 =	vmul.f32 v4, v12;
	v4 =	vld.idx.msk [tilespmem:v11+s19+$0x0], $0xffff;
	v0 =	vadd.f32 v1, v0;
	v1 =	vmul.f32 v58, v10  }
0x4a3: {  	v11 =	vld.idx.msk [tilespmem:v9+s17+$0x0], $0xffff  }
0x4a4: {  	v0 =	vadd.f32 v1, v0;
	v1 =	vld [tilespmem:$0x1F5F0]  }
0x4a5: {  	v7 =	vld.idx.msk [tilespmem:v15+s19+$0x0], $0xffff;
	_ =	sdelay $0x3  }
0x4a6: {  	v1 =	vmul.f32 v1, v11  }
0x4a7: {  	v2 =	vadd.f32 v3, v2;
	v3 =	vmul.f32 v7, v6;
	v7 =	vld.idx.msk [tilespmem:v24+s17+$0x0], $0xffff  }
0x4a8: {  	v0 =	vadd.f32 v1, v0;
	v1 =	vld [tilespmem:$0x1F600]  }
0x4a9: {  	v5 =	vld.idx.msk [tilespmem:v13+s19+$0x0], $0xffff;
	_ =	sdelay $0x3  }
0x4aa: {  	v1 =	vmul.f32 v1, v7  }
0x4ab: {  	v2 =	vadd.f32 v3, v2;
	v3 =	vmul.f32 v5, v8;
	v8 =	vld.idx.msk [tilespmem:v34+s17+$0x0], $0xffff  }
0x4ac: {  	v0 =	vadd.f32 v1, v0;
	v1 =	vld [tilespmem:$0x1F610];
	_ =	sdelay $0x1  }
0x4ad: {  	v6 =	vld.idx.msk [tilespmem:v9+s19+$0x0], $0xffff;
	_ =	sdelay $0x1  }
0x4ae: {  	v5 =	vld.idx.msk [tilespmem:v24+s19+$0x0], $0xffff  }
0x4af: {  	v9 =	vld.idx.msk [tilespmem:v57+s17+$0x0], $0xffff;
	v2 =	vadd.f32 v3, v2;
	v3 =	vmul.f32 v4, v10;
	v1 =	vmul.f32 v1, v8  }
0x4b0: {  	v4 =	vld.idx.msk [tilespmem:v34+s19+$0x0], $0xffff  }
0x4b1: {  	v2 =	vadd.f32 v3, v2;
	v3 =	vmul.f32 v6, v11;
	v0 =	vadd.f32 v1, v0;
	v1 =	vld [tilespmem:$0x1F620]  }
0x4b2: {  	v6 =	vld.idx.msk [tilespmem:v57+s19+$0x0], $0xffff  }
0x4b3: {  	v2 =	vadd.f32 v3, v2;
	v3 =	vmul.f32 v5, v7;
	_ =	sdelay $0x1  }
0x4b4: {  	v2 =	vadd.f32 v3, v2;
	v3 =	vmul.f32 v4, v8  }
0x4b5: {  	v10 =	vld.idx.msk [tilespmem:v56+s17+$0x0], $0xffff;
	v1 =	vmul.f32 v1, v9  }
0x4b6: {  	v2 =	vadd.f32 v3, v2;
	v3 =	vmul.f32 v6, v9;
	v6 =	vld [tilespmem:$0x1FFF0]  }
0x4b7: {  	v0 =	vadd.f32 v1, v0;
	v1 =	vld [tilespmem:$0x1F630]  }
0x4b8: {  	v5 =	vld.idx.msk [tilespmem:v56+s19+$0x0], $0xffff  }
0x4b9: {  	s31 =	simm.s32 $0x10  }
0x4ba: {  	v4 =	vmov s31  }
0x4bb: {  	v4 =	vshll.u32 v4, $0x6  }
0x4bc: {  	v49 =	vor.u32 v6, v4;
	v1 =	vmul.f32 v1, v10  }
0x4bd: {  	v2 =	vadd.f32 v3, v2;
	v3 =	vmul.f32 v5, v10;
	v4 =	vor.u32 $0x3F, v49  }
0x4be: {  	v0 =	vadd.f32 v1, v0  }
0x4bf: {  	v1 =	vadd.f32 v3, v2  }
0x4c0: {  	[tilespmem:s26+$0x0] =	vst v0  }
0x4c1: {  	[tilespmem:s25+$0x0] =	vst v1  }
0x4c2: {  	v5 =	vor.u32 $0x3E, v49;
	v0 =	vld.idx.msk [tilespmem:v4+s18+$0x0], $0xffff;
	_ =	sdelay $0x4  }
0x4c3: {  	v6 =	vor.u32 $0x3D, v49;
	[tilespmem:$0x1F650] =	vst v0;
	v0 =	vld.idx.msk [tilespmem:v5+s18+$0x0], $0xffff;
	_ =	sdelay $0x4  }
0x4c4: {  	v2 =	vor.u32 $0x3C, v49;
	[tilespmem:$0x1F670] =	vst v0;
	v0 =	vld.idx.msk [tilespmem:v6+s18+$0x0], $0xffff;
	_ =	sdelay $0x4  }
0x4c5: {  	v3 =	vor.u32 $0x3B, v49;
	[tilespmem:$0x1F690] =	vst v0;
	v0 =	vld.idx.msk [tilespmem:v2+s18+$0x0], $0xffff;
	_ =	sdelay $0x4  }
0x4c6: {  	v1 =	vor.u32 $0x3A, v49;
	[tilespmem:$0x1F6B0] =	vst v0;
	v0 =	vld.idx.msk [tilespmem:v3+s18+$0x0], $0xffff;
	_ =	sdelay $0x3  }
0x4c7: {  	[tilespmem:$0x1F640] =	vst v4  }
0x4c8: {  	v4 =	vor.u32 $0x39, v49;
	[tilespmem:$0x1F6D0] =	vst v0;
	v0 =	vld.idx.msk [tilespmem:v1+s18+$0x0], $0xffff;
	_ =	sdelay $0x3  }
0x4c9: {  	[tilespmem:$0x1F660] =	vst v5  }
0x4ca: {  	v5 =	vor.u32 $0x38, v49;
	[tilespmem:$0x1F6F0] =	vst v0;
	v0 =	vld.idx.msk [tilespmem:v4+s18+$0x0], $0xffff;
	_ =	sdelay $0x3  }
0x4cb: {  	[tilespmem:$0x1F680] =	vst v6  }
0x4cc: {  	v6 =	vor.u32 $0x37, v49;
	[tilespmem:$0x1F710] =	vst v0;
	v0 =	vld.idx.msk [tilespmem:v5+s18+$0x0], $0xffff;
	_ =	sdelay $0x3  }
0x4cd: {  	[tilespmem:$0x1F6A0] =	vst v2  }
0x4ce: {  	v2 =	vor.u32 $0x36, v49;
	[tilespmem:$0x1F730] =	vst v0;
	v0 =	vld.idx.msk [tilespmem:v6+s18+$0x0], $0xffff;
	_ =	sdelay $0x3  }
0x4cf: {  	[tilespmem:$0x1F6C0] =	vst v3  }
0x4d0: {  	v3 =	vor.u32 $0x35, v49;
	[tilespmem:$0x1F750] =	vst v0;
	v0 =	vld.idx.msk [tilespmem:v2+s18+$0x0], $0xffff;
	_ =	sdelay $0x3  }
0x4d1: {  	[tilespmem:$0x1F6E0] =	vst v1  }
0x4d2: {  	v1 =	vor.u32 $0x34, v49;
	[tilespmem:$0x1F770] =	vst v0;
	v0 =	vld.idx.msk [tilespmem:v3+s18+$0x0], $0xffff;
	_ =	sdelay $0x3  }
0x4d3: {  	[tilespmem:$0x1F700] =	vst v4  }
0x4d4: {  	v4 =	vor.u32 $0x33, v49;
	[tilespmem:$0x1F790] =	vst v0;
	v0 =	vld.idx.msk [tilespmem:v1+s18+$0x0], $0xffff;
	_ =	sdelay $0x3  }
0x4d5: {  	[tilespmem:$0x1F720] =	vst v5  }
0x4d6: {  	v5 =	vor.u32 $0x32, v49;
	[tilespmem:$0x1F7B0] =	vst v0;
	v0 =	vld.idx.msk [tilespmem:v4+s18+$0x0], $0xffff;
	_ =	sdelay $0x3  }
0x4d7: {  	[tilespmem:$0x1F740] =	vst v6  }
0x4d8: {  	v6 =	vor.u32 $0x31, v49;
	[tilespmem:$0x1F7D0] =	vst v0;
	v0 =	vld.idx.msk [tilespmem:v5+s18+$0x0], $0xffff;
	_ =	sdelay $0x3  }
0x4d9: {  	[tilespmem:$0x1F760] =	vst v2  }
0x4da: {  	v2 =	vor.u32 $0x30, v49;
	[tilespmem:$0x1F7F0] =	vst v0;
	v0 =	vld.idx.msk [tilespmem:v6+s18+$0x0], $0xffff;
	_ =	sdelay $0x3  }
0x4db: {  	[tilespmem:$0x1F780] =	vst v3  }
0x4dc: {  	v3 =	vor.u32 $0x2F, v49;
	[tilespmem:$0x1F810] =	vst v0;
	v0 =	vld.idx.msk [tilespmem:v2+s18+$0x0], $0xffff;
	_ =	sdelay $0x3  }
0x4dd: {  	[tilespmem:$0x1F7A0] =	vst v1  }
0x4de: {  	v1 =	vor.u32 $0x2E, v49;
	[tilespmem:$0x1F830] =	vst v0;
	v0 =	vld.idx.msk [tilespmem:v3+s18+$0x0], $0xffff;
	_ =	sdelay $0x3  }
0x4df: {  	[tilespmem:$0x1F7C0] =	vst v4  }
0x4e0: {  	v4 =	vor.u32 $0x2D, v49;
	[tilespmem:$0x1F850] =	vst v0;
	v0 =	vld.idx.msk [tilespmem:v1+s18+$0x0], $0xffff;
	_ =	sdelay $0x3  }
0x4e1: {  	[tilespmem:$0x1F7E0] =	vst v5  }
0x4e2: {  	v5 =	vor.u32 $0x2C, v49;
	[tilespmem:$0x1F870] =	vst v0;
	v0 =	vld.idx.msk [tilespmem:v4+s18+$0x0], $0xffff;
	_ =	sdelay $0x3  }
0x4e3: {  	[tilespmem:$0x1F800] =	vst v6  }
0x4e4: {  	v6 =	vor.u32 $0x2B, v49;
	[tilespmem:$0x1F890] =	vst v0;
	v0 =	vld.idx.msk [tilespmem:v5+s18+$0x0], $0xffff;
	_ =	sdelay $0x3  }
0x4e5: {  	[tilespmem:$0x1F820] =	vst v2  }
0x4e6: {  	v2 =	vor.u32 $0x2A, v49;
	[tilespmem:$0x1F8B0] =	vst v0;
	v0 =	vld.idx.msk [tilespmem:v6+s18+$0x0], $0xffff;
	_ =	sdelay $0x3  }
0x4e7: {  	[tilespmem:$0x1F840] =	vst v3  }
0x4e8: {  	v3 =	vor.u32 $0x29, v49;
	[tilespmem:$0x1F8D0] =	vst v0;
	v0 =	vld.idx.msk [tilespmem:v2+s18+$0x0], $0xffff;
	_ =	sdelay $0x3  }
0x4e9: {  	[tilespmem:$0x1F860] =	vst v1  }
0x4ea: {  	v1 =	vor.u32 $0x28, v49;
	[tilespmem:$0x1F8F0] =	vst v0;
	v0 =	vld.idx.msk [tilespmem:v3+s18+$0x0], $0xffff  }
0x4eb: {  	[tilespmem:$0x1F8C0] =	vst v6;
	v6 =	vor.u32 $0x25, v49;
	_ =	sdelay $0x2  }
0x4ec: {  	[tilespmem:$0x1F8E0] =	vst v2  }
0x4ed: {  	[tilespmem:$0x1F910] =	vst v0;
	v0 =	vld.idx.msk [tilespmem:v1+s18+$0x0], $0xffff  }
0x4ee: {  	[tilespmem:$0x1F920] =	vst v1;
	v2 =	vor.u32 $0x24, v49;
	v1 =	vld.idx.msk [tilespmem:v6+s18+$0x0], $0xffff;
	_ =	sdelay $0x3  }
0x4ef: {  	[tilespmem:$0x1F880] =	vst v4;
	v4 =	vor.u32 $0x27, v49  }
0x4f0: {  	v58 =	vor.u32 $0x23, v49;
	[tilespmem:$0x1F990] =	vst v1;
	v1 =	vld.idx.msk [tilespmem:v2+s18+$0x0], $0xffff;
	_ =	sdelay $0x2  }
0x4f1: {  	[tilespmem:$0x1F8A0] =	vst v5  }
0x4f2: {  	v5 =	vor.u32 $0x26, v49;
	[tilespmem:$0x1F930] =	vst v0;
	v0 =	vld.idx.msk [tilespmem:v4+s18+$0x0], $0xffff  }
0x4f3: {  	v60 =	vor.u32 $0x22, v49;
	[tilespmem:$0x1F9B0] =	vst v1;
	v1 =	vld.idx.msk [tilespmem:v58+s18+$0x0], $0xffff;
	_ =	sdelay $0x3  }
0x4f4: {  	[tilespmem:$0x1F950] =	vst v0;
	v0 =	vld.idx.msk [tilespmem:v5+s18+$0x0], $0xffff  }
0x4f5: {  	v62 =	vor.u32 $0x21, v49;
	[tilespmem:$0x1F9C0] =	vst v1;
	v1 =	vld.idx.msk [tilespmem:v60+s18+$0x0], $0xffff;
	_ =	sdelay $0x3  }
0x4f6: {  	[tilespmem:$0x1F970] =	vst v0  }
0x4f7: {  	v0 =	vor.u32 $0x20, v49;
	[tilespmem:$0x1F9D0] =	vst v1;
	v1 =	vld.idx.msk [tilespmem:v62+s18+$0x0], $0xffff;
	_ =	sdelay $0x3  }
0x4f8: {  	[tilespmem:$0x1F940] =	vst v4  }
0x4f9: {  	v4 =	vor.u32 $0x1F, v49;
	[tilespmem:$0x1F9E0] =	vst v1;
	v1 =	vld.idx.msk [tilespmem:v0+s18+$0x0], $0xffff;
	_ =	sdelay $0x4  }
0x4fa: {  	v7 =	vor.u32 $0x1E, v49;
	[tilespmem:$0x1F9F0] =	vst v1;
	v1 =	vld.idx.msk [tilespmem:v4+s18+$0x0], $0xffff;
	_ =	sdelay $0x4  }
0x4fb: {  	v11 =	vor.u32 $0x1D, v49;
	[tilespmem:$0x1FA00] =	vst v1;
	v1 =	vld.idx.msk [tilespmem:v7+s18+$0x0], $0xffff;
	_ =	sdelay $0x4  }
0x4fc: {  	v15 =	vor.u32 $0x1C, v49;
	[tilespmem:$0x1FA10] =	vst v1;
	v1 =	vld.idx.msk [tilespmem:v11+s18+$0x0], $0xffff;
	_ =	sdelay $0x2  }
0x4fd: {  	v35 =	vor.u32 $0x17, v49  }
0x4fe: {  	v39 =	vor.u32 $0x16, v49  }
0x4ff: {  	v19 =	vor.u32 $0x1B, v49;
	[tilespmem:$0x1FA20] =	vst v1;
	v1 =	vld.idx.msk [tilespmem:v15+s18+$0x0], $0xffff  }
0x500: {  	v43 =	vor.u32 $0x15, v49  }
0x501: {  	v51 =	vor.u32 $0x11, v49  }
0x502: {  	v14 =	vor.u32 $0x10, v49;
	v33 =	vld.idx.msk [tilespmem:v35+s18+$0x0], $0xffff  }
0x503: {  	v16 =	vor.u32 $0xF, v49;
	v37 =	vld.idx.msk [tilespmem:v39+s18+$0x0], $0xffff  }
0x504: {  	v23 =	vor.u32 $0x1A, v49;
	[tilespmem:$0x1FA30] =	vst v1;
	v1 =	vld.idx.msk [tilespmem:v19+s18+$0x0], $0xffff  }
0x505: {  	v18 =	vor.u32 $0xE, v49;
	v41 =	vld.idx.msk [tilespmem:v43+s18+$0x0], $0xffff  }
0x506: {  	v57 =	vor.u32 $0xD, v49;
	v10 =	vld.idx.msk [tilespmem:v51+s18+$0x0], $0xffff  }
0x507: {  	v59 =	vor.u32 $0xC, v49;
	v12 =	vld.idx.msk [tilespmem:v14+s18+$0x0], $0xffff  }
0x508: {  	v26 =	vor.u32 $0xB, v49;
	v53 =	vld.idx.msk [tilespmem:v16+s18+$0x0], $0xffff  }
0x509: {  	v27 =	vor.u32 $0x19, v49;
	[tilespmem:$0x1FA40] =	vst v1;
	v1 =	vld.idx.msk [tilespmem:v23+s18+$0x0], $0xffff  }
0x50a: {  	v28 =	vor.u32 $0xA, v49;
	v55 =	vld.idx.msk [tilespmem:v18+s18+$0x0], $0xffff  }
0x50b: {  	v30 =	vor.u32 $0x9, v49;
	v20 =	vld.idx.msk [tilespmem:v57+s18+$0x0], $0xffff  }
0x50c: {  	v38 =	vor.u32 $0x6, v49;
	v22 =	vld.idx.msk [tilespmem:v59+s18+$0x0], $0xffff  }
0x50d: {  	v40 =	vor.u32 $0x5, v49;
	v24 =	vld.idx.msk [tilespmem:v26+s18+$0x0], $0xffff  }
0x50e: {  	v31 =	vor.u32 $0x18, v49;
	[tilespmem:$0x1FA50] =	vst v1;
	v1 =	vld.idx.msk [tilespmem:v27+s18+$0x0], $0xffff  }
0x50f: {  	v47 =	vor.u32 $0x13, v49;
	v61 =	vld.idx.msk [tilespmem:v28+s18+$0x0], $0xffff  }
0x510: {  	v8 =	vor.u32 $0x12, v49;
	v63 =	vld.idx.msk [tilespmem:v30+s18+$0x0], $0xffff  }
0x511: {  	v36 =	vld.idx.msk [tilespmem:v38+s18+$0x0], $0xffff;
	[tilespmem:$0x1F9A0] =	vst v2;
	v2 =	vor.u32 $0x8, v49  }
0x512: {  	v9 =	vld.idx.msk [tilespmem:v40+s18+$0x0], $0xffff;
	[tilespmem:$0x1F960] =	vst v5;
	v5 =	vor.u32 $0x7, v49  }
0x513: {  	v45 =	vor.u32 $0x14, v49;
	[tilespmem:$0x1FA60] =	vst v1;
	v1 =	vld.idx.msk [tilespmem:v31+s18+$0x0], $0xffff  }
0x514: {  	[tilespmem:$0x1F900] =	vst v3;
	v3 =	vld.idx.msk [tilespmem:v47+s18+$0x0], $0xffff  }
0x515: {  	[tilespmem:$0x1F980] =	vst v6;
	v6 =	vld.idx.msk [tilespmem:v8+s18+$0x0], $0xffff  }
0x516: {  	v32 =	vld.idx.msk [tilespmem:v2+s18+$0x0], $0xffff  }
0x517: {  	s30 =	sadd.s32 $0x1, s30;
	v13 =	vor.u32 $0x4, v49;
	v34 =	vld.idx.msk [tilespmem:v5+s18+$0x0], $0xffff  }
0x518: {  	s22 =	simm.s32 $0x20;
	s28 =	smov.u32 s26;
	s29 =	smov.u32 s25;
	v42 =	vor.u32 $0x3, v49;
	v44 =	vor.u32 $0x2, v49;
	v17 =	vor.u32 $0x1, v49;
	[tilespmem:$0x1FA70] =	vst v1;
	v1 =	vld.idx.msk [tilespmem:v45+s18+$0x0], $0xffff  }
.LBB2_6:
0x519: {  	_ =	sdelay $0x2  }
0x51a: {  	v46 =	vld.idx.msk [tilespmem:v13+s18+$0x0], $0xffff  }
0x51b: {  	v21 =	vld.idx.msk [tilespmem:v42+s18+$0x0], $0xffff  }
0x51c: {  	v48 =	vld.idx.msk [tilespmem:v44+s18+$0x0], $0xffff  }
0x51d: {  	v50 =	vld.idx.msk [tilespmem:v17+s18+$0x0], $0xffff  }
0x51e: {  	v25 =	vld.idx.msk [tilespmem:v49+s18+$0x0], $0xffff  }
0x51f: {  	v52 =	vld.idx.msk [tilespmem:v49+s17+$0x0], $0xffff  }
0x520: {  	v49 =	vld.idx.msk [tilespmem:v49+s19+$0x0], $0xffff  }
0x521: {  	v29 =	vld.idx.msk [tilespmem:v17+s17+$0x0], $0xffff  }
0x522: {  	v17 =	vld.idx.msk [tilespmem:v17+s19+$0x0], $0xffff  }
0x523: {  	v54 =	vld.idx.msk [tilespmem:v44+s17+$0x0], $0xffff  }
0x524: {  	v44 =	vld.idx.msk [tilespmem:v44+s19+$0x0], $0xffff;
	v25 =	vmul.f32 v25, v52  }
0x525: {  	v56 =	vld.idx.msk [tilespmem:v42+s17+$0x0], $0xffff;
	v49 =	vmul.f32 v49, v52  }
0x526: {  	v42 =	vld.idx.msk [tilespmem:v42+s19+$0x0], $0xffff;
	v50 =	vmul.f32 v50, v29;
	v25 =	vadd.f32 $0.0e+00, v25  }
0x527: {  	v52 =	vld.idx.msk [tilespmem:v13+s17+$0x0], $0xffff;
	v17 =	vmul.f32 v17, v29;
	v49 =	vadd.f32 $0.0e+00, v49  }
0x528: {  	v13 =	vld.idx.msk [tilespmem:v13+s19+$0x0], $0xffff;
	v29 =	vmul.f32 v48, v54;
	v25 =	vadd.f32 v50, v25  }
0x529: {  	v48 =	vld.idx.msk [tilespmem:v40+s17+$0x0], $0xffff;
	v44 =	vmul.f32 v44, v54;
	v17 =	vadd.f32 v17, v49  }
0x52a: {  	v40 =	vld.idx.msk [tilespmem:v40+s19+$0x0], $0xffff;
	v21 =	vmul.f32 v21, v56;
	v25 =	vadd.f32 v29, v25  }
0x52b: {  	v42 =	vmul.f32 v42, v56;
	v29 =	vld.idx.msk [tilespmem:v38+s17+$0x0], $0xffff;
	v17 =	vadd.f32 v44, v17  }
0x52c: {  	v49 =	vld.idx.msk [tilespmem:v38+s19+$0x0], $0xffff;
	v21 =	vadd.f32 v21, v25;
	v25 =	vmul.f32 v46, v52  }
0x52d: {  	v50 =	vld.idx.msk [tilespmem:v5+s17+$0x0], $0xffff;
	v13 =	vmul.f32 v13, v52;
	v17 =	vadd.f32 v42, v17  }
0x52e: {  	v5 =	vld.idx.msk [tilespmem:v5+s19+$0x0], $0xffff;
	v9 =	vmul.f32 v9, v48;
	v21 =	vadd.f32 v25, v21  }
0x52f: {  	v25 =	vld.idx.msk [tilespmem:v2+s17+$0x0], $0xffff;
	v13 =	vadd.f32 v13, v17;
	v17 =	vmul.f32 v40, v48  }
0x530: {  	v2 =	vld.idx.msk [tilespmem:v2+s19+$0x0], $0xffff;
	v9 =	vadd.f32 v9, v21;
	v21 =	vmul.f32 v36, v29  }
0x531: {  	v54 =	vld.idx.msk [tilespmem:v30+s17+$0x0], $0xffff;
	v13 =	vadd.f32 v17, v13;
	v17 =	vmul.f32 v49, v29  }
0x532: {  	v29 =	vld.idx.msk [tilespmem:v30+s19+$0x0], $0xffff;
	v9 =	vadd.f32 v21, v9;
	v21 =	vmul.f32 v34, v50  }
0x533: {  	v5 =	vmul.f32 v5, v50;
	v30 =	vld.idx.msk [tilespmem:v28+s17+$0x0], $0xffff;
	v13 =	vadd.f32 v17, v13  }
0x534: {  	v17 =	vld.idx.msk [tilespmem:v28+s19+$0x0], $0xffff;
	v9 =	vadd.f32 v21, v9;
	v21 =	vmul.f32 v32, v25  }
0x535: {  	v28 =	vld.idx.msk [tilespmem:v26+s17+$0x0], $0xffff;
	v2 =	vmul.f32 v2, v25;
	v5 =	vadd.f32 v5, v13  }
0x536: {  	v13 =	vld.idx.msk [tilespmem:v26+s19+$0x0], $0xffff;
	v9 =	vadd.f32 v21, v9;
	v21 =	vmul.f32 v63, v54  }
0x537: {  	v25 =	vld.idx.msk [tilespmem:v59+s17+$0x0], $0xffff;
	v2 =	vadd.f32 v2, v5;
	v5 =	vmul.f32 v29, v54  }
0x538: {  	v26 =	vld.idx.msk [tilespmem:v59+s19+$0x0], $0xffff;
	v9 =	vadd.f32 v21, v9;
	v21 =	vmul.f32 v61, v30  }
0x539: {  	v29 =	vld.idx.msk [tilespmem:v57+s17+$0x0], $0xffff;
	v2 =	vadd.f32 v5, v2;
	v5 =	vmul.f32 v17, v30  }
0x53a: {  	v17 =	vld.idx.msk [tilespmem:v57+s19+$0x0], $0xffff;
	v9 =	vadd.f32 v21, v9;
	v21 =	vmul.f32 v24, v28  }
0x53b: {  	v24 =	vld.idx.msk [tilespmem:v18+s17+$0x0], $0xffff;
	v2 =	vadd.f32 v5, v2;
	v5 =	vmul.f32 v13, v28  }
0x53c: {  	v13 =	vld.idx.msk [tilespmem:v18+s19+$0x0], $0xffff;
	v18 =	vmul.f32 v22, v25;
	v9 =	vadd.f32 v21, v9  }
0x53d: {  	v21 =	vld.idx.msk [tilespmem:v16+s17+$0x0], $0xffff;
	v2 =	vadd.f32 v5, v2;
	v5 =	vmul.f32 v26, v25  }
0x53e: {  	v9 =	vadd.f32 v18, v9;
	v18 =	vmul.f32 v20, v29  }
0x53f: {  	v20 =	vld.idx.msk [tilespmem:v14+s17+$0x0], $0xffff;
	v2 =	vadd.f32 v5, v2  }
0x540: {  	v16 =	vld.idx.msk [tilespmem:v16+s19+$0x0], $0xffff;
	v5 =	vmul.f32 v17, v29;
	v17 =	vmul.f32 v55, v24;
	v9 =	vadd.f32 v18, v9  }
0x541: {  	v18 =	vld.idx.msk [tilespmem:v51+s17+$0x0], $0xffff  }
0x542: {  	v9 =	vadd.f32 v17, v9;
	v17 =	vmul.f32 v53, v21  }
0x543: {  	v22 =	vld.idx.msk [tilespmem:v8+s17+$0x0], $0xffff;
	v2 =	vadd.f32 v5, v2;
	v5 =	vmul.f32 v13, v24  }
0x544: {  	v12 =	vmul.f32 v12, v20;
	v9 =	vadd.f32 v17, v9  }
0x545: {  	v2 =	vadd.f32 v5, v2;
	v5 =	vmul.f32 v16, v21;
	v16 =	vld.idx.msk [tilespmem:v47+s17+$0x0], $0xffff  }
0x546: {  	v14 =	vld.idx.msk [tilespmem:v14+s19+$0x0], $0xffff;
	v10 =	vmul.f32 v10, v18;
	v9 =	vadd.f32 v12, v9  }
0x547: {  	v12 =	vld.idx.msk [tilespmem:v45+s17+$0x0], $0xffff  }
0x548: {  	v6 =	vmul.f32 v6, v22;
	v13 =	vld.idx.msk [tilespmem:v51+s19+$0x0], $0xffff;
	v9 =	vadd.f32 v10, v9  }
0x549: {  	v10 =	vld.idx.msk [tilespmem:v43+s17+$0x0], $0xffff  }
0x54a: {  	v8 =	vld.idx.msk [tilespmem:v8+s19+$0x0], $0xffff;
	v3 =	vmul.f32 v3, v16;
	v6 =	vadd.f32 v6, v9  }
0x54b: {  	v2 =	vadd.f32 v5, v2;
	v5 =	vmul.f32 v14, v20;
	v9 =	vld.idx.msk [tilespmem:v39+s17+$0x0], $0xffff  }
0x54c: {  	v14 =	vld.idx.msk [tilespmem:v47+s19+$0x0], $0xffff;
	v1 =	vmul.f32 v1, v12;
	v3 =	vadd.f32 v3, v6  }
0x54d: {  	v2 =	vadd.f32 v5, v2;
	v5 =	vmul.f32 v13, v18;
	v6 =	vld.idx.msk [tilespmem:v35+s17+$0x0], $0xffff  }
0x54e: {  	v13 =	vld.idx.msk [tilespmem:v45+s19+$0x0], $0xffff;
	v1 =	vadd.f32 v1, v3;
	v3 =	vmul.f32 v41, v10  }
0x54f: {  	v2 =	vadd.f32 v5, v2;
	v5 =	vmul.f32 v8, v22  }
0x550: {  	v1 =	vadd.f32 v3, v1;
	v3 =	vmul.f32 v37, v9  }
0x551: {  	v2 =	vadd.f32 v5, v2;
	v5 =	vmul.f32 v14, v16  }
0x552: {  	v1 =	vadd.f32 v3, v1;
	v3 =	vmul.f32 v33, v6  }
0x553: {  	v2 =	vadd.f32 v5, v2;
	v5 =	vmul.f32 v13, v12;
	v13 =	vld.idx.msk [tilespmem:v31+s17+$0x0], $0xffff  }
0x554: {  	v1 =	vadd.f32 v3, v1;
	v3 =	vld [tilespmem:$0x1FA70]  }
0x555: {  	v8 =	vld.idx.msk [tilespmem:v43+s19+$0x0], $0xffff;
	_ =	sdelay $0x3  }
0x556: {  	v3 =	vmul.f32 v3, v13  }
0x557: {  	v2 =	vadd.f32 v5, v2;
	v5 =	vmul.f32 v8, v10;
	v10 =	vld.idx.msk [tilespmem:v27+s17+$0x0], $0xffff  }
0x558: {  	v1 =	vadd.f32 v3, v1;
	v3 =	vld [tilespmem:$0x1FA60]  }
0x559: {  	v14 =	vld.idx.msk [tilespmem:v39+s19+$0x0], $0xffff;
	_ =	sdelay $0x3  }
0x55a: {  	v3 =	vmul.f32 v3, v10  }
0x55b: {  	v2 =	vadd.f32 v5, v2;
	v5 =	vmul.f32 v14, v9;
	v14 =	vld.idx.msk [tilespmem:v23+s17+$0x0], $0xffff  }
0x55c: {  	v1 =	vadd.f32 v3, v1;
	v3 =	vld [tilespmem:$0x1FA50]  }
0x55d: {  	v12 =	vld.idx.msk [tilespmem:v35+s19+$0x0], $0xffff;
	_ =	sdelay $0x3  }
0x55e: {  	v3 =	vmul.f32 v3, v14  }
0x55f: {  	v2 =	vadd.f32 v5, v2;
	v5 =	vmul.f32 v12, v6;
	v12 =	vld.idx.msk [tilespmem:v19+s17+$0x0], $0xffff  }
0x560: {  	v1 =	vadd.f32 v3, v1;
	v3 =	vld [tilespmem:$0x1FA40]  }
0x561: {  	v8 =	vld.idx.msk [tilespmem:v31+s19+$0x0], $0xffff;
	_ =	sdelay $0x3  }
0x562: {  	v3 =	vmul.f32 v3, v12  }
0x563: {  	v2 =	vadd.f32 v5, v2;
	v5 =	vmul.f32 v8, v13;
	v13 =	vld.idx.msk [tilespmem:v15+s17+$0x0], $0xffff  }
0x564: {  	v1 =	vadd.f32 v3, v1;
	v3 =	vld [tilespmem:$0x1FA30]  }
0x565: {  	v9 =	vld.idx.msk [tilespmem:v27+s19+$0x0], $0xffff;
	_ =	sdelay $0x3  }
0x566: {  	v6 =	vld.idx.msk [tilespmem:v23+s19+$0x0], $0xffff;
	v3 =	vmul.f32 v3, v13  }
0x567: {  	v2 =	vadd.f32 v5, v2;
	v5 =	vmul.f32 v9, v10;
	v10 =	vld.idx.msk [tilespmem:v11+s17+$0x0], $0xffff  }
0x568: {  	v1 =	vadd.f32 v3, v1;
	v3 =	vld [tilespmem:$0x1FA20];
	_ =	sdelay $0x4  }
0x569: {  	v2 =	vadd.f32 v5, v2;
	v5 =	vmul.f32 v6, v14;
	v6 =	vld.idx.msk [tilespmem:v11+s19+$0x0], $0xffff;
	v3 =	vmul.f32 v3, v10  }
0x56a: {  	v11 =	vld.idx.msk [tilespmem:v7+s17+$0x0], $0xffff  }
0x56b: {  	v1 =	vadd.f32 v3, v1;
	v3 =	vld [tilespmem:$0x1FA10]  }
0x56c: {  	v8 =	vld.idx.msk [tilespmem:v19+s19+$0x0], $0xffff;
	_ =	sdelay $0x3  }
0x56d: {  	v3 =	vmul.f32 v3, v11  }
0x56e: {  	v2 =	vadd.f32 v5, v2;
	v5 =	vmul.f32 v8, v12;
	v8 =	vld.idx.msk [tilespmem:v4+s17+$0x0], $0xffff  }
0x56f: {  	v1 =	vadd.f32 v3, v1;
	v3 =	vld [tilespmem:$0x1FA00]  }
0x570: {  	v9 =	vld.idx.msk [tilespmem:v15+s19+$0x0], $0xffff;
	_ =	sdelay $0x3  }
0x571: {  	v7 =	vld.idx.msk [tilespmem:v7+s19+$0x0], $0xffff;
	v3 =	vmul.f32 v3, v8  }
0x572: {  	v2 =	vadd.f32 v5, v2;
	v5 =	vmul.f32 v9, v13;
	v9 =	vld.idx.msk [tilespmem:v0+s17+$0x0], $0xffff  }
0x573: {  	v1 =	vadd.f32 v3, v1;
	v3 =	vld [tilespmem:$0x1F9F0]  }
0x574: {  	v2 =	vadd.f32 v5, v2;
	v5 =	vmul.f32 v6, v10  }
0x575: {  	v4 =	vld.idx.msk [tilespmem:v4+s19+$0x0], $0xffff  }
0x576: {  	v2 =	vadd.f32 v5, v2;
	v5 =	vmul.f32 v7, v11;
	v11 =	vld [tilespmem:$0x1F9A0]  }
0x577: {  	v0 =	vld.idx.msk [tilespmem:v0+s19+$0x0], $0xffff  }
0x578: {  	v6 =	vld.idx.msk [tilespmem:v62+s17+$0x0], $0xffff;
	v3 =	vmul.f32 v3, v9  }
0x579: {  	v7 =	vld.idx.msk [tilespmem:v62+s19+$0x0], $0xffff  }
0x57a: {  	v1 =	vadd.f32 v3, v1;
	v3 =	vld [tilespmem:$0x1F9E0]  }
0x57b: {  	v4 =	vmul.f32 v4, v8;
	v2 =	vadd.f32 v5, v2;
	_ =	sdelay $0x1  }
0x57c: {  	v0 =	vmul.f32 v0, v9;
	v2 =	vadd.f32 v4, v2  }
0x57d: {  	v9 =	vld.idx.msk [tilespmem:v11+s17+$0x0], $0xffff  }
0x57e: {  	v0 =	vadd.f32 v0, v2;
	v2 =	vmul.f32 v7, v6;
	v3 =	vmul.f32 v3, v6;
	v6 =	vld.idx.msk [tilespmem:v11+s19+$0x0], $0xffff  }
0x57f: {  	v11 =	vld [tilespmem:$0x1F980];
	_ =	sdelay $0x2  }
0x580: {  	v5 =	vld.idx.msk [tilespmem:v60+s19+$0x0], $0xffff  }
0x581: {  	v10 =	vld.idx.msk [tilespmem:v60+s17+$0x0], $0xffff;
	_ =	sdelay $0x1  }
0x582: {  	v1 =	vadd.f32 v3, v1;
	v3 =	vld [tilespmem:$0x1F9D0];
	_ =	sdelay $0x1  }
0x583: {  	v7 =	vld.idx.msk [tilespmem:v11+s17+$0x0], $0xffff  }
0x584: {  	v0 =	vadd.f32 v2, v0;
	v2 =	vmul.f32 v5, v10;
	v5 =	vld.idx.msk [tilespmem:v11+s19+$0x0], $0xffff  }
0x585: {  	v11 =	vld [tilespmem:$0x1F960]  }
0x586: {  	v3 =	vmul.f32 v3, v10  }
0x587: {  	v8 =	vld.idx.msk [tilespmem:v58+s17+$0x0], $0xffff  }
0x588: {  	v1 =	vadd.f32 v3, v1;
	v3 =	vld [tilespmem:$0x1F9C0]  }
0x589: {  	v4 =	vld.idx.msk [tilespmem:v58+s19+$0x0], $0xffff;
	_ =	sdelay $0x3  }
0x58a: {  	v3 =	vmul.f32 v3, v8;
	v10 =	vld.idx.msk [tilespmem:v11+s17+$0x0], $0xffff  }
0x58b: {  	v0 =	vadd.f32 v2, v0;
	v2 =	vmul.f32 v4, v8;
	v4 =	vld.idx.msk [tilespmem:v11+s19+$0x0], $0xffff  }
0x58c: {  	v1 =	vadd.f32 v3, v1;
	v3 =	vld [tilespmem:$0x1F9B0]  }
0x58d: {  	v11 =	vld [tilespmem:$0x1F940];
	_ =	sdelay $0x4  }
0x58e: {  	v3 =	vmul.f32 v3, v9;
	_ =	sdelay $0x1  }
0x58f: {  	v1 =	vadd.f32 v3, v1;
	v3 =	vld [tilespmem:$0x1F990]  }
0x590: {  	v8 =	vld.idx.msk [tilespmem:v11+s17+$0x0], $0xffff  }
0x591: {  	v0 =	vadd.f32 v2, v0;
	v2 =	vmul.f32 v6, v9;
	v6 =	vld.idx.msk [tilespmem:v11+s19+$0x0], $0xffff  }
0x592: {  	v11 =	vld [tilespmem:$0x1F920];
	_ =	sdelay $0x4  }
0x593: {  	v3 =	vmul.f32 v3, v7;
	_ =	sdelay $0x1  }
0x594: {  	v1 =	vadd.f32 v3, v1;
	v3 =	vld [tilespmem:$0x1F970]  }
0x595: {  	v9 =	vld.idx.msk [tilespmem:v11+s17+$0x0], $0xffff  }
0x596: {  	v0 =	vadd.f32 v2, v0;
	v2 =	vmul.f32 v5, v7;
	v5 =	vld.idx.msk [tilespmem:v11+s19+$0x0], $0xffff  }
0x597: {  	v11 =	vld [tilespmem:$0x1F900];
	_ =	sdelay $0x4  }
0x598: {  	v3 =	vmul.f32 v3, v10;
	_ =	sdelay $0x1  }
0x599: {  	v1 =	vadd.f32 v3, v1;
	v3 =	vld [tilespmem:$0x1F950]  }
0x59a: {  	v7 =	vld.idx.msk [tilespmem:v11+s17+$0x0], $0xffff  }
0x59b: {  	v0 =	vadd.f32 v2, v0;
	v2 =	vmul.f32 v4, v10;
	v4 =	vld.idx.msk [tilespmem:v11+s19+$0x0], $0xffff  }
0x59c: {  	v11 =	vld [tilespmem:$0x1F8E0];
	_ =	sdelay $0x4  }
0x59d: {  	v3 =	vmul.f32 v3, v8;
	_ =	sdelay $0x1  }
0x59e: {  	v1 =	vadd.f32 v3, v1;
	v3 =	vld [tilespmem:$0x1F930]  }
0x59f: {  	v10 =	vld.idx.msk [tilespmem:v11+s17+$0x0], $0xffff  }
0x5a0: {  	v0 =	vadd.f32 v2, v0;
	v2 =	vmul.f32 v6, v8;
	v6 =	vld.idx.msk [tilespmem:v11+s19+$0x0], $0xffff  }
0x5a1: {  	v11 =	vld [tilespmem:$0x1F8C0];
	_ =	sdelay $0x4  }
0x5a2: {  	v3 =	vmul.f32 v3, v9;
	_ =	sdelay $0x1  }
0x5a3: {  	v1 =	vadd.f32 v3, v1;
	v3 =	vld [tilespmem:$0x1F910]  }
0x5a4: {  	v8 =	vld.idx.msk [tilespmem:v11+s17+$0x0], $0xffff  }
0x5a5: {  	v0 =	vadd.f32 v2, v0;
	v2 =	vmul.f32 v5, v9;
	v5 =	vld.idx.msk [tilespmem:v11+s19+$0x0], $0xffff  }
0x5a6: {  	v11 =	vld [tilespmem:$0x1F8A0];
	_ =	sdelay $0x4  }
0x5a7: {  	v3 =	vmul.f32 v3, v7;
	_ =	sdelay $0x1  }
0x5a8: {  	v1 =	vadd.f32 v3, v1;
	v3 =	vld [tilespmem:$0x1F8F0]  }
0x5a9: {  	v9 =	vld.idx.msk [tilespmem:v11+s17+$0x0], $0xffff  }
0x5aa: {  	v0 =	vadd.f32 v2, v0;
	v2 =	vmul.f32 v4, v7;
	v4 =	vld.idx.msk [tilespmem:v11+s19+$0x0], $0xffff  }
0x5ab: {  	v11 =	vld [tilespmem:$0x1F880];
	_ =	sdelay $0x1  }
0x5ac: {  	v3 =	vmul.f32 v3, v10;
	_ =	sdelay $0x1  }
0x5ad: {  	v1 =	vadd.f32 v3, v1;
	v3 =	vld [tilespmem:$0x1F8D0];
	_ =	sdelay $0x3  }
0x5ae: {  	v7 =	vld.idx.msk [tilespmem:v11+s17+$0x0], $0xffff  }
0x5af: {  	v0 =	vadd.f32 v2, v0;
	v2 =	vmul.f32 v6, v10;
	v3 =	vmul.f32 v3, v8;
	v6 =	vld.idx.msk [tilespmem:v11+s19+$0x0], $0xffff  }
0x5b0: {  	v11 =	vld [tilespmem:$0x1F860]  }
0x5b1: {  	v1 =	vadd.f32 v3, v1;
	v3 =	vld [tilespmem:$0x1F8B0];
	_ =	sdelay $0x4  }
0x5b2: {  	v3 =	vmul.f32 v3, v9;
	_ =	sdelay $0x1  }
0x5b3: {  	v1 =	vadd.f32 v3, v1;
	v3 =	vld [tilespmem:$0x1F890]  }
0x5b4: {  	v10 =	vld.idx.msk [tilespmem:v11+s17+$0x0], $0xffff  }
0x5b5: {  	v0 =	vadd.f32 v2, v0;
	v2 =	vmul.f32 v5, v8;
	v5 =	vld.idx.msk [tilespmem:v11+s19+$0x0], $0xffff  }
0x5b6: {  	v11 =	vld [tilespmem:$0x1F840];
	_ =	sdelay $0x4  }
0x5b7: {  	v3 =	vmul.f32 v3, v7;
	_ =	sdelay $0x1  }
0x5b8: {  	v1 =	vadd.f32 v3, v1;
	v3 =	vld [tilespmem:$0x1F870]  }
0x5b9: {  	v8 =	vld.idx.msk [tilespmem:v11+s17+$0x0], $0xffff  }
0x5ba: {  	v0 =	vadd.f32 v2, v0;
	v2 =	vmul.f32 v4, v9;
	v4 =	vld.idx.msk [tilespmem:v11+s19+$0x0], $0xffff  }
0x5bb: {  	v11 =	vld [tilespmem:$0x1F820];
	_ =	sdelay $0x4  }
0x5bc: {  	v3 =	vmul.f32 v3, v10;
	_ =	sdelay $0x1  }
0x5bd: {  	v1 =	vadd.f32 v3, v1;
	v3 =	vld [tilespmem:$0x1F850]  }
0x5be: {  	v9 =	vld.idx.msk [tilespmem:v11+s17+$0x0], $0xffff  }
0x5bf: {  	v0 =	vadd.f32 v2, v0;
	v2 =	vmul.f32 v6, v7;
	v6 =	vld.idx.msk [tilespmem:v11+s19+$0x0], $0xffff  }
0x5c0: {  	v11 =	vld [tilespmem:$0x1F800];
	_ =	sdelay $0x4  }
0x5c1: {  	v3 =	vmul.f32 v3, v8;
	_ =	sdelay $0x1  }
0x5c2: {  	v1 =	vadd.f32 v3, v1;
	v3 =	vld [tilespmem:$0x1F830]  }
0x5c3: {  	v7 =	vld.idx.msk [tilespmem:v11+s17+$0x0], $0xffff  }
0x5c4: {  	v0 =	vadd.f32 v2, v0;
	v2 =	vmul.f32 v5, v10;
	v5 =	vld.idx.msk [tilespmem:v11+s19+$0x0], $0xffff  }
0x5c5: {  	v11 =	vld [tilespmem:$0x1F7E0];
	_ =	sdelay $0x4  }
0x5c6: {  	v3 =	vmul.f32 v3, v9;
	_ =	sdelay $0x1  }
0x5c7: {  	v1 =	vadd.f32 v3, v1;
	v3 =	vld [tilespmem:$0x1F810]  }
0x5c8: {  	v10 =	vld.idx.msk [tilespmem:v11+s17+$0x0], $0xffff  }
0x5c9: {  	v0 =	vadd.f32 v2, v0;
	v2 =	vmul.f32 v4, v8;
	v4 =	vld.idx.msk [tilespmem:v11+s19+$0x0], $0xffff  }
0x5ca: {  	v11 =	vld [tilespmem:$0x1F7C0];
	_ =	sdelay $0x4  }
0x5cb: {  	v3 =	vmul.f32 v3, v7;
	_ =	sdelay $0x1  }
0x5cc: {  	v1 =	vadd.f32 v3, v1;
	v3 =	vld [tilespmem:$0x1F7F0]  }
0x5cd: {  	v8 =	vld.idx.msk [tilespmem:v11+s17+$0x0], $0xffff  }
0x5ce: {  	v0 =	vadd.f32 v2, v0;
	v2 =	vmul.f32 v6, v9;
	v6 =	vld.idx.msk [tilespmem:v11+s19+$0x0], $0xffff  }
0x5cf: {  	v11 =	vld [tilespmem:$0x1F7A0];
	_ =	sdelay $0x1  }
0x5d0: {  	v3 =	vmul.f32 v3, v10;
	_ =	sdelay $0x1  }
0x5d1: {  	v1 =	vadd.f32 v3, v1;
	v3 =	vld [tilespmem:$0x1F7D0];
	_ =	sdelay $0x3  }
0x5d2: {  	v9 =	vld.idx.msk [tilespmem:v11+s17+$0x0], $0xffff  }
0x5d3: {  	v0 =	vadd.f32 v2, v0;
	v2 =	vmul.f32 v5, v7;
	v3 =	vmul.f32 v3, v8;
	v5 =	vld.idx.msk [tilespmem:v11+s19+$0x0], $0xffff  }
0x5d4: {  	v11 =	vld [tilespmem:$0x1F780]  }
0x5d5: {  	v1 =	vadd.f32 v3, v1;
	v3 =	vld [tilespmem:$0x1F7B0];
	_ =	sdelay $0x4  }
0x5d6: {  	v3 =	vmul.f32 v3, v9;
	_ =	sdelay $0x1  }
0x5d7: {  	v1 =	vadd.f32 v3, v1;
	v3 =	vld [tilespmem:$0x1F790]  }
0x5d8: {  	v7 =	vld.idx.msk [tilespmem:v11+s17+$0x0], $0xffff  }
0x5d9: {  	v0 =	vadd.f32 v2, v0;
	v2 =	vmul.f32 v4, v10;
	v4 =	vld.idx.msk [tilespmem:v11+s19+$0x0], $0xffff  }
0x5da: {  	v11 =	vld [tilespmem:$0x1F760];
	_ =	sdelay $0x4  }
0x5db: {  	v3 =	vmul.f32 v3, v7;
	_ =	sdelay $0x1  }
0x5dc: {  	v1 =	vadd.f32 v3, v1;
	v3 =	vld [tilespmem:$0x1F770]  }
0x5dd: {  	v10 =	vld.idx.msk [tilespmem:v11+s17+$0x0], $0xffff  }
0x5de: {  	v0 =	vadd.f32 v2, v0;
	v2 =	vmul.f32 v6, v8;
	v6 =	vld.idx.msk [tilespmem:v11+s19+$0x0], $0xffff  }
0x5df: {  	v11 =	vld [tilespmem:$0x1F740];
	_ =	sdelay $0x4  }
0x5e0: {  	v3 =	vmul.f32 v3, v10;
	_ =	sdelay $0x1  }
0x5e1: {  	v1 =	vadd.f32 v3, v1;
	v3 =	vld [tilespmem:$0x1F750]  }
0x5e2: {  	v8 =	vld.idx.msk [tilespmem:v11+s17+$0x0], $0xffff  }
0x5e3: {  	v0 =	vadd.f32 v2, v0;
	v2 =	vmul.f32 v5, v9;
	v5 =	vld.idx.msk [tilespmem:v11+s19+$0x0], $0xffff  }
0x5e4: {  	v11 =	vld [tilespmem:$0x1F720];
	_ =	sdelay $0x4  }
0x5e5: {  	v3 =	vmul.f32 v3, v8;
	_ =	sdelay $0x1  }
0x5e6: {  	v1 =	vadd.f32 v3, v1;
	v3 =	vld [tilespmem:$0x1F730]  }
0x5e7: {  	v9 =	vld.idx.msk [tilespmem:v11+s17+$0x0], $0xffff  }
0x5e8: {  	v0 =	vadd.f32 v2, v0;
	v2 =	vmul.f32 v4, v7;
	v4 =	vld.idx.msk [tilespmem:v11+s19+$0x0], $0xffff  }
0x5e9: {  	v11 =	vld [tilespmem:$0x1F700];
	_ =	sdelay $0x4  }
0x5ea: {  	v3 =	vmul.f32 v3, v9;
	_ =	sdelay $0x1  }
0x5eb: {  	v1 =	vadd.f32 v3, v1;
	v3 =	vld [tilespmem:$0x1F710]  }
0x5ec: {  	v7 =	vld.idx.msk [tilespmem:v11+s17+$0x0], $0xffff  }
0x5ed: {  	v0 =	vadd.f32 v2, v0;
	v2 =	vmul.f32 v6, v10;
	v6 =	vld.idx.msk [tilespmem:v11+s19+$0x0], $0xffff  }
0x5ee: {  	v11 =	vld [tilespmem:$0x1F6E0];
	_ =	sdelay $0x4  }
0x5ef: {  	v3 =	vmul.f32 v3, v7;
	_ =	sdelay $0x1  }
0x5f0: {  	v1 =	vadd.f32 v3, v1;
	v3 =	vld [tilespmem:$0x1F6F0]  }
0x5f1: {  	v10 =	vld.idx.msk [tilespmem:v11+s17+$0x0], $0xffff  }
0x5f2: {  	v0 =	vadd.f32 v2, v0;
	v2 =	vmul.f32 v5, v8;
	v5 =	vld.idx.msk [tilespmem:v11+s19+$0x0], $0xffff  }
0x5f3: {  	v11 =	vld [tilespmem:$0x1F6C0];
	_ =	sdelay $0x4  }
0x5f4: {  	v3 =	vmul.f32 v3, v10;
	_ =	sdelay $0x1  }
0x5f5: {  	v1 =	vadd.f32 v3, v1;
	v3 =	vld [tilespmem:$0x1F6D0]  }
0x5f6: {  	v8 =	vld.idx.msk [tilespmem:v11+s17+$0x0], $0xffff  }
0x5f7: {  	v0 =	vadd.f32 v2, v0;
	v2 =	vmul.f32 v4, v9;
	v4 =	vld.idx.msk [tilespmem:v11+s19+$0x0], $0xffff  }
0x5f8: {  	v11 =	vld [tilespmem:$0x1F6A0];
	_ =	sdelay $0x4  }
0x5f9: {  	v3 =	vmul.f32 v3, v8;
	_ =	sdelay $0x1  }
0x5fa: {  	v1 =	vadd.f32 v3, v1;
	v3 =	vld [tilespmem:$0x1F6B0]  }
0x5fb: {  	v9 =	vld.idx.msk [tilespmem:v11+s17+$0x0], $0xffff  }
0x5fc: {  	v0 =	vadd.f32 v2, v0;
	v2 =	vmul.f32 v6, v7;
	v6 =	vld.idx.msk [tilespmem:v11+s19+$0x0], $0xffff  }
0x5fd: {  	v11 =	vld [tilespmem:$0x1F680];
	_ =	sdelay $0x4  }
0x5fe: {  	v3 =	vmul.f32 v3, v9;
	_ =	sdelay $0x1  }
0x5ff: {  	v1 =	vadd.f32 v3, v1;
	v3 =	vld [tilespmem:$0x1F690]  }
0x600: {  	v7 =	vld.idx.msk [tilespmem:v11+s17+$0x0], $0xffff  }
0x601: {  	v0 =	vadd.f32 v2, v0;
	v2 =	vmul.f32 v5, v10;
	v5 =	vld.idx.msk [tilespmem:v11+s19+$0x0], $0xffff  }
0x602: {  	v11 =	vld [tilespmem:$0x1F660];
	_ =	sdelay $0x4  }
0x603: {  	v3 =	vmul.f32 v3, v7;
	_ =	sdelay $0x1  }
0x604: {  	v1 =	vadd.f32 v3, v1;
	v3 =	vld [tilespmem:$0x1F670]  }
0x605: {  	v10 =	vld.idx.msk [tilespmem:v11+s17+$0x0], $0xffff  }
0x606: {  	v0 =	vadd.f32 v2, v0;
	v2 =	vmul.f32 v4, v8;
	v4 =	vld.idx.msk [tilespmem:v11+s19+$0x0], $0xffff  }
0x607: {  	v11 =	vld [tilespmem:$0x1F640];
	_ =	sdelay $0x4  }
0x608: {  	v3 =	vmul.f32 v3, v10  }
0x609: {  	v56 =	vld [tilespmem:$0x1FFF0]  }
0x60a: {  	v1 =	vadd.f32 v3, v1;
	v3 =	vld [tilespmem:$0x1F650]  }
0x60b: {  	v0 =	vadd.f32 v2, v0;
	v2 =	vmul.f32 v6, v9;
	v8 =	vld.idx.msk [tilespmem:v11+s17+$0x0], $0xffff  }
0x60c: {  	v6 =	vld.idx.msk [tilespmem:v11+s19+$0x0], $0xffff  }
0x60d: {  	v0 =	vadd.f32 v2, v0;
	v2 =	vmul.f32 v5, v7  }
0x60e: {  	v5 =	vmov s22  }
0x60f: {  	v5 =	vshll.u32 v5, $0x6;
	v0 =	vadd.f32 v2, v0;
	v2 =	vmul.f32 v4, v10  }
0x610: {  	v49 =	vor.u32 v56, v5;
	v3 =	vmul.f32 v3, v8  }
0x611: {  	v4 =	vor.u32 $0x3F, v49;
	v0 =	vadd.f32 v2, v0;
	v2 =	vmul.f32 v6, v8  }
0x612: {  	v1 =	vadd.f32 v3, v1  }
0x613: {  	s28 =	sadd.s32 $0x10, s28;
	v0 =	vadd.f32 v2, v0  }
0x614: {  	s29 =	sadd.s32 $0x10, s29;
	[tilespmem:s28+$0x0] =	vst v1  }
0x615: {  	[tilespmem:s29+$0x0] =	vst v0  }
0x616: {  	v5 =	vor.u32 $0x3E, v49;
	v0 =	vld.idx.msk [tilespmem:v4+s18+$0x0], $0xffff;
	_ =	sdelay $0x4  }
0x617: {  	v3 =	vor.u32 $0x3D, v49;
	[tilespmem:$0x1F650] =	vst v0;
	v0 =	vld.idx.msk [tilespmem:v5+s18+$0x0], $0xffff;
	_ =	sdelay $0x4  }
0x618: {  	v2 =	vor.u32 $0x3C, v49;
	[tilespmem:$0x1F670] =	vst v0;
	v0 =	vld.idx.msk [tilespmem:v3+s18+$0x0], $0xffff;
	_ =	sdelay $0x4  }
0x619: {  	v1 =	vor.u32 $0x3B, v49;
	[tilespmem:$0x1F690] =	vst v0;
	v0 =	vld.idx.msk [tilespmem:v2+s18+$0x0], $0xffff;
	_ =	sdelay $0x4  }
0x61a: {  	v6 =	vor.u32 $0x3A, v49;
	[tilespmem:$0x1F6B0] =	vst v0;
	v0 =	vld.idx.msk [tilespmem:v1+s18+$0x0], $0xffff;
	_ =	sdelay $0x3  }
0x61b: {  	[tilespmem:$0x1F640] =	vst v4  }
0x61c: {  	v4 =	vor.u32 $0x39, v49;
	[tilespmem:$0x1F6D0] =	vst v0;
	v0 =	vld.idx.msk [tilespmem:v6+s18+$0x0], $0xffff;
	_ =	sdelay $0x3  }
0x61d: {  	[tilespmem:$0x1F660] =	vst v5  }
0x61e: {  	v5 =	vor.u32 $0x38, v49;
	[tilespmem:$0x1F6F0] =	vst v0;
	v0 =	vld.idx.msk [tilespmem:v4+s18+$0x0], $0xffff;
	_ =	sdelay $0x3  }
0x61f: {  	[tilespmem:$0x1F680] =	vst v3  }
0x620: {  	v3 =	vor.u32 $0x37, v49;
	[tilespmem:$0x1F710] =	vst v0;
	v0 =	vld.idx.msk [tilespmem:v5+s18+$0x0], $0xffff;
	_ =	sdelay $0x3  }
0x621: {  	[tilespmem:$0x1F6A0] =	vst v2  }
0x622: {  	v2 =	vor.u32 $0x36, v49;
	[tilespmem:$0x1F730] =	vst v0;
	v0 =	vld.idx.msk [tilespmem:v3+s18+$0x0], $0xffff;
	_ =	sdelay $0x3  }
0x623: {  	[tilespmem:$0x1F6C0] =	vst v1  }
0x624: {  	v1 =	vor.u32 $0x35, v49;
	[tilespmem:$0x1F750] =	vst v0;
	v0 =	vld.idx.msk [tilespmem:v2+s18+$0x0], $0xffff;
	_ =	sdelay $0x3  }
0x625: {  	[tilespmem:$0x1F6E0] =	vst v6  }
0x626: {  	v6 =	vor.u32 $0x34, v49;
	[tilespmem:$0x1F770] =	vst v0;
	v0 =	vld.idx.msk [tilespmem:v1+s18+$0x0], $0xffff;
	_ =	sdelay $0x3  }
0x627: {  	[tilespmem:$0x1F700] =	vst v4  }
0x628: {  	v4 =	vor.u32 $0x33, v49;
	[tilespmem:$0x1F790] =	vst v0;
	v0 =	vld.idx.msk [tilespmem:v6+s18+$0x0], $0xffff;
	_ =	sdelay $0x3  }
0x629: {  	[tilespmem:$0x1F720] =	vst v5  }
0x62a: {  	v5 =	vor.u32 $0x32, v49;
	[tilespmem:$0x1F7B0] =	vst v0;
	v0 =	vld.idx.msk [tilespmem:v4+s18+$0x0], $0xffff;
	_ =	sdelay $0x3  }
0x62b: {  	[tilespmem:$0x1F740] =	vst v3  }
0x62c: {  	v3 =	vor.u32 $0x31, v49;
	[tilespmem:$0x1F7D0] =	vst v0;
	v0 =	vld.idx.msk [tilespmem:v5+s18+$0x0], $0xffff;
	_ =	sdelay $0x3  }
0x62d: {  	[tilespmem:$0x1F760] =	vst v2  }
0x62e: {  	v2 =	vor.u32 $0x30, v49;
	[tilespmem:$0x1F7F0] =	vst v0;
	v0 =	vld.idx.msk [tilespmem:v3+s18+$0x0], $0xffff;
	_ =	sdelay $0x3  }
0x62f: {  	[tilespmem:$0x1F780] =	vst v1  }
0x630: {  	v1 =	vor.u32 $0x2F, v49;
	[tilespmem:$0x1F810] =	vst v0;
	v0 =	vld.idx.msk [tilespmem:v2+s18+$0x0], $0xffff;
	_ =	sdelay $0x3  }
0x631: {  	[tilespmem:$0x1F7A0] =	vst v6  }
0x632: {  	v6 =	vor.u32 $0x2E, v49;
	[tilespmem:$0x1F830] =	vst v0;
	v0 =	vld.idx.msk [tilespmem:v1+s18+$0x0], $0xffff;
	_ =	sdelay $0x3  }
0x633: {  	[tilespmem:$0x1F7C0] =	vst v4  }
0x634: {  	v4 =	vor.u32 $0x2D, v49;
	[tilespmem:$0x1F850] =	vst v0;
	v0 =	vld.idx.msk [tilespmem:v6+s18+$0x0], $0xffff;
	_ =	sdelay $0x3  }
0x635: {  	[tilespmem:$0x1F7E0] =	vst v5  }
0x636: {  	v5 =	vor.u32 $0x2C, v49;
	[tilespmem:$0x1F870] =	vst v0;
	v0 =	vld.idx.msk [tilespmem:v4+s18+$0x0], $0xffff;
	_ =	sdelay $0x3  }
0x637: {  	[tilespmem:$0x1F800] =	vst v3  }
0x638: {  	v3 =	vor.u32 $0x2B, v49;
	[tilespmem:$0x1F890] =	vst v0;
	v0 =	vld.idx.msk [tilespmem:v5+s18+$0x0], $0xffff;
	_ =	sdelay $0x3  }
0x639: {  	[tilespmem:$0x1F820] =	vst v2  }
0x63a: {  	v2 =	vor.u32 $0x2A, v49;
	[tilespmem:$0x1F8B0] =	vst v0;
	v0 =	vld.idx.msk [tilespmem:v3+s18+$0x0], $0xffff;
	_ =	sdelay $0x3  }
0x63b: {  	[tilespmem:$0x1F840] =	vst v1  }
0x63c: {  	v1 =	vor.u32 $0x29, v49;
	[tilespmem:$0x1F8D0] =	vst v0;
	v0 =	vld.idx.msk [tilespmem:v2+s18+$0x0], $0xffff  }
0x63d: {  	[tilespmem:$0x1F8C0] =	vst v3;
	v3 =	vor.u32 $0x25, v49;
	_ =	sdelay $0x1  }
0x63e: {  	[tilespmem:$0x1F860] =	vst v6  }
0x63f: {  	[tilespmem:$0x1F8E0] =	vst v2  }
0x640: {  	v6 =	vor.u32 $0x28, v49;
	[tilespmem:$0x1F8F0] =	vst v0;
	v0 =	vld.idx.msk [tilespmem:v1+s18+$0x0], $0xffff  }
0x641: {  	[tilespmem:$0x1F900] =	vst v1;
	v2 =	vor.u32 $0x24, v49;
	v1 =	vld.idx.msk [tilespmem:v3+s18+$0x0], $0xffff;
	_ =	sdelay $0x2  }
0x642: {  	[tilespmem:$0x1F880] =	vst v4  }
0x643: {  	v4 =	vor.u32 $0x27, v49;
	[tilespmem:$0x1F910] =	vst v0;
	v0 =	vld.idx.msk [tilespmem:v6+s18+$0x0], $0xffff  }
0x644: {  	v58 =	vor.u32 $0x23, v49;
	[tilespmem:$0x1F990] =	vst v1;
	v1 =	vld.idx.msk [tilespmem:v2+s18+$0x0], $0xffff;
	_ =	sdelay $0x2  }
0x645: {  	[tilespmem:$0x1F8A0] =	vst v5  }
0x646: {  	v5 =	vor.u32 $0x26, v49;
	[tilespmem:$0x1F930] =	vst v0;
	v0 =	vld.idx.msk [tilespmem:v4+s18+$0x0], $0xffff  }
0x647: {  	v60 =	vor.u32 $0x22, v49;
	[tilespmem:$0x1F9B0] =	vst v1;
	v1 =	vld.idx.msk [tilespmem:v58+s18+$0x0], $0xffff;
	_ =	sdelay $0x3  }
0x648: {  	[tilespmem:$0x1F950] =	vst v0;
	v0 =	vld.idx.msk [tilespmem:v5+s18+$0x0], $0xffff  }
0x649: {  	v62 =	vor.u32 $0x21, v49;
	[tilespmem:$0x1F9C0] =	vst v1;
	v1 =	vld.idx.msk [tilespmem:v60+s18+$0x0], $0xffff;
	_ =	sdelay $0x3  }
0x64a: {  	[tilespmem:$0x1F970] =	vst v0  }
0x64b: {  	v0 =	vor.u32 $0x20, v49;
	[tilespmem:$0x1F9D0] =	vst v1;
	v1 =	vld.idx.msk [tilespmem:v62+s18+$0x0], $0xffff;
	_ =	sdelay $0x3  }
0x64c: {  	[tilespmem:$0x1F940] =	vst v4  }
0x64d: {  	v4 =	vor.u32 $0x1F, v49;
	[tilespmem:$0x1F9E0] =	vst v1;
	v1 =	vld.idx.msk [tilespmem:v0+s18+$0x0], $0xffff;
	_ =	sdelay $0x4  }
0x64e: {  	v7 =	vor.u32 $0x1E, v49;
	[tilespmem:$0x1F9F0] =	vst v1;
	v1 =	vld.idx.msk [tilespmem:v4+s18+$0x0], $0xffff;
	_ =	sdelay $0x4  }
0x64f: {  	v11 =	vor.u32 $0x1D, v49;
	[tilespmem:$0x1FA00] =	vst v1;
	v1 =	vld.idx.msk [tilespmem:v7+s18+$0x0], $0xffff;
	_ =	sdelay $0x4  }
0x650: {  	v15 =	vor.u32 $0x1C, v49;
	[tilespmem:$0x1FA10] =	vst v1;
	v1 =	vld.idx.msk [tilespmem:v11+s18+$0x0], $0xffff;
	_ =	sdelay $0x2  }
0x651: {  	v35 =	vor.u32 $0x17, v49  }
0x652: {  	v39 =	vor.u32 $0x16, v49  }
0x653: {  	v19 =	vor.u32 $0x1B, v49;
	[tilespmem:$0x1FA20] =	vst v1;
	v1 =	vld.idx.msk [tilespmem:v15+s18+$0x0], $0xffff  }
0x654: {  	v43 =	vor.u32 $0x15, v49  }
0x655: {  	v51 =	vor.u32 $0x11, v49  }
0x656: {  	v14 =	vor.u32 $0x10, v49;
	v33 =	vld.idx.msk [tilespmem:v35+s18+$0x0], $0xffff  }
0x657: {  	v16 =	vor.u32 $0xF, v49;
	v37 =	vld.idx.msk [tilespmem:v39+s18+$0x0], $0xffff  }
0x658: {  	v23 =	vor.u32 $0x1A, v49;
	[tilespmem:$0x1FA30] =	vst v1;
	v1 =	vld.idx.msk [tilespmem:v19+s18+$0x0], $0xffff  }
0x659: {  	v18 =	vor.u32 $0xE, v49;
	v41 =	vld.idx.msk [tilespmem:v43+s18+$0x0], $0xffff  }
0x65a: {  	v57 =	vor.u32 $0xD, v49;
	v10 =	vld.idx.msk [tilespmem:v51+s18+$0x0], $0xffff  }
0x65b: {  	v59 =	vor.u32 $0xC, v49;
	v12 =	vld.idx.msk [tilespmem:v14+s18+$0x0], $0xffff  }
0x65c: {  	v26 =	vor.u32 $0xB, v49;
	v53 =	vld.idx.msk [tilespmem:v16+s18+$0x0], $0xffff  }
0x65d: {  	v27 =	vor.u32 $0x19, v49;
	[tilespmem:$0x1FA40] =	vst v1;
	v1 =	vld.idx.msk [tilespmem:v23+s18+$0x0], $0xffff  }
0x65e: {  	v28 =	vor.u32 $0xA, v49;
	v55 =	vld.idx.msk [tilespmem:v18+s18+$0x0], $0xffff  }
0x65f: {  	v30 =	vor.u32 $0x9, v49;
	v20 =	vld.idx.msk [tilespmem:v57+s18+$0x0], $0xffff  }
0x660: {  	v38 =	vor.u32 $0x6, v49;
	v22 =	vld.idx.msk [tilespmem:v59+s18+$0x0], $0xffff  }
0x661: {  	v40 =	vor.u32 $0x5, v49;
	v24 =	vld.idx.msk [tilespmem:v26+s18+$0x0], $0xffff  }
0x662: {  	v31 =	vor.u32 $0x18, v49;
	[tilespmem:$0x1FA50] =	vst v1;
	v1 =	vld.idx.msk [tilespmem:v27+s18+$0x0], $0xffff  }
0x663: {  	v47 =	vor.u32 $0x13, v49;
	v61 =	vld.idx.msk [tilespmem:v28+s18+$0x0], $0xffff  }
0x664: {  	v8 =	vor.u32 $0x12, v49;
	v63 =	vld.idx.msk [tilespmem:v30+s18+$0x0], $0xffff  }
0x665: {  	v36 =	vld.idx.msk [tilespmem:v38+s18+$0x0], $0xffff;
	[tilespmem:$0x1F9A0] =	vst v2;
	v2 =	vor.u32 $0x8, v49  }
0x666: {  	v9 =	vld.idx.msk [tilespmem:v40+s18+$0x0], $0xffff;
	[tilespmem:$0x1F960] =	vst v5;
	v5 =	vor.u32 $0x7, v49  }
0x667: {  	p0 =	seq.s32 s22, $0x70;
	v45 =	vor.u32 $0x14, v49;
	[tilespmem:$0x1FA60] =	vst v1;
	v1 =	vld.idx.msk [tilespmem:v31+s18+$0x0], $0xffff  }
.Ltmp1:
0x668: {  	[tilespmem:$0x1F980] =	vst v3;
	v3 =	vld.idx.msk [tilespmem:v47+s18+$0x0], $0xffff;
	(pc) =	sbr.rel @!p0 .LBB2_6-.Ltmp1, $4  }
0x669: {  	[tilespmem:$0x1F920] =	vst v6;
	v6 =	vld.idx.msk [tilespmem:v8+s18+$0x0], $0xffff  }
0x66a: {  	v32 =	vld.idx.msk [tilespmem:v2+s18+$0x0], $0xffff  }
0x66b: {  	v13 =	vor.u32 $0x4, v49;
	v34 =	vld.idx.msk [tilespmem:v5+s18+$0x0], $0xffff  }
0x66c: {  	s22 =	sadd.s32 $0x10, s22;
	v42 =	vor.u32 $0x3, v49;
	v44 =	vor.u32 $0x2, v49;
	v17 =	vor.u32 $0x1, v49;
	[tilespmem:$0x1FA70] =	vst v1;
	v1 =	vld.idx.msk [tilespmem:v45+s18+$0x0], $0xffff  }
0x66d: {  	_ =	sdelay $0x3  }
0x66e: {  	v21 =	vld.idx.msk [tilespmem:v49+s18+$0x0], $0xffff  }
0x66f: {  	v25 =	vld.idx.msk [tilespmem:v49+s17+$0x0], $0xffff  }
0x670: {  	v29 =	vld.idx.msk [tilespmem:v49+s19+$0x0], $0xffff  }
0x671: {  	v46 =	vld.idx.msk [tilespmem:v17+s18+$0x0], $0xffff  }
0x672: {  	v48 =	vld.idx.msk [tilespmem:v17+s17+$0x0], $0xffff  }
0x673: {  	v17 =	vld.idx.msk [tilespmem:v17+s19+$0x0], $0xffff  }
0x674: {  	v49 =	vld.idx.msk [tilespmem:v44+s18+$0x0], $0xffff  }
0x675: {  	v50 =	vld.idx.msk [tilespmem:v44+s17+$0x0], $0xffff  }
0x676: {  	v44 =	vld.idx.msk [tilespmem:v44+s19+$0x0], $0xffff  }
0x677: {  	v52 =	vld.idx.msk [tilespmem:v42+s18+$0x0], $0xffff  }
0x678: {  	v54 =	vld.idx.msk [tilespmem:v42+s17+$0x0], $0xffff  }
0x679: {  	v21 =	vmul.f32 v21, v25;
	v25 =	vmul.f32 v29, v25;
	v29 =	vld.idx.msk [tilespmem:v42+s19+$0x0], $0xffff  }
0x67a: {  	v42 =	vmul.f32 v46, v48;
	v46 =	vld.idx.msk [tilespmem:v13+s18+$0x0], $0xffff  }
0x67b: {  	v17 =	vmul.f32 v17, v48;
	v48 =	vld.idx.msk [tilespmem:v13+s17+$0x0], $0xffff  }
0x67c: {  	v13 =	vld.idx.msk [tilespmem:v13+s19+$0x0], $0xffff  }
0x67d: {  	v49 =	vmul.f32 v49, v50;
	v50 =	vmul.f32 v44, v50;
	v44 =	vld.idx.msk [tilespmem:v40+s17+$0x0], $0xffff;
	v25 =	vadd.f32 $0.0e+00, v25  }
0x67e: {  	v40 =	vld.idx.msk [tilespmem:v40+s19+$0x0], $0xffff  }
0x67f: {  	v21 =	vadd.f32 $0.0e+00, v21;
	v17 =	vadd.f32 v17, v25;
	v25 =	vld.idx.msk [tilespmem:v5+s17+$0x0], $0xffff  }
0x680: {  	v5 =	vld.idx.msk [tilespmem:v5+s19+$0x0], $0xffff  }
0x681: {  	v21 =	vadd.f32 v42, v21;
	v42 =	vld.idx.msk [tilespmem:v28+s17+$0x0], $0xffff  }
0x682: {  	v17 =	vadd.f32 v50, v17;
	v50 =	vmul.f32 v29, v54;
	v29 =	vld.idx.msk [tilespmem:v38+s17+$0x0], $0xffff  }
0x683: {  	v21 =	vadd.f32 v49, v21;
	v49 =	vmul.f32 v52, v54;
	v52 =	vld.idx.msk [tilespmem:v38+s19+$0x0], $0xffff  }
0x684: {  	v13 =	vmul.f32 v13, v48;
	v54 =	vmul.f32 v46, v48;
	v48 =	vld.idx.msk [tilespmem:v2+s17+$0x0], $0xffff  }
0x685: {  	v9 =	vmul.f32 v9, v44;
	v46 =	vmul.f32 v40, v44;
	v44 =	vld.idx.msk [tilespmem:v28+s19+$0x0], $0xffff  }
0x686: {  	v40 =	vld.idx.msk [tilespmem:v18+s17+$0x0], $0xffff  }
0x687: {  	v21 =	vadd.f32 v49, v21;
	v49 =	vld.idx.msk [tilespmem:v2+s19+$0x0], $0xffff  }
0x688: {  	v38 =	vmul.f32 v34, v25;
	v34 =	vld.idx.msk [tilespmem:v57+s17+$0x0], $0xffff  }
0x689: {  	v17 =	vadd.f32 v50, v17;
	v5 =	vmul.f32 v5, v25;
	v25 =	vld.idx.msk [tilespmem:v47+s17+$0x0], $0xffff  }
0x68a: {  	v21 =	vadd.f32 v54, v21;
	v54 =	vld.idx.msk [tilespmem:v30+s17+$0x0], $0xffff  }
0x68b: {  	v13 =	vadd.f32 v13, v17;
	v17 =	vld [tilespmem:$0x1FA60]  }
0x68c: {  	v50 =	vmul.f32 v36, v29;
	v36 =	vld.idx.msk [tilespmem:v30+s19+$0x0], $0xffff  }
0x68d: {  	v52 =	vmul.f32 v52, v29;
	v29 =	vld.idx.msk [tilespmem:v45+s17+$0x0], $0xffff  }
0x68e: {  	v30 =	vld.idx.msk [tilespmem:v45+s19+$0x0], $0xffff  }
0x68f: {  	v45 =	vld.idx.msk [tilespmem:v35+s19+$0x0], $0xffff  }
0x690: {  	v9 =	vadd.f32 v9, v21;
	v21 =	vld.idx.msk [tilespmem:v8+s17+$0x0], $0xffff  }
0x691: {  	v13 =	vadd.f32 v46, v13;
	v46 =	vmul.f32 v32, v48;
	v2 =	vmul.f32 v49, v48;
	v48 =	vld.idx.msk [tilespmem:v26+s17+$0x0], $0xffff  }
0x692: {  	v49 =	vld.idx.msk [tilespmem:v26+s19+$0x0], $0xffff  }
0x693: {  	v32 =	vmul.f32 v44, v42;
	v26 =	vld.idx.msk [tilespmem:v47+s19+$0x0], $0xffff  }
0x694: {  	v9 =	vadd.f32 v50, v9;
	v50 =	vmul.f32 v63, v54;
	v63 =	vmul.f32 v61, v42;
	v42 =	vld.idx.msk [tilespmem:v18+s19+$0x0], $0xffff  }
0x695: {  	v13 =	vadd.f32 v52, v13;
	v52 =	vmul.f32 v36, v54;
	v54 =	vld.idx.msk [tilespmem:v59+s17+$0x0], $0xffff  }
0x696: {  	v59 =	vld.idx.msk [tilespmem:v59+s19+$0x0], $0xffff  }
0x697: {  	v9 =	vadd.f32 v38, v9;
	v36 =	vld.idx.msk [tilespmem:v57+s19+$0x0], $0xffff  }
0x698: {  	v57 =	vld.idx.msk [tilespmem:v51+s17+$0x0], $0xffff  }
0x699: {  	v5 =	vadd.f32 v5, v13;
	v9 =	vadd.f32 v46, v9;
	v46 =	vld.idx.msk [tilespmem:v16+s17+$0x0], $0xffff  }
0x69a: {  	v24 =	vmul.f32 v24, v48;
	v38 =	vmul.f32 v49, v48;
	v48 =	vld.idx.msk [tilespmem:v16+s19+$0x0], $0xffff  }
0x69b: {  	v2 =	vadd.f32 v2, v5;
	v16 =	vld.idx.msk [tilespmem:v19+s19+$0x0], $0xffff  }
0x69c: {  	v9 =	vadd.f32 v50, v9;
	v50 =	vld.idx.msk [tilespmem:v14+s17+$0x0], $0xffff  }
0x69d: {  	v2 =	vadd.f32 v52, v2;
	v52 =	vld.idx.msk [tilespmem:v14+s19+$0x0], $0xffff  }
0x69e: {  	v44 =	vmul.f32 v59, v54;
	v59 =	vld.idx.msk [tilespmem:v51+s19+$0x0], $0xffff  }
0x69f: {  	v20 =	vmul.f32 v20, v34;
	v49 =	vmul.f32 v36, v34;
	v34 =	vld.idx.msk [tilespmem:v43+s17+$0x0], $0xffff  }
0x6a0: {  	v22 =	vmul.f32 v22, v54;
	v36 =	vld.idx.msk [tilespmem:v43+s19+$0x0], $0xffff  }
0x6a1: {  	v54 =	vmul.f32 v55, v40;
	v55 =	vmul.f32 v42, v40;
	v40 =	vld.idx.msk [tilespmem:v39+s17+$0x0], $0xffff  }
0x6a2: {  	v42 =	vld.idx.msk [tilespmem:v39+s19+$0x0], $0xffff  }
0x6a3: {  	v1 =	vmul.f32 v1, v29;
	v43 =	vmul.f32 v30, v29;
	v29 =	vld [tilespmem:$0x1FA30]  }
0x6a4: {  	v39 =	vld.idx.msk [tilespmem:v62+s17+$0x0], $0xffff  }
0x6a5: {  	v9 =	vadd.f32 v63, v9;
	v2 =	vadd.f32 v32, v2;
	v63 =	vmul.f32 v48, v46;
	v48 =	vld.idx.msk [tilespmem:v31+s17+$0x0], $0xffff  }
0x6a6: {  	v61 =	vmul.f32 v53, v46;
	v53 =	vld.idx.msk [tilespmem:v27+s19+$0x0], $0xffff  }
0x6a7: {  	v3 =	vmul.f32 v3, v25;
	v2 =	vadd.f32 v38, v2;
	v38 =	vmul.f32 v26, v25;
	v25 =	vld [tilespmem:$0x1FA40]  }
0x6a8: {  	v9 =	vadd.f32 v24, v9;
	v24 =	vmul.f32 v52, v50;
	v52 =	vld.idx.msk [tilespmem:v27+s17+$0x0], $0xffff  }
0x6a9: {  	v27 =	vld.idx.msk [tilespmem:v7+s17+$0x0], $0xffff  }
0x6aa: {  	v9 =	vadd.f32 v22, v9;
	v22 =	vld.idx.msk [tilespmem:v8+s19+$0x0], $0xffff  }
0x6ab: {  	v2 =	vadd.f32 v44, v2;
	v44 =	vld.idx.msk [tilespmem:v35+s17+$0x0], $0xffff  }
0x6ac: {  	v10 =	vmul.f32 v10, v57;
	v28 =	vmul.f32 v59, v57;
	v57 =	vld.idx.msk [tilespmem:v23+s19+$0x0], $0xffff  }
0x6ad: {  	v59 =	vld [tilespmem:$0x1FA70]  }
0x6ae: {  	v35 =	vld.idx.msk [tilespmem:v0+s17+$0x0], $0xffff  }
0x6af: {  	v47 =	vmul.f32 v36, v34;
	v36 =	vld.idx.msk [tilespmem:v0+s19+$0x0], $0xffff  }
0x6b0: {  	v12 =	vmul.f32 v12, v50;
	v50 =	vmul.f32 v37, v40;
	v37 =	vld [tilespmem:$0x1FA10]  }
0x6b1: {  	v51 =	vmul.f32 v42, v40;
	v40 =	vld.idx.msk [tilespmem:v62+s19+$0x0], $0xffff  }
0x6b2: {  	v46 =	vmul.f32 v41, v34;
	v41 =	vld [tilespmem:$0x1FA00]  }
0x6b3: {  	v2 =	vadd.f32 v49, v2;
	v49 =	vld.idx.msk [tilespmem:v31+s19+$0x0], $0xffff  }
0x6b4: {  	v9 =	vadd.f32 v20, v9;
	v20 =	vld.idx.msk [tilespmem:v15+s19+$0x0], $0xffff  }
0x6b5: {  	v31 =	vld.idx.msk [tilespmem:v4+s17+$0x0], $0xffff  }
0x6b6: {  	v2 =	vadd.f32 v55, v2;
	v55 =	vld.idx.msk [tilespmem:v23+s17+$0x0], $0xffff  }
0x6b7: {  	v23 =	vld.idx.msk [tilespmem:v11+s17+$0x0], $0xffff  }
0x6b8: {  	v6 =	vmul.f32 v6, v21;
	v32 =	vmul.f32 v22, v21;
	v21 =	vld [tilespmem:$0x1FA50]  }
0x6b9: {  	v9 =	vadd.f32 v54, v9;
	v54 =	vmul.f32 v33, v44;
	v33 =	vld [tilespmem:$0x1FA20]  }
0x6ba: {  	v13 =	vmul.f32 v59, v48;
	v59 =	vld [tilespmem:$0x1F960]  }
0x6bb: {  	v2 =	vadd.f32 v63, v2;
	v63 =	vld.idx.msk [tilespmem:v19+s17+$0x0], $0xffff  }
0x6bc: {  	v19 =	vld.idx.msk [tilespmem:v15+s17+$0x0], $0xffff  }
0x6bd: {  	v15 =	vld [tilespmem:$0x1F920]  }
0x6be: {  	v9 =	vadd.f32 v61, v9;
	v61 =	vmul.f32 v49, v48;
	v48 =	vld [tilespmem:$0x1F9E0]  }
0x6bf: {  	v2 =	vadd.f32 v24, v2;
	v24 =	vld.idx.msk [tilespmem:v11+s19+$0x0], $0xffff  }
0x6c0: {  	v22 =	vmul.f32 v57, v55;
	v57 =	vld [tilespmem:$0x1F9C0]  }
0x6c1: {  	v9 =	vadd.f32 v12, v9;
	v2 =	vadd.f32 v28, v2;
	v28 =	vld.idx.msk [tilespmem:v7+s19+$0x0], $0xffff  }
0x6c2: {  	v11 =	vmul.f32 v25, v63;
	v26 =	vmul.f32 v16, v63;
	v63 =	vld [tilespmem:$0x1F940]  }
0x6c3: {  	v9 =	vadd.f32 v10, v9;
	v25 =	vld [tilespmem:$0x1F930]  }
0x6c4: {  	v2 =	vadd.f32 v32, v2;
	v32 =	vld.idx.msk [tilespmem:v4+s19+$0x0], $0xffff  }
0x6c5: {  	v30 =	vmul.f32 v20, v19;
	v6 =	vadd.f32 v6, v9;
	v9 =	vmul.f32 v29, v19;
	v19 =	vld [tilespmem:$0x1F900]  }
0x6c6: {  	v29 =	vld [tilespmem:$0x1F910]  }
0x6c7: {  	v5 =	vld.idx.msk [tilespmem:v59+s19+$0x0], $0xffff;
	v2 =	vadd.f32 v38, v2  }
0x6c8: {  	v3 =	vadd.f32 v3, v6;
	v16 =	vld.idx.msk [tilespmem:v15+s17+$0x0], $0xffff  }
0x6c9: {  	v2 =	vadd.f32 v43, v2;
	v43 =	vld.idx.msk [tilespmem:v60+s17+$0x0], $0xffff  }
0x6ca: {  	v1 =	vadd.f32 v1, v3;
	v3 =	vmul.f32 v45, v44;
	v44 =	vld.idx.msk [tilespmem:v60+s19+$0x0], $0xffff  }
0x6cb: {  	v45 =	vld [tilespmem:$0x1F9F0]  }
0x6cc: {  	v60 =	vld.idx.msk [tilespmem:v59+s17+$0x0], $0xffff  }
0x6cd: {  	v1 =	vadd.f32 v46, v1;
	v46 =	vld.idx.msk [tilespmem:v58+s17+$0x0], $0xffff  }
0x6ce: {  	v2 =	vadd.f32 v47, v2;
	v47 =	vld.idx.msk [tilespmem:v58+s19+$0x0], $0xffff  }
0x6cf: {  	v12 =	vld.idx.msk [tilespmem:v63+s17+$0x0], $0xffff  }
0x6d0: {  	v1 =	vadd.f32 v50, v1;
	v50 =	vld [tilespmem:$0x1F9A0]  }
0x6d1: {  	v2 =	vadd.f32 v51, v2;
	v20 =	vld.idx.msk [tilespmem:v19+s17+$0x0], $0xffff  }
0x6d2: {  	v1 =	vadd.f32 v54, v1;
	v54 =	vld [tilespmem:$0x1F980]  }
0x6d3: {  	v2 =	vadd.f32 v3, v2;
	v58 =	vmul.f32 v47, v46;
	v47 =	vld [tilespmem:$0x1F820]  }
0x6d4: {  	v18 =	vmul.f32 v53, v52;
	v1 =	vadd.f32 v13, v1;
	v13 =	vmul.f32 v17, v52;
	v52 =	vld [tilespmem:$0x1F9D0]  }
0x6d5: {  	v2 =	vadd.f32 v61, v2;
	v61 =	vld [tilespmem:$0x1F9B0]  }
0x6d6: {  	v17 =	vld [tilespmem:$0x1F970]  }
0x6d7: {  	v2 =	vadd.f32 v18, v2;
	v18 =	vmul.f32 v5, v60;
	v5 =	vld.idx.msk [tilespmem:v19+s19+$0x0], $0xffff  }
0x6d8: {  	v1 =	vadd.f32 v13, v1;
	v13 =	vmul.f32 v21, v55;
	v21 =	vld [tilespmem:$0x1F950]  }
0x6d9: {  	v19 =	vld [tilespmem:$0x1F760]  }
0x6da: {  	v51 =	vld.idx.msk [tilespmem:v50+s17+$0x0], $0xffff  }
0x6db: {  	v8 =	vld.idx.msk [tilespmem:v50+s19+$0x0], $0xffff  }
0x6dc: {  	v1 =	vadd.f32 v13, v1;
	v13 =	vld [tilespmem:$0x1F990]  }
0x6dd: {  	v55 =	vld.idx.msk [tilespmem:v54+s17+$0x0], $0xffff  }
0x6de: {  	v1 =	vadd.f32 v11, v1;
	v6 =	vld.idx.msk [tilespmem:v54+s19+$0x0], $0xffff  }
0x6df: {  	v11 =	vld [tilespmem:$0x1F7A0]  }
0x6e0: {  	v34 =	vmul.f32 v24, v23;
	v1 =	vadd.f32 v9, v1;
	v9 =	vmul.f32 v33, v23;
	v23 =	vld [tilespmem:$0x1F8E0]  }
0x6e1: {  	v33 =	vld [tilespmem:$0x1F8F0]  }
0x6e2: {  	v62 =	vmul.f32 v8, v51;
	v8 =	vld.idx.msk [tilespmem:v63+s19+$0x0], $0xffff  }
0x6e3: {  	v38 =	vmul.f32 v28, v27;
	v1 =	vadd.f32 v9, v1;
	v9 =	vmul.f32 v37, v27;
	v27 =	vld [tilespmem:$0x1F8C0]  }
0x6e4: {  	v37 =	vld [tilespmem:$0x1F8D0]  }
0x6e5: {  	v2 =	vadd.f32 v22, v2;
	v14 =	vmul.f32 v6, v55;
	v6 =	vld.idx.msk [tilespmem:v15+s19+$0x0], $0xffff  }
0x6e6: {  	v42 =	vmul.f32 v32, v31;
	v15 =	vld [tilespmem:$0x1F780]  }
0x6e7: {  	v2 =	vadd.f32 v26, v2;
	v1 =	vadd.f32 v9, v1;
	v9 =	vmul.f32 v41, v31;
	v31 =	vld [tilespmem:$0x1F8A0]  }
0x6e8: {  	v0 =	vmul.f32 v36, v35;
	v41 =	vld [tilespmem:$0x1F8B0]  }
0x6e9: {  	v2 =	vadd.f32 v30, v2;
	v1 =	vadd.f32 v9, v1;
	v9 =	vmul.f32 v45, v35;
	v35 =	vld [tilespmem:$0x1F880]  }
0x6ea: {  	v45 =	vld [tilespmem:$0x1F890]  }
0x6eb: {  	v2 =	vadd.f32 v34, v2;
	v24 =	vld.idx.msk [tilespmem:v23+s17+$0x0], $0xffff  }
0x6ec: {  	v49 =	vmul.f32 v40, v39;
	v22 =	vmul.f32 v8, v12;
	v8 =	vld.idx.msk [tilespmem:v23+s19+$0x0], $0xffff  }
0x6ed: {  	v2 =	vadd.f32 v38, v2;
	v1 =	vadd.f32 v9, v1;
	v9 =	vmul.f32 v48, v39;
	v39 =	vld [tilespmem:$0x1F860]  }
0x6ee: {  	v48 =	vld.idx.msk [tilespmem:v47+s17+$0x0], $0xffff  }
0x6ef: {  	v2 =	vadd.f32 v42, v2;
	v23 =	vld [tilespmem:$0x1F740]  }
0x6f0: {  	v28 =	vld.idx.msk [tilespmem:v27+s17+$0x0], $0xffff  }
0x6f1: {  	v0 =	vadd.f32 v0, v2;
	v26 =	vmul.f32 v6, v16;
	v6 =	vld.idx.msk [tilespmem:v27+s19+$0x0], $0xffff  }
0x6f2: {  	v53 =	vmul.f32 v44, v43;
	v1 =	vadd.f32 v9, v1;
	v9 =	vmul.f32 v52, v43;
	v43 =	vld [tilespmem:$0x1F840]  }
0x6f3: {  	v0 =	vadd.f32 v49, v0;
	v49 =	vld [tilespmem:$0x1F870]  }
0x6f4: {  	v27 =	vld [tilespmem:$0x1F720]  }
0x6f5: {  	v32 =	vld.idx.msk [tilespmem:v31+s17+$0x0], $0xffff  }
0x6f6: {  	v30 =	vmul.f32 v5, v20;
	v5 =	vld.idx.msk [tilespmem:v31+s19+$0x0], $0xffff  }
0x6f7: {  	v0 =	vadd.f32 v53, v0;
	v53 =	vld [tilespmem:$0x1F850]  }
0x6f8: {  	v31 =	vld [tilespmem:$0x1F700]  }
0x6f9: {  	v1 =	vadd.f32 v9, v1;
	v9 =	vmul.f32 v57, v46;
	v36 =	vld.idx.msk [tilespmem:v35+s17+$0x0], $0xffff  }
0x6fa: {  	v34 =	vmul.f32 v8, v24;
	v8 =	vld.idx.msk [tilespmem:v35+s19+$0x0], $0xffff  }
0x6fb: {  	v1 =	vadd.f32 v9, v1;
	v9 =	vmul.f32 v61, v51;
	v51 =	vld [tilespmem:$0x1F800]  }
0x6fc: {  	v0 =	vadd.f32 v58, v0;
	v58 =	vld [tilespmem:$0x1F830]  }
0x6fd: {  	v35 =	vld [tilespmem:$0x1F6E0]  }
0x6fe: {  	v40 =	vld.idx.msk [tilespmem:v39+s17+$0x0], $0xffff  }
0x6ff: {  	v38 =	vmul.f32 v6, v28;
	v6 =	vld.idx.msk [tilespmem:v39+s19+$0x0], $0xffff  }
0x700: {  	v1 =	vadd.f32 v9, v1;
	v9 =	vmul.f32 v13, v55;
	v55 =	vld [tilespmem:$0x1F7E0]  }
0x701: {  	v0 =	vadd.f32 v62, v0;
	v62 =	vld [tilespmem:$0x1F810]  }
0x702: {  	v13 =	vld [tilespmem:$0x1F7F0]  }
0x703: {  	v39 =	vld [tilespmem:$0x1F6C0]  }
0x704: {  	v44 =	vld.idx.msk [tilespmem:v43+s17+$0x0], $0xffff  }
0x705: {  	v42 =	vmul.f32 v5, v32;
	v5 =	vld.idx.msk [tilespmem:v43+s19+$0x0], $0xffff  }
0x706: {  	v1 =	vadd.f32 v9, v1;
	v9 =	vmul.f32 v17, v60;
	v60 =	vld [tilespmem:$0x1F7C0]  }
0x707: {  	v17 =	vld [tilespmem:$0x1F7D0]  }
0x708: {  	v43 =	vld [tilespmem:$0x1F6A0]  }
0x709: {  	v0 =	vadd.f32 v14, v0;
	v46 =	vmul.f32 v8, v36;
	v8 =	vld.idx.msk [tilespmem:v47+s19+$0x0], $0xffff  }
0x70a: {  	v47 =	vld [tilespmem:$0x1F680];
	v1 =	vadd.f32 v9, v1;
	v9 =	vmul.f32 v21, v12  }
0x70b: {  	v0 =	vadd.f32 v18, v0;
	v12 =	vld.idx.msk [tilespmem:v11+s17+$0x0], $0xffff  }
0x70c: {  	v21 =	vld [tilespmem:$0x1F7B0];
	v1 =	vadd.f32 v9, v1;
	v9 =	vmul.f32 v25, v16  }
0x70d: {  	v0 =	vadd.f32 v22, v0;
	v52 =	vld.idx.msk [tilespmem:v51+s17+$0x0], $0xffff  }
0x70e: {  	v50 =	vmul.f32 v6, v40;
	v6 =	vld.idx.msk [tilespmem:v51+s19+$0x0], $0xffff;
	v1 =	vadd.f32 v9, v1;
	v9 =	vmul.f32 v29, v20  }
0x70f: {  	v16 =	vld.idx.msk [tilespmem:v15+s17+$0x0], $0xffff;
	v0 =	vadd.f32 v26, v0  }
0x710: {  	v25 =	vld [tilespmem:$0x1F790];
	v1 =	vadd.f32 v9, v1;
	v9 =	vmul.f32 v33, v24  }
0x711: {  	v51 =	vld [tilespmem:$0x1F660];
	v0 =	vadd.f32 v30, v0  }
0x712: {  	v57 =	vld.idx.msk [tilespmem:v55+s17+$0x0], $0xffff;
	v1 =	vadd.f32 v9, v1;
	v9 =	vmul.f32 v37, v28  }
0x713: {  	v54 =	vmul.f32 v5, v44;
	v5 =	vld.idx.msk [tilespmem:v55+s19+$0x0], $0xffff;
	v0 =	vadd.f32 v34, v0  }
0x714: {  	v20 =	vld.idx.msk [tilespmem:v19+s17+$0x0], $0xffff;
	v1 =	vadd.f32 v9, v1;
	v9 =	vmul.f32 v41, v32  }
0x715: {  	v29 =	vld [tilespmem:$0x1F770];
	v0 =	vadd.f32 v38, v0  }
0x716: {  	v55 =	vld [tilespmem:$0x1F640];
	v1 =	vadd.f32 v9, v1;
	v9 =	vmul.f32 v45, v36  }
0x717: {  	v61 =	vld.idx.msk [tilespmem:v60+s17+$0x0], $0xffff;
	v0 =	vadd.f32 v42, v0  }
0x718: {  	v59 =	vmul.f32 v8, v48;
	v8 =	vld.idx.msk [tilespmem:v60+s19+$0x0], $0xffff;
	v1 =	vadd.f32 v9, v1;
	v9 =	vmul.f32 v49, v40  }
0x719: {  	v24 =	vld.idx.msk [tilespmem:v23+s17+$0x0], $0xffff;
	v0 =	vadd.f32 v46, v0  }
0x71a: {  	v33 =	vld [tilespmem:$0x1F750];
	v1 =	vadd.f32 v9, v1;
	v9 =	vmul.f32 v53, v44  }
0x71b: {  	v60 =	vld [tilespmem:$0x1F670];
	v0 =	vadd.f32 v50, v0  }
0x71c: {  	v63 =	vmul.f32 v6, v52;
	v6 =	vld.idx.msk [tilespmem:v11+s19+$0x0], $0xffff;
	v1 =	vadd.f32 v9, v1;
	v9 =	vmul.f32 v58, v48  }
0x71d: {  	v28 =	vld.idx.msk [tilespmem:v27+s17+$0x0], $0xffff;
	v0 =	vadd.f32 v54, v0  }
0x71e: {  	v37 =	vld [tilespmem:$0x1F730];
	v1 =	vadd.f32 v9, v1;
	v9 =	vmul.f32 v62, v52  }
0x71f: {  	v14 =	vmul.f32 v5, v57;
	v5 =	vld.idx.msk [tilespmem:v15+s19+$0x0], $0xffff;
	v0 =	vadd.f32 v59, v0  }
0x720: {  	v32 =	vld.idx.msk [tilespmem:v31+s17+$0x0], $0xffff;
	v1 =	vadd.f32 v9, v1;
	v9 =	vmul.f32 v13, v57  }
0x721: {  	v41 =	vld [tilespmem:$0x1F710];
	v0 =	vadd.f32 v63, v0  }
0x722: {  	v18 =	vmul.f32 v8, v61;
	v8 =	vld.idx.msk [tilespmem:v19+s19+$0x0], $0xffff;
	v1 =	vadd.f32 v9, v1;
	v9 =	vmul.f32 v17, v61  }
0x723: {  	v22 =	vmul.f32 v6, v12;
	v6 =	vld.idx.msk [tilespmem:v23+s19+$0x0], $0xffff;
	v0 =	vadd.f32 v14, v0  }
0x724: {  	v36 =	vld.idx.msk [tilespmem:v35+s17+$0x0], $0xffff;
	v1 =	vadd.f32 v9, v1;
	v9 =	vmul.f32 v21, v12  }
0x725: {  	v45 =	vld [tilespmem:$0x1F6F0];
	v0 =	vadd.f32 v18, v0  }
0x726: {  	v26 =	vmul.f32 v5, v16;
	v5 =	vld.idx.msk [tilespmem:v27+s19+$0x0], $0xffff;
	v1 =	vadd.f32 v9, v1;
	v9 =	vmul.f32 v25, v16  }
0x727: {  	v40 =	vld.idx.msk [tilespmem:v39+s17+$0x0], $0xffff;
	v0 =	vadd.f32 v22, v0  }
0x728: {  	v49 =	vld [tilespmem:$0x1F6D0];
	v1 =	vadd.f32 v9, v1;
	v9 =	vmul.f32 v29, v20  }
0x729: {  	v30 =	vmul.f32 v8, v20;
	v8 =	vld.idx.msk [tilespmem:v31+s19+$0x0], $0xffff;
	v0 =	vadd.f32 v26, v0  }
0x72a: {  	v44 =	vld.idx.msk [tilespmem:v43+s17+$0x0], $0xffff;
	v1 =	vadd.f32 v9, v1;
	v9 =	vmul.f32 v33, v24  }
0x72b: {  	v53 =	vld [tilespmem:$0x1F6B0];
	v34 =	vmul.f32 v6, v24;
	v0 =	vadd.f32 v30, v0  }
0x72c: {  	v6 =	vld.idx.msk [tilespmem:v35+s19+$0x0], $0xffff;
	v1 =	vadd.f32 v9, v1;
	v9 =	vmul.f32 v37, v28  }
0x72d: {  	v48 =	vld.idx.msk [tilespmem:v47+s17+$0x0], $0xffff;
	v38 =	vmul.f32 v5, v28;
	v0 =	vadd.f32 v34, v0  }
0x72e: {  	v5 =	vld.idx.msk [tilespmem:v39+s19+$0x0], $0xffff;
	v1 =	vadd.f32 v9, v1;
	v9 =	vmul.f32 v41, v32  }
0x72f: {  	v58 =	vld [tilespmem:$0x1F690];
	v42 =	vmul.f32 v8, v32;
	v0 =	vadd.f32 v38, v0  }
0x730: {  	v8 =	vld.idx.msk [tilespmem:v43+s19+$0x0], $0xffff;
	v1 =	vadd.f32 v9, v1;
	v9 =	vmul.f32 v45, v36  }
0x731: {  	v52 =	vld.idx.msk [tilespmem:v51+s17+$0x0], $0xffff;
	v46 =	vmul.f32 v6, v36;
	v0 =	vadd.f32 v42, v0  }
0x732: {  	v6 =	vld.idx.msk [tilespmem:v47+s19+$0x0], $0xffff;
	v1 =	vadd.f32 v9, v1;
	v9 =	vmul.f32 v49, v40  }
0x733: {  	v62 =	vld [tilespmem:$0x1F650];
	v50 =	vmul.f32 v5, v40;
	v0 =	vadd.f32 v46, v0  }
0x734: {  	v5 =	vld.idx.msk [tilespmem:v51+s19+$0x0], $0xffff;
	v1 =	vadd.f32 v9, v1;
	v9 =	vmul.f32 v53, v44  }
0x735: {  	v57 =	vld.idx.msk [tilespmem:v55+s17+$0x0], $0xffff;
	v54 =	vmul.f32 v8, v44;
	v0 =	vadd.f32 v50, v0  }
0x736: {  	v8 =	vld.idx.msk [tilespmem:v55+s19+$0x0], $0xffff;
	v1 =	vadd.f32 v9, v1;
	v9 =	vmul.f32 v58, v48  }
0x737: {  	v59 =	vmul.f32 v6, v48;
	v0 =	vadd.f32 v54, v0  }
0x738: {  	v4 =	vmul.f32 v60, v52;
	v1 =	vadd.f32 v9, v1  }
0x739: {  	v61 =	vmul.f32 v5, v52;
	v0 =	vadd.f32 v59, v0  }
0x73a: {  	v3 =	vmul.f32 v62, v57;
	v1 =	vadd.f32 v4, v1  }
0x73b: {  	v63 =	vmul.f32 v8, v57;
	v0 =	vadd.f32 v61, v0  }
0x73c: {  	v1 =	vadd.f32 v3, v1  }
0x73d: {  	s22 =	sadd.s32 $0x10, s28;
	v0 =	vadd.f32 v63, v0  }
0x73e: {  	s31 =	sadd.s32 $0x10, s29;
	[tilespmem:s22+$0x0] =	vst v1  }
0x73f: {  	[tilespmem:s31+$0x0] =	vst v0  }
0x740: {  	p0 =	seq.s32 s30, $0x28  }
.Ltmp2:
0x741: {  	_ = 	snop;
	(pc) =	sbr.rel @!p0 .LBB2_3-.Ltmp2, $3  }
0x742: {  	_ =	sdelay $0x1  }
0x743: {  	s0 =	sadd.s32 $0x100, s0  }
0x744: {  	s1 =	sadd.s32 $0x100, s1;
	s25 =	sadd.s32 $0x100, s25;
	s26 =	sadd.s32 $0x100, s26  }
0x745: {  	s0 =	simm.s32 $0x5000  }
0x746: {  	[hbm4b:s8+s2] =	stream.linear.scatter [tilespmem:s0], [sflag:$0x3], $0x2800, $0x38;
	[tilespmem:$0x16000] =	vst v63  }
0x747: {  	s24 =	sadd.s32 $0x1, s24;
	_ =	swait.ge [sflag:s11], $0x2800  }
0x748: {  	p0 =	sne.s32 s24, s10;
	[sflag:s11] =	ssyncset.done $0x0  }
.Ltmp3:
0x749: {  	[sflag:s11] =	ssyncadd.s32 $0xFFFFD800;
	(pc) =	sbr.rel @p0 .LBB2_1-.Ltmp3, $4  }
0x74a: {  	[hbm4b:s9+s2] =	stream.linear.scatter [tilespmem:s23], [sflag:$0x3], $0x2800, $0x38;
	[tilespmem:$0x16000] =	vst v63  }
0x74b: {  	_ =	swait.ge [sflag:s11], $0x2800  }
0x74c: {  	[sflag:s11] =	ssyncset.done $0x0  }
0x74d: {  	[sflag:s11] =	ssyncadd.s32 $0xFFFFD800  }
0x74e: {  	_ =	sfence.sel $0x180000  }
0x74f: {  	[bflag:$0x0] =	sbarrier.arrive $0xFFFF  }
0x750: {  	_ =	strace $0x90000047  }
0x751: {  	s0 =	stileid.u32;
	[bflag:$0x2] =	sbarrier.arrive $0xFFFF  }
0x752: {  	p0 =	sne.s32 s0, $0x0;
	s0 =	rddreg [dreg:$0x3]  }
0x753: {  	s0 =	sadd.s32 @!p0 $0x100000, s0  }
0x754: {  	[sflag:s0] =	ssyncadd.tile.s32 @!p0 $0x1;
	_ =	shalt  }
.Lfunc_end2:
_tile_overlayer_lowered:
.L_overlay_start_2:
0x755: {  	(tag) =	ssettag $0x2  }
0x756: {  	s0 =	rddreg [dreg:$0x0];
	s2 =	stileid.u32  }
0x757: {  	s1 =	rddreg [dreg:$0x1];
	p0 =	sne.s32 s2, $0x0  }
0x758: {  	s3 =	rddreg [dreg:$0x2];
	[bflag:$0x3] =	sbarrier.arrive $0xFFFF;
	s2 =	simm.s32 @!p0 $0x1C03  }
0x759: {  	[timem:s3], [sflag:s2] =	dma.local @!p0 [hbm:s0], s1  }
0x75a: {  	s0 =	simm.s32 @!p0 $0x3  }
0x75b: {  	_ =	swait.ge @!p0 [sflag:s0], s1  }
0x75c: {  	s1 =	ssub.s32 @!p0 $0x0, s1;
	[sflag:s0] =	ssyncset.done @!p0 $0x0  }
0x75d: {  	[sflag:s0] =	ssyncadd.s32 @!p0 s1  }
0x75e: {  	[bflag:$0x3] =	sbarrier.arrive $0xFFFF  }
0x75f: {  	_ =	shalt  }

</sc_bundles>
